<compile_context>
chip_gen: v7x
topology: tpu7x:2x2x1
jax: 0.10.2.dev20260603
libtpu: 0.0.44.dev20260713+nightly
codegen_flags: <defaults>
</compile_context>

<pallas_src>
import functools

import jax
import jax.numpy as jnp
from jax import lax
from jax.experimental import pallas as pl
from jax.experimental.pallas import tpu as pltpu
from jax.experimental.pallas import tpu_sc as plsc

_N = 10000
_E = 320000
_D = 128

_NC = 2
_NS = 16
_NW = _NC * _NS
_EPW = _E // _NW
_B = 80
_K = _EPW // _B
_WC = 5
_ROWS_PER_TILE = 640


def _sc_segment_sum(x, ei_r):
    mesh = plsc.VectorSubcoreMesh(core_axis_name="c", subcore_axis_name="s")

    @functools.partial(
        pl.kernel,
        out_type=jax.ShapeDtypeStruct((_NC, _N, _D), jnp.float32),
        mesh=mesh,
        scratch_types=[
            pltpu.VMEM((_WC, _B), jnp.int32),
            pltpu.VMEM((_WC, _B), jnp.int32),
            pltpu.VMEM((_WC, _B), jnp.int32),
            pltpu.VMEM((_WC, _B), jnp.int32),
            pltpu.VMEM((_B, _D), jnp.float32),
            pltpu.VMEM((_B, _D), jnp.float32),
            pltpu.VMEM((_B, _D), jnp.float32),
            pltpu.VMEM_SHARED((_N, _D), jnp.float32),
            pltpu.SemaphoreType.DMA,
            pltpu.SemaphoreType.DMA,
            pltpu.SemaphoreType.DMA,
            pltpu.SemaphoreType.DMA,
            pltpu.SemaphoreType.DMA,
            pltpu.SemaphoreType.DMA,
            pltpu.SemaphoreType.DMA,
        ],
    )
    def k(x_hbm, ei_hbm, out_hbm, src_w0, src_w1, dst_w0, dst_w1,
          rows0, rows1, rows2, acc_sh, sem0, sem1, sem2,
          ssem0, ssem1, ssem2, semw):
        c = lax.axis_index("c")
        s = lax.axis_index("s")
        wid = s * _NC + c

        zbase = jnp.minimum(s * _ROWS_PER_TILE, _N - _ROWS_PER_TILE)

        def zero_body(i, _):
            zr = i // (_D // 16)
            zc = (i % (_D // 16)) * 16
            rows0[zr, pl.ds(zc, 16)] = jnp.zeros((16,), jnp.float32)
            return 0

        lax.fori_loop(0, _B * (_D // 16), zero_body, 0)
        for rblk in range(_ROWS_PER_TILE // _B):
            pltpu.sync_copy(rows0, acc_sh.at[pl.ds(zbase + rblk * _B, _B)])

        pltpu.sync_copy(ei_hbm.at[0, wid, 0], src_w0)
        pltpu.sync_copy(ei_hbm.at[1, wid, 0], dst_w0)
        pltpu.async_copy(ei_hbm.at[0, wid, 1], src_w1, semw)
        pltpu.async_copy(ei_hbm.at[1, wid, 1], dst_w1, semw)

        plsc.subcore_barrier()

        def gather(x, buf, sem):
            r = x % _WC

            @pl.when((x // _WC) % 2 == 0)
            def _():
                pltpu.async_copy(x_hbm.at[src_w0.at[r]], buf, sem)

            @pl.when((x // _WC) % 2 == 1)
            def _():
                pltpu.async_copy(x_hbm.at[src_w1.at[r]], buf, sem)

        def scatter(j, buf, ssem):
            r = j % _WC

            @pl.when((j // _WC) % 2 == 0)
            def _():
                pltpu.async_copy(buf, acc_sh.at[dst_w0.at[r]], ssem, add=True)

            @pl.when((j // _WC) % 2 == 1)
            def _():
                pltpu.async_copy(buf, acc_sh.at[dst_w1.at[r]], ssem, add=True)

        def wait_gather(buf, sem):
            pltpu.make_async_copy(x_hbm.at[src_w0.at[0]], buf, sem).wait()

        def wait_scatter(buf, ssem):
            pltpu.make_async_copy(buf, acc_sh.at[dst_w0.at[0]], ssem).wait()

        gather(0, rows0, sem0)
        gather(1, rows1, sem1)

        def step(cur, csem, cssem, nxt, nsem, nssem, j):
            @pl.when(j > 0)
            def _():
                wait_scatter(nxt, nssem)

            @pl.when(jnp.logical_and(j % _WC == 0, j > 0))
            def _():
                wnext = j // _WC + 1

                @pl.when(wnext < _K // _WC)
                def _():
                    @pl.when(wnext % 2 == 0)
                    def _():
                        pltpu.async_copy(ei_hbm.at[0, wid, wnext], src_w0, semw)
                        pltpu.async_copy(ei_hbm.at[1, wid, wnext], dst_w0, semw)

                    @pl.when(wnext % 2 == 1)
                    def _():
                        pltpu.async_copy(ei_hbm.at[0, wid, wnext], src_w1, semw)
                        pltpu.async_copy(ei_hbm.at[1, wid, wnext], dst_w1, semw)

            @pl.when(j % _WC == _WC - 2)
            def _():
                pltpu.make_async_copy(ei_hbm.at[0, wid, 0], src_w0, semw).wait()
                pltpu.make_async_copy(ei_hbm.at[1, wid, 0], dst_w0, semw).wait()

            gather(j + 2, nxt, nsem)
            wait_gather(cur, csem)
            scatter(j, cur, cssem)

        def body(j, _):
            @pl.when(j % 3 == 0)
            def _():
                step(rows0, sem0, ssem0, rows2, sem2, ssem2, j)

            @pl.when(j % 3 == 1)
            def _():
                step(rows1, sem1, ssem1, rows0, sem0, ssem0, j)

            @pl.when(j % 3 == 2)
            def _():
                step(rows2, sem2, ssem2, rows1, sem1, ssem1, j)

            return 0

        lax.fori_loop(0, _K - 2, body, 0)
        wait_gather(rows0, sem0)
        scatter(_K - 2, rows0, ssem0)
        wait_gather(rows1, sem1)
        scatter(_K - 1, rows1, ssem1)
        wait_scatter(rows2, ssem2)
        wait_scatter(rows0, ssem0)
        wait_scatter(rows1, ssem1)

        plsc.subcore_barrier()

        @pl.when(s < _NS - 1)
        def _():
            pltpu.sync_copy(
                acc_sh.at[pl.ds(s * _ROWS_PER_TILE, _ROWS_PER_TILE)],
                out_hbm.at[c, pl.ds(s * _ROWS_PER_TILE, _ROWS_PER_TILE)],
            )

        @pl.when(s == _NS - 1)
        def _():
            last = (_NS - 1) * _ROWS_PER_TILE
            pltpu.sync_copy(
                acc_sh.at[pl.ds(last, _N - last)],
                out_hbm.at[c, pl.ds(last, _N - last)],
            )

    return k(x, ei_r)


_TR = 2000


def _tc_linear(h, p, w, b, lsm):

    def body(h_ref, p_ref, w_ref, b_ref, o_ref):
        rst = h_ref[...] + p_ref[0] + p_ref[1]
        o = jnp.dot(rst, w_ref[...], preferred_element_type=jnp.float32) + b_ref[...]
        if lsm:
            m = jnp.max(o, axis=-1, keepdims=True)
            e = jnp.exp(o - m)
            o = o - m - jnp.log(jnp.sum(e, axis=-1, keepdims=True))
        o_ref[...] = o

    return pl.pallas_call(
        body,
        grid=(_N // _TR,),
        in_specs=[
            pl.BlockSpec((_TR, _D), lambda i: (i, 0)),
            pl.BlockSpec((_NC, _TR, _D), lambda i: (0, i, 0)),
            pl.BlockSpec((_D, _D), lambda i: (0, 0)),
            pl.BlockSpec((1, _D), lambda i: (0, 0)),
        ],
        out_specs=pl.BlockSpec((_TR, _D), lambda i: (i, 0)),
        out_shape=jax.ShapeDtypeStruct((_N, _D), jnp.float32),
    )(h, p, w, b)


def kernel(features, edge_index, W1, b1, W2, b2):
    ei_r = edge_index.reshape(2, _NW, _K // _WC, _WC, _B)
    b1r = b1.reshape(1, _D)
    b2r = b2.reshape(1, _D)

    p1 = _sc_segment_sum(features, ei_r)
    h1 = _tc_linear(features, p1, W1, b1r, lsm=False)
    p2 = _sc_segment_sum(h1, ei_r)
    return _tc_linear(h1, p2, W2, b2r, lsm=True)

# --- scband reference (transcript-rebuilt; emitter-appended) ---
"""Pipeline reference for scband-gin-delta-52621939310708 (READ-ONLY COPY).

The authoritative reference and input builder live on the scoring server;
editing this copy changes nothing except your own understanding.
"""

import jax, jax.numpy as jnp
import numpy as np

N = 10000
E = 320000
D = 128


def setup_inputs(seed: int = 0) -> dict:
    key = jax.random.key(seed)
    k1, k2, k3, k4, k5, k6 = jax.random.split(key, 6)
    features = jax.random.normal(k1, (N, D), dtype=jnp.float32)
    edge_index = jax.random.randint(k2, (2, E), 0, N, dtype=jnp.int32)
    W1 = jax.random.normal(k3, (D, D), dtype=jnp.float32) * 0.05
    b1 = jnp.zeros((D,), dtype=jnp.float32)
    W2 = jax.random.normal(k4, (D, D), dtype=jnp.float32) * 0.05
    b2 = jnp.zeros((D,), dtype=jnp.float32)
    return {"features": features, "edge_index": edge_index, "W1": W1, "b1": b1, "W2": W2, "b2": b2}


def reference(features, edge_index, W1, b1, W2, b2):
    # GIN_delta forward with ngh_high_deg=None, ngh_low_deg=None, edge_mask=None:
    # two GINConv layers (sum aggregator, eps=0, Linear apply_func, activation=None)
    # followed by log_softmax.
    src = edge_index[0]
    dst = edge_index[1]

    def gin_layer(h, W, b):
        # message passing: sum of neighbor features (gather by src, scatter-add by dst)
        msgs = jnp.take(h, src, axis=0)
        agg = jax.ops.segment_sum(msgs, dst, num_segments=h.shape[0])
        rst = (1.0 + 0.0) * h + agg  # eps = 0
        return rst @ W + b

    h = gin_layer(features, W1, b1)
    h = gin_layer(h, W2, b2)
    return jax.nn.log_softmax(h, axis=-1)

if __name__ == "__main__":
    import jax
    _d = setup_inputs()
    print(jax.jit(kernel)(*tuple(_d.values())))

</pallas_src>

<mosaic_0001>
#map = affine_map<(d0, d1) -> (0, 0)>
#map1 = affine_map<(d0, d1) -> (0, 0, 0, 0, 0)>
#map2 = affine_map<(d0, d1) -> (0, 0, 0)>
module attributes {stable_mosaic.version = 14 : i64} {
  func.func @k(%arg0: i32, %arg1: i32, %arg2: memref<10000x128xf32, #tpu.memory_space<hbm>>, %arg3: memref<2x32x25x5x80xi32, #tpu.memory_space<hbm>>, %arg4: memref<2x10000x128xf32, #tpu.memory_space<hbm>>, %arg5: memref<5x80xi32, #tpu.memory_space<vmem>>, %arg6: memref<5x80xi32, #tpu.memory_space<vmem>>, %arg7: memref<5x80xi32, #tpu.memory_space<vmem>>, %arg8: memref<5x80xi32, #tpu.memory_space<vmem>>, %arg9: memref<80x128xf32, #tpu.memory_space<vmem>>, %arg10: memref<80x128xf32, #tpu.memory_space<vmem>>, %arg11: memref<80x128xf32, #tpu.memory_space<vmem>>, %arg12: memref<10000x128xf32, #tpu.memory_space<vmem_shared>>, %arg13: memref<!tpu.dma_semaphore, #tpu.memory_space<semaphore_mem>>, %arg14: memref<!tpu.dma_semaphore, #tpu.memory_space<semaphore_mem>>, %arg15: memref<!tpu.dma_semaphore, #tpu.memory_space<semaphore_mem>>, %arg16: memref<!tpu.dma_semaphore, #tpu.memory_space<semaphore_mem>>, %arg17: memref<!tpu.dma_semaphore, #tpu.memory_space<semaphore_mem>>, %arg18: memref<!tpu.dma_semaphore, #tpu.memory_space<semaphore_mem>>, %arg19: memref<!tpu.dma_semaphore, #tpu.memory_space<semaphore_mem>>) attributes {dimension_semantics = [#tpu.dimension_semantics<core_parallel>, #tpu.dimension_semantics<subcore_parallel>], iteration_bounds = array<i64: 2, 16>, scalar_prefetch = 0 : i64, scratch_operands = 15 : i64, tpu.core_type = #tpu.core_type<sc_vector_subcore>, window_params = [{transform_indices = #map}, {transform_indices = #map1}, {transform_indices = #map2}]} {
    %mul3A = arith.constant 2 : i32
    %mul3A_0 = arith.muli %arg1, %mul3A : i32
    %add3A = arith.addi %mul3A_0, %arg0 : i32
    %mul3A_1 = arith.constant 640 : i32
    %mul3A_2 = arith.muli %arg1, %mul3A_1 : i32
    %min3A = arith.constant 9360 : i32
    %min3A_3 = arith.minsi %mul3A_2, %min3A : i32
    %scan3A = arith.constant 0 : i32
    %scan3A_4 = arith.constant 0 : i32
    %scan3A_5 = arith.constant 640 : i32
    %scan3A_6 = arith.addi %scan3A_4, %scan3A_5 : i32
    %scan3A_7 = arith.constant 1 : i32
    %scan3A_8 = scf.for %scan3A_124 = %scan3A_4 to %scan3A_6 step %scan3A_7 iter_args(%scan3A_125 = %scan3A) -> (i32)  : i32 {
      %jit3A = arith.constant 8 : i32
      %div3A = arith.divsi %scan3A_124, %jit3A : i32
      %sign3A = arith.constant 0 : i32
      %sign3A_126 = arith.cmpi sgt, %scan3A_124, %sign3A : i32
      %sign3A_127 = arith.extui %sign3A_126 : i1 to i32
      %sign3A_128 = arith.constant 0 : i32
      %sign3A_129 = arith.cmpi slt, %scan3A_124, %sign3A_128 : i32
      %sign3A_130 = arith.extui %sign3A_129 : i1 to i32
      %sign3A_131 = arith.subi %sign3A_127, %sign3A_130 : i32
      %sign3A_132 = arith.constant 0 : i32
      %sign3A_133 = arith.cmpi sgt, %jit3A, %sign3A_132 : i32
      %sign3A_134 = arith.extui %sign3A_133 : i1 to i32
      %sign3A_135 = arith.constant 0 : i32
      %sign3A_136 = arith.cmpi slt, %jit3A, %sign3A_135 : i32
      %sign3A_137 = arith.extui %sign3A_136 : i1 to i32
      %sign3A_138 = arith.subi %sign3A_134, %sign3A_137 : i32
      %ne3A = arith.cmpi ne, %sign3A_131, %sign3A_138 : i32
      %rem3A = arith.remsi %scan3A_124, %jit3A : i32
      %ne3A_139 = arith.constant 0 : i32
      %ne3A_140 = arith.cmpi ne, %rem3A, %ne3A_139 : i32
      %and3A = arith.andi %ne3A, %ne3A_140 : i1
      %sub3A = arith.constant 1 : i32
      %sub3A_141 = arith.subi %div3A, %sub3A : i32
      %select_n3A = arith.select %and3A, %sub3A_141, %div3A : i32
      %jit3A_142 = arith.constant 8 : i32
      %eq3A_143 = arith.constant 0 : i32
      %eq3A_144 = arith.cmpi eq, %jit3A_142, %eq3A_143 : i32
      %jit3A_145 = arith.constant 1 : i32
      %select_n3A_146 = arith.select %eq3A_144, %jit3A_145, %jit3A_142 : i32
      %rem3A_147 = arith.remsi %scan3A_124, %select_n3A_146 : i32
      %ne3A_148 = arith.constant 0 : i32
      %ne3A_149 = arith.cmpi ne, %rem3A_147, %ne3A_148 : i32
      %lt3A_150 = arith.constant 0 : i32
      %lt3A_151 = arith.cmpi slt, %rem3A_147, %lt3A_150 : i32
      %lt3A_152 = arith.constant 0 : i32
      %lt3A_153 = arith.cmpi slt, %select_n3A_146, %lt3A_152 : i32
      %ne3A_154 = arith.xori %lt3A_151, %lt3A_153 : i1
      %and3A_155 = arith.andi %ne3A_154, %ne3A_149 : i1
      %add3A_156 = arith.addi %rem3A_147, %select_n3A_146 : i32
      %select_n3A_157 = arith.select %and3A_155, %add3A_156, %rem3A_147 : i32
      %mul3A_158 = arith.constant 16 : i32
      %mul3A_159 = arith.muli %select_n3A_157, %mul3A_158 : i32
      %broadcast_in_dim3A = arith.constant 0.000000e+00 : f32
      %broadcast_in_dim3A_160 = vector.broadcast %broadcast_in_dim3A : f32 to vector<16xf32>
      %swap3A = arith.index_cast %select_n3A : i32 to index
      %swap3A_161 = arith.index_cast %mul3A_159 : i32 to index
      %swap3A_162 = tpu.vector_load %arg9[%swap3A, %swap3A_161] {strides = array<i32>} : memref<80x128xf32, #tpu.memory_space<vmem>>, vector<1x16xf32>,
      %swap3A_163 = vector.shape_cast %swap3A_162 : vector<1x16xf32> to vector<16xf32>
      %swap3A_164 = vector.shape_cast %broadcast_in_dim3A_160 : vector<16xf32> to vector<1x16xf32>
      tpu.vector_store %arg9[%swap3A, %swap3A_161], %swap3A_164 {strides = array<i32>} : memref<80x128xf32, #tpu.memory_space<vmem>>, vector<1x16xf32>,
      %scan3A_165 = arith.constant 0 : i32
      scf.yield %scan3A_165 : i32
    }
    %scan3A_9 = arith.constant 640 : i32
    %add3A_10 = arith.constant 0 : i32
    %add3A_11 = arith.addi %min3A_3, %add3A_10 : i32
    "tpu.region"() ({
      %run_scoped3A_124 = tpu.sem_alloc : memref<!tpu.dma_semaphore, #tpu.memory_space<semaphore_mem>>
      %dma_start3A_125 = arith.constant 0 : i32
      %dma_start3A_126 = tpu.memref_slice %arg12[%add3A_11, %dma_start3A_125] : memref<10000x128xf32, #tpu.memory_space<vmem_shared>> -> memref<80x128xf32, #tpu.memory_space<vmem_shared>>
      %dma_start3A_127 = arith.constant 0 : i32
      %dma_start3A_128 = tpu.memref_slice %arg12[%add3A_11, %dma_start3A_127] : memref<10000x128xf32, #tpu.memory_space<vmem_shared>> -> memref<80x128xf32, #tpu.memory_space<vmem_shared>>
      tpu.enqueue_dma source(%arg9 : memref<80x128xf32, #tpu.memory_space<vmem>>) target(%dma_start3A_128 : memref<80x128xf32, #tpu.memory_space<vmem_shared>>) target_semaphore(%run_scoped3A_124 : memref<!tpu.dma_semaphore, #tpu.memory_space<semaphore_mem>>)
      %dma_wait3A_129 = arith.constant 0 : i32
      %dma_wait3A_130 = tpu.memref_slice %arg12[%add3A_11, %dma_wait3A_129] : memref<10000x128xf32, #tpu.memory_space<vmem_shared>> -> memref<80x128xf32, #tpu.memory_space<vmem_shared>>
      %dma_wait3A_131 = arith.constant 0 : i32
      %dma_wait3A_132 = tpu.memref_slice %arg12[%add3A_11, %dma_wait3A_131] : memref<10000x128xf32, #tpu.memory_space<vmem_shared>> -> memref<80x128xf32, #tpu.memory_space<vmem_shared>>
      tpu.wait_dma2 semaphore(%run_scoped3A_124 : memref<!tpu.dma_semaphore, #tpu.memory_space<semaphore_mem>>) src(%arg9 : memref<80x128xf32, #tpu.memory_space<vmem>>) dst(%dma_wait3A_132 : memref<80x128xf32, #tpu.memory_space<vmem_shared>>)
      tpu.yield
    }) : () -> ()
    %add3A_12 = arith.constant 80 : i32
    %add3A_13 = arith.addi %min3A_3, %add3A_12 : i32
    "tpu.region"() ({
      %run_scoped3A_124 = tpu.sem_alloc : memref<!tpu.dma_semaphore, #tpu.memory_space<semaphore_mem>>
      %dma_start3A_125 = arith.constant 0 : i32
      %dma_start3A_126 = tpu.memref_slice %arg12[%add3A_13, %dma_start3A_125] : memref<10000x128xf32, #tpu.memory_space<vmem_shared>> -> memref<80x128xf32, #tpu.memory_space<vmem_shared>>
      %dma_start3A_127 = arith.constant 0 : i32
      %dma_start3A_128 = tpu.memref_slice %arg12[%add3A_13, %dma_start3A_127] : memref<10000x128xf32, #tpu.memory_space<vmem_shared>> -> memref<80x128xf32, #tpu.memory_space<vmem_shared>>
      tpu.enqueue_dma source(%arg9 : memref<80x128xf32, #tpu.memory_space<vmem>>) target(%dma_start3A_128 : memref<80x128xf32, #tpu.memory_space<vmem_shared>>) target_semaphore(%run_scoped3A_124 : memref<!tpu.dma_semaphore, #tpu.memory_space<semaphore_mem>>)
      %dma_wait3A_129 = arith.constant 0 : i32
      %dma_wait3A_130 = tpu.memref_slice %arg12[%add3A_13, %dma_wait3A_129] : memref<10000x128xf32, #tpu.memory_space<vmem_shared>> -> memref<80x128xf32, #tpu.memory_space<vmem_shared>>
      %dma_wait3A_131 = arith.constant 0 : i32
      %dma_wait3A_132 = tpu.memref_slice %arg12[%add3A_13, %dma_wait3A_131] : memref<10000x128xf32, #tpu.memory_space<vmem_shared>> -> memref<80x128xf32, #tpu.memory_space<vmem_shared>>
      tpu.wait_dma2 semaphore(%run_scoped3A_124 : memref<!tpu.dma_semaphore, #tpu.memory_space<semaphore_mem>>) src(%arg9 : memref<80x128xf32, #tpu.memory_space<vmem>>) dst(%dma_wait3A_132 : memref<80x128xf32, #tpu.memory_space<vmem_shared>>)
      tpu.yield
    }) : () -> ()
    %add3A_14 = arith.constant 160 : i32
    %add3A_15 = arith.addi %min3A_3, %add3A_14 : i32
    "tpu.region"() ({
      %run_scoped3A_124 = tpu.sem_alloc : memref<!tpu.dma_semaphore, #tpu.memory_space<semaphore_mem>>
      %dma_start3A_125 = arith.constant 0 : i32
      %dma_start3A_126 = tpu.memref_slice %arg12[%add3A_15, %dma_start3A_125] : memref<10000x128xf32, #tpu.memory_space<vmem_shared>> -> memref<80x128xf32, #tpu.memory_space<vmem_shared>>
      %dma_start3A_127 = arith.constant 0 : i32
      %dma_start3A_128 = tpu.memref_slice %arg12[%add3A_15, %dma_start3A_127] : memref<10000x128xf32, #tpu.memory_space<vmem_shared>> -> memref<80x128xf32, #tpu.memory_space<vmem_shared>>
      tpu.enqueue_dma source(%arg9 : memref<80x128xf32, #tpu.memory_space<vmem>>) target(%dma_start3A_128 : memref<80x128xf32, #tpu.memory_space<vmem_shared>>) target_semaphore(%run_scoped3A_124 : memref<!tpu.dma_semaphore, #tpu.memory_space<semaphore_mem>>)
      %dma_wait3A_129 = arith.constant 0 : i32
      %dma_wait3A_130 = tpu.memref_slice %arg12[%add3A_15, %dma_wait3A_129] : memref<10000x128xf32, #tpu.memory_space<vmem_shared>> -> memref<80x128xf32, #tpu.memory_space<vmem_shared>>
      %dma_wait3A_131 = arith.constant 0 : i32
      %dma_wait3A_132 = tpu.memref_slice %arg12[%add3A_15, %dma_wait3A_131] : memref<10000x128xf32, #tpu.memory_space<vmem_shared>> -> memref<80x128xf32, #tpu.memory_space<vmem_shared>>
      tpu.wait_dma2 semaphore(%run_scoped3A_124 : memref<!tpu.dma_semaphore, #tpu.memory_space<semaphore_mem>>) src(%arg9 : memref<80x128xf32, #tpu.memory_space<vmem>>) dst(%dma_wait3A_132 : memref<80x128xf32, #tpu.memory_space<vmem_shared>>)
      tpu.yield
    }) : () -> ()
    %add3A_16 = arith.constant 240 : i32
    %add3A_17 = arith.addi %min3A_3, %add3A_16 : i32
    "tpu.region"() ({
      %run_scoped3A_124 = tpu.sem_alloc : memref<!tpu.dma_semaphore, #tpu.memory_space<semaphore_mem>>
      %dma_start3A_125 = arith.constant 0 : i32
      %dma_start3A_126 = tpu.memref_slice %arg12[%add3A_17, %dma_start3A_125] : memref<10000x128xf32, #tpu.memory_space<vmem_shared>> -> memref<80x128xf32, #tpu.memory_space<vmem_shared>>
      %dma_start3A_127 = arith.constant 0 : i32
      %dma_start3A_128 = tpu.memref_slice %arg12[%add3A_17, %dma_start3A_127] : memref<10000x128xf32, #tpu.memory_space<vmem_shared>> -> memref<80x128xf32, #tpu.memory_space<vmem_shared>>
      tpu.enqueue_dma source(%arg9 : memref<80x128xf32, #tpu.memory_space<vmem>>) target(%dma_start3A_128 : memref<80x128xf32, #tpu.memory_space<vmem_shared>>) target_semaphore(%run_scoped3A_124 : memref<!tpu.dma_semaphore, #tpu.memory_space<semaphore_mem>>)
      %dma_wait3A_129 = arith.constant 0 : i32
      %dma_wait3A_130 = tpu.memref_slice %arg12[%add3A_17, %dma_wait3A_129] : memref<10000x128xf32, #tpu.memory_space<vmem_shared>> -> memref<80x128xf32, #tpu.memory_space<vmem_shared>>
      %dma_wait3A_131 = arith.constant 0 : i32
      %dma_wait3A_132 = tpu.memref_slice %arg12[%add3A_17, %dma_wait3A_131] : memref<10000x128xf32, #tpu.memory_space<vmem_shared>> -> memref<80x128xf32, #tpu.memory_space<vmem_shared>>
      tpu.wait_dma2 semaphore(%run_scoped3A_124 : memref<!tpu.dma_semaphore, #tpu.memory_space<semaphore_mem>>) src(%arg9 : memref<80x128xf32, #tpu.memory_space<vmem>>) dst(%dma_wait3A_132 : memref<80x128xf32, #tpu.memory_space<vmem_shared>>)
      tpu.yield
    }) : () -> ()
    %add3A_18 = arith.constant 320 : i32
    %add3A_19 = arith.addi %min3A_3, %add3A_18 : i32
    "tpu.region"() ({
      %run_scoped3A_124 = tpu.sem_alloc : memref<!tpu.dma_semaphore, #tpu.memory_space<semaphore_mem>>
      %dma_start3A_125 = arith.constant 0 : i32
      %dma_start3A_126 = tpu.memref_slice %arg12[%add3A_19, %dma_start3A_125] : memref<10000x128xf32, #tpu.memory_space<vmem_shared>> -> memref<80x128xf32, #tpu.memory_space<vmem_shared>>
      %dma_start3A_127 = arith.constant 0 : i32
      %dma_start3A_128 = tpu.memref_slice %arg12[%add3A_19, %dma_start3A_127] : memref<10000x128xf32, #tpu.memory_space<vmem_shared>> -> memref<80x128xf32, #tpu.memory_space<vmem_shared>>
      tpu.enqueue_dma source(%arg9 : memref<80x128xf32, #tpu.memory_space<vmem>>) target(%dma_start3A_128 : memref<80x128xf32, #tpu.memory_space<vmem_shared>>) target_semaphore(%run_scoped3A_124 : memref<!tpu.dma_semaphore, #tpu.memory_space<semaphore_mem>>)
      %dma_wait3A_129 = arith.constant 0 : i32
      %dma_wait3A_130 = tpu.memref_slice %arg12[%add3A_19, %dma_wait3A_129] : memref<10000x128xf32, #tpu.memory_space<vmem_shared>> -> memref<80x128xf32, #tpu.memory_space<vmem_shared>>
      %dma_wait3A_131 = arith.constant 0 : i32
      %dma_wait3A_132 = tpu.memref_slice %arg12[%add3A_19, %dma_wait3A_131] : memref<10000x128xf32, #tpu.memory_space<vmem_shared>> -> memref<80x128xf32, #tpu.memory_space<vmem_shared>>
      tpu.wait_dma2 semaphore(%run_scoped3A_124 : memref<!tpu.dma_semaphore, #tpu.memory_space<semaphore_mem>>) src(%arg9 : memref<80x128xf32, #tpu.memory_space<vmem>>) dst(%dma_wait3A_132 : memref<80x128xf32, #tpu.memory_space<vmem_shared>>)
      tpu.yield
    }) : () -> ()
    %add3A_20 = arith.constant 400 : i32
    %add3A_21 = arith.addi %min3A_3, %add3A_20 : i32
    "tpu.region"() ({
      %run_scoped3A_124 = tpu.sem_alloc : memref<!tpu.dma_semaphore, #tpu.memory_space<semaphore_mem>>
      %dma_start3A_125 = arith.constant 0 : i32
      %dma_start3A_126 = tpu.memref_slice %arg12[%add3A_21, %dma_start3A_125] : memref<10000x128xf32, #tpu.memory_space<vmem_shared>> -> memref<80x128xf32, #tpu.memory_space<vmem_shared>>
      %dma_start3A_127 = arith.constant 0 : i32
      %dma_start3A_128 = tpu.memref_slice %arg12[%add3A_21, %dma_start3A_127] : memref<10000x128xf32, #tpu.memory_space<vmem_shared>> -> memref<80x128xf32, #tpu.memory_space<vmem_shared>>
      tpu.enqueue_dma source(%arg9 : memref<80x128xf32, #tpu.memory_space<vmem>>) target(%dma_start3A_128 : memref<80x128xf32, #tpu.memory_space<vmem_shared>>) target_semaphore(%run_scoped3A_124 : memref<!tpu.dma_semaphore, #tpu.memory_space<semaphore_mem>>)
      %dma_wait3A_129 = arith.constant 0 : i32
      %dma_wait3A_130 = tpu.memref_slice %arg12[%add3A_21, %dma_wait3A_129] : memref<10000x128xf32, #tpu.memory_space<vmem_shared>> -> memref<80x128xf32, #tpu.memory_space<vmem_shared>>
      %dma_wait3A_131 = arith.constant 0 : i32
      %dma_wait3A_132 = tpu.memref_slice %arg12[%add3A_21, %dma_wait3A_131] : memref<10000x128xf32, #tpu.memory_space<vmem_shared>> -> memref<80x128xf32, #tpu.memory_space<vmem_shared>>
      tpu.wait_dma2 semaphore(%run_scoped3A_124 : memref<!tpu.dma_semaphore, #tpu.memory_space<semaphore_mem>>) src(%arg9 : memref<80x128xf32, #tpu.memory_space<vmem>>) dst(%dma_wait3A_132 : memref<80x128xf32, #tpu.memory_space<vmem_shared>>)
      tpu.yield
    }) : () -> ()
    %add3A_22 = arith.constant 480 : i32
    %add3A_23 = arith.addi %min3A_3, %add3A_22 : i32
    "tpu.region"() ({
      %run_scoped3A_124 = tpu.sem_alloc : memref<!tpu.dma_semaphore, #tpu.memory_space<semaphore_mem>>
      %dma_start3A_125 = arith.constant 0 : i32
      %dma_start3A_126 = tpu.memref_slice %arg12[%add3A_23, %dma_start3A_125] : memref<10000x128xf32, #tpu.memory_space<vmem_shared>> -> memref<80x128xf32, #tpu.memory_space<vmem_shared>>
      %dma_start3A_127 = arith.constant 0 : i32
      %dma_start3A_128 = tpu.memref_slice %arg12[%add3A_23, %dma_start3A_127] : memref<10000x128xf32, #tpu.memory_space<vmem_shared>> -> memref<80x128xf32, #tpu.memory_space<vmem_shared>>
      tpu.enqueue_dma source(%arg9 : memref<80x128xf32, #tpu.memory_space<vmem>>) target(%dma_start3A_128 : memref<80x128xf32, #tpu.memory_space<vmem_shared>>) target_semaphore(%run_scoped3A_124 : memref<!tpu.dma_semaphore, #tpu.memory_space<semaphore_mem>>)
      %dma_wait3A_129 = arith.constant 0 : i32
      %dma_wait3A_130 = tpu.memref_slice %arg12[%add3A_23, %dma_wait3A_129] : memref<10000x128xf32, #tpu.memory_space<vmem_shared>> -> memref<80x128xf32, #tpu.memory_space<vmem_shared>>
      %dma_wait3A_131 = arith.constant 0 : i32
      %dma_wait3A_132 = tpu.memref_slice %arg12[%add3A_23, %dma_wait3A_131] : memref<10000x128xf32, #tpu.memory_space<vmem_shared>> -> memref<80x128xf32, #tpu.memory_space<vmem_shared>>
      tpu.wait_dma2 semaphore(%run_scoped3A_124 : memref<!tpu.dma_semaphore, #tpu.memory_space<semaphore_mem>>) src(%arg9 : memref<80x128xf32, #tpu.memory_space<vmem>>) dst(%dma_wait3A_132 : memref<80x128xf32, #tpu.memory_space<vmem_shared>>)
      tpu.yield
    }) : () -> ()
    %add3A_24 = arith.constant 560 : i32
    %add3A_25 = arith.addi %min3A_3, %add3A_24 : i32
    "tpu.region"() ({
      %run_scoped3A_124 = tpu.sem_alloc : memref<!tpu.dma_semaphore, #tpu.memory_space<semaphore_mem>>
      %dma_start3A_125 = arith.constant 0 : i32
      %dma_start3A_126 = tpu.memref_slice %arg12[%add3A_25, %dma_start3A_125] : memref<10000x128xf32, #tpu.memory_space<vmem_shared>> -> memref<80x128xf32, #tpu.memory_space<vmem_shared>>
      %dma_start3A_127 = arith.constant 0 : i32
      %dma_start3A_128 = tpu.memref_slice %arg12[%add3A_25, %dma_start3A_127] : memref<10000x128xf32, #tpu.memory_space<vmem_shared>> -> memref<80x128xf32, #tpu.memory_space<vmem_shared>>
      tpu.enqueue_dma source(%arg9 : memref<80x128xf32, #tpu.memory_space<vmem>>) target(%dma_start3A_128 : memref<80x128xf32, #tpu.memory_space<vmem_shared>>) target_semaphore(%run_scoped3A_124 : memref<!tpu.dma_semaphore, #tpu.memory_space<semaphore_mem>>)
      %dma_wait3A_129 = arith.constant 0 : i32
      %dma_wait3A_130 = tpu.memref_slice %arg12[%add3A_25, %dma_wait3A_129] : memref<10000x128xf32, #tpu.memory_space<vmem_shared>> -> memref<80x128xf32, #tpu.memory_space<vmem_shared>>
      %dma_wait3A_131 = arith.constant 0 : i32
      %dma_wait3A_132 = tpu.memref_slice %arg12[%add3A_25, %dma_wait3A_131] : memref<10000x128xf32, #tpu.memory_space<vmem_shared>> -> memref<80x128xf32, #tpu.memory_space<vmem_shared>>
      tpu.wait_dma2 semaphore(%run_scoped3A_124 : memref<!tpu.dma_semaphore, #tpu.memory_space<semaphore_mem>>) src(%arg9 : memref<80x128xf32, #tpu.memory_space<vmem>>) dst(%dma_wait3A_132 : memref<80x128xf32, #tpu.memory_space<vmem_shared>>)
      tpu.yield
    }) : () -> ()
    %run_scoped3A = arith.constant 0 : i32
    %run_scoped3A_26 = arith.constant 0 : i32
    "tpu.region"() ({
      %run_scoped3A_124 = tpu.sem_alloc : memref<!tpu.dma_semaphore, #tpu.memory_space<semaphore_mem>>
      %dma_start3A_125 = arith.constant 0 : i32
      %dma_start3A_126 = arith.constant 0 : i32
      %dma_start3A_127 = tpu.memref_slice %arg3[%run_scoped3A, %add3A, %run_scoped3A_26, %dma_start3A_125, %dma_start3A_126] : memref<2x32x25x5x80xi32, #tpu.memory_space<hbm>> -> memref<1x1x1x5x80xi32, #tpu.memory_space<hbm>>
      %dma_start3A_128 = tpu.memref_squeeze %dma_start3A_127 : memref<1x1x1x5x80xi32, #tpu.memory_space<hbm>> -> memref<5x80xi32, #tpu.memory_space<hbm>>
      %dma_start3A_129 = arith.constant 0 : i32
      %dma_start3A_130 = arith.constant 0 : i32
      %dma_start3A_131 = tpu.memref_slice %arg3[%run_scoped3A, %add3A, %run_scoped3A_26, %dma_start3A_129, %dma_start3A_130] : memref<2x32x25x5x80xi32, #tpu.memory_space<hbm>> -> memref<1x1x1x5x80xi32, #tpu.memory_space<hbm>>
      %dma_start3A_132 = tpu.memref_squeeze %dma_start3A_131 : memref<1x1x1x5x80xi32, #tpu.memory_space<hbm>> -> memref<5x80xi32, #tpu.memory_space<hbm>>
      tpu.enqueue_dma source(%dma_start3A_132 : memref<5x80xi32, #tpu.memory_space<hbm>>) target(%arg5 : memref<5x80xi32, #tpu.memory_space<vmem>>) target_semaphore(%run_scoped3A_124 : memref<!tpu.dma_semaphore, #tpu.memory_space<semaphore_mem>>)
      %dma_wait3A_133 = arith.constant 0 : i32
      %dma_wait3A_134 = arith.constant 0 : i32
      %dma_wait3A_135 = tpu.memref_slice %arg3[%run_scoped3A, %add3A, %run_scoped3A_26, %dma_wait3A_133, %dma_wait3A_134] : memref<2x32x25x5x80xi32, #tpu.memory_space<hbm>> -> memref<1x1x1x5x80xi32, #tpu.memory_space<hbm>>
      %dma_wait3A_136 = tpu.memref_squeeze %dma_wait3A_135 : memref<1x1x1x5x80xi32, #tpu.memory_space<hbm>> -> memref<5x80xi32, #tpu.memory_space<hbm>>
      %dma_wait3A_137 = arith.constant 0 : i32
      %dma_wait3A_138 = arith.constant 0 : i32
      %dma_wait3A_139 = tpu.memref_slice %arg3[%run_scoped3A, %add3A, %run_scoped3A_26, %dma_wait3A_137, %dma_wait3A_138] : memref<2x32x25x5x80xi32, #tpu.memory_space<hbm>> -> memref<1x1x1x5x80xi32, #tpu.memory_space<hbm>>
      %dma_wait3A_140 = tpu.memref_squeeze %dma_wait3A_139 : memref<1x1x1x5x80xi32, #tpu.memory_space<hbm>> -> memref<5x80xi32, #tpu.memory_space<hbm>>
      tpu.wait_dma2 semaphore(%run_scoped3A_124 : memref<!tpu.dma_semaphore, #tpu.memory_space<semaphore_mem>>) src(%dma_wait3A_140 : memref<5x80xi32, #tpu.memory_space<hbm>>) dst(%arg5 : memref<5x80xi32, #tpu.memory_space<vmem>>)
      tpu.yield
    }) : () -> ()
    %run_scoped3A_27 = arith.constant 1 : i32
    %run_scoped3A_28 = arith.constant 0 : i32
    "tpu.region"() ({
      %run_scoped3A_124 = tpu.sem_alloc : memref<!tpu.dma_semaphore, #tpu.memory_space<semaphore_mem>>
      %dma_start3A_125 = arith.constant 0 : i32
      %dma_start3A_126 = arith.constant 0 : i32
      %dma_start3A_127 = tpu.memref_slice %arg3[%run_scoped3A_27, %add3A, %run_scoped3A_28, %dma_start3A_125, %dma_start3A_126] : memref<2x32x25x5x80xi32, #tpu.memory_space<hbm>> -> memref<1x1x1x5x80xi32, #tpu.memory_space<hbm>>
      %dma_start3A_128 = tpu.memref_squeeze %dma_start3A_127 : memref<1x1x1x5x80xi32, #tpu.memory_space<hbm>> -> memref<5x80xi32, #tpu.memory_space<hbm>>
      %dma_start3A_129 = arith.constant 0 : i32
      %dma_start3A_130 = arith.constant 0 : i32
      %dma_start3A_131 = tpu.memref_slice %arg3[%run_scoped3A_27, %add3A, %run_scoped3A_28, %dma_start3A_129, %dma_start3A_130] : memref<2x32x25x5x80xi32, #tpu.memory_space<hbm>> -> memref<1x1x1x5x80xi32, #tpu.memory_space<hbm>>
      %dma_start3A_132 = tpu.memref_squeeze %dma_start3A_131 : memref<1x1x1x5x80xi32, #tpu.memory_space<hbm>> -> memref<5x80xi32, #tpu.memory_space<hbm>>
      tpu.enqueue_dma source(%dma_start3A_132 : memref<5x80xi32, #tpu.memory_space<hbm>>) target(%arg7 : memref<5x80xi32, #tpu.memory_space<vmem>>) target_semaphore(%run_scoped3A_124 : memref<!tpu.dma_semaphore, #tpu.memory_space<semaphore_mem>>)
      %dma_wait3A_133 = arith.constant 0 : i32
      %dma_wait3A_134 = arith.constant 0 : i32
      %dma_wait3A_135 = tpu.memref_slice %arg3[%run_scoped3A_27, %add3A, %run_scoped3A_28, %dma_wait3A_133, %dma_wait3A_134] : memref<2x32x25x5x80xi32, #tpu.memory_space<hbm>> -> memref<1x1x1x5x80xi32, #tpu.memory_space<hbm>>
      %dma_wait3A_136 = tpu.memref_squeeze %dma_wait3A_135 : memref<1x1x1x5x80xi32, #tpu.memory_space<hbm>> -> memref<5x80xi32, #tpu.memory_space<hbm>>
      %dma_wait3A_137 = arith.constant 0 : i32
      %dma_wait3A_138 = arith.constant 0 : i32
      %dma_wait3A_139 = tpu.memref_slice %arg3[%run_scoped3A_27, %add3A, %run_scoped3A_28, %dma_wait3A_137, %dma_wait3A_138] : memref<2x32x25x5x80xi32, #tpu.memory_space<hbm>> -> memref<1x1x1x5x80xi32, #tpu.memory_space<hbm>>
      %dma_wait3A_140 = tpu.memref_squeeze %dma_wait3A_139 : memref<1x1x1x5x80xi32, #tpu.memory_space<hbm>> -> memref<5x80xi32, #tpu.memory_space<hbm>>
      tpu.wait_dma2 semaphore(%run_scoped3A_124 : memref<!tpu.dma_semaphore, #tpu.memory_space<semaphore_mem>>) src(%dma_wait3A_140 : memref<5x80xi32, #tpu.memory_space<hbm>>) dst(%arg7 : memref<5x80xi32, #tpu.memory_space<vmem>>)
      tpu.yield
    }) : () -> ()
    %dma_start3A = arith.constant 0 : i32
    %dma_start3A_29 = arith.constant 1 : i32
    %dma_start3A_30 = arith.constant 0 : i32
    %dma_start3A_31 = arith.constant 0 : i32
    %dma_start3A_32 = tpu.memref_slice %arg3[%dma_start3A, %add3A, %dma_start3A_29, %dma_start3A_30, %dma_start3A_31] : memref<2x32x25x5x80xi32, #tpu.memory_space<hbm>> -> memref<1x1x1x5x80xi32, #tpu.memory_space<hbm>>
    %dma_start3A_33 = tpu.memref_squeeze %dma_start3A_32 : memref<1x1x1x5x80xi32, #tpu.memory_space<hbm>> -> memref<5x80xi32, #tpu.memory_space<hbm>>
    %dma_start3A_34 = arith.constant 0 : i32
    %dma_start3A_35 = arith.constant 0 : i32
    %dma_start3A_36 = tpu.memref_slice %arg3[%dma_start3A, %add3A, %dma_start3A_29, %dma_start3A_34, %dma_start3A_35] : memref<2x32x25x5x80xi32, #tpu.memory_space<hbm>> -> memref<1x1x1x5x80xi32, #tpu.memory_space<hbm>>
    %dma_start3A_37 = tpu.memref_squeeze %dma_start3A_36 : memref<1x1x1x5x80xi32, #tpu.memory_space<hbm>> -> memref<5x80xi32, #tpu.memory_space<hbm>>
    tpu.enqueue_dma source(%dma_start3A_37 : memref<5x80xi32, #tpu.memory_space<hbm>>) target(%arg6 : memref<5x80xi32, #tpu.memory_space<vmem>>) target_semaphore(%arg19 : memref<!tpu.dma_semaphore, #tpu.memory_space<semaphore_mem>>)
    %dma_start3A_38 = arith.constant 1 : i32
    %dma_start3A_39 = arith.constant 1 : i32
    %dma_start3A_40 = arith.constant 0 : i32
    %dma_start3A_41 = arith.constant 0 : i32
    %dma_start3A_42 = tpu.memref_slice %arg3[%dma_start3A_38, %add3A, %dma_start3A_39, %dma_start3A_40, %dma_start3A_41] : memref<2x32x25x5x80xi32, #tpu.memory_space<hbm>> -> memref<1x1x1x5x80xi32, #tpu.memory_space<hbm>>
    %dma_start3A_43 = tpu.memref_squeeze %dma_start3A_42 : memref<1x1x1x5x80xi32, #tpu.memory_space<hbm>> -> memref<5x80xi32, #tpu.memory_space<hbm>>
    %dma_start3A_44 = arith.constant 0 : i32
    %dma_start3A_45 = arith.constant 0 : i32
    %dma_start3A_46 = tpu.memref_slice %arg3[%dma_start3A_38, %add3A, %dma_start3A_39, %dma_start3A_44, %dma_start3A_45] : memref<2x32x25x5x80xi32, #tpu.memory_space<hbm>> -> memref<1x1x1x5x80xi32, #tpu.memory_space<hbm>>
    %dma_start3A_47 = tpu.memref_squeeze %dma_start3A_46 : memref<1x1x1x5x80xi32, #tpu.memory_space<hbm>> -> memref<5x80xi32, #tpu.memory_space<hbm>>
    tpu.enqueue_dma source(%dma_start3A_47 : memref<5x80xi32, #tpu.memory_space<hbm>>) target(%arg8 : memref<5x80xi32, #tpu.memory_space<vmem>>) target_semaphore(%arg19 : memref<!tpu.dma_semaphore, #tpu.memory_space<semaphore_mem>>)
    %barrier3A = arith.constant 0 : index
    tpu.barrier barrier_id(%barrier3A)
    %dma_start3A_48 = arith.constant 0 : i32
    %dma_start3A_49 = arith.constant 0 : i32
    %dma_start3A_50 = tpu.memref_slice %arg5[%dma_start3A_48, %dma_start3A_49] : memref<5x80xi32, #tpu.memory_space<vmem>> -> memref<1x80xi32, #tpu.memory_space<vmem>>
    %dma_start3A_51 = tpu.memref_squeeze %dma_start3A_50 : memref<1x80xi32, #tpu.memory_space<vmem>> -> memref<80xi32, #tpu.memory_space<vmem>>
    %dma_start3A_52 = arith.constant 0 : i32
    %dma_start3A_53 = arith.constant 0 : i32
    %dma_start3A_54 = tpu.memref_slice %arg2[%dma_start3A_52, %dma_start3A_53] : memref<10000x128xf32, #tpu.memory_space<hbm>> -> memref<10000x128xf32, #tpu.memory_space<hbm>>
    tpu.enqueue_indirect_dma source(%dma_start3A_54 : memref<10000x128xf32, #tpu.memory_space<hbm>>) target(%arg9 : memref<80x128xf32, #tpu.memory_space<vmem>>) offsets(%dma_start3A_51 : memref<80xi32, #tpu.memory_space<vmem>>) semaphore(%arg13 : memref<!tpu.dma_semaphore, #tpu.memory_space<semaphore_mem>>)
    %dma_start3A_55 = arith.constant 1 : i32
    %dma_start3A_56 = arith.constant 0 : i32
    %dma_start3A_57 = tpu.memref_slice %arg5[%dma_start3A_55, %dma_start3A_56] : memref<5x80xi32, #tpu.memory_space<vmem>> -> memref<1x80xi32, #tpu.memory_space<vmem>>
    %dma_start3A_58 = tpu.memref_squeeze %dma_start3A_57 : memref<1x80xi32, #tpu.memory_space<vmem>> -> memref<80xi32, #tpu.memory_space<vmem>>
    %dma_start3A_59 = arith.constant 0 : i32
    %dma_start3A_60 = arith.constant 0 : i32
    %dma_start3A_61 = tpu.memref_slice %arg2[%dma_start3A_59, %dma_start3A_60] : memref<10000x128xf32, #tpu.memory_space<hbm>> -> memref<10000x128xf32, #tpu.memory_space<hbm>>
    tpu.enqueue_indirect_dma source(%dma_start3A_61 : memref<10000x128xf32, #tpu.memory_space<hbm>>) target(%arg10 : memref<80x128xf32, #tpu.memory_space<vmem>>) offsets(%dma_start3A_58 : memref<80xi32, #tpu.memory_space<vmem>>) semaphore(%arg14 : memref<!tpu.dma_semaphore, #tpu.memory_space<semaphore_mem>>)
    %scan3A_62 = arith.constant 0 : i32
    %scan3A_63 = arith.constant 0 : i32
    %scan3A_64 = arith.constant 123 : i32
    %scan3A_65 = arith.addi %scan3A_63, %scan3A_64 : i32
    %scan3A_66 = arith.constant 1 : i32
    %scan3A_67 = scf.for %scan3A_124 = %scan3A_63 to %scan3A_65 step %scan3A_66 iter_args(%scan3A_125 = %scan3A_62) -> (i32)  : i32 {
      %jit3A = arith.constant 3 : i32
      %eq3A_126 = arith.constant 0 : i32
      %eq3A_127 = arith.cmpi eq, %jit3A, %eq3A_126 : i32
      %jit3A_128 = arith.constant 1 : i32
      %select_n3A = arith.select %eq3A_127, %jit3A_128, %jit3A : i32
      %rem3A = arith.remsi %scan3A_124, %select_n3A : i32
      %ne3A = arith.constant 0 : i32
      %ne3A_129 = arith.cmpi ne, %rem3A, %ne3A : i32
      %lt3A_130 = arith.constant 0 : i32
      %lt3A_131 = arith.cmpi slt, %rem3A, %lt3A_130 : i32
      %lt3A_132 = arith.constant 0 : i32
      %lt3A_133 = arith.cmpi slt, %select_n3A, %lt3A_132 : i32
      %ne3A_134 = arith.xori %lt3A_131, %lt3A_133 : i1
      %and3A = arith.andi %ne3A_134, %ne3A_129 : i1
      %add3A_135 = arith.addi %rem3A, %select_n3A : i32
      %select_n3A_136 = arith.select %and3A, %add3A_135, %rem3A : i32
      %eq3A_137 = arith.constant 0 : i32
      %eq3A_138 = arith.cmpi eq, %select_n3A_136, %eq3A_137 : i32
      %convert_element_type3A_139 = arith.extui %eq3A_138 : i1 to i32
      %cond3A_140 = arith.constant 0 : i32
      %cond3A_141 = arith.cmpi ne, %convert_element_type3A_139, %cond3A_140 : i32
      scf.if %cond3A_141 {
        %gt3A = arith.constant 0 : i32
        %gt3A_185 = arith.cmpi sgt, %scan3A_124, %gt3A : i32
        %convert_element_type3A_186 = arith.extui %gt3A_185 : i1 to i32
        %cond3A_187 = arith.constant 0 : i32
        %cond3A_188 = arith.cmpi ne, %convert_element_type3A_186, %cond3A_187 : i32
        scf.if %cond3A_188 {
          %dma_wait3A_452 = arith.constant 0 : i32
          %dma_wait3A_453 = arith.constant 0 : i32
          %dma_wait3A_454 = tpu.memref_slice %arg7[%dma_wait3A_452, %dma_wait3A_453] : memref<5x80xi32, #tpu.memory_space<vmem>> -> memref<1x80xi32, #tpu.memory_space<vmem>>
          %dma_wait3A_455 = tpu.memref_squeeze %dma_wait3A_454 : memref<1x80xi32, #tpu.memory_space<vmem>> -> memref<80xi32, #tpu.memory_space<vmem>>
          %dma_wait3A_456 = arith.constant 0 : i32
          %dma_wait3A_457 = arith.constant 0 : i32
          %dma_wait3A_458 = tpu.memref_slice %arg12[%dma_wait3A_456, %dma_wait3A_457] : memref<10000x128xf32, #tpu.memory_space<vmem_shared>> -> memref<10000x128xf32, #tpu.memory_space<vmem_shared>>
          tpu.wait_indirect_dma semaphore(%arg18 : memref<!tpu.dma_semaphore, #tpu.memory_space<semaphore_mem>>) src(%arg11 : memref<80x128xf32, #tpu.memory_space<vmem>>) dst(%dma_wait3A_458 : memref<10000x128xf32, #tpu.memory_space<vmem_shared>>)
        } else {
        }
        %jit3A_189 = arith.constant 5 : i32
        %eq3A_190 = arith.constant 0 : i32
        %eq3A_191 = arith.cmpi eq, %jit3A_189, %eq3A_190 : i32
        %jit3A_192 = arith.constant 1 : i32
        %select_n3A_193 = arith.select %eq3A_191, %jit3A_192, %jit3A_189 : i32
        %rem3A_194 = arith.remsi %scan3A_124, %select_n3A_193 : i32
        %ne3A_195 = arith.constant 0 : i32
        %ne3A_196 = arith.cmpi ne, %rem3A_194, %ne3A_195 : i32
        %lt3A_197 = arith.constant 0 : i32
        %lt3A_198 = arith.cmpi slt, %rem3A_194, %lt3A_197 : i32
        %lt3A_199 = arith.constant 0 : i32
        %lt3A_200 = arith.cmpi slt, %select_n3A_193, %lt3A_199 : i32
        %ne3A_201 = arith.xori %lt3A_198, %lt3A_200 : i1
        %and3A_202 = arith.andi %ne3A_201, %ne3A_196 : i1
        %add3A_203 = arith.addi %rem3A_194, %select_n3A_193 : i32
        %select_n3A_204 = arith.select %and3A_202, %add3A_203, %rem3A_194 : i32
        %eq3A_205 = arith.constant 0 : i32
        %eq3A_206 = arith.cmpi eq, %select_n3A_204, %eq3A_205 : i32
        %gt3A_207 = arith.constant 0 : i32
        %gt3A_208 = arith.cmpi sgt, %scan3A_124, %gt3A_207 : i32
        %and3A_209 = arith.andi %eq3A_206, %gt3A_208 : i1
        %convert_element_type3A_210 = arith.extui %and3A_209 : i1 to i32
        %cond3A_211 = arith.constant 0 : i32
        %cond3A_212 = arith.cmpi ne, %convert_element_type3A_210, %cond3A_211 : i32
        scf.if %cond3A_212 {
          %jit3A_452 = arith.constant 5 : i32
          %div3A_453 = arith.divsi %scan3A_124, %jit3A_452 : i32
          %sign3A_454 = arith.constant 0 : i32
          %sign3A_455 = arith.cmpi sgt, %scan3A_124, %sign3A_454 : i32
          %sign3A_456 = arith.extui %sign3A_455 : i1 to i32
          %sign3A_457 = arith.constant 0 : i32
          %sign3A_458 = arith.cmpi slt, %scan3A_124, %sign3A_457 : i32
          %sign3A_459 = arith.extui %sign3A_458 : i1 to i32
          %sign3A_460 = arith.subi %sign3A_456, %sign3A_459 : i32
          %sign3A_461 = arith.constant 0 : i32
          %sign3A_462 = arith.cmpi sgt, %jit3A_452, %sign3A_461 : i32
          %sign3A_463 = arith.extui %sign3A_462 : i1 to i32
          %sign3A_464 = arith.constant 0 : i32
          %sign3A_465 = arith.cmpi slt, %jit3A_452, %sign3A_464 : i32
          %sign3A_466 = arith.extui %sign3A_465 : i1 to i32
          %sign3A_467 = arith.subi %sign3A_463, %sign3A_466 : i32
          %ne3A_468 = arith.cmpi ne, %sign3A_460, %sign3A_467 : i32
          %rem3A_469 = arith.remsi %scan3A_124, %jit3A_452 : i32
          %ne3A_470 = arith.constant 0 : i32
          %ne3A_471 = arith.cmpi ne, %rem3A_469, %ne3A_470 : i32
          %and3A_472 = arith.andi %ne3A_468, %ne3A_471 : i1
          %sub3A_473 = arith.constant 1 : i32
          %sub3A_474 = arith.subi %div3A_453, %sub3A_473 : i32
          %select_n3A_475 = arith.select %and3A_472, %sub3A_474, %div3A_453 : i32
          %add3A_476 = arith.constant 1 : i32
          %add3A_477 = arith.addi %select_n3A_475, %add3A_476 : i32
          %lt3A_478 = arith.constant 25 : i32
          %lt3A_479 = arith.cmpi slt, %add3A_477, %lt3A_478 : i32
          %convert_element_type3A_480 = arith.extui %lt3A_479 : i1 to i32
          %cond3A_481 = arith.constant 0 : i32
          %cond3A_482 = arith.cmpi ne, %convert_element_type3A_480, %cond3A_481 : i32
          scf.if %cond3A_482 {
            %jit3A_483 = arith.constant 2 : i32
            %eq3A_484 = arith.constant 0 : i32
            %eq3A_485 = arith.cmpi eq, %jit3A_483, %eq3A_484 : i32
            %jit3A_486 = arith.constant 1 : i32
            %select_n3A_487 = arith.select %eq3A_485, %jit3A_486, %jit3A_483 : i32
            %rem3A_488 = arith.remsi %add3A_477, %select_n3A_487 : i32
            %ne3A_489 = arith.constant 0 : i32
            %ne3A_490 = arith.cmpi ne, %rem3A_488, %ne3A_489 : i32
            %lt3A_491 = arith.constant 0 : i32
            %lt3A_492 = arith.cmpi slt, %rem3A_488, %lt3A_491 : i32
            %lt3A_493 = arith.constant 0 : i32
            %lt3A_494 = arith.cmpi slt, %select_n3A_487, %lt3A_493 : i32
            %ne3A_495 = arith.xori %lt3A_492, %lt3A_494 : i1
            %and3A_496 = arith.andi %ne3A_495, %ne3A_490 : i1
            %add3A_497 = arith.addi %rem3A_488, %select_n3A_487 : i32
            %select_n3A_498 = arith.select %and3A_496, %add3A_497, %rem3A_488 : i32
            %eq3A_499 = arith.constant 0 : i32
            %eq3A_500 = arith.cmpi eq, %select_n3A_498, %eq3A_499 : i32
            %convert_element_type3A_501 = arith.extui %eq3A_500 : i1 to i32
            %cond3A_502 = arith.constant 0 : i32
            %cond3A_503 = arith.cmpi ne, %convert_element_type3A_501, %cond3A_502 : i32
            scf.if %cond3A_503 {
              %dma_start3A_525 = arith.constant 0 : i32
              %dma_start3A_526 = arith.constant 0 : i32
              %dma_start3A_527 = arith.constant 0 : i32
              %dma_start3A_528 = tpu.memref_slice %arg3[%dma_start3A_525, %add3A, %add3A_477, %dma_start3A_526, %dma_start3A_527] : memref<2x32x25x5x80xi32, #tpu.memory_space<hbm>> -> memref<1x1x1x5x80xi32, #tpu.memory_space<hbm>>
              %dma_start3A_529 = tpu.memref_squeeze %dma_start3A_528 : memref<1x1x1x5x80xi32, #tpu.memory_space<hbm>> -> memref<5x80xi32, #tpu.memory_space<hbm>>
              %dma_start3A_530 = arith.constant 0 : i32
              %dma_start3A_531 = arith.constant 0 : i32
              %dma_start3A_532 = tpu.memref_slice %arg3[%dma_start3A_525, %add3A, %add3A_477, %dma_start3A_530, %dma_start3A_531] : memref<2x32x25x5x80xi32, #tpu.memory_space<hbm>> -> memref<1x1x1x5x80xi32, #tpu.memory_space<hbm>>
              %dma_start3A_533 = tpu.memref_squeeze %dma_start3A_532 : memref<1x1x1x5x80xi32, #tpu.memory_space<hbm>> -> memref<5x80xi32, #tpu.memory_space<hbm>>
              tpu.enqueue_dma source(%dma_start3A_533 : memref<5x80xi32, #tpu.memory_space<hbm>>) target(%arg5 : memref<5x80xi32, #tpu.memory_space<vmem>>) target_semaphore(%arg19 : memref<!tpu.dma_semaphore, #tpu.memory_space<semaphore_mem>>)
              %dma_start3A_534 = arith.constant 1 : i32
              %dma_start3A_535 = arith.constant 0 : i32
              %dma_start3A_536 = arith.constant 0 : i32
              %dma_start3A_537 = tpu.memref_slice %arg3[%dma_start3A_534, %add3A, %add3A_477, %dma_start3A_535, %dma_start3A_536] : memref<2x32x25x5x80xi32, #tpu.memory_space<hbm>> -> memref<1x1x1x5x80xi32, #tpu.memory_space<hbm>>
              %dma_start3A_538 = tpu.memref_squeeze %dma_start3A_537 : memref<1x1x1x5x80xi32, #tpu.memory_space<hbm>> -> memref<5x80xi32, #tpu.memory_space<hbm>>
              %dma_start3A_539 = arith.constant 0 : i32
              %dma_start3A_540 = arith.constant 0 : i32
              %dma_start3A_541 = tpu.memref_slice %arg3[%dma_start3A_534, %add3A, %add3A_477, %dma_start3A_539, %dma_start3A_540] : memref<2x32x25x5x80xi32, #tpu.memory_space<hbm>> -> memref<1x1x1x5x80xi32, #tpu.memory_space<hbm>>
              %dma_start3A_542 = tpu.memref_squeeze %dma_start3A_541 : memref<1x1x1x5x80xi32, #tpu.memory_space<hbm>> -> memref<5x80xi32, #tpu.memory_space<hbm>>
              tpu.enqueue_dma source(%dma_start3A_542 : memref<5x80xi32, #tpu.memory_space<hbm>>) target(%arg7 : memref<5x80xi32, #tpu.memory_space<vmem>>) target_semaphore(%arg19 : memref<!tpu.dma_semaphore, #tpu.memory_space<semaphore_mem>>)
            } else {
            }
            %jit3A_504 = arith.constant 2 : i32
            %eq3A_505 = arith.constant 0 : i32
            %eq3A_506 = arith.cmpi eq, %jit3A_504, %eq3A_505 : i32
            %jit3A_507 = arith.constant 1 : i32
            %select_n3A_508 = arith.select %eq3A_506, %jit3A_507, %jit3A_504 : i32
            %rem3A_509 = arith.remsi %add3A_477, %select_n3A_508 : i32
            %ne3A_510 = arith.constant 0 : i32
            %ne3A_511 = arith.cmpi ne, %rem3A_509, %ne3A_510 : i32
            %lt3A_512 = arith.constant 0 : i32
            %lt3A_513 = arith.cmpi slt, %rem3A_509, %lt3A_512 : i32
            %lt3A_514 = arith.constant 0 : i32
            %lt3A_515 = arith.cmpi slt, %select_n3A_508, %lt3A_514 : i32
            %ne3A_516 = arith.xori %lt3A_513, %lt3A_515 : i1
            %and3A_517 = arith.andi %ne3A_516, %ne3A_511 : i1
            %add3A_518 = arith.addi %rem3A_509, %select_n3A_508 : i32
            %select_n3A_519 = arith.select %and3A_517, %add3A_518, %rem3A_509 : i32
            %eq3A_520 = arith.constant 1 : i32
            %eq3A_521 = arith.cmpi eq, %select_n3A_519, %eq3A_520 : i32
            %convert_element_type3A_522 = arith.extui %eq3A_521 : i1 to i32
            %cond3A_523 = arith.constant 0 : i32
            %cond3A_524 = arith.cmpi ne, %convert_element_type3A_522, %cond3A_523 : i32
            scf.if %cond3A_524 {
              %dma_start3A_525 = arith.constant 0 : i32
              %dma_start3A_526 = arith.constant 0 : i32
              %dma_start3A_527 = arith.constant 0 : i32
              %dma_start3A_528 = tpu.memref_slice %arg3[%dma_start3A_525, %add3A, %add3A_477, %dma_start3A_526, %dma_start3A_527] : memref<2x32x25x5x80xi32, #tpu.memory_space<hbm>> -> memref<1x1x1x5x80xi32, #tpu.memory_space<hbm>>
              %dma_start3A_529 = tpu.memref_squeeze %dma_start3A_528 : memref<1x1x1x5x80xi32, #tpu.memory_space<hbm>> -> memref<5x80xi32, #tpu.memory_space<hbm>>
              %dma_start3A_530 = arith.constant 0 : i32
              %dma_start3A_531 = arith.constant 0 : i32
              %dma_start3A_532 = tpu.memref_slice %arg3[%dma_start3A_525, %add3A, %add3A_477, %dma_start3A_530, %dma_start3A_531] : memref<2x32x25x5x80xi32, #tpu.memory_space<hbm>> -> memref<1x1x1x5x80xi32, #tpu.memory_space<hbm>>
              %dma_start3A_533 = tpu.memref_squeeze %dma_start3A_532 : memref<1x1x1x5x80xi32, #tpu.memory_space<hbm>> -> memref<5x80xi32, #tpu.memory_space<hbm>>
              tpu.enqueue_dma source(%dma_start3A_533 : memref<5x80xi32, #tpu.memory_space<hbm>>) target(%arg6 : memref<5x80xi32, #tpu.memory_space<vmem>>) target_semaphore(%arg19 : memref<!tpu.dma_semaphore, #tpu.memory_space<semaphore_mem>>)
              %dma_start3A_534 = arith.constant 1 : i32
              %dma_start3A_535 = arith.constant 0 : i32
              %dma_start3A_536 = arith.constant 0 : i32
              %dma_start3A_537 = tpu.memref_slice %arg3[%dma_start3A_534, %add3A, %add3A_477, %dma_start3A_535, %dma_start3A_536] : memref<2x32x25x5x80xi32, #tpu.memory_space<hbm>> -> memref<1x1x1x5x80xi32, #tpu.memory_space<hbm>>
              %dma_start3A_538 = tpu.memref_squeeze %dma_start3A_537 : memref<1x1x1x5x80xi32, #tpu.memory_space<hbm>> -> memref<5x80xi32, #tpu.memory_space<hbm>>
              %dma_start3A_539 = arith.constant 0 : i32
              %dma_start3A_540 = arith.constant 0 : i32
              %dma_start3A_541 = tpu.memref_slice %arg3[%dma_start3A_534, %add3A, %add3A_477, %dma_start3A_539, %dma_start3A_540] : memref<2x32x25x5x80xi32, #tpu.memory_space<hbm>> -> memref<1x1x1x5x80xi32, #tpu.memory_space<hbm>>
              %dma_start3A_542 = tpu.memref_squeeze %dma_start3A_541 : memref<1x1x1x5x80xi32, #tpu.memory_space<hbm>> -> memref<5x80xi32, #tpu.memory_space<hbm>>
              tpu.enqueue_dma source(%dma_start3A_542 : memref<5x80xi32, #tpu.memory_space<hbm>>) target(%arg8 : memref<5x80xi32, #tpu.memory_space<vmem>>) target_semaphore(%arg19 : memref<!tpu.dma_semaphore, #tpu.memory_space<semaphore_mem>>)
            } else {
            }
          } else {
          }
        } else {
        }
        %jit3A_213 = arith.constant 5 : i32
        %eq3A_214 = arith.constant 0 : i32
        %eq3A_215 = arith.cmpi eq, %jit3A_213, %eq3A_214 : i32
        %jit3A_216 = arith.constant 1 : i32
        %select_n3A_217 = arith.select %eq3A_215, %jit3A_216, %jit3A_213 : i32
        %rem3A_218 = arith.remsi %scan3A_124, %select_n3A_217 : i32
        %ne3A_219 = arith.constant 0 : i32
        %ne3A_220 = arith.cmpi ne, %rem3A_218, %ne3A_219 : i32
        %lt3A_221 = arith.constant 0 : i32
        %lt3A_222 = arith.cmpi slt, %rem3A_218, %lt3A_221 : i32
        %lt3A_223 = arith.constant 0 : i32
        %lt3A_224 = arith.cmpi slt, %select_n3A_217, %lt3A_223 : i32
        %ne3A_225 = arith.xori %lt3A_222, %lt3A_224 : i1
        %and3A_226 = arith.andi %ne3A_225, %ne3A_220 : i1
        %add3A_227 = arith.addi %rem3A_218, %select_n3A_217 : i32
        %select_n3A_228 = arith.select %and3A_226, %add3A_227, %rem3A_218 : i32
        %eq3A_229 = arith.constant 3 : i32
        %eq3A_230 = arith.cmpi eq, %select_n3A_228, %eq3A_229 : i32
        %convert_element_type3A_231 = arith.extui %eq3A_230 : i1 to i32
        %cond3A_232 = arith.constant 0 : i32
        %cond3A_233 = arith.cmpi ne, %convert_element_type3A_231, %cond3A_232 : i32
        scf.if %cond3A_233 {
          %dma_wait3A_452 = arith.constant 0 : i32
          %dma_wait3A_453 = arith.constant 0 : i32
          %dma_wait3A_454 = arith.constant 0 : i32
          %dma_wait3A_455 = arith.constant 0 : i32
          %dma_wait3A_456 = tpu.memref_slice %arg3[%dma_wait3A_452, %add3A, %dma_wait3A_453, %dma_wait3A_454, %dma_wait3A_455] : memref<2x32x25x5x80xi32, #tpu.memory_space<hbm>> -> memref<1x1x1x5x80xi32, #tpu.memory_space<hbm>>
          %dma_wait3A_457 = tpu.memref_squeeze %dma_wait3A_456 : memref<1x1x1x5x80xi32, #tpu.memory_space<hbm>> -> memref<5x80xi32, #tpu.memory_space<hbm>>
          %dma_wait3A_458 = arith.constant 0 : i32
          %dma_wait3A_459 = arith.constant 0 : i32
          %dma_wait3A_460 = tpu.memref_slice %arg3[%dma_wait3A_452, %add3A, %dma_wait3A_453, %dma_wait3A_458, %dma_wait3A_459] : memref<2x32x25x5x80xi32, #tpu.memory_space<hbm>> -> memref<1x1x1x5x80xi32, #tpu.memory_space<hbm>>
          %dma_wait3A_461 = tpu.memref_squeeze %dma_wait3A_460 : memref<1x1x1x5x80xi32, #tpu.memory_space<hbm>> -> memref<5x80xi32, #tpu.memory_space<hbm>>
          tpu.wait_dma2 semaphore(%arg19 : memref<!tpu.dma_semaphore, #tpu.memory_space<semaphore_mem>>) src(%dma_wait3A_461 : memref<5x80xi32, #tpu.memory_space<hbm>>) dst(%arg5 : memref<5x80xi32, #tpu.memory_space<vmem>>)
          %dma_wait3A_462 = arith.constant 1 : i32
          %dma_wait3A_463 = arith.constant 0 : i32
          %dma_wait3A_464 = arith.constant 0 : i32
          %dma_wait3A_465 = arith.constant 0 : i32
          %dma_wait3A_466 = tpu.memref_slice %arg3[%dma_wait3A_462, %add3A, %dma_wait3A_463, %dma_wait3A_464, %dma_wait3A_465] : memref<2x32x25x5x80xi32, #tpu.memory_space<hbm>> -> memref<1x1x1x5x80xi32, #tpu.memory_space<hbm>>
          %dma_wait3A_467 = tpu.memref_squeeze %dma_wait3A_466 : memref<1x1x1x5x80xi32, #tpu.memory_space<hbm>> -> memref<5x80xi32, #tpu.memory_space<hbm>>
          %dma_wait3A_468 = arith.constant 0 : i32
          %dma_wait3A_469 = arith.constant 0 : i32
          %dma_wait3A_470 = tpu.memref_slice %arg3[%dma_wait3A_462, %add3A, %dma_wait3A_463, %dma_wait3A_468, %dma_wait3A_469] : memref<2x32x25x5x80xi32, #tpu.memory_space<hbm>> -> memref<1x1x1x5x80xi32, #tpu.memory_space<hbm>>
          %dma_wait3A_471 = tpu.memref_squeeze %dma_wait3A_470 : memref<1x1x1x5x80xi32, #tpu.memory_space<hbm>> -> memref<5x80xi32, #tpu.memory_space<hbm>>
          tpu.wait_dma2 semaphore(%arg19 : memref<!tpu.dma_semaphore, #tpu.memory_space<semaphore_mem>>) src(%dma_wait3A_471 : memref<5x80xi32, #tpu.memory_space<hbm>>) dst(%arg7 : memref<5x80xi32, #tpu.memory_space<vmem>>)
        } else {
        }
        %add3A_234 = arith.constant 2 : i32
        %add3A_235 = arith.addi %scan3A_124, %add3A_234 : i32
        %jit3A_236 = arith.constant 5 : i32
        %eq3A_237 = arith.constant 0 : i32
        %eq3A_238 = arith.cmpi eq, %jit3A_236, %eq3A_237 : i32
        %jit3A_239 = arith.constant 1 : i32
        %select_n3A_240 = arith.select %eq3A_238, %jit3A_239, %jit3A_236 : i32
        %rem3A_241 = arith.remsi %add3A_235, %select_n3A_240 : i32
        %ne3A_242 = arith.constant 0 : i32
        %ne3A_243 = arith.cmpi ne, %rem3A_241, %ne3A_242 : i32
        %lt3A_244 = arith.constant 0 : i32
        %lt3A_245 = arith.cmpi slt, %rem3A_241, %lt3A_244 : i32
        %lt3A_246 = arith.constant 0 : i32
        %lt3A_247 = arith.cmpi slt, %select_n3A_240, %lt3A_246 : i32
        %ne3A_248 = arith.xori %lt3A_245, %lt3A_247 : i1
        %and3A_249 = arith.andi %ne3A_248, %ne3A_243 : i1
        %add3A_250 = arith.addi %rem3A_241, %select_n3A_240 : i32
        %select_n3A_251 = arith.select %and3A_249, %add3A_250, %rem3A_241 : i32
        %jit3A_252 = arith.constant 5 : i32
        %div3A = arith.divsi %add3A_235, %jit3A_252 : i32
        %sign3A = arith.constant 0 : i32
        %sign3A_253 = arith.cmpi sgt, %add3A_235, %sign3A : i32
        %sign3A_254 = arith.extui %sign3A_253 : i1 to i32
        %sign3A_255 = arith.constant 0 : i32
        %sign3A_256 = arith.cmpi slt, %add3A_235, %sign3A_255 : i32
        %sign3A_257 = arith.extui %sign3A_256 : i1 to i32
        %sign3A_258 = arith.subi %sign3A_254, %sign3A_257 : i32
        %sign3A_259 = arith.constant 0 : i32
        %sign3A_260 = arith.cmpi sgt, %jit3A_252, %sign3A_259 : i32
        %sign3A_261 = arith.extui %sign3A_260 : i1 to i32
        %sign3A_262 = arith.constant 0 : i32
        %sign3A_263 = arith.cmpi slt, %jit3A_252, %sign3A_262 : i32
        %sign3A_264 = arith.extui %sign3A_263 : i1 to i32
        %sign3A_265 = arith.subi %sign3A_261, %sign3A_264 : i32
        %ne3A_266 = arith.cmpi ne, %sign3A_258, %sign3A_265 : i32
        %rem3A_267 = arith.remsi %add3A_235, %jit3A_252 : i32
        %ne3A_268 = arith.constant 0 : i32
        %ne3A_269 = arith.cmpi ne, %rem3A_267, %ne3A_268 : i32
        %and3A_270 = arith.andi %ne3A_266, %ne3A_269 : i1
        %sub3A = arith.constant 1 : i32
        %sub3A_271 = arith.subi %div3A, %sub3A : i32
        %select_n3A_272 = arith.select %and3A_270, %sub3A_271, %div3A : i32
        %jit3A_273 = arith.constant 2 : i32
        %eq3A_274 = arith.constant 0 : i32
        %eq3A_275 = arith.cmpi eq, %jit3A_273, %eq3A_274 : i32
        %jit3A_276 = arith.constant 1 : i32
        %select_n3A_277 = arith.select %eq3A_275, %jit3A_276, %jit3A_273 : i32
        %rem3A_278 = arith.remsi %select_n3A_272, %select_n3A_277 : i32
        %ne3A_279 = arith.constant 0 : i32
        %ne3A_280 = arith.cmpi ne, %rem3A_278, %ne3A_279 : i32
        %lt3A_281 = arith.constant 0 : i32
        %lt3A_282 = arith.cmpi slt, %rem3A_278, %lt3A_281 : i32
        %lt3A_283 = arith.constant 0 : i32
        %lt3A_284 = arith.cmpi slt, %select_n3A_277, %lt3A_283 : i32
        %ne3A_285 = arith.xori %lt3A_282, %lt3A_284 : i1
        %and3A_286 = arith.andi %ne3A_285, %ne3A_280 : i1
        %add3A_287 = arith.addi %rem3A_278, %select_n3A_277 : i32
        %select_n3A_288 = arith.select %and3A_286, %add3A_287, %rem3A_278 : i32
        %eq3A_289 = arith.constant 0 : i32
        %eq3A_290 = arith.cmpi eq, %select_n3A_288, %eq3A_289 : i32
        %convert_element_type3A_291 = arith.extui %eq3A_290 : i1 to i32
        %cond3A_292 = arith.constant 0 : i32
        %cond3A_293 = arith.cmpi ne, %convert_element_type3A_291, %cond3A_292 : i32
        scf.if %cond3A_293 {
          %dma_start3A_452 = arith.constant 0 : i32
          %dma_start3A_453 = tpu.memref_slice %arg5[%select_n3A_251, %dma_start3A_452] : memref<5x80xi32, #tpu.memory_space<vmem>> -> memref<1x80xi32, #tpu.memory_space<vmem>>
          %dma_start3A_454 = tpu.memref_squeeze %dma_start3A_453 : memref<1x80xi32, #tpu.memory_space<vmem>> -> memref<80xi32, #tpu.memory_space<vmem>>
          %dma_start3A_455 = arith.constant 0 : i32
          %dma_start3A_456 = arith.constant 0 : i32
          %dma_start3A_457 = tpu.memref_slice %arg2[%dma_start3A_455, %dma_start3A_456] : memref<10000x128xf32, #tpu.memory_space<hbm>> -> memref<10000x128xf32, #tpu.memory_space<hbm>>
          tpu.enqueue_indirect_dma source(%dma_start3A_457 : memref<10000x128xf32, #tpu.memory_space<hbm>>) target(%arg11 : memref<80x128xf32, #tpu.memory_space<vmem>>) offsets(%dma_start3A_454 : memref<80xi32, #tpu.memory_space<vmem>>) semaphore(%arg15 : memref<!tpu.dma_semaphore, #tpu.memory_space<semaphore_mem>>)
        } else {
        }
        %jit3A_294 = arith.constant 5 : i32
        %div3A_295 = arith.divsi %add3A_235, %jit3A_294 : i32
        %sign3A_296 = arith.constant 0 : i32
        %sign3A_297 = arith.cmpi sgt, %add3A_235, %sign3A_296 : i32
        %sign3A_298 = arith.extui %sign3A_297 : i1 to i32
        %sign3A_299 = arith.constant 0 : i32
        %sign3A_300 = arith.cmpi slt, %add3A_235, %sign3A_299 : i32
        %sign3A_301 = arith.extui %sign3A_300 : i1 to i32
        %sign3A_302 = arith.subi %sign3A_298, %sign3A_301 : i32
        %sign3A_303 = arith.constant 0 : i32
        %sign3A_304 = arith.cmpi sgt, %jit3A_294, %sign3A_303 : i32
        %sign3A_305 = arith.extui %sign3A_304 : i1 to i32
        %sign3A_306 = arith.constant 0 : i32
        %sign3A_307 = arith.cmpi slt, %jit3A_294, %sign3A_306 : i32
        %sign3A_308 = arith.extui %sign3A_307 : i1 to i32
        %sign3A_309 = arith.subi %sign3A_305, %sign3A_308 : i32
        %ne3A_310 = arith.cmpi ne, %sign3A_302, %sign3A_309 : i32
        %rem3A_311 = arith.remsi %add3A_235, %jit3A_294 : i32
        %ne3A_312 = arith.constant 0 : i32
        %ne3A_313 = arith.cmpi ne, %rem3A_311, %ne3A_312 : i32
        %and3A_314 = arith.andi %ne3A_310, %ne3A_313 : i1
        %sub3A_315 = arith.constant 1 : i32
        %sub3A_316 = arith.subi %div3A_295, %sub3A_315 : i32
        %select_n3A_317 = arith.select %and3A_314, %sub3A_316, %div3A_295 : i32
        %jit3A_318 = arith.constant 2 : i32
        %eq3A_319 = arith.constant 0 : i32
        %eq3A_320 = arith.cmpi eq, %jit3A_318, %eq3A_319 : i32
        %jit3A_321 = arith.constant 1 : i32
        %select_n3A_322 = arith.select %eq3A_320, %jit3A_321, %jit3A_318 : i32
        %rem3A_323 = arith.remsi %select_n3A_317, %select_n3A_322 : i32
        %ne3A_324 = arith.constant 0 : i32
        %ne3A_325 = arith.cmpi ne, %rem3A_323, %ne3A_324 : i32
        %lt3A_326 = arith.constant 0 : i32
        %lt3A_327 = arith.cmpi slt, %rem3A_323, %lt3A_326 : i32
        %lt3A_328 = arith.constant 0 : i32
        %lt3A_329 = arith.cmpi slt, %select_n3A_322, %lt3A_328 : i32
        %ne3A_330 = arith.xori %lt3A_327, %lt3A_329 : i1
        %and3A_331 = arith.andi %ne3A_330, %ne3A_325 : i1
        %add3A_332 = arith.addi %rem3A_323, %select_n3A_322 : i32
        %select_n3A_333 = arith.select %and3A_331, %add3A_332, %rem3A_323 : i32
        %eq3A_334 = arith.constant 1 : i32
        %eq3A_335 = arith.cmpi eq, %select_n3A_333, %eq3A_334 : i32
        %convert_element_type3A_336 = arith.extui %eq3A_335 : i1 to i32
        %cond3A_337 = arith.constant 0 : i32
        %cond3A_338 = arith.cmpi ne, %convert_element_type3A_336, %cond3A_337 : i32
        scf.if %cond3A_338 {
          %dma_start3A_452 = arith.constant 0 : i32
          %dma_start3A_453 = tpu.memref_slice %arg6[%select_n3A_251, %dma_start3A_452] : memref<5x80xi32, #tpu.memory_space<vmem>> -> memref<1x80xi32, #tpu.memory_space<vmem>>
          %dma_start3A_454 = tpu.memref_squeeze %dma_start3A_453 : memref<1x80xi32, #tpu.memory_space<vmem>> -> memref<80xi32, #tpu.memory_space<vmem>>
          %dma_start3A_455 = arith.constant 0 : i32
          %dma_start3A_456 = arith.constant 0 : i32
          %dma_start3A_457 = tpu.memref_slice %arg2[%dma_start3A_455, %dma_start3A_456] : memref<10000x128xf32, #tpu.memory_space<hbm>> -> memref<10000x128xf32, #tpu.memory_space<hbm>>
          tpu.enqueue_indirect_dma source(%dma_start3A_457 : memref<10000x128xf32, #tpu.memory_space<hbm>>) target(%arg11 : memref<80x128xf32, #tpu.memory_space<vmem>>) offsets(%dma_start3A_454 : memref<80xi32, #tpu.memory_space<vmem>>) semaphore(%arg15 : memref<!tpu.dma_semaphore, #tpu.memory_space<semaphore_mem>>)
        } else {
        }
        %dma_wait3A_339 = arith.constant 0 : i32
        %dma_wait3A_340 = arith.constant 0 : i32
        %dma_wait3A_341 = tpu.memref_slice %arg5[%dma_wait3A_339, %dma_wait3A_340] : memref<5x80xi32, #tpu.memory_space<vmem>> -> memref<1x80xi32, #tpu.memory_space<vmem>>
        %dma_wait3A_342 = tpu.memref_squeeze %dma_wait3A_341 : memref<1x80xi32, #tpu.memory_space<vmem>> -> memref<80xi32, #tpu.memory_space<vmem>>
        %dma_wait3A_343 = arith.constant 0 : i32
        %dma_wait3A_344 = arith.constant 0 : i32
        %dma_wait3A_345 = tpu.memref_slice %arg2[%dma_wait3A_343, %dma_wait3A_344] : memref<10000x128xf32, #tpu.memory_space<hbm>> -> memref<10000x128xf32, #tpu.memory_space<hbm>>
        tpu.wait_indirect_dma semaphore(%arg13 : memref<!tpu.dma_semaphore, #tpu.memory_space<semaphore_mem>>) src(%dma_wait3A_345 : memref<10000x128xf32, #tpu.memory_space<hbm>>) dst(%arg9 : memref<80x128xf32, #tpu.memory_space<vmem>>)
        %jit3A_346 = arith.constant 5 : i32
        %eq3A_347 = arith.constant 0 : i32
        %eq3A_348 = arith.cmpi eq, %jit3A_346, %eq3A_347 : i32
        %jit3A_349 = arith.constant 1 : i32
        %select_n3A_350 = arith.select %eq3A_348, %jit3A_349, %jit3A_346 : i32
        %rem3A_351 = arith.remsi %scan3A_124, %select_n3A_350 : i32
        %ne3A_352 = arith.constant 0 : i32
        %ne3A_353 = arith.cmpi ne, %rem3A_351, %ne3A_352 : i32
        %lt3A_354 = arith.constant 0 : i32
        %lt3A_355 = arith.cmpi slt, %rem3A_351, %lt3A_354 : i32
        %lt3A_356 = arith.constant 0 : i32
        %lt3A_357 = arith.cmpi slt, %select_n3A_350, %lt3A_356 : i32
        %ne3A_358 = arith.xori %lt3A_355, %lt3A_357 : i1
        %and3A_359 = arith.andi %ne3A_358, %ne3A_353 : i1
        %add3A_360 = arith.addi %rem3A_351, %select_n3A_350 : i32
        %select_n3A_361 = arith.select %and3A_359, %add3A_360, %rem3A_351 : i32
        %jit3A_362 = arith.constant 5 : i32
        %div3A_363 = arith.divsi %scan3A_124, %jit3A_362 : i32
        %sign3A_364 = arith.constant 0 : i32
        %sign3A_365 = arith.cmpi sgt, %scan3A_124, %sign3A_364 : i32
        %sign3A_366 = arith.extui %sign3A_365 : i1 to i32
        %sign3A_367 = arith.constant 0 : i32
        %sign3A_368 = arith.cmpi slt, %scan3A_124, %sign3A_367 : i32
        %sign3A_369 = arith.extui %sign3A_368 : i1 to i32
        %sign3A_370 = arith.subi %sign3A_366, %sign3A_369 : i32
        %sign3A_371 = arith.constant 0 : i32
        %sign3A_372 = arith.cmpi sgt, %jit3A_362, %sign3A_371 : i32
        %sign3A_373 = arith.extui %sign3A_372 : i1 to i32
        %sign3A_374 = arith.constant 0 : i32
        %sign3A_375 = arith.cmpi slt, %jit3A_362, %sign3A_374 : i32
        %sign3A_376 = arith.extui %sign3A_375 : i1 to i32
        %sign3A_377 = arith.subi %sign3A_373, %sign3A_376 : i32
        %ne3A_378 = arith.cmpi ne, %sign3A_370, %sign3A_377 : i32
        %rem3A_379 = arith.remsi %scan3A_124, %jit3A_362 : i32
        %ne3A_380 = arith.constant 0 : i32
        %ne3A_381 = arith.cmpi ne, %rem3A_379, %ne3A_380 : i32
        %and3A_382 = arith.andi %ne3A_378, %ne3A_381 : i1
        %sub3A_383 = arith.constant 1 : i32
        %sub3A_384 = arith.subi %div3A_363, %sub3A_383 : i32
        %select_n3A_385 = arith.select %and3A_382, %sub3A_384, %div3A_363 : i32
        %jit3A_386 = arith.constant 2 : i32
        %eq3A_387 = arith.constant 0 : i32
        %eq3A_388 = arith.cmpi eq, %jit3A_386, %eq3A_387 : i32
        %jit3A_389 = arith.constant 1 : i32
        %select_n3A_390 = arith.select %eq3A_388, %jit3A_389, %jit3A_386 : i32
        %rem3A_391 = arith.remsi %select_n3A_385, %select_n3A_390 : i32
        %ne3A_392 = arith.constant 0 : i32
        %ne3A_393 = arith.cmpi ne, %rem3A_391, %ne3A_392 : i32
        %lt3A_394 = arith.constant 0 : i32
        %lt3A_395 = arith.cmpi slt, %rem3A_391, %lt3A_394 : i32
        %lt3A_396 = arith.constant 0 : i32
        %lt3A_397 = arith.cmpi slt, %select_n3A_390, %lt3A_396 : i32
        %ne3A_398 = arith.xori %lt3A_395, %lt3A_397 : i1
        %and3A_399 = arith.andi %ne3A_398, %ne3A_393 : i1
        %add3A_400 = arith.addi %rem3A_391, %select_n3A_390 : i32
        %select_n3A_401 = arith.select %and3A_399, %add3A_400, %rem3A_391 : i32
        %eq3A_402 = arith.constant 0 : i32
        %eq3A_403 = arith.cmpi eq, %select_n3A_401, %eq3A_402 : i32
        %convert_element_type3A_404 = arith.extui %eq3A_403 : i1 to i32
        %cond3A_405 = arith.constant 0 : i32
        %cond3A_406 = arith.cmpi ne, %convert_element_type3A_404, %cond3A_405 : i32
        scf.if %cond3A_406 {
          %dma_start3A_452 = arith.constant 0 : i32
          %dma_start3A_453 = tpu.memref_slice %arg7[%select_n3A_361, %dma_start3A_452] : memref<5x80xi32, #tpu.memory_space<vmem>> -> memref<1x80xi32, #tpu.memory_space<vmem>>
          %dma_start3A_454 = tpu.memref_squeeze %dma_start3A_453 : memref<1x80xi32, #tpu.memory_space<vmem>> -> memref<80xi32, #tpu.memory_space<vmem>>
          %dma_start3A_455 = arith.constant 0 : i32
          %dma_start3A_456 = arith.constant 0 : i32
          %dma_start3A_457 = tpu.memref_slice %arg12[%dma_start3A_455, %dma_start3A_456] : memref<10000x128xf32, #tpu.memory_space<vmem_shared>> -> memref<10000x128xf32, #tpu.memory_space<vmem_shared>>
          tpu.enqueue_indirect_dma source(%arg9 : memref<80x128xf32, #tpu.memory_space<vmem>>) target(%dma_start3A_457 : memref<10000x128xf32, #tpu.memory_space<vmem_shared>>) offsets(%dma_start3A_454 : memref<80xi32, #tpu.memory_space<vmem>>) semaphore(%arg16 : memref<!tpu.dma_semaphore, #tpu.memory_space<semaphore_mem>>) {add = true}
        } else {
        }
        %jit3A_407 = arith.constant 5 : i32
        %div3A_408 = arith.divsi %scan3A_124, %jit3A_407 : i32
        %sign3A_409 = arith.constant 0 : i32
        %sign3A_410 = arith.cmpi sgt, %scan3A_124, %sign3A_409 : i32
        %sign3A_411 = arith.extui %sign3A_410 : i1 to i32
        %sign3A_412 = arith.constant 0 : i32
        %sign3A_413 = arith.cmpi slt, %scan3A_124, %sign3A_412 : i32
        %sign3A_414 = arith.extui %sign3A_413 : i1 to i32
        %sign3A_415 = arith.subi %sign3A_411, %sign3A_414 : i32
        %sign3A_416 = arith.constant 0 : i32
        %sign3A_417 = arith.cmpi sgt, %jit3A_407, %sign3A_416 : i32
        %sign3A_418 = arith.extui %sign3A_417 : i1 to i32
        %sign3A_419 = arith.constant 0 : i32
        %sign3A_420 = arith.cmpi slt, %jit3A_407, %sign3A_419 : i32
        %sign3A_421 = arith.extui %sign3A_420 : i1 to i32
        %sign3A_422 = arith.subi %sign3A_418, %sign3A_421 : i32
        %ne3A_423 = arith.cmpi ne, %sign3A_415, %sign3A_422 : i32
        %rem3A_424 = arith.remsi %scan3A_124, %jit3A_407 : i32
        %ne3A_425 = arith.constant 0 : i32
        %ne3A_426 = arith.cmpi ne, %rem3A_424, %ne3A_425 : i32
        %and3A_427 = arith.andi %ne3A_423, %ne3A_426 : i1
        %sub3A_428 = arith.constant 1 : i32
        %sub3A_429 = arith.subi %div3A_408, %sub3A_428 : i32
        %select_n3A_430 = arith.select %and3A_427, %sub3A_429, %div3A_408 : i32
        %jit3A_431 = arith.constant 2 : i32
        %eq3A_432 = arith.constant 0 : i32
        %eq3A_433 = arith.cmpi eq, %jit3A_431, %eq3A_432 : i32
        %jit3A_434 = arith.constant 1 : i32
        %select_n3A_435 = arith.select %eq3A_433, %jit3A_434, %jit3A_431 : i32
        %rem3A_436 = arith.remsi %select_n3A_430, %select_n3A_435 : i32
        %ne3A_437 = arith.constant 0 : i32
        %ne3A_438 = arith.cmpi ne, %rem3A_436, %ne3A_437 : i32
        %lt3A_439 = arith.constant 0 : i32
        %lt3A_440 = arith.cmpi slt, %rem3A_436, %lt3A_439 : i32
        %lt3A_441 = arith.constant 0 : i32
        %lt3A_442 = arith.cmpi slt, %select_n3A_435, %lt3A_441 : i32
        %ne3A_443 = arith.xori %lt3A_440, %lt3A_442 : i1
        %and3A_444 = arith.andi %ne3A_443, %ne3A_438 : i1
        %add3A_445 = arith.addi %rem3A_436, %select_n3A_435 : i32
        %select_n3A_446 = arith.select %and3A_444, %add3A_445, %rem3A_436 : i32
        %eq3A_447 = arith.constant 1 : i32
        %eq3A_448 = arith.cmpi eq, %select_n3A_446, %eq3A_447 : i32
        %convert_element_type3A_449 = arith.extui %eq3A_448 : i1 to i32
        %cond3A_450 = arith.constant 0 : i32
        %cond3A_451 = arith.cmpi ne, %convert_element_type3A_449, %cond3A_450 : i32
        scf.if %cond3A_451 {
          %dma_start3A_452 = arith.constant 0 : i32
          %dma_start3A_453 = tpu.memref_slice %arg8[%select_n3A_361, %dma_start3A_452] : memref<5x80xi32, #tpu.memory_space<vmem>> -> memref<1x80xi32, #tpu.memory_space<vmem>>
          %dma_start3A_454 = tpu.memref_squeeze %dma_start3A_453 : memref<1x80xi32, #tpu.memory_space<vmem>> -> memref<80xi32, #tpu.memory_space<vmem>>
          %dma_start3A_455 = arith.constant 0 : i32
          %dma_start3A_456 = arith.constant 0 : i32
          %dma_start3A_457 = tpu.memref_slice %arg12[%dma_start3A_455, %dma_start3A_456] : memref<10000x128xf32, #tpu.memory_space<vmem_shared>> -> memref<10000x128xf32, #tpu.memory_space<vmem_shared>>
          tpu.enqueue_indirect_dma source(%arg9 : memref<80x128xf32, #tpu.memory_space<vmem>>) target(%dma_start3A_457 : memref<10000x128xf32, #tpu.memory_space<vmem_shared>>) offsets(%dma_start3A_454 : memref<80xi32, #tpu.memory_space<vmem>>) semaphore(%arg16 : memref<!tpu.dma_semaphore, #tpu.memory_space<semaphore_mem>>) {add = true}
        } else {
        }
      } else {
      }
      %jit3A_142 = arith.constant 3 : i32
      %eq3A_143 = arith.constant 0 : i32
      %eq3A_144 = arith.cmpi eq, %jit3A_142, %eq3A_143 : i32
      %jit3A_145 = arith.constant 1 : i32
      %select_n3A_146 = arith.select %eq3A_144, %jit3A_145, %jit3A_142 : i32
      %rem3A_147 = arith.remsi %scan3A_124, %select_n3A_146 : i32
      %ne3A_148 = arith.constant 0 : i32
      %ne3A_149 = arith.cmpi ne, %rem3A_147, %ne3A_148 : i32
      %lt3A_150 = arith.constant 0 : i32
      %lt3A_151 = arith.cmpi slt, %rem3A_147, %lt3A_150 : i32
      %lt3A_152 = arith.constant 0 : i32
      %lt3A_153 = arith.cmpi slt, %select_n3A_146, %lt3A_152 : i32
      %ne3A_154 = arith.xori %lt3A_151, %lt3A_153 : i1
      %and3A_155 = arith.andi %ne3A_154, %ne3A_149 : i1
      %add3A_156 = arith.addi %rem3A_147, %select_n3A_146 : i32
      %select_n3A_157 = arith.select %and3A_155, %add3A_156, %rem3A_147 : i32
      %eq3A_158 = arith.constant 1 : i32
      %eq3A_159 = arith.cmpi eq, %select_n3A_157, %eq3A_158 : i32
      %convert_element_type3A_160 = arith.extui %eq3A_159 : i1 to i32
      %cond3A_161 = arith.constant 0 : i32
      %cond3A_162 = arith.cmpi ne, %convert_element_type3A_160, %cond3A_161 : i32
      scf.if %cond3A_162 {
        %gt3A = arith.constant 0 : i32
        %gt3A_185 = arith.cmpi sgt, %scan3A_124, %gt3A : i32
        %convert_element_type3A_186 = arith.extui %gt3A_185 : i1 to i32
        %cond3A_187 = arith.constant 0 : i32
        %cond3A_188 = arith.cmpi ne, %convert_element_type3A_186, %cond3A_187 : i32
        scf.if %cond3A_188 {
          %dma_wait3A_452 = arith.constant 0 : i32
          %dma_wait3A_453 = arith.constant 0 : i32
          %dma_wait3A_454 = tpu.memref_slice %arg7[%dma_wait3A_452, %dma_wait3A_453] : memref<5x80xi32, #tpu.memory_space<vmem>> -> memref<1x80xi32, #tpu.memory_space<vmem>>
          %dma_wait3A_455 = tpu.memref_squeeze %dma_wait3A_454 : memref<1x80xi32, #tpu.memory_space<vmem>> -> memref<80xi32, #tpu.memory_space<vmem>>
          %dma_wait3A_456 = arith.constant 0 : i32
          %dma_wait3A_457 = arith.constant 0 : i32
          %dma_wait3A_458 = tpu.memref_slice %arg12[%dma_wait3A_456, %dma_wait3A_457] : memref<10000x128xf32, #tpu.memory_space<vmem_shared>> -> memref<10000x128xf32, #tpu.memory_space<vmem_shared>>
          tpu.wait_indirect_dma semaphore(%arg16 : memref<!tpu.dma_semaphore, #tpu.memory_space<semaphore_mem>>) src(%arg9 : memref<80x128xf32, #tpu.memory_space<vmem>>) dst(%dma_wait3A_458 : memref<10000x128xf32, #tpu.memory_space<vmem_shared>>)
        } else {
        }
        %jit3A_189 = arith.constant 5 : i32
        %eq3A_190 = arith.constant 0 : i32
        %eq3A_191 = arith.cmpi eq, %jit3A_189, %eq3A_190 : i32
        %jit3A_192 = arith.constant 1 : i32
        %select_n3A_193 = arith.select %eq3A_191, %jit3A_192, %jit3A_189 : i32
        %rem3A_194 = arith.remsi %scan3A_124, %select_n3A_193 : i32
        %ne3A_195 = arith.constant 0 : i32
        %ne3A_196 = arith.cmpi ne, %rem3A_194, %ne3A_195 : i32
        %lt3A_197 = arith.constant 0 : i32
        %lt3A_198 = arith.cmpi slt, %rem3A_194, %lt3A_197 : i32
        %lt3A_199 = arith.constant 0 : i32
        %lt3A_200 = arith.cmpi slt, %select_n3A_193, %lt3A_199 : i32
        %ne3A_201 = arith.xori %lt3A_198, %lt3A_200 : i1
        %and3A_202 = arith.andi %ne3A_201, %ne3A_196 : i1
        %add3A_203 = arith.addi %rem3A_194, %select_n3A_193 : i32
        %select_n3A_204 = arith.select %and3A_202, %add3A_203, %rem3A_194 : i32
        %eq3A_205 = arith.constant 0 : i32
        %eq3A_206 = arith.cmpi eq, %select_n3A_204, %eq3A_205 : i32
        %gt3A_207 = arith.constant 0 : i32
        %gt3A_208 = arith.cmpi sgt, %scan3A_124, %gt3A_207 : i32
        %and3A_209 = arith.andi %eq3A_206, %gt3A_208 : i1
        %convert_element_type3A_210 = arith.extui %and3A_209 : i1 to i32
        %cond3A_211 = arith.constant 0 : i32
        %cond3A_212 = arith.cmpi ne, %convert_element_type3A_210, %cond3A_211 : i32
        scf.if %cond3A_212 {
          %jit3A_452 = arith.constant 5 : i32
          %div3A_453 = arith.divsi %scan3A_124, %jit3A_452 : i32
          %sign3A_454 = arith.constant 0 : i32
          %sign3A_455 = arith.cmpi sgt, %scan3A_124, %sign3A_454 : i32
          %sign3A_456 = arith.extui %sign3A_455 : i1 to i32
          %sign3A_457 = arith.constant 0 : i32
          %sign3A_458 = arith.cmpi slt, %scan3A_124, %sign3A_457 : i32
          %sign3A_459 = arith.extui %sign3A_458 : i1 to i32
          %sign3A_460 = arith.subi %sign3A_456, %sign3A_459 : i32
          %sign3A_461 = arith.constant 0 : i32
          %sign3A_462 = arith.cmpi sgt, %jit3A_452, %sign3A_461 : i32
          %sign3A_463 = arith.extui %sign3A_462 : i1 to i32
          %sign3A_464 = arith.constant 0 : i32
          %sign3A_465 = arith.cmpi slt, %jit3A_452, %sign3A_464 : i32
          %sign3A_466 = arith.extui %sign3A_465 : i1 to i32
          %sign3A_467 = arith.subi %sign3A_463, %sign3A_466 : i32
          %ne3A_468 = arith.cmpi ne, %sign3A_460, %sign3A_467 : i32
          %rem3A_469 = arith.remsi %scan3A_124, %jit3A_452 : i32
          %ne3A_470 = arith.constant 0 : i32
          %ne3A_471 = arith.cmpi ne, %rem3A_469, %ne3A_470 : i32
          %and3A_472 = arith.andi %ne3A_468, %ne3A_471 : i1
          %sub3A_473 = arith.constant 1 : i32
          %sub3A_474 = arith.subi %div3A_453, %sub3A_473 : i32
          %select_n3A_475 = arith.select %and3A_472, %sub3A_474, %div3A_453 : i32
          %add3A_476 = arith.constant 1 : i32
          %add3A_477 = arith.addi %select_n3A_475, %add3A_476 : i32
          %lt3A_478 = arith.constant 25 : i32
          %lt3A_479 = arith.cmpi slt, %add3A_477, %lt3A_478 : i32
          %convert_element_type3A_480 = arith.extui %lt3A_479 : i1 to i32
          %cond3A_481 = arith.constant 0 : i32
          %cond3A_482 = arith.cmpi ne, %convert_element_type3A_480, %cond3A_481 : i32
          scf.if %cond3A_482 {
            %jit3A_483 = arith.constant 2 : i32
            %eq3A_484 = arith.constant 0 : i32
            %eq3A_485 = arith.cmpi eq, %jit3A_483, %eq3A_484 : i32
            %jit3A_486 = arith.constant 1 : i32
            %select_n3A_487 = arith.select %eq3A_485, %jit3A_486, %jit3A_483 : i32
            %rem3A_488 = arith.remsi %add3A_477, %select_n3A_487 : i32
            %ne3A_489 = arith.constant 0 : i32
            %ne3A_490 = arith.cmpi ne, %rem3A_488, %ne3A_489 : i32
            %lt3A_491 = arith.constant 0 : i32
            %lt3A_492 = arith.cmpi slt, %rem3A_488, %lt3A_491 : i32
            %lt3A_493 = arith.constant 0 : i32
            %lt3A_494 = arith.cmpi slt, %select_n3A_487, %lt3A_493 : i32
            %ne3A_495 = arith.xori %lt3A_492, %lt3A_494 : i1
            %and3A_496 = arith.andi %ne3A_495, %ne3A_490 : i1
            %add3A_497 = arith.addi %rem3A_488, %select_n3A_487 : i32
            %select_n3A_498 = arith.select %and3A_496, %add3A_497, %rem3A_488 : i32
            %eq3A_499 = arith.constant 0 : i32
            %eq3A_500 = arith.cmpi eq, %select_n3A_498, %eq3A_499 : i32
            %convert_element_type3A_501 = arith.extui %eq3A_500 : i1 to i32
            %cond3A_502 = arith.constant 0 : i32
            %cond3A_503 = arith.cmpi ne, %convert_element_type3A_501, %cond3A_502 : i32
            scf.if %cond3A_503 {
              %dma_start3A_525 = arith.constant 0 : i32
              %dma_start3A_526 = arith.constant 0 : i32
              %dma_start3A_527 = arith.constant 0 : i32
              %dma_start3A_528 = tpu.memref_slice %arg3[%dma_start3A_525, %add3A, %add3A_477, %dma_start3A_526, %dma_start3A_527] : memref<2x32x25x5x80xi32, #tpu.memory_space<hbm>> -> memref<1x1x1x5x80xi32, #tpu.memory_space<hbm>>
              %dma_start3A_529 = tpu.memref_squeeze %dma_start3A_528 : memref<1x1x1x5x80xi32, #tpu.memory_space<hbm>> -> memref<5x80xi32, #tpu.memory_space<hbm>>
              %dma_start3A_530 = arith.constant 0 : i32
              %dma_start3A_531 = arith.constant 0 : i32
              %dma_start3A_532 = tpu.memref_slice %arg3[%dma_start3A_525, %add3A, %add3A_477, %dma_start3A_530, %dma_start3A_531] : memref<2x32x25x5x80xi32, #tpu.memory_space<hbm>> -> memref<1x1x1x5x80xi32, #tpu.memory_space<hbm>>
              %dma_start3A_533 = tpu.memref_squeeze %dma_start3A_532 : memref<1x1x1x5x80xi32, #tpu.memory_space<hbm>> -> memref<5x80xi32, #tpu.memory_space<hbm>>
              tpu.enqueue_dma source(%dma_start3A_533 : memref<5x80xi32, #tpu.memory_space<hbm>>) target(%arg5 : memref<5x80xi32, #tpu.memory_space<vmem>>) target_semaphore(%arg19 : memref<!tpu.dma_semaphore, #tpu.memory_space<semaphore_mem>>)
              %dma_start3A_534 = arith.constant 1 : i32
              %dma_start3A_535 = arith.constant 0 : i32
              %dma_start3A_536 = arith.constant 0 : i32
              %dma_start3A_537 = tpu.memref_slice %arg3[%dma_start3A_534, %add3A, %add3A_477, %dma_start3A_535, %dma_start3A_536] : memref<2x32x25x5x80xi32, #tpu.memory_space<hbm>> -> memref<1x1x1x5x80xi32, #tpu.memory_space<hbm>>
              %dma_start3A_538 = tpu.memref_squeeze %dma_start3A_537 : memref<1x1x1x5x80xi32, #tpu.memory_space<hbm>> -> memref<5x80xi32, #tpu.memory_space<hbm>>
              %dma_start3A_539 = arith.constant 0 : i32
              %dma_start3A_540 = arith.constant 0 : i32
              %dma_start3A_541 = tpu.memref_slice %arg3[%dma_start3A_534, %add3A, %add3A_477, %dma_start3A_539, %dma_start3A_540] : memref<2x32x25x5x80xi32, #tpu.memory_space<hbm>> -> memref<1x1x1x5x80xi32, #tpu.memory_space<hbm>>
              %dma_start3A_542 = tpu.memref_squeeze %dma_start3A_541 : memref<1x1x1x5x80xi32, #tpu.memory_space<hbm>> -> memref<5x80xi32, #tpu.memory_space<hbm>>
              tpu.enqueue_dma source(%dma_start3A_542 : memref<5x80xi32, #tpu.memory_space<hbm>>) target(%arg7 : memref<5x80xi32, #tpu.memory_space<vmem>>) target_semaphore(%arg19 : memref<!tpu.dma_semaphore, #tpu.memory_space<semaphore_mem>>)
            } else {
            }
            %jit3A_504 = arith.constant 2 : i32
            %eq3A_505 = arith.constant 0 : i32
            %eq3A_506 = arith.cmpi eq, %jit3A_504, %eq3A_505 : i32
            %jit3A_507 = arith.constant 1 : i32
            %select_n3A_508 = arith.select %eq3A_506, %jit3A_507, %jit3A_504 : i32
            %rem3A_509 = arith.remsi %add3A_477, %select_n3A_508 : i32
            %ne3A_510 = arith.constant 0 : i32
            %ne3A_511 = arith.cmpi ne, %rem3A_509, %ne3A_510 : i32
            %lt3A_512 = arith.constant 0 : i32
            %lt3A_513 = arith.cmpi slt, %rem3A_509, %lt3A_512 : i32
            %lt3A_514 = arith.constant 0 : i32
            %lt3A_515 = arith.cmpi slt, %select_n3A_508, %lt3A_514 : i32
            %ne3A_516 = arith.xori %lt3A_513, %lt3A_515 : i1
            %and3A_517 = arith.andi %ne3A_516, %ne3A_511 : i1
            %add3A_518 = arith.addi %rem3A_509, %select_n3A_508 : i32
            %select_n3A_519 = arith.select %and3A_517, %add3A_518, %rem3A_509 : i32
            %eq3A_520 = arith.constant 1 : i32
            %eq3A_521 = arith.cmpi eq, %select_n3A_519, %eq3A_520 : i32
            %convert_element_type3A_522 = arith.extui %eq3A_521 : i1 to i32
            %cond3A_523 = arith.constant 0 : i32
            %cond3A_524 = arith.cmpi ne, %convert_element_type3A_522, %cond3A_523 : i32
            scf.if %cond3A_524 {
              %dma_start3A_525 = arith.constant 0 : i32
              %dma_start3A_526 = arith.constant 0 : i32
              %dma_start3A_527 = arith.constant 0 : i32
              %dma_start3A_528 = tpu.memref_slice %arg3[%dma_start3A_525, %add3A, %add3A_477, %dma_start3A_526, %dma_start3A_527] : memref<2x32x25x5x80xi32, #tpu.memory_space<hbm>> -> memref<1x1x1x5x80xi32, #tpu.memory_space<hbm>>
              %dma_start3A_529 = tpu.memref_squeeze %dma_start3A_528 : memref<1x1x1x5x80xi32, #tpu.memory_space<hbm>> -> memref<5x80xi32, #tpu.memory_space<hbm>>
              %dma_start3A_530 = arith.constant 0 : i32
              %dma_start3A_531 = arith.constant 0 : i32
              %dma_start3A_532 = tpu.memref_slice %arg3[%dma_start3A_525, %add3A, %add3A_477, %dma_start3A_530, %dma_start3A_531] : memref<2x32x25x5x80xi32, #tpu.memory_space<hbm>> -> memref<1x1x1x5x80xi32, #tpu.memory_space<hbm>>
              %dma_start3A_533 = tpu.memref_squeeze %dma_start3A_532 : memref<1x1x1x5x80xi32, #tpu.memory_space<hbm>> -> memref<5x80xi32, #tpu.memory_space<hbm>>
              tpu.enqueue_dma source(%dma_start3A_533 : memref<5x80xi32, #tpu.memory_space<hbm>>) target(%arg6 : memref<5x80xi32, #tpu.memory_space<vmem>>) target_semaphore(%arg19 : memref<!tpu.dma_semaphore, #tpu.memory_space<semaphore_mem>>)
              %dma_start3A_534 = arith.constant 1 : i32
              %dma_start3A_535 = arith.constant 0 : i32
              %dma_start3A_536 = arith.constant 0 : i32
              %dma_start3A_537 = tpu.memref_slice %arg3[%dma_start3A_534, %add3A, %add3A_477, %dma_start3A_535, %dma_start3A_536] : memref<2x32x25x5x80xi32, #tpu.memory_space<hbm>> -> memref<1x1x1x5x80xi32, #tpu.memory_space<hbm>>
              %dma_start3A_538 = tpu.memref_squeeze %dma_start3A_537 : memref<1x1x1x5x80xi32, #tpu.memory_space<hbm>> -> memref<5x80xi32, #tpu.memory_space<hbm>>
              %dma_start3A_539 = arith.constant 0 : i32
              %dma_start3A_540 = arith.constant 0 : i32
              %dma_start3A_541 = tpu.memref_slice %arg3[%dma_start3A_534, %add3A, %add3A_477, %dma_start3A_539, %dma_start3A_540] : memref<2x32x25x5x80xi32, #tpu.memory_space<hbm>> -> memref<1x1x1x5x80xi32, #tpu.memory_space<hbm>>
              %dma_start3A_542 = tpu.memref_squeeze %dma_start3A_541 : memref<1x1x1x5x80xi32, #tpu.memory_space<hbm>> -> memref<5x80xi32, #tpu.memory_space<hbm>>
              tpu.enqueue_dma source(%dma_start3A_542 : memref<5x80xi32, #tpu.memory_space<hbm>>) target(%arg8 : memref<5x80xi32, #tpu.memory_space<vmem>>) target_semaphore(%arg19 : memref<!tpu.dma_semaphore, #tpu.memory_space<semaphore_mem>>)
            } else {
            }
          } else {
          }
        } else {
        }
        %jit3A_213 = arith.constant 5 : i32
        %eq3A_214 = arith.constant 0 : i32
        %eq3A_215 = arith.cmpi eq, %jit3A_213, %eq3A_214 : i32
        %jit3A_216 = arith.constant 1 : i32
        %select_n3A_217 = arith.select %eq3A_215, %jit3A_216, %jit3A_213 : i32
        %rem3A_218 = arith.remsi %scan3A_124, %select_n3A_217 : i32
        %ne3A_219 = arith.constant 0 : i32
        %ne3A_220 = arith.cmpi ne, %rem3A_218, %ne3A_219 : i32
        %lt3A_221 = arith.constant 0 : i32
        %lt3A_222 = arith.cmpi slt, %rem3A_218, %lt3A_221 : i32
        %lt3A_223 = arith.constant 0 : i32
        %lt3A_224 = arith.cmpi slt, %select_n3A_217, %lt3A_223 : i32
        %ne3A_225 = arith.xori %lt3A_222, %lt3A_224 : i1
        %and3A_226 = arith.andi %ne3A_225, %ne3A_220 : i1
        %add3A_227 = arith.addi %rem3A_218, %select_n3A_217 : i32
        %select_n3A_228 = arith.select %and3A_226, %add3A_227, %rem3A_218 : i32
        %eq3A_229 = arith.constant 3 : i32
        %eq3A_230 = arith.cmpi eq, %select_n3A_228, %eq3A_229 : i32
        %convert_element_type3A_231 = arith.extui %eq3A_230 : i1 to i32
        %cond3A_232 = arith.constant 0 : i32
        %cond3A_233 = arith.cmpi ne, %convert_element_type3A_231, %cond3A_232 : i32
        scf.if %cond3A_233 {
          %dma_wait3A_452 = arith.constant 0 : i32
          %dma_wait3A_453 = arith.constant 0 : i32
          %dma_wait3A_454 = arith.constant 0 : i32
          %dma_wait3A_455 = arith.constant 0 : i32
          %dma_wait3A_456 = tpu.memref_slice %arg3[%dma_wait3A_452, %add3A, %dma_wait3A_453, %dma_wait3A_454, %dma_wait3A_455] : memref<2x32x25x5x80xi32, #tpu.memory_space<hbm>> -> memref<1x1x1x5x80xi32, #tpu.memory_space<hbm>>
          %dma_wait3A_457 = tpu.memref_squeeze %dma_wait3A_456 : memref<1x1x1x5x80xi32, #tpu.memory_space<hbm>> -> memref<5x80xi32, #tpu.memory_space<hbm>>
          %dma_wait3A_458 = arith.constant 0 : i32
          %dma_wait3A_459 = arith.constant 0 : i32
          %dma_wait3A_460 = tpu.memref_slice %arg3[%dma_wait3A_452, %add3A, %dma_wait3A_453, %dma_wait3A_458, %dma_wait3A_459] : memref<2x32x25x5x80xi32, #tpu.memory_space<hbm>> -> memref<1x1x1x5x80xi32, #tpu.memory_space<hbm>>
          %dma_wait3A_461 = tpu.memref_squeeze %dma_wait3A_460 : memref<1x1x1x5x80xi32, #tpu.memory_space<hbm>> -> memref<5x80xi32, #tpu.memory_space<hbm>>
          tpu.wait_dma2 semaphore(%arg19 : memref<!tpu.dma_semaphore, #tpu.memory_space<semaphore_mem>>) src(%dma_wait3A_461 : memref<5x80xi32, #tpu.memory_space<hbm>>) dst(%arg5 : memref<5x80xi32, #tpu.memory_space<vmem>>)
          %dma_wait3A_462 = arith.constant 1 : i32
          %dma_wait3A_463 = arith.constant 0 : i32
          %dma_wait3A_464 = arith.constant 0 : i32
          %dma_wait3A_465 = arith.constant 0 : i32
          %dma_wait3A_466 = tpu.memref_slice %arg3[%dma_wait3A_462, %add3A, %dma_wait3A_463, %dma_wait3A_464, %dma_wait3A_465] : memref<2x32x25x5x80xi32, #tpu.memory_space<hbm>> -> memref<1x1x1x5x80xi32, #tpu.memory_space<hbm>>
          %dma_wait3A_467 = tpu.memref_squeeze %dma_wait3A_466 : memref<1x1x1x5x80xi32, #tpu.memory_space<hbm>> -> memref<5x80xi32, #tpu.memory_space<hbm>>
          %dma_wait3A_468 = arith.constant 0 : i32
          %dma_wait3A_469 = arith.constant 0 : i32
          %dma_wait3A_470 = tpu.memref_slice %arg3[%dma_wait3A_462, %add3A, %dma_wait3A_463, %dma_wait3A_468, %dma_wait3A_469] : memref<2x32x25x5x80xi32, #tpu.memory_space<hbm>> -> memref<1x1x1x5x80xi32, #tpu.memory_space<hbm>>
          %dma_wait3A_471 = tpu.memref_squeeze %dma_wait3A_470 : memref<1x1x1x5x80xi32, #tpu.memory_space<hbm>> -> memref<5x80xi32, #tpu.memory_space<hbm>>
          tpu.wait_dma2 semaphore(%arg19 : memref<!tpu.dma_semaphore, #tpu.memory_space<semaphore_mem>>) src(%dma_wait3A_471 : memref<5x80xi32, #tpu.memory_space<hbm>>) dst(%arg7 : memref<5x80xi32, #tpu.memory_space<vmem>>)
        } else {
        }
        %add3A_234 = arith.constant 2 : i32
        %add3A_235 = arith.addi %scan3A_124, %add3A_234 : i32
        %jit3A_236 = arith.constant 5 : i32
        %eq3A_237 = arith.constant 0 : i32
        %eq3A_238 = arith.cmpi eq, %jit3A_236, %eq3A_237 : i32
        %jit3A_239 = arith.constant 1 : i32
        %select_n3A_240 = arith.select %eq3A_238, %jit3A_239, %jit3A_236 : i32
        %rem3A_241 = arith.remsi %add3A_235, %select_n3A_240 : i32
        %ne3A_242 = arith.constant 0 : i32
        %ne3A_243 = arith.cmpi ne, %rem3A_241, %ne3A_242 : i32
        %lt3A_244 = arith.constant 0 : i32
        %lt3A_245 = arith.cmpi slt, %rem3A_241, %lt3A_244 : i32
        %lt3A_246 = arith.constant 0 : i32
        %lt3A_247 = arith.cmpi slt, %select_n3A_240, %lt3A_246 : i32
        %ne3A_248 = arith.xori %lt3A_245, %lt3A_247 : i1
        %and3A_249 = arith.andi %ne3A_248, %ne3A_243 : i1
        %add3A_250 = arith.addi %rem3A_241, %select_n3A_240 : i32
        %select_n3A_251 = arith.select %and3A_249, %add3A_250, %rem3A_241 : i32
        %jit3A_252 = arith.constant 5 : i32
        %div3A = arith.divsi %add3A_235, %jit3A_252 : i32
        %sign3A = arith.constant 0 : i32
        %sign3A_253 = arith.cmpi sgt, %add3A_235, %sign3A : i32
        %sign3A_254 = arith.extui %sign3A_253 : i1 to i32
        %sign3A_255 = arith.constant 0 : i32
        %sign3A_256 = arith.cmpi slt, %add3A_235, %sign3A_255 : i32
        %sign3A_257 = arith.extui %sign3A_256 : i1 to i32
        %sign3A_258 = arith.subi %sign3A_254, %sign3A_257 : i32
        %sign3A_259 = arith.constant 0 : i32
        %sign3A_260 = arith.cmpi sgt, %jit3A_252, %sign3A_259 : i32
        %sign3A_261 = arith.extui %sign3A_260 : i1 to i32
        %sign3A_262 = arith.constant 0 : i32
        %sign3A_263 = arith.cmpi slt, %jit3A_252, %sign3A_262 : i32
        %sign3A_264 = arith.extui %sign3A_263 : i1 to i32
        %sign3A_265 = arith.subi %sign3A_261, %sign3A_264 : i32
        %ne3A_266 = arith.cmpi ne, %sign3A_258, %sign3A_265 : i32
        %rem3A_267 = arith.remsi %add3A_235, %jit3A_252 : i32
        %ne3A_268 = arith.constant 0 : i32
        %ne3A_269 = arith.cmpi ne, %rem3A_267, %ne3A_268 : i32
        %and3A_270 = arith.andi %ne3A_266, %ne3A_269 : i1
        %sub3A = arith.constant 1 : i32
        %sub3A_271 = arith.subi %div3A, %sub3A : i32
        %select_n3A_272 = arith.select %and3A_270, %sub3A_271, %div3A : i32
        %jit3A_273 = arith.constant 2 : i32
        %eq3A_274 = arith.constant 0 : i32
        %eq3A_275 = arith.cmpi eq, %jit3A_273, %eq3A_274 : i32
        %jit3A_276 = arith.constant 1 : i32
        %select_n3A_277 = arith.select %eq3A_275, %jit3A_276, %jit3A_273 : i32
        %rem3A_278 = arith.remsi %select_n3A_272, %select_n3A_277 : i32
        %ne3A_279 = arith.constant 0 : i32
        %ne3A_280 = arith.cmpi ne, %rem3A_278, %ne3A_279 : i32
        %lt3A_281 = arith.constant 0 : i32
        %lt3A_282 = arith.cmpi slt, %rem3A_278, %lt3A_281 : i32
        %lt3A_283 = arith.constant 0 : i32
        %lt3A_284 = arith.cmpi slt, %select_n3A_277, %lt3A_283 : i32
        %ne3A_285 = arith.xori %lt3A_282, %lt3A_284 : i1
        %and3A_286 = arith.andi %ne3A_285, %ne3A_280 : i1
        %add3A_287 = arith.addi %rem3A_278, %select_n3A_277 : i32
        %select_n3A_288 = arith.select %and3A_286, %add3A_287, %rem3A_278 : i32
        %eq3A_289 = arith.constant 0 : i32
        %eq3A_290 = arith.cmpi eq, %select_n3A_288, %eq3A_289 : i32
        %convert_element_type3A_291 = arith.extui %eq3A_290 : i1 to i32
        %cond3A_292 = arith.constant 0 : i32
        %cond3A_293 = arith.cmpi ne, %convert_element_type3A_291, %cond3A_292 : i32
        scf.if %cond3A_293 {
          %dma_start3A_452 = arith.constant 0 : i32
          %dma_start3A_453 = tpu.memref_slice %arg5[%select_n3A_251, %dma_start3A_452] : memref<5x80xi32, #tpu.memory_space<vmem>> -> memref<1x80xi32, #tpu.memory_space<vmem>>
          %dma_start3A_454 = tpu.memref_squeeze %dma_start3A_453 : memref<1x80xi32, #tpu.memory_space<vmem>> -> memref<80xi32, #tpu.memory_space<vmem>>
          %dma_start3A_455 = arith.constant 0 : i32
          %dma_start3A_456 = arith.constant 0 : i32
          %dma_start3A_457 = tpu.memref_slice %arg2[%dma_start3A_455, %dma_start3A_456] : memref<10000x128xf32, #tpu.memory_space<hbm>> -> memref<10000x128xf32, #tpu.memory_space<hbm>>
          tpu.enqueue_indirect_dma source(%dma_start3A_457 : memref<10000x128xf32, #tpu.memory_space<hbm>>) target(%arg9 : memref<80x128xf32, #tpu.memory_space<vmem>>) offsets(%dma_start3A_454 : memref<80xi32, #tpu.memory_space<vmem>>) semaphore(%arg13 : memref<!tpu.dma_semaphore, #tpu.memory_space<semaphore_mem>>)
        } else {
        }
        %jit3A_294 = arith.constant 5 : i32
        %div3A_295 = arith.divsi %add3A_235, %jit3A_294 : i32
        %sign3A_296 = arith.constant 0 : i32
        %sign3A_297 = arith.cmpi sgt, %add3A_235, %sign3A_296 : i32
        %sign3A_298 = arith.extui %sign3A_297 : i1 to i32
        %sign3A_299 = arith.constant 0 : i32
        %sign3A_300 = arith.cmpi slt, %add3A_235, %sign3A_299 : i32
        %sign3A_301 = arith.extui %sign3A_300 : i1 to i32
        %sign3A_302 = arith.subi %sign3A_298, %sign3A_301 : i32
        %sign3A_303 = arith.constant 0 : i32
        %sign3A_304 = arith.cmpi sgt, %jit3A_294, %sign3A_303 : i32
        %sign3A_305 = arith.extui %sign3A_304 : i1 to i32
        %sign3A_306 = arith.constant 0 : i32
        %sign3A_307 = arith.cmpi slt, %jit3A_294, %sign3A_306 : i32
        %sign3A_308 = arith.extui %sign3A_307 : i1 to i32
        %sign3A_309 = arith.subi %sign3A_305, %sign3A_308 : i32
        %ne3A_310 = arith.cmpi ne, %sign3A_302, %sign3A_309 : i32
        %rem3A_311 = arith.remsi %add3A_235, %jit3A_294 : i32
        %ne3A_312 = arith.constant 0 : i32
        %ne3A_313 = arith.cmpi ne, %rem3A_311, %ne3A_312 : i32
        %and3A_314 = arith.andi %ne3A_310, %ne3A_313 : i1
        %sub3A_315 = arith.constant 1 : i32
        %sub3A_316 = arith.subi %div3A_295, %sub3A_315 : i32
        %select_n3A_317 = arith.select %and3A_314, %sub3A_316, %div3A_295 : i32
        %jit3A_318 = arith.constant 2 : i32
        %eq3A_319 = arith.constant 0 : i32
        %eq3A_320 = arith.cmpi eq, %jit3A_318, %eq3A_319 : i32
        %jit3A_321 = arith.constant 1 : i32
        %select_n3A_322 = arith.select %eq3A_320, %jit3A_321, %jit3A_318 : i32
        %rem3A_323 = arith.remsi %select_n3A_317, %select_n3A_322 : i32
        %ne3A_324 = arith.constant 0 : i32
        %ne3A_325 = arith.cmpi ne, %rem3A_323, %ne3A_324 : i32
        %lt3A_326 = arith.constant 0 : i32
        %lt3A_327 = arith.cmpi slt, %rem3A_323, %lt3A_326 : i32
        %lt3A_328 = arith.constant 0 : i32
        %lt3A_329 = arith.cmpi slt, %select_n3A_322, %lt3A_328 : i32
        %ne3A_330 = arith.xori %lt3A_327, %lt3A_329 : i1
        %and3A_331 = arith.andi %ne3A_330, %ne3A_325 : i1
        %add3A_332 = arith.addi %rem3A_323, %select_n3A_322 : i32
        %select_n3A_333 = arith.select %and3A_331, %add3A_332, %rem3A_323 : i32
        %eq3A_334 = arith.constant 1 : i32
        %eq3A_335 = arith.cmpi eq, %select_n3A_333, %eq3A_334 : i32
        %convert_element_type3A_336 = arith.extui %eq3A_335 : i1 to i32
        %cond3A_337 = arith.constant 0 : i32
        %cond3A_338 = arith.cmpi ne, %convert_element_type3A_336, %cond3A_337 : i32
        scf.if %cond3A_338 {
          %dma_start3A_452 = arith.constant 0 : i32
          %dma_start3A_453 = tpu.memref_slice %arg6[%select_n3A_251, %dma_start3A_452] : memref<5x80xi32, #tpu.memory_space<vmem>> -> memref<1x80xi32, #tpu.memory_space<vmem>>
          %dma_start3A_454 = tpu.memref_squeeze %dma_start3A_453 : memref<1x80xi32, #tpu.memory_space<vmem>> -> memref<80xi32, #tpu.memory_space<vmem>>
          %dma_start3A_455 = arith.constant 0 : i32
          %dma_start3A_456 = arith.constant 0 : i32
          %dma_start3A_457 = tpu.memref_slice %arg2[%dma_start3A_455, %dma_start3A_456] : memref<10000x128xf32, #tpu.memory_space<hbm>> -> memref<10000x128xf32, #tpu.memory_space<hbm>>
          tpu.enqueue_indirect_dma source(%dma_start3A_457 : memref<10000x128xf32, #tpu.memory_space<hbm>>) target(%arg9 : memref<80x128xf32, #tpu.memory_space<vmem>>) offsets(%dma_start3A_454 : memref<80xi32, #tpu.memory_space<vmem>>) semaphore(%arg13 : memref<!tpu.dma_semaphore, #tpu.memory_space<semaphore_mem>>)
        } else {
        }
        %dma_wait3A_339 = arith.constant 0 : i32
        %dma_wait3A_340 = arith.constant 0 : i32
        %dma_wait3A_341 = tpu.memref_slice %arg5[%dma_wait3A_339, %dma_wait3A_340] : memref<5x80xi32, #tpu.memory_space<vmem>> -> memref<1x80xi32, #tpu.memory_space<vmem>>
        %dma_wait3A_342 = tpu.memref_squeeze %dma_wait3A_341 : memref<1x80xi32, #tpu.memory_space<vmem>> -> memref<80xi32, #tpu.memory_space<vmem>>
        %dma_wait3A_343 = arith.constant 0 : i32
        %dma_wait3A_344 = arith.constant 0 : i32
        %dma_wait3A_345 = tpu.memref_slice %arg2[%dma_wait3A_343, %dma_wait3A_344] : memref<10000x128xf32, #tpu.memory_space<hbm>> -> memref<10000x128xf32, #tpu.memory_space<hbm>>
        tpu.wait_indirect_dma semaphore(%arg14 : memref<!tpu.dma_semaphore, #tpu.memory_space<semaphore_mem>>) src(%dma_wait3A_345 : memref<10000x128xf32, #tpu.memory_space<hbm>>) dst(%arg10 : memref<80x128xf32, #tpu.memory_space<vmem>>)
        %jit3A_346 = arith.constant 5 : i32
        %eq3A_347 = arith.constant 0 : i32
        %eq3A_348 = arith.cmpi eq, %jit3A_346, %eq3A_347 : i32
        %jit3A_349 = arith.constant 1 : i32
        %select_n3A_350 = arith.select %eq3A_348, %jit3A_349, %jit3A_346 : i32
        %rem3A_351 = arith.remsi %scan3A_124, %select_n3A_350 : i32
        %ne3A_352 = arith.constant 0 : i32
        %ne3A_353 = arith.cmpi ne, %rem3A_351, %ne3A_352 : i32
        %lt3A_354 = arith.constant 0 : i32
        %lt3A_355 = arith.cmpi slt, %rem3A_351, %lt3A_354 : i32
        %lt3A_356 = arith.constant 0 : i32
        %lt3A_357 = arith.cmpi slt, %select_n3A_350, %lt3A_356 : i32
        %ne3A_358 = arith.xori %lt3A_355, %lt3A_357 : i1
        %and3A_359 = arith.andi %ne3A_358, %ne3A_353 : i1
        %add3A_360 = arith.addi %rem3A_351, %select_n3A_350 : i32
        %select_n3A_361 = arith.select %and3A_359, %add3A_360, %rem3A_351 : i32
        %jit3A_362 = arith.constant 5 : i32
        %div3A_363 = arith.divsi %scan3A_124, %jit3A_362 : i32
        %sign3A_364 = arith.constant 0 : i32
        %sign3A_365 = arith.cmpi sgt, %scan3A_124, %sign3A_364 : i32
        %sign3A_366 = arith.extui %sign3A_365 : i1 to i32
        %sign3A_367 = arith.constant 0 : i32
        %sign3A_368 = arith.cmpi slt, %scan3A_124, %sign3A_367 : i32
        %sign3A_369 = arith.extui %sign3A_368 : i1 to i32
        %sign3A_370 = arith.subi %sign3A_366, %sign3A_369 : i32
        %sign3A_371 = arith.constant 0 : i32
        %sign3A_372 = arith.cmpi sgt, %jit3A_362, %sign3A_371 : i32
        %sign3A_373 = arith.extui %sign3A_372 : i1 to i32
        %sign3A_374 = arith.constant 0 : i32
        %sign3A_375 = arith.cmpi slt, %jit3A_362, %sign3A_374 : i32
        %sign3A_376 = arith.extui %sign3A_375 : i1 to i32
        %sign3A_377 = arith.subi %sign3A_373, %sign3A_376 : i32
        %ne3A_378 = arith.cmpi ne, %sign3A_370, %sign3A_377 : i32
        %rem3A_379 = arith.remsi %scan3A_124, %jit3A_362 : i32
        %ne3A_380 = arith.constant 0 : i32
        %ne3A_381 = arith.cmpi ne, %rem3A_379, %ne3A_380 : i32
        %and3A_382 = arith.andi %ne3A_378, %ne3A_381 : i1
        %sub3A_383 = arith.constant 1 : i32
        %sub3A_384 = arith.subi %div3A_363, %sub3A_383 : i32
        %select_n3A_385 = arith.select %and3A_382, %sub3A_384, %div3A_363 : i32
        %jit3A_386 = arith.constant 2 : i32
        %eq3A_387 = arith.constant 0 : i32
        %eq3A_388 = arith.cmpi eq, %jit3A_386, %eq3A_387 : i32
        %jit3A_389 = arith.constant 1 : i32
        %select_n3A_390 = arith.select %eq3A_388, %jit3A_389, %jit3A_386 : i32
        %rem3A_391 = arith.remsi %select_n3A_385, %select_n3A_390 : i32
        %ne3A_392 = arith.constant 0 : i32
        %ne3A_393 = arith.cmpi ne, %rem3A_391, %ne3A_392 : i32
        %lt3A_394 = arith.constant 0 : i32
        %lt3A_395 = arith.cmpi slt, %rem3A_391, %lt3A_394 : i32
        %lt3A_396 = arith.constant 0 : i32
        %lt3A_397 = arith.cmpi slt, %select_n3A_390, %lt3A_396 : i32
        %ne3A_398 = arith.xori %lt3A_395, %lt3A_397 : i1
        %and3A_399 = arith.andi %ne3A_398, %ne3A_393 : i1
        %add3A_400 = arith.addi %rem3A_391, %select_n3A_390 : i32
        %select_n3A_401 = arith.select %and3A_399, %add3A_400, %rem3A_391 : i32
        %eq3A_402 = arith.constant 0 : i32
        %eq3A_403 = arith.cmpi eq, %select_n3A_401, %eq3A_402 : i32
        %convert_element_type3A_404 = arith.extui %eq3A_403 : i1 to i32
        %cond3A_405 = arith.constant 0 : i32
        %cond3A_406 = arith.cmpi ne, %convert_element_type3A_404, %cond3A_405 : i32
        scf.if %cond3A_406 {
          %dma_start3A_452 = arith.constant 0 : i32
          %dma_start3A_453 = tpu.memref_slice %arg7[%select_n3A_361, %dma_start3A_452] : memref<5x80xi32, #tpu.memory_space<vmem>> -> memref<1x80xi32, #tpu.memory_space<vmem>>
          %dma_start3A_454 = tpu.memref_squeeze %dma_start3A_453 : memref<1x80xi32, #tpu.memory_space<vmem>> -> memref<80xi32, #tpu.memory_space<vmem>>
          %dma_start3A_455 = arith.constant 0 : i32
          %dma_start3A_456 = arith.constant 0 : i32
          %dma_start3A_457 = tpu.memref_slice %arg12[%dma_start3A_455, %dma_start3A_456] : memref<10000x128xf32, #tpu.memory_space<vmem_shared>> -> memref<10000x128xf32, #tpu.memory_space<vmem_shared>>
          tpu.enqueue_indirect_dma source(%arg10 : memref<80x128xf32, #tpu.memory_space<vmem>>) target(%dma_start3A_457 : memref<10000x128xf32, #tpu.memory_space<vmem_shared>>) offsets(%dma_start3A_454 : memref<80xi32, #tpu.memory_space<vmem>>) semaphore(%arg17 : memref<!tpu.dma_semaphore, #tpu.memory_space<semaphore_mem>>) {add = true}
        } else {
        }
        %jit3A_407 = arith.constant 5 : i32
        %div3A_408 = arith.divsi %scan3A_124, %jit3A_407 : i32
        %sign3A_409 = arith.constant 0 : i32
        %sign3A_410 = arith.cmpi sgt, %scan3A_124, %sign3A_409 : i32
        %sign3A_411 = arith.extui %sign3A_410 : i1 to i32
        %sign3A_412 = arith.constant 0 : i32
        %sign3A_413 = arith.cmpi slt, %scan3A_124, %sign3A_412 : i32
        %sign3A_414 = arith.extui %sign3A_413 : i1 to i32
        %sign3A_415 = arith.subi %sign3A_411, %sign3A_414 : i32
        %sign3A_416 = arith.constant 0 : i32
        %sign3A_417 = arith.cmpi sgt, %jit3A_407, %sign3A_416 : i32
        %sign3A_418 = arith.extui %sign3A_417 : i1 to i32
        %sign3A_419 = arith.constant 0 : i32
        %sign3A_420 = arith.cmpi slt, %jit3A_407, %sign3A_419 : i32
        %sign3A_421 = arith.extui %sign3A_420 : i1 to i32
        %sign3A_422 = arith.subi %sign3A_418, %sign3A_421 : i32
        %ne3A_423 = arith.cmpi ne, %sign3A_415, %sign3A_422 : i32
        %rem3A_424 = arith.remsi %scan3A_124, %jit3A_407 : i32
        %ne3A_425 = arith.constant 0 : i32
        %ne3A_426 = arith.cmpi ne, %rem3A_424, %ne3A_425 : i32
        %and3A_427 = arith.andi %ne3A_423, %ne3A_426 : i1
        %sub3A_428 = arith.constant 1 : i32
        %sub3A_429 = arith.subi %div3A_408, %sub3A_428 : i32
        %select_n3A_430 = arith.select %and3A_427, %sub3A_429, %div3A_408 : i32
        %jit3A_431 = arith.constant 2 : i32
        %eq3A_432 = arith.constant 0 : i32
        %eq3A_433 = arith.cmpi eq, %jit3A_431, %eq3A_432 : i32
        %jit3A_434 = arith.constant 1 : i32
        %select_n3A_435 = arith.select %eq3A_433, %jit3A_434, %jit3A_431 : i32
        %rem3A_436 = arith.remsi %select_n3A_430, %select_n3A_435 : i32
        %ne3A_437 = arith.constant 0 : i32
        %ne3A_438 = arith.cmpi ne, %rem3A_436, %ne3A_437 : i32
        %lt3A_439 = arith.constant 0 : i32
        %lt3A_440 = arith.cmpi slt, %rem3A_436, %lt3A_439 : i32
        %lt3A_441 = arith.constant 0 : i32
        %lt3A_442 = arith.cmpi slt, %select_n3A_435, %lt3A_441 : i32
        %ne3A_443 = arith.xori %lt3A_440, %lt3A_442 : i1
        %and3A_444 = arith.andi %ne3A_443, %ne3A_438 : i1
        %add3A_445 = arith.addi %rem3A_436, %select_n3A_435 : i32
        %select_n3A_446 = arith.select %and3A_444, %add3A_445, %rem3A_436 : i32
        %eq3A_447 = arith.constant 1 : i32
        %eq3A_448 = arith.cmpi eq, %select_n3A_446, %eq3A_447 : i32
        %convert_element_type3A_449 = arith.extui %eq3A_448 : i1 to i32
        %cond3A_450 = arith.constant 0 : i32
        %cond3A_451 = arith.cmpi ne, %convert_element_type3A_449, %cond3A_450 : i32
        scf.if %cond3A_451 {
          %dma_start3A_452 = arith.constant 0 : i32
          %dma_start3A_453 = tpu.memref_slice %arg8[%select_n3A_361, %dma_start3A_452] : memref<5x80xi32, #tpu.memory_space<vmem>> -> memref<1x80xi32, #tpu.memory_space<vmem>>
          %dma_start3A_454 = tpu.memref_squeeze %dma_start3A_453 : memref<1x80xi32, #tpu.memory_space<vmem>> -> memref<80xi32, #tpu.memory_space<vmem>>
          %dma_start3A_455 = arith.constant 0 : i32
          %dma_start3A_456 = arith.constant 0 : i32
          %dma_start3A_457 = tpu.memref_slice %arg12[%dma_start3A_455, %dma_start3A_456] : memref<10000x128xf32, #tpu.memory_space<vmem_shared>> -> memref<10000x128xf32, #tpu.memory_space<vmem_shared>>
          tpu.enqueue_indirect_dma source(%arg10 : memref<80x128xf32, #tpu.memory_space<vmem>>) target(%dma_start3A_457 : memref<10000x128xf32, #tpu.memory_space<vmem_shared>>) offsets(%dma_start3A_454 : memref<80xi32, #tpu.memory_space<vmem>>) semaphore(%arg17 : memref<!tpu.dma_semaphore, #tpu.memory_space<semaphore_mem>>) {add = true}
        } else {
        }
      } else {
      }
      %jit3A_163 = arith.constant 3 : i32
      %eq3A_164 = arith.constant 0 : i32
      %eq3A_165 = arith.cmpi eq, %jit3A_163, %eq3A_164 : i32
      %jit3A_166 = arith.constant 1 : i32
      %select_n3A_167 = arith.select %eq3A_165, %jit3A_166, %jit3A_163 : i32
      %rem3A_168 = arith.remsi %scan3A_124, %select_n3A_167 : i32
      %ne3A_169 = arith.constant 0 : i32
      %ne3A_170 = arith.cmpi ne, %rem3A_168, %ne3A_169 : i32
      %lt3A_171 = arith.constant 0 : i32
      %lt3A_172 = arith.cmpi slt, %rem3A_168, %lt3A_171 : i32
      %lt3A_173 = arith.constant 0 : i32
      %lt3A_174 = arith.cmpi slt, %select_n3A_167, %lt3A_173 : i32
      %ne3A_175 = arith.xori %lt3A_172, %lt3A_174 : i1
      %and3A_176 = arith.andi %ne3A_175, %ne3A_170 : i1
      %add3A_177 = arith.addi %rem3A_168, %select_n3A_167 : i32
      %select_n3A_178 = arith.select %and3A_176, %add3A_177, %rem3A_168 : i32
      %eq3A_179 = arith.constant 2 : i32
      %eq3A_180 = arith.cmpi eq, %select_n3A_178, %eq3A_179 : i32
      %convert_element_type3A_181 = arith.extui %eq3A_180 : i1 to i32
      %cond3A_182 = arith.constant 0 : i32
      %cond3A_183 = arith.cmpi ne, %convert_element_type3A_181, %cond3A_182 : i32
      scf.if %cond3A_183 {
        %gt3A = arith.constant 0 : i32
        %gt3A_185 = arith.cmpi sgt, %scan3A_124, %gt3A : i32
        %convert_element_type3A_186 = arith.extui %gt3A_185 : i1 to i32
        %cond3A_187 = arith.constant 0 : i32
        %cond3A_188 = arith.cmpi ne, %convert_element_type3A_186, %cond3A_187 : i32
        scf.if %cond3A_188 {
          %dma_wait3A_452 = arith.constant 0 : i32
          %dma_wait3A_453 = arith.constant 0 : i32
          %dma_wait3A_454 = tpu.memref_slice %arg7[%dma_wait3A_452, %dma_wait3A_453] : memref<5x80xi32, #tpu.memory_space<vmem>> -> memref<1x80xi32, #tpu.memory_space<vmem>>
          %dma_wait3A_455 = tpu.memref_squeeze %dma_wait3A_454 : memref<1x80xi32, #tpu.memory_space<vmem>> -> memref<80xi32, #tpu.memory_space<vmem>>
          %dma_wait3A_456 = arith.constant 0 : i32
          %dma_wait3A_457 = arith.constant 0 : i32
          %dma_wait3A_458 = tpu.memref_slice %arg12[%dma_wait3A_456, %dma_wait3A_457] : memref<10000x128xf32, #tpu.memory_space<vmem_shared>> -> memref<10000x128xf32, #tpu.memory_space<vmem_shared>>
          tpu.wait_indirect_dma semaphore(%arg17 : memref<!tpu.dma_semaphore, #tpu.memory_space<semaphore_mem>>) src(%arg10 : memref<80x128xf32, #tpu.memory_space<vmem>>) dst(%dma_wait3A_458 : memref<10000x128xf32, #tpu.memory_space<vmem_shared>>)
        } else {
        }
        %jit3A_189 = arith.constant 5 : i32
        %eq3A_190 = arith.constant 0 : i32
        %eq3A_191 = arith.cmpi eq, %jit3A_189, %eq3A_190 : i32
        %jit3A_192 = arith.constant 1 : i32
        %select_n3A_193 = arith.select %eq3A_191, %jit3A_192, %jit3A_189 : i32
        %rem3A_194 = arith.remsi %scan3A_124, %select_n3A_193 : i32
        %ne3A_195 = arith.constant 0 : i32
        %ne3A_196 = arith.cmpi ne, %rem3A_194, %ne3A_195 : i32
        %lt3A_197 = arith.constant 0 : i32
        %lt3A_198 = arith.cmpi slt, %rem3A_194, %lt3A_197 : i32
        %lt3A_199 = arith.constant 0 : i32
        %lt3A_200 = arith.cmpi slt, %select_n3A_193, %lt3A_199 : i32
        %ne3A_201 = arith.xori %lt3A_198, %lt3A_200 : i1
        %and3A_202 = arith.andi %ne3A_201, %ne3A_196 : i1
        %add3A_203 = arith.addi %rem3A_194, %select_n3A_193 : i32
        %select_n3A_204 = arith.select %and3A_202, %add3A_203, %rem3A_194 : i32
        %eq3A_205 = arith.constant 0 : i32
        %eq3A_206 = arith.cmpi eq, %select_n3A_204, %eq3A_205 : i32
        %gt3A_207 = arith.constant 0 : i32
        %gt3A_208 = arith.cmpi sgt, %scan3A_124, %gt3A_207 : i32
        %and3A_209 = arith.andi %eq3A_206, %gt3A_208 : i1
        %convert_element_type3A_210 = arith.extui %and3A_209 : i1 to i32
        %cond3A_211 = arith.constant 0 : i32
        %cond3A_212 = arith.cmpi ne, %convert_element_type3A_210, %cond3A_211 : i32
        scf.if %cond3A_212 {
          %jit3A_452 = arith.constant 5 : i32
          %div3A_453 = arith.divsi %scan3A_124, %jit3A_452 : i32
          %sign3A_454 = arith.constant 0 : i32
          %sign3A_455 = arith.cmpi sgt, %scan3A_124, %sign3A_454 : i32
          %sign3A_456 = arith.extui %sign3A_455 : i1 to i32
          %sign3A_457 = arith.constant 0 : i32
          %sign3A_458 = arith.cmpi slt, %scan3A_124, %sign3A_457 : i32
          %sign3A_459 = arith.extui %sign3A_458 : i1 to i32
          %sign3A_460 = arith.subi %sign3A_456, %sign3A_459 : i32
          %sign3A_461 = arith.constant 0 : i32
          %sign3A_462 = arith.cmpi sgt, %jit3A_452, %sign3A_461 : i32
          %sign3A_463 = arith.extui %sign3A_462 : i1 to i32
          %sign3A_464 = arith.constant 0 : i32
          %sign3A_465 = arith.cmpi slt, %jit3A_452, %sign3A_464 : i32
          %sign3A_466 = arith.extui %sign3A_465 : i1 to i32
          %sign3A_467 = arith.subi %sign3A_463, %sign3A_466 : i32
          %ne3A_468 = arith.cmpi ne, %sign3A_460, %sign3A_467 : i32
          %rem3A_469 = arith.remsi %scan3A_124, %jit3A_452 : i32
          %ne3A_470 = arith.constant 0 : i32
          %ne3A_471 = arith.cmpi ne, %rem3A_469, %ne3A_470 : i32
          %and3A_472 = arith.andi %ne3A_468, %ne3A_471 : i1
          %sub3A_473 = arith.constant 1 : i32
          %sub3A_474 = arith.subi %div3A_453, %sub3A_473 : i32
          %select_n3A_475 = arith.select %and3A_472, %sub3A_474, %div3A_453 : i32
          %add3A_476 = arith.constant 1 : i32
          %add3A_477 = arith.addi %select_n3A_475, %add3A_476 : i32
          %lt3A_478 = arith.constant 25 : i32
          %lt3A_479 = arith.cmpi slt, %add3A_477, %lt3A_478 : i32
          %convert_element_type3A_480 = arith.extui %lt3A_479 : i1 to i32
          %cond3A_481 = arith.constant 0 : i32
          %cond3A_482 = arith.cmpi ne, %convert_element_type3A_480, %cond3A_481 : i32
          scf.if %cond3A_482 {
            %jit3A_483 = arith.constant 2 : i32
            %eq3A_484 = arith.constant 0 : i32
            %eq3A_485 = arith.cmpi eq, %jit3A_483, %eq3A_484 : i32
            %jit3A_486 = arith.constant 1 : i32
            %select_n3A_487 = arith.select %eq3A_485, %jit3A_486, %jit3A_483 : i32
            %rem3A_488 = arith.remsi %add3A_477, %select_n3A_487 : i32
            %ne3A_489 = arith.constant 0 : i32
            %ne3A_490 = arith.cmpi ne, %rem3A_488, %ne3A_489 : i32
            %lt3A_491 = arith.constant 0 : i32
            %lt3A_492 = arith.cmpi slt, %rem3A_488, %lt3A_491 : i32
            %lt3A_493 = arith.constant 0 : i32
            %lt3A_494 = arith.cmpi slt, %select_n3A_487, %lt3A_493 : i32
            %ne3A_495 = arith.xori %lt3A_492, %lt3A_494 : i1
            %and3A_496 = arith.andi %ne3A_495, %ne3A_490 : i1
            %add3A_497 = arith.addi %rem3A_488, %select_n3A_487 : i32
            %select_n3A_498 = arith.select %and3A_496, %add3A_497, %rem3A_488 : i32
            %eq3A_499 = arith.constant 0 : i32
            %eq3A_500 = arith.cmpi eq, %select_n3A_498, %eq3A_499 : i32
            %convert_element_type3A_501 = arith.extui %eq3A_500 : i1 to i32
            %cond3A_502 = arith.constant 0 : i32
            %cond3A_503 = arith.cmpi ne, %convert_element_type3A_501, %cond3A_502 : i32
            scf.if %cond3A_503 {
              %dma_start3A_525 = arith.constant 0 : i32
              %dma_start3A_526 = arith.constant 0 : i32
              %dma_start3A_527 = arith.constant 0 : i32
              %dma_start3A_528 = tpu.memref_slice %arg3[%dma_start3A_525, %add3A, %add3A_477, %dma_start3A_526, %dma_start3A_527] : memref<2x32x25x5x80xi32, #tpu.memory_space<hbm>> -> memref<1x1x1x5x80xi32, #tpu.memory_space<hbm>>
              %dma_start3A_529 = tpu.memref_squeeze %dma_start3A_528 : memref<1x1x1x5x80xi32, #tpu.memory_space<hbm>> -> memref<5x80xi32, #tpu.memory_space<hbm>>
              %dma_start3A_530 = arith.constant 0 : i32
              %dma_start3A_531 = arith.constant 0 : i32
              %dma_start3A_532 = tpu.memref_slice %arg3[%dma_start3A_525, %add3A, %add3A_477, %dma_start3A_530, %dma_start3A_531] : memref<2x32x25x5x80xi32, #tpu.memory_space<hbm>> -> memref<1x1x1x5x80xi32, #tpu.memory_space<hbm>>
              %dma_start3A_533 = tpu.memref_squeeze %dma_start3A_532 : memref<1x1x1x5x80xi32, #tpu.memory_space<hbm>> -> memref<5x80xi32, #tpu.memory_space<hbm>>
              tpu.enqueue_dma source(%dma_start3A_533 : memref<5x80xi32, #tpu.memory_space<hbm>>) target(%arg5 : memref<5x80xi32, #tpu.memory_space<vmem>>) target_semaphore(%arg19 : memref<!tpu.dma_semaphore, #tpu.memory_space<semaphore_mem>>)
              %dma_start3A_534 = arith.constant 1 : i32
              %dma_start3A_535 = arith.constant 0 : i32
              %dma_start3A_536 = arith.constant 0 : i32
              %dma_start3A_537 = tpu.memref_slice %arg3[%dma_start3A_534, %add3A, %add3A_477, %dma_start3A_535, %dma_start3A_536] : memref<2x32x25x5x80xi32, #tpu.memory_space<hbm>> -> memref<1x1x1x5x80xi32, #tpu.memory_space<hbm>>
              %dma_start3A_538 = tpu.memref_squeeze %dma_start3A_537 : memref<1x1x1x5x80xi32, #tpu.memory_space<hbm>> -> memref<5x80xi32, #tpu.memory_space<hbm>>
              %dma_start3A_539 = arith.constant 0 : i32
              %dma_start3A_540 = arith.constant 0 : i32
              %dma_start3A_541 = tpu.memref_slice %arg3[%dma_start3A_534, %add3A, %add3A_477, %dma_start3A_539, %dma_start3A_540] : memref<2x32x25x5x80xi32, #tpu.memory_space<hbm>> -> memref<1x1x1x5x80xi32, #tpu.memory_space<hbm>>
              %dma_start3A_542 = tpu.memref_squeeze %dma_start3A_541 : memref<1x1x1x5x80xi32, #tpu.memory_space<hbm>> -> memref<5x80xi32, #tpu.memory_space<hbm>>
              tpu.enqueue_dma source(%dma_start3A_542 : memref<5x80xi32, #tpu.memory_space<hbm>>) target(%arg7 : memref<5x80xi32, #tpu.memory_space<vmem>>) target_semaphore(%arg19 : memref<!tpu.dma_semaphore, #tpu.memory_space<semaphore_mem>>)
            } else {
            }
            %jit3A_504 = arith.constant 2 : i32
            %eq3A_505 = arith.constant 0 : i32
            %eq3A_506 = arith.cmpi eq, %jit3A_504, %eq3A_505 : i32
            %jit3A_507 = arith.constant 1 : i32
            %select_n3A_508 = arith.select %eq3A_506, %jit3A_507, %jit3A_504 : i32
            %rem3A_509 = arith.remsi %add3A_477, %select_n3A_508 : i32
            %ne3A_510 = arith.constant 0 : i32
            %ne3A_511 = arith.cmpi ne, %rem3A_509, %ne3A_510 : i32
            %lt3A_512 = arith.constant 0 : i32
            %lt3A_513 = arith.cmpi slt, %rem3A_509, %lt3A_512 : i32
            %lt3A_514 = arith.constant 0 : i32
            %lt3A_515 = arith.cmpi slt, %select_n3A_508, %lt3A_514 : i32
            %ne3A_516 = arith.xori %lt3A_513, %lt3A_515 : i1
            %and3A_517 = arith.andi %ne3A_516, %ne3A_511 : i1
            %add3A_518 = arith.addi %rem3A_509, %select_n3A_508 : i32
            %select_n3A_519 = arith.select %and3A_517, %add3A_518, %rem3A_509 : i32
            %eq3A_520 = arith.constant 1 : i32
            %eq3A_521 = arith.cmpi eq, %select_n3A_519, %eq3A_520 : i32
            %convert_element_type3A_522 = arith.extui %eq3A_521 : i1 to i32
            %cond3A_523 = arith.constant 0 : i32
            %cond3A_524 = arith.cmpi ne, %convert_element_type3A_522, %cond3A_523 : i32
            scf.if %cond3A_524 {
              %dma_start3A_525 = arith.constant 0 : i32
              %dma_start3A_526 = arith.constant 0 : i32
              %dma_start3A_527 = arith.constant 0 : i32
              %dma_start3A_528 = tpu.memref_slice %arg3[%dma_start3A_525, %add3A, %add3A_477, %dma_start3A_526, %dma_start3A_527] : memref<2x32x25x5x80xi32, #tpu.memory_space<hbm>> -> memref<1x1x1x5x80xi32, #tpu.memory_space<hbm>>
              %dma_start3A_529 = tpu.memref_squeeze %dma_start3A_528 : memref<1x1x1x5x80xi32, #tpu.memory_space<hbm>> -> memref<5x80xi32, #tpu.memory_space<hbm>>
              %dma_start3A_530 = arith.constant 0 : i32
              %dma_start3A_531 = arith.constant 0 : i32
              %dma_start3A_532 = tpu.memref_slice %arg3[%dma_start3A_525, %add3A, %add3A_477, %dma_start3A_530, %dma_start3A_531] : memref<2x32x25x5x80xi32, #tpu.memory_space<hbm>> -> memref<1x1x1x5x80xi32, #tpu.memory_space<hbm>>
              %dma_start3A_533 = tpu.memref_squeeze %dma_start3A_532 : memref<1x1x1x5x80xi32, #tpu.memory_space<hbm>> -> memref<5x80xi32, #tpu.memory_space<hbm>>
              tpu.enqueue_dma source(%dma_start3A_533 : memref<5x80xi32, #tpu.memory_space<hbm>>) target(%arg6 : memref<5x80xi32, #tpu.memory_space<vmem>>) target_semaphore(%arg19 : memref<!tpu.dma_semaphore, #tpu.memory_space<semaphore_mem>>)
              %dma_start3A_534 = arith.constant 1 : i32
              %dma_start3A_535 = arith.constant 0 : i32
              %dma_start3A_536 = arith.constant 0 : i32
              %dma_start3A_537 = tpu.memref_slice %arg3[%dma_start3A_534, %add3A, %add3A_477, %dma_start3A_535, %dma_start3A_536] : memref<2x32x25x5x80xi32, #tpu.memory_space<hbm>> -> memref<1x1x1x5x80xi32, #tpu.memory_space<hbm>>
              %dma_start3A_538 = tpu.memref_squeeze %dma_start3A_537 : memref<1x1x1x5x80xi32, #tpu.memory_space<hbm>> -> memref<5x80xi32, #tpu.memory_space<hbm>>
              %dma_start3A_539 = arith.constant 0 : i32
              %dma_start3A_540 = arith.constant 0 : i32
              %dma_start3A_541 = tpu.memref_slice %arg3[%dma_start3A_534, %add3A, %add3A_477, %dma_start3A_539, %dma_start3A_540] : memref<2x32x25x5x80xi32, #tpu.memory_space<hbm>> -> memref<1x1x1x5x80xi32, #tpu.memory_space<hbm>>
              %dma_start3A_542 = tpu.memref_squeeze %dma_start3A_541 : memref<1x1x1x5x80xi32, #tpu.memory_space<hbm>> -> memref<5x80xi32, #tpu.memory_space<hbm>>
              tpu.enqueue_dma source(%dma_start3A_542 : memref<5x80xi32, #tpu.memory_space<hbm>>) target(%arg8 : memref<5x80xi32, #tpu.memory_space<vmem>>) target_semaphore(%arg19 : memref<!tpu.dma_semaphore, #tpu.memory_space<semaphore_mem>>)
            } else {
            }
          } else {
          }
        } else {
        }
        %jit3A_213 = arith.constant 5 : i32
        %eq3A_214 = arith.constant 0 : i32
        %eq3A_215 = arith.cmpi eq, %jit3A_213, %eq3A_214 : i32
        %jit3A_216 = arith.constant 1 : i32
        %select_n3A_217 = arith.select %eq3A_215, %jit3A_216, %jit3A_213 : i32
        %rem3A_218 = arith.remsi %scan3A_124, %select_n3A_217 : i32
        %ne3A_219 = arith.constant 0 : i32
        %ne3A_220 = arith.cmpi ne, %rem3A_218, %ne3A_219 : i32
        %lt3A_221 = arith.constant 0 : i32
        %lt3A_222 = arith.cmpi slt, %rem3A_218, %lt3A_221 : i32
        %lt3A_223 = arith.constant 0 : i32
        %lt3A_224 = arith.cmpi slt, %select_n3A_217, %lt3A_223 : i32
        %ne3A_225 = arith.xori %lt3A_222, %lt3A_224 : i1
        %and3A_226 = arith.andi %ne3A_225, %ne3A_220 : i1
        %add3A_227 = arith.addi %rem3A_218, %select_n3A_217 : i32
        %select_n3A_228 = arith.select %and3A_226, %add3A_227, %rem3A_218 : i32
        %eq3A_229 = arith.constant 3 : i32
        %eq3A_230 = arith.cmpi eq, %select_n3A_228, %eq3A_229 : i32
        %convert_element_type3A_231 = arith.extui %eq3A_230 : i1 to i32
        %cond3A_232 = arith.constant 0 : i32
        %cond3A_233 = arith.cmpi ne, %convert_element_type3A_231, %cond3A_232 : i32
        scf.if %cond3A_233 {
          %dma_wait3A_452 = arith.constant 0 : i32
          %dma_wait3A_453 = arith.constant 0 : i32
          %dma_wait3A_454 = arith.constant 0 : i32
          %dma_wait3A_455 = arith.constant 0 : i32
          %dma_wait3A_456 = tpu.memref_slice %arg3[%dma_wait3A_452, %add3A, %dma_wait3A_453, %dma_wait3A_454, %dma_wait3A_455] : memref<2x32x25x5x80xi32, #tpu.memory_space<hbm>> -> memref<1x1x1x5x80xi32, #tpu.memory_space<hbm>>
          %dma_wait3A_457 = tpu.memref_squeeze %dma_wait3A_456 : memref<1x1x1x5x80xi32, #tpu.memory_space<hbm>> -> memref<5x80xi32, #tpu.memory_space<hbm>>
          %dma_wait3A_458 = arith.constant 0 : i32
          %dma_wait3A_459 = arith.constant 0 : i32
          %dma_wait3A_460 = tpu.memref_slice %arg3[%dma_wait3A_452, %add3A, %dma_wait3A_453, %dma_wait3A_458, %dma_wait3A_459] : memref<2x32x25x5x80xi32, #tpu.memory_space<hbm>> -> memref<1x1x1x5x80xi32, #tpu.memory_space<hbm>>
          %dma_wait3A_461 = tpu.memref_squeeze %dma_wait3A_460 : memref<1x1x1x5x80xi32, #tpu.memory_space<hbm>> -> memref<5x80xi32, #tpu.memory_space<hbm>>
          tpu.wait_dma2 semaphore(%arg19 : memref<!tpu.dma_semaphore, #tpu.memory_space<semaphore_mem>>) src(%dma_wait3A_461 : memref<5x80xi32, #tpu.memory_space<hbm>>) dst(%arg5 : memref<5x80xi32, #tpu.memory_space<vmem>>)
          %dma_wait3A_462 = arith.constant 1 : i32
          %dma_wait3A_463 = arith.constant 0 : i32
          %dma_wait3A_464 = arith.constant 0 : i32
          %dma_wait3A_465 = arith.constant 0 : i32
          %dma_wait3A_466 = tpu.memref_slice %arg3[%dma_wait3A_462, %add3A, %dma_wait3A_463, %dma_wait3A_464, %dma_wait3A_465] : memref<2x32x25x5x80xi32, #tpu.memory_space<hbm>> -> memref<1x1x1x5x80xi32, #tpu.memory_space<hbm>>
          %dma_wait3A_467 = tpu.memref_squeeze %dma_wait3A_466 : memref<1x1x1x5x80xi32, #tpu.memory_space<hbm>> -> memref<5x80xi32, #tpu.memory_space<hbm>>
          %dma_wait3A_468 = arith.constant 0 : i32
          %dma_wait3A_469 = arith.constant 0 : i32
          %dma_wait3A_470 = tpu.memref_slice %arg3[%dma_wait3A_462, %add3A, %dma_wait3A_463, %dma_wait3A_468, %dma_wait3A_469] : memref<2x32x25x5x80xi32, #tpu.memory_space<hbm>> -> memref<1x1x1x5x80xi32, #tpu.memory_space<hbm>>
          %dma_wait3A_471 = tpu.memref_squeeze %dma_wait3A_470 : memref<1x1x1x5x80xi32, #tpu.memory_space<hbm>> -> memref<5x80xi32, #tpu.memory_space<hbm>>
          tpu.wait_dma2 semaphore(%arg19 : memref<!tpu.dma_semaphore, #tpu.memory_space<semaphore_mem>>) src(%dma_wait3A_471 : memref<5x80xi32, #tpu.memory_space<hbm>>) dst(%arg7 : memref<5x80xi32, #tpu.memory_space<vmem>>)
        } else {
        }
        %add3A_234 = arith.constant 2 : i32
        %add3A_235 = arith.addi %scan3A_124, %add3A_234 : i32
        %jit3A_236 = arith.constant 5 : i32
        %eq3A_237 = arith.constant 0 : i32
        %eq3A_238 = arith.cmpi eq, %jit3A_236, %eq3A_237 : i32
        %jit3A_239 = arith.constant 1 : i32
        %select_n3A_240 = arith.select %eq3A_238, %jit3A_239, %jit3A_236 : i32
        %rem3A_241 = arith.remsi %add3A_235, %select_n3A_240 : i32
        %ne3A_242 = arith.constant 0 : i32
        %ne3A_243 = arith.cmpi ne, %rem3A_241, %ne3A_242 : i32
        %lt3A_244 = arith.constant 0 : i32
        %lt3A_245 = arith.cmpi slt, %rem3A_241, %lt3A_244 : i32
        %lt3A_246 = arith.constant 0 : i32
        %lt3A_247 = arith.cmpi slt, %select_n3A_240, %lt3A_246 : i32
        %ne3A_248 = arith.xori %lt3A_245, %lt3A_247 : i1
        %and3A_249 = arith.andi %ne3A_248, %ne3A_243 : i1
        %add3A_250 = arith.addi %rem3A_241, %select_n3A_240 : i32
        %select_n3A_251 = arith.select %and3A_249, %add3A_250, %rem3A_241 : i32
        %jit3A_252 = arith.constant 5 : i32
        %div3A = arith.divsi %add3A_235, %jit3A_252 : i32
        %sign3A = arith.constant 0 : i32
        %sign3A_253 = arith.cmpi sgt, %add3A_235, %sign3A : i32
        %sign3A_254 = arith.extui %sign3A_253 : i1 to i32
        %sign3A_255 = arith.constant 0 : i32
        %sign3A_256 = arith.cmpi slt, %add3A_235, %sign3A_255 : i32
        %sign3A_257 = arith.extui %sign3A_256 : i1 to i32
        %sign3A_258 = arith.subi %sign3A_254, %sign3A_257 : i32
        %sign3A_259 = arith.constant 0 : i32
        %sign3A_260 = arith.cmpi sgt, %jit3A_252, %sign3A_259 : i32
        %sign3A_261 = arith.extui %sign3A_260 : i1 to i32
        %sign3A_262 = arith.constant 0 : i32
        %sign3A_263 = arith.cmpi slt, %jit3A_252, %sign3A_262 : i32
        %sign3A_264 = arith.extui %sign3A_263 : i1 to i32
        %sign3A_265 = arith.subi %sign3A_261, %sign3A_264 : i32
        %ne3A_266 = arith.cmpi ne, %sign3A_258, %sign3A_265 : i32
        %rem3A_267 = arith.remsi %add3A_235, %jit3A_252 : i32
        %ne3A_268 = arith.constant 0 : i32
        %ne3A_269 = arith.cmpi ne, %rem3A_267, %ne3A_268 : i32
        %and3A_270 = arith.andi %ne3A_266, %ne3A_269 : i1
        %sub3A = arith.constant 1 : i32
        %sub3A_271 = arith.subi %div3A, %sub3A : i32
        %select_n3A_272 = arith.select %and3A_270, %sub3A_271, %div3A : i32
        %jit3A_273 = arith.constant 2 : i32
        %eq3A_274 = arith.constant 0 : i32
        %eq3A_275 = arith.cmpi eq, %jit3A_273, %eq3A_274 : i32
        %jit3A_276 = arith.constant 1 : i32
        %select_n3A_277 = arith.select %eq3A_275, %jit3A_276, %jit3A_273 : i32
        %rem3A_278 = arith.remsi %select_n3A_272, %select_n3A_277 : i32
        %ne3A_279 = arith.constant 0 : i32
        %ne3A_280 = arith.cmpi ne, %rem3A_278, %ne3A_279 : i32
        %lt3A_281 = arith.constant 0 : i32
        %lt3A_282 = arith.cmpi slt, %rem3A_278, %lt3A_281 : i32
        %lt3A_283 = arith.constant 0 : i32
        %lt3A_284 = arith.cmpi slt, %select_n3A_277, %lt3A_283 : i32
        %ne3A_285 = arith.xori %lt3A_282, %lt3A_284 : i1
        %and3A_286 = arith.andi %ne3A_285, %ne3A_280 : i1
        %add3A_287 = arith.addi %rem3A_278, %select_n3A_277 : i32
        %select_n3A_288 = arith.select %and3A_286, %add3A_287, %rem3A_278 : i32
        %eq3A_289 = arith.constant 0 : i32
        %eq3A_290 = arith.cmpi eq, %select_n3A_288, %eq3A_289 : i32
        %convert_element_type3A_291 = arith.extui %eq3A_290 : i1 to i32
        %cond3A_292 = arith.constant 0 : i32
        %cond3A_293 = arith.cmpi ne, %convert_element_type3A_291, %cond3A_292 : i32
        scf.if %cond3A_293 {
          %dma_start3A_452 = arith.constant 0 : i32
          %dma_start3A_453 = tpu.memref_slice %arg5[%select_n3A_251, %dma_start3A_452] : memref<5x80xi32, #tpu.memory_space<vmem>> -> memref<1x80xi32, #tpu.memory_space<vmem>>
          %dma_start3A_454 = tpu.memref_squeeze %dma_start3A_453 : memref<1x80xi32, #tpu.memory_space<vmem>> -> memref<80xi32, #tpu.memory_space<vmem>>
          %dma_start3A_455 = arith.constant 0 : i32
          %dma_start3A_456 = arith.constant 0 : i32
          %dma_start3A_457 = tpu.memref_slice %arg2[%dma_start3A_455, %dma_start3A_456] : memref<10000x128xf32, #tpu.memory_space<hbm>> -> memref<10000x128xf32, #tpu.memory_space<hbm>>
          tpu.enqueue_indirect_dma source(%dma_start3A_457 : memref<10000x128xf32, #tpu.memory_space<hbm>>) target(%arg10 : memref<80x128xf32, #tpu.memory_space<vmem>>) offsets(%dma_start3A_454 : memref<80xi32, #tpu.memory_space<vmem>>) semaphore(%arg14 : memref<!tpu.dma_semaphore, #tpu.memory_space<semaphore_mem>>)
        } else {
        }
        %jit3A_294 = arith.constant 5 : i32
        %div3A_295 = arith.divsi %add3A_235, %jit3A_294 : i32
        %sign3A_296 = arith.constant 0 : i32
        %sign3A_297 = arith.cmpi sgt, %add3A_235, %sign3A_296 : i32
        %sign3A_298 = arith.extui %sign3A_297 : i1 to i32
        %sign3A_299 = arith.constant 0 : i32
        %sign3A_300 = arith.cmpi slt, %add3A_235, %sign3A_299 : i32
        %sign3A_301 = arith.extui %sign3A_300 : i1 to i32
        %sign3A_302 = arith.subi %sign3A_298, %sign3A_301 : i32
        %sign3A_303 = arith.constant 0 : i32
        %sign3A_304 = arith.cmpi sgt, %jit3A_294, %sign3A_303 : i32
        %sign3A_305 = arith.extui %sign3A_304 : i1 to i32
        %sign3A_306 = arith.constant 0 : i32
        %sign3A_307 = arith.cmpi slt, %jit3A_294, %sign3A_306 : i32
        %sign3A_308 = arith.extui %sign3A_307 : i1 to i32
        %sign3A_309 = arith.subi %sign3A_305, %sign3A_308 : i32
        %ne3A_310 = arith.cmpi ne, %sign3A_302, %sign3A_309 : i32
        %rem3A_311 = arith.remsi %add3A_235, %jit3A_294 : i32
        %ne3A_312 = arith.constant 0 : i32
        %ne3A_313 = arith.cmpi ne, %rem3A_311, %ne3A_312 : i32
        %and3A_314 = arith.andi %ne3A_310, %ne3A_313 : i1
        %sub3A_315 = arith.constant 1 : i32
        %sub3A_316 = arith.subi %div3A_295, %sub3A_315 : i32
        %select_n3A_317 = arith.select %and3A_314, %sub3A_316, %div3A_295 : i32
        %jit3A_318 = arith.constant 2 : i32
        %eq3A_319 = arith.constant 0 : i32
        %eq3A_320 = arith.cmpi eq, %jit3A_318, %eq3A_319 : i32
        %jit3A_321 = arith.constant 1 : i32
        %select_n3A_322 = arith.select %eq3A_320, %jit3A_321, %jit3A_318 : i32
        %rem3A_323 = arith.remsi %select_n3A_317, %select_n3A_322 : i32
        %ne3A_324 = arith.constant 0 : i32
        %ne3A_325 = arith.cmpi ne, %rem3A_323, %ne3A_324 : i32
        %lt3A_326 = arith.constant 0 : i32
        %lt3A_327 = arith.cmpi slt, %rem3A_323, %lt3A_326 : i32
        %lt3A_328 = arith.constant 0 : i32
        %lt3A_329 = arith.cmpi slt, %select_n3A_322, %lt3A_328 : i32
        %ne3A_330 = arith.xori %lt3A_327, %lt3A_329 : i1
        %and3A_331 = arith.andi %ne3A_330, %ne3A_325 : i1
        %add3A_332 = arith.addi %rem3A_323, %select_n3A_322 : i32
        %select_n3A_333 = arith.select %and3A_331, %add3A_332, %rem3A_323 : i32
        %eq3A_334 = arith.constant 1 : i32
        %eq3A_335 = arith.cmpi eq, %select_n3A_333, %eq3A_334 : i32
        %convert_element_type3A_336 = arith.extui %eq3A_335 : i1 to i32
        %cond3A_337 = arith.constant 0 : i32
        %cond3A_338 = arith.cmpi ne, %convert_element_type3A_336, %cond3A_337 : i32
        scf.if %cond3A_338 {
          %dma_start3A_452 = arith.constant 0 : i32
          %dma_start3A_453 = tpu.memref_slice %arg6[%select_n3A_251, %dma_start3A_452] : memref<5x80xi32, #tpu.memory_space<vmem>> -> memref<1x80xi32, #tpu.memory_space<vmem>>
          %dma_start3A_454 = tpu.memref_squeeze %dma_start3A_453 : memref<1x80xi32, #tpu.memory_space<vmem>> -> memref<80xi32, #tpu.memory_space<vmem>>
          %dma_start3A_455 = arith.constant 0 : i32
          %dma_start3A_456 = arith.constant 0 : i32
          %dma_start3A_457 = tpu.memref_slice %arg2[%dma_start3A_455, %dma_start3A_456] : memref<10000x128xf32, #tpu.memory_space<hbm>> -> memref<10000x128xf32, #tpu.memory_space<hbm>>
          tpu.enqueue_indirect_dma source(%dma_start3A_457 : memref<10000x128xf32, #tpu.memory_space<hbm>>) target(%arg10 : memref<80x128xf32, #tpu.memory_space<vmem>>) offsets(%dma_start3A_454 : memref<80xi32, #tpu.memory_space<vmem>>) semaphore(%arg14 : memref<!tpu.dma_semaphore, #tpu.memory_space<semaphore_mem>>)
        } else {
        }
        %dma_wait3A_339 = arith.constant 0 : i32
        %dma_wait3A_340 = arith.constant 0 : i32
        %dma_wait3A_341 = tpu.memref_slice %arg5[%dma_wait3A_339, %dma_wait3A_340] : memref<5x80xi32, #tpu.memory_space<vmem>> -> memref<1x80xi32, #tpu.memory_space<vmem>>
        %dma_wait3A_342 = tpu.memref_squeeze %dma_wait3A_341 : memref<1x80xi32, #tpu.memory_space<vmem>> -> memref<80xi32, #tpu.memory_space<vmem>>
        %dma_wait3A_343 = arith.constant 0 : i32
        %dma_wait3A_344 = arith.constant 0 : i32
        %dma_wait3A_345 = tpu.memref_slice %arg2[%dma_wait3A_343, %dma_wait3A_344] : memref<10000x128xf32, #tpu.memory_space<hbm>> -> memref<10000x128xf32, #tpu.memory_space<hbm>>
        tpu.wait_indirect_dma semaphore(%arg15 : memref<!tpu.dma_semaphore, #tpu.memory_space<semaphore_mem>>) src(%dma_wait3A_345 : memref<10000x128xf32, #tpu.memory_space<hbm>>) dst(%arg11 : memref<80x128xf32, #tpu.memory_space<vmem>>)
        %jit3A_346 = arith.constant 5 : i32
        %eq3A_347 = arith.constant 0 : i32
        %eq3A_348 = arith.cmpi eq, %jit3A_346, %eq3A_347 : i32
        %jit3A_349 = arith.constant 1 : i32
        %select_n3A_350 = arith.select %eq3A_348, %jit3A_349, %jit3A_346 : i32
        %rem3A_351 = arith.remsi %scan3A_124, %select_n3A_350 : i32
        %ne3A_352 = arith.constant 0 : i32
        %ne3A_353 = arith.cmpi ne, %rem3A_351, %ne3A_352 : i32
        %lt3A_354 = arith.constant 0 : i32
        %lt3A_355 = arith.cmpi slt, %rem3A_351, %lt3A_354 : i32
        %lt3A_356 = arith.constant 0 : i32
        %lt3A_357 = arith.cmpi slt, %select_n3A_350, %lt3A_356 : i32
        %ne3A_358 = arith.xori %lt3A_355, %lt3A_357 : i1
        %and3A_359 = arith.andi %ne3A_358, %ne3A_353 : i1
        %add3A_360 = arith.addi %rem3A_351, %select_n3A_350 : i32
        %select_n3A_361 = arith.select %and3A_359, %add3A_360, %rem3A_351 : i32
        %jit3A_362 = arith.constant 5 : i32
        %div3A_363 = arith.divsi %scan3A_124, %jit3A_362 : i32
        %sign3A_364 = arith.constant 0 : i32
        %sign3A_365 = arith.cmpi sgt, %scan3A_124, %sign3A_364 : i32
        %sign3A_366 = arith.extui %sign3A_365 : i1 to i32
        %sign3A_367 = arith.constant 0 : i32
        %sign3A_368 = arith.cmpi slt, %scan3A_124, %sign3A_367 : i32
        %sign3A_369 = arith.extui %sign3A_368 : i1 to i32
        %sign3A_370 = arith.subi %sign3A_366, %sign3A_369 : i32
        %sign3A_371 = arith.constant 0 : i32
        %sign3A_372 = arith.cmpi sgt, %jit3A_362, %sign3A_371 : i32
        %sign3A_373 = arith.extui %sign3A_372 : i1 to i32
        %sign3A_374 = arith.constant 0 : i32
        %sign3A_375 = arith.cmpi slt, %jit3A_362, %sign3A_374 : i32
        %sign3A_376 = arith.extui %sign3A_375 : i1 to i32
        %sign3A_377 = arith.subi %sign3A_373, %sign3A_376 : i32
        %ne3A_378 = arith.cmpi ne, %sign3A_370, %sign3A_377 : i32
        %rem3A_379 = arith.remsi %scan3A_124, %jit3A_362 : i32
        %ne3A_380 = arith.constant 0 : i32
        %ne3A_381 = arith.cmpi ne, %rem3A_379, %ne3A_380 : i32
        %and3A_382 = arith.andi %ne3A_378, %ne3A_381 : i1
        %sub3A_383 = arith.constant 1 : i32
        %sub3A_384 = arith.subi %div3A_363, %sub3A_383 : i32
        %select_n3A_385 = arith.select %and3A_382, %sub3A_384, %div3A_363 : i32
        %jit3A_386 = arith.constant 2 : i32
        %eq3A_387 = arith.constant 0 : i32
        %eq3A_388 = arith.cmpi eq, %jit3A_386, %eq3A_387 : i32
        %jit3A_389 = arith.constant 1 : i32
        %select_n3A_390 = arith.select %eq3A_388, %jit3A_389, %jit3A_386 : i32
        %rem3A_391 = arith.remsi %select_n3A_385, %select_n3A_390 : i32
        %ne3A_392 = arith.constant 0 : i32
        %ne3A_393 = arith.cmpi ne, %rem3A_391, %ne3A_392 : i32
        %lt3A_394 = arith.constant 0 : i32
        %lt3A_395 = arith.cmpi slt, %rem3A_391, %lt3A_394 : i32
        %lt3A_396 = arith.constant 0 : i32
        %lt3A_397 = arith.cmpi slt, %select_n3A_390, %lt3A_396 : i32
        %ne3A_398 = arith.xori %lt3A_395, %lt3A_397 : i1
        %and3A_399 = arith.andi %ne3A_398, %ne3A_393 : i1
        %add3A_400 = arith.addi %rem3A_391, %select_n3A_390 : i32
        %select_n3A_401 = arith.select %and3A_399, %add3A_400, %rem3A_391 : i32
        %eq3A_402 = arith.constant 0 : i32
        %eq3A_403 = arith.cmpi eq, %select_n3A_401, %eq3A_402 : i32
        %convert_element_type3A_404 = arith.extui %eq3A_403 : i1 to i32
        %cond3A_405 = arith.constant 0 : i32
        %cond3A_406 = arith.cmpi ne, %convert_element_type3A_404, %cond3A_405 : i32
        scf.if %cond3A_406 {
          %dma_start3A_452 = arith.constant 0 : i32
          %dma_start3A_453 = tpu.memref_slice %arg7[%select_n3A_361, %dma_start3A_452] : memref<5x80xi32, #tpu.memory_space<vmem>> -> memref<1x80xi32, #tpu.memory_space<vmem>>
          %dma_start3A_454 = tpu.memref_squeeze %dma_start3A_453 : memref<1x80xi32, #tpu.memory_space<vmem>> -> memref<80xi32, #tpu.memory_space<vmem>>
          %dma_start3A_455 = arith.constant 0 : i32
          %dma_start3A_456 = arith.constant 0 : i32
          %dma_start3A_457 = tpu.memref_slice %arg12[%dma_start3A_455, %dma_start3A_456] : memref<10000x128xf32, #tpu.memory_space<vmem_shared>> -> memref<10000x128xf32, #tpu.memory_space<vmem_shared>>
          tpu.enqueue_indirect_dma source(%arg11 : memref<80x128xf32, #tpu.memory_space<vmem>>) target(%dma_start3A_457 : memref<10000x128xf32, #tpu.memory_space<vmem_shared>>) offsets(%dma_start3A_454 : memref<80xi32, #tpu.memory_space<vmem>>) semaphore(%arg18 : memref<!tpu.dma_semaphore, #tpu.memory_space<semaphore_mem>>) {add = true}
        } else {
        }
        %jit3A_407 = arith.constant 5 : i32
        %div3A_408 = arith.divsi %scan3A_124, %jit3A_407 : i32
        %sign3A_409 = arith.constant 0 : i32
        %sign3A_410 = arith.cmpi sgt, %scan3A_124, %sign3A_409 : i32
        %sign3A_411 = arith.extui %sign3A_410 : i1 to i32
        %sign3A_412 = arith.constant 0 : i32
        %sign3A_413 = arith.cmpi slt, %scan3A_124, %sign3A_412 : i32
        %sign3A_414 = arith.extui %sign3A_413 : i1 to i32
        %sign3A_415 = arith.subi %sign3A_411, %sign3A_414 : i32
        %sign3A_416 = arith.constant 0 : i32
        %sign3A_417 = arith.cmpi sgt, %jit3A_407, %sign3A_416 : i32
        %sign3A_418 = arith.extui %sign3A_417 : i1 to i32
        %sign3A_419 = arith.constant 0 : i32
        %sign3A_420 = arith.cmpi slt, %jit3A_407, %sign3A_419 : i32
        %sign3A_421 = arith.extui %sign3A_420 : i1 to i32
        %sign3A_422 = arith.subi %sign3A_418, %sign3A_421 : i32
        %ne3A_423 = arith.cmpi ne, %sign3A_415, %sign3A_422 : i32
        %rem3A_424 = arith.remsi %scan3A_124, %jit3A_407 : i32
        %ne3A_425 = arith.constant 0 : i32
        %ne3A_426 = arith.cmpi ne, %rem3A_424, %ne3A_425 : i32
        %and3A_427 = arith.andi %ne3A_423, %ne3A_426 : i1
        %sub3A_428 = arith.constant 1 : i32
        %sub3A_429 = arith.subi %div3A_408, %sub3A_428 : i32
        %select_n3A_430 = arith.select %and3A_427, %sub3A_429, %div3A_408 : i32
        %jit3A_431 = arith.constant 2 : i32
        %eq3A_432 = arith.constant 0 : i32
        %eq3A_433 = arith.cmpi eq, %jit3A_431, %eq3A_432 : i32
        %jit3A_434 = arith.constant 1 : i32
        %select_n3A_435 = arith.select %eq3A_433, %jit3A_434, %jit3A_431 : i32
        %rem3A_436 = arith.remsi %select_n3A_430, %select_n3A_435 : i32
        %ne3A_437 = arith.constant 0 : i32
        %ne3A_438 = arith.cmpi ne, %rem3A_436, %ne3A_437 : i32
        %lt3A_439 = arith.constant 0 : i32
        %lt3A_440 = arith.cmpi slt, %rem3A_436, %lt3A_439 : i32
        %lt3A_441 = arith.constant 0 : i32
        %lt3A_442 = arith.cmpi slt, %select_n3A_435, %lt3A_441 : i32
        %ne3A_443 = arith.xori %lt3A_440, %lt3A_442 : i1
        %and3A_444 = arith.andi %ne3A_443, %ne3A_438 : i1
        %add3A_445 = arith.addi %rem3A_436, %select_n3A_435 : i32
        %select_n3A_446 = arith.select %and3A_444, %add3A_445, %rem3A_436 : i32
        %eq3A_447 = arith.constant 1 : i32
        %eq3A_448 = arith.cmpi eq, %select_n3A_446, %eq3A_447 : i32
        %convert_element_type3A_449 = arith.extui %eq3A_448 : i1 to i32
        %cond3A_450 = arith.constant 0 : i32
        %cond3A_451 = arith.cmpi ne, %convert_element_type3A_449, %cond3A_450 : i32
        scf.if %cond3A_451 {
          %dma_start3A_452 = arith.constant 0 : i32
          %dma_start3A_453 = tpu.memref_slice %arg8[%select_n3A_361, %dma_start3A_452] : memref<5x80xi32, #tpu.memory_space<vmem>> -> memref<1x80xi32, #tpu.memory_space<vmem>>
          %dma_start3A_454 = tpu.memref_squeeze %dma_start3A_453 : memref<1x80xi32, #tpu.memory_space<vmem>> -> memref<80xi32, #tpu.memory_space<vmem>>
          %dma_start3A_455 = arith.constant 0 : i32
          %dma_start3A_456 = arith.constant 0 : i32
          %dma_start3A_457 = tpu.memref_slice %arg12[%dma_start3A_455, %dma_start3A_456] : memref<10000x128xf32, #tpu.memory_space<vmem_shared>> -> memref<10000x128xf32, #tpu.memory_space<vmem_shared>>
          tpu.enqueue_indirect_dma source(%arg11 : memref<80x128xf32, #tpu.memory_space<vmem>>) target(%dma_start3A_457 : memref<10000x128xf32, #tpu.memory_space<vmem_shared>>) offsets(%dma_start3A_454 : memref<80xi32, #tpu.memory_space<vmem>>) semaphore(%arg18 : memref<!tpu.dma_semaphore, #tpu.memory_space<semaphore_mem>>) {add = true}
        } else {
        }
      } else {
      }
      %scan3A_184 = arith.constant 0 : i32
      scf.yield %scan3A_184 : i32
    }
    %scan3A_68 = arith.constant 123 : i32
    %dma_wait3A = arith.constant 0 : i32
    %dma_wait3A_69 = arith.constant 0 : i32
    %dma_wait3A_70 = tpu.memref_slice %arg5[%dma_wait3A, %dma_wait3A_69] : memref<5x80xi32, #tpu.memory_space<vmem>> -> memref<1x80xi32, #tpu.memory_space<vmem>>
    %dma_wait3A_71 = tpu.memref_squeeze %dma_wait3A_70 : memref<1x80xi32, #tpu.memory_space<vmem>> -> memref<80xi32, #tpu.memory_space<vmem>>
    %dma_wait3A_72 = arith.constant 0 : i32
    %dma_wait3A_73 = arith.constant 0 : i32
    %dma_wait3A_74 = tpu.memref_slice %arg2[%dma_wait3A_72, %dma_wait3A_73] : memref<10000x128xf32, #tpu.memory_space<hbm>> -> memref<10000x128xf32, #tpu.memory_space<hbm>>
    tpu.wait_indirect_dma semaphore(%arg13 : memref<!tpu.dma_semaphore, #tpu.memory_space<semaphore_mem>>) src(%dma_wait3A_74 : memref<10000x128xf32, #tpu.memory_space<hbm>>) dst(%arg9 : memref<80x128xf32, #tpu.memory_space<vmem>>)
    %dma_start3A_75 = arith.constant 3 : i32
    %dma_start3A_76 = arith.constant 0 : i32
    %dma_start3A_77 = tpu.memref_slice %arg7[%dma_start3A_75, %dma_start3A_76] : memref<5x80xi32, #tpu.memory_space<vmem>> -> memref<1x80xi32, #tpu.memory_space<vmem>>
    %dma_start3A_78 = tpu.memref_squeeze %dma_start3A_77 : memref<1x80xi32, #tpu.memory_space<vmem>> -> memref<80xi32, #tpu.memory_space<vmem>>
    %dma_start3A_79 = arith.constant 0 : i32
    %dma_start3A_80 = arith.constant 0 : i32
    %dma_start3A_81 = tpu.memref_slice %arg12[%dma_start3A_79, %dma_start3A_80] : memref<10000x128xf32, #tpu.memory_space<vmem_shared>> -> memref<10000x128xf32, #tpu.memory_space<vmem_shared>>
    tpu.enqueue_indirect_dma source(%arg9 : memref<80x128xf32, #tpu.memory_space<vmem>>) target(%dma_start3A_81 : memref<10000x128xf32, #tpu.memory_space<vmem_shared>>) offsets(%dma_start3A_78 : memref<80xi32, #tpu.memory_space<vmem>>) semaphore(%arg16 : memref<!tpu.dma_semaphore, #tpu.memory_space<semaphore_mem>>) {add = true}
    %dma_wait3A_82 = arith.constant 0 : i32
    %dma_wait3A_83 = arith.constant 0 : i32
    %dma_wait3A_84 = tpu.memref_slice %arg5[%dma_wait3A_82, %dma_wait3A_83] : memref<5x80xi32, #tpu.memory_space<vmem>> -> memref<1x80xi32, #tpu.memory_space<vmem>>
    %dma_wait3A_85 = tpu.memref_squeeze %dma_wait3A_84 : memref<1x80xi32, #tpu.memory_space<vmem>> -> memref<80xi32, #tpu.memory_space<vmem>>
    %dma_wait3A_86 = arith.constant 0 : i32
    %dma_wait3A_87 = arith.constant 0 : i32
    %dma_wait3A_88 = tpu.memref_slice %arg2[%dma_wait3A_86, %dma_wait3A_87] : memref<10000x128xf32, #tpu.memory_space<hbm>> -> memref<10000x128xf32, #tpu.memory_space<hbm>>
    tpu.wait_indirect_dma semaphore(%arg14 : memref<!tpu.dma_semaphore, #tpu.memory_space<semaphore_mem>>) src(%dma_wait3A_88 : memref<10000x128xf32, #tpu.memory_space<hbm>>) dst(%arg10 : memref<80x128xf32, #tpu.memory_space<vmem>>)
    %dma_start3A_89 = arith.constant 4 : i32
    %dma_start3A_90 = arith.constant 0 : i32
    %dma_start3A_91 = tpu.memref_slice %arg7[%dma_start3A_89, %dma_start3A_90] : memref<5x80xi32, #tpu.memory_space<vmem>> -> memref<1x80xi32, #tpu.memory_space<vmem>>
    %dma_start3A_92 = tpu.memref_squeeze %dma_start3A_91 : memref<1x80xi32, #tpu.memory_space<vmem>> -> memref<80xi32, #tpu.memory_space<vmem>>
    %dma_start3A_93 = arith.constant 0 : i32
    %dma_start3A_94 = arith.constant 0 : i32
    %dma_start3A_95 = tpu.memref_slice %arg12[%dma_start3A_93, %dma_start3A_94] : memref<10000x128xf32, #tpu.memory_space<vmem_shared>> -> memref<10000x128xf32, #tpu.memory_space<vmem_shared>>
    tpu.enqueue_indirect_dma source(%arg10 : memref<80x128xf32, #tpu.memory_space<vmem>>) target(%dma_start3A_95 : memref<10000x128xf32, #tpu.memory_space<vmem_shared>>) offsets(%dma_start3A_92 : memref<80xi32, #tpu.memory_space<vmem>>) semaphore(%arg17 : memref<!tpu.dma_semaphore, #tpu.memory_space<semaphore_mem>>) {add = true}
    %dma_wait3A_96 = arith.constant 0 : i32
    %dma_wait3A_97 = arith.constant 0 : i32
    %dma_wait3A_98 = tpu.memref_slice %arg7[%dma_wait3A_96, %dma_wait3A_97] : memref<5x80xi32, #tpu.memory_space<vmem>> -> memref<1x80xi32, #tpu.memory_space<vmem>>
    %dma_wait3A_99 = tpu.memref_squeeze %dma_wait3A_98 : memref<1x80xi32, #tpu.memory_space<vmem>> -> memref<80xi32, #tpu.memory_space<vmem>>
    %dma_wait3A_100 = arith.constant 0 : i32
    %dma_wait3A_101 = arith.constant 0 : i32
    %dma_wait3A_102 = tpu.memref_slice %arg12[%dma_wait3A_100, %dma_wait3A_101] : memref<10000x128xf32, #tpu.memory_space<vmem_shared>> -> memref<10000x128xf32, #tpu.memory_space<vmem_shared>>
    tpu.wait_indirect_dma semaphore(%arg18 : memref<!tpu.dma_semaphore, #tpu.memory_space<semaphore_mem>>) src(%arg11 : memref<80x128xf32, #tpu.memory_space<vmem>>) dst(%dma_wait3A_102 : memref<10000x128xf32, #tpu.memory_space<vmem_shared>>)
    %dma_wait3A_103 = arith.constant 0 : i32
    %dma_wait3A_104 = arith.constant 0 : i32
    %dma_wait3A_105 = tpu.memref_slice %arg7[%dma_wait3A_103, %dma_wait3A_104] : memref<5x80xi32, #tpu.memory_space<vmem>> -> memref<1x80xi32, #tpu.memory_space<vmem>>
    %dma_wait3A_106 = tpu.memref_squeeze %dma_wait3A_105 : memref<1x80xi32, #tpu.memory_space<vmem>> -> memref<80xi32, #tpu.memory_space<vmem>>
    %dma_wait3A_107 = arith.constant 0 : i32
    %dma_wait3A_108 = arith.constant 0 : i32
    %dma_wait3A_109 = tpu.memref_slice %arg12[%dma_wait3A_107, %dma_wait3A_108] : memref<10000x128xf32, #tpu.memory_space<vmem_shared>> -> memref<10000x128xf32, #tpu.memory_space<vmem_shared>>
    tpu.wait_indirect_dma semaphore(%arg16 : memref<!tpu.dma_semaphore, #tpu.memory_space<semaphore_mem>>) src(%arg9 : memref<80x128xf32, #tpu.memory_space<vmem>>) dst(%dma_wait3A_109 : memref<10000x128xf32, #tpu.memory_space<vmem_shared>>)
    %dma_wait3A_110 = arith.constant 0 : i32
    %dma_wait3A_111 = arith.constant 0 : i32
    %dma_wait3A_112 = tpu.memref_slice %arg7[%dma_wait3A_110, %dma_wait3A_111] : memref<5x80xi32, #tpu.memory_space<vmem>> -> memref<1x80xi32, #tpu.memory_space<vmem>>
    %dma_wait3A_113 = tpu.memref_squeeze %dma_wait3A_112 : memref<1x80xi32, #tpu.memory_space<vmem>> -> memref<80xi32, #tpu.memory_space<vmem>>
    %dma_wait3A_114 = arith.constant 0 : i32
    %dma_wait3A_115 = arith.constant 0 : i32
    %dma_wait3A_116 = tpu.memref_slice %arg12[%dma_wait3A_114, %dma_wait3A_115] : memref<10000x128xf32, #tpu.memory_space<vmem_shared>> -> memref<10000x128xf32, #tpu.memory_space<vmem_shared>>
    tpu.wait_indirect_dma semaphore(%arg17 : memref<!tpu.dma_semaphore, #tpu.memory_space<semaphore_mem>>) src(%arg10 : memref<80x128xf32, #tpu.memory_space<vmem>>) dst(%dma_wait3A_116 : memref<10000x128xf32, #tpu.memory_space<vmem_shared>>)
    %barrier3A_117 = arith.constant 0 : index
    tpu.barrier barrier_id(%barrier3A_117)
    %lt3A = arith.constant 15 : i32
    %lt3A_118 = arith.cmpi slt, %arg1, %lt3A : i32
    %convert_element_type3A = arith.extui %lt3A_118 : i1 to i32
    %cond3A = arith.constant 0 : i32
    %cond3A_119 = arith.cmpi ne, %convert_element_type3A, %cond3A : i32
    scf.if %cond3A_119 {
      %mul3A_124 = arith.constant 640 : i32
      %mul3A_125 = arith.muli %arg1, %mul3A_124 : i32
      %mul3A_126 = arith.constant 640 : i32
      %mul3A_127 = arith.muli %arg1, %mul3A_126 : i32
      "tpu.region"() ({
        %run_scoped3A_128 = tpu.sem_alloc : memref<!tpu.dma_semaphore, #tpu.memory_space<semaphore_mem>>
        %dma_start3A_129 = arith.constant 0 : i32
        %dma_start3A_130 = tpu.memref_slice %arg4[%arg0, %mul3A_127, %dma_start3A_129] : memref<2x10000x128xf32, #tpu.memory_space<hbm>> -> memref<1x640x128xf32, #tpu.memory_space<hbm>>
        %dma_start3A_131 = tpu.memref_squeeze %dma_start3A_130 : memref<1x640x128xf32, #tpu.memory_space<hbm>> -> memref<640x128xf32, #tpu.memory_space<hbm>>
        %dma_start3A_132 = arith.constant 0 : i32
        %dma_start3A_133 = tpu.memref_slice %arg12[%mul3A_125, %dma_start3A_132] : memref<10000x128xf32, #tpu.memory_space<vmem_shared>> -> memref<640x128xf32, #tpu.memory_space<vmem_shared>>
        tpu.enqueue_dma source(%dma_start3A_133 : memref<640x128xf32, #tpu.memory_space<vmem_shared>>) target(%dma_start3A_131 : memref<640x128xf32, #tpu.memory_space<hbm>>) target_semaphore(%run_scoped3A_128 : memref<!tpu.dma_semaphore, #tpu.memory_space<semaphore_mem>>)
        %dma_wait3A_134 = arith.constant 0 : i32
        %dma_wait3A_135 = tpu.memref_slice %arg4[%arg0, %mul3A_127, %dma_wait3A_134] : memref<2x10000x128xf32, #tpu.memory_space<hbm>> -> memref<1x640x128xf32, #tpu.memory_space<hbm>>
        %dma_wait3A_136 = tpu.memref_squeeze %dma_wait3A_135 : memref<1x640x128xf32, #tpu.memory_space<hbm>> -> memref<640x128xf32, #tpu.memory_space<hbm>>
        %dma_wait3A_137 = arith.constant 0 : i32
        %dma_wait3A_138 = tpu.memref_slice %arg12[%mul3A_125, %dma_wait3A_137] : memref<10000x128xf32, #tpu.memory_space<vmem_shared>> -> memref<640x128xf32, #tpu.memory_space<vmem_shared>>
        tpu.wait_dma2 semaphore(%run_scoped3A_128 : memref<!tpu.dma_semaphore, #tpu.memory_space<semaphore_mem>>) src(%dma_wait3A_138 : memref<640x128xf32, #tpu.memory_space<vmem_shared>>) dst(%dma_wait3A_136 : memref<640x128xf32, #tpu.memory_space<hbm>>)
        tpu.yield
      }) : () -> ()
    } else {
    }
    %eq3A = arith.constant 15 : i32
    %eq3A_120 = arith.cmpi eq, %arg1, %eq3A : i32
    %convert_element_type3A_121 = arith.extui %eq3A_120 : i1 to i32
    %cond3A_122 = arith.constant 0 : i32
    %cond3A_123 = arith.cmpi ne, %convert_element_type3A_121, %cond3A_122 : i32
    scf.if %cond3A_123 {
      "tpu.region"() ({
        %run_scoped3A_124 = tpu.sem_alloc : memref<!tpu.dma_semaphore, #tpu.memory_space<semaphore_mem>>
        %dma_start3A_125 = arith.constant 9600 : i32
        %dma_start3A_126 = arith.constant 0 : i32
        %dma_start3A_127 = tpu.memref_slice %arg4[%arg0, %dma_start3A_125, %dma_start3A_126] : memref<2x10000x128xf32, #tpu.memory_space<hbm>> -> memref<1x400x128xf32, #tpu.memory_space<hbm>>
        %dma_start3A_128 = tpu.memref_squeeze %dma_start3A_127 : memref<1x400x128xf32, #tpu.memory_space<hbm>> -> memref<400x128xf32, #tpu.memory_space<hbm>>
        %dma_start3A_129 = arith.constant 9600 : i32
        %dma_start3A_130 = arith.constant 0 : i32
        %dma_start3A_131 = tpu.memref_slice %arg12[%dma_start3A_129, %dma_start3A_130] : memref<10000x128xf32, #tpu.memory_space<vmem_shared>> -> memref<400x128xf32, #tpu.memory_space<vmem_shared>>
        tpu.enqueue_dma source(%dma_start3A_131 : memref<400x128xf32, #tpu.memory_space<vmem_shared>>) target(%dma_start3A_128 : memref<400x128xf32, #tpu.memory_space<hbm>>) target_semaphore(%run_scoped3A_124 : memref<!tpu.dma_semaphore, #tpu.memory_space<semaphore_mem>>)
        %dma_wait3A_132 = arith.constant 9600 : i32
        %dma_wait3A_133 = arith.constant 0 : i32
        %dma_wait3A_134 = tpu.memref_slice %arg4[%arg0, %dma_wait3A_132, %dma_wait3A_133] : memref<2x10000x128xf32, #tpu.memory_space<hbm>> -> memref<1x400x128xf32, #tpu.memory_space<hbm>>
        %dma_wait3A_135 = tpu.memref_squeeze %dma_wait3A_134 : memref<1x400x128xf32, #tpu.memory_space<hbm>> -> memref<400x128xf32, #tpu.memory_space<hbm>>
        %dma_wait3A_136 = arith.constant 9600 : i32
        %dma_wait3A_137 = arith.constant 0 : i32
        %dma_wait3A_138 = tpu.memref_slice %arg12[%dma_wait3A_136, %dma_wait3A_137] : memref<10000x128xf32, #tpu.memory_space<vmem_shared>> -> memref<400x128xf32, #tpu.memory_space<vmem_shared>>
        tpu.wait_dma2 semaphore(%run_scoped3A_124 : memref<!tpu.dma_semaphore, #tpu.memory_space<semaphore_mem>>) src(%dma_wait3A_138 : memref<400x128xf32, #tpu.memory_space<vmem_shared>>) dst(%dma_wait3A_135 : memref<400x128xf32, #tpu.memory_space<hbm>>)
        tpu.yield
      }) : () -> ()
    } else {
    }
    return
  }
}

#map = affine_map<(d0, d1) -> (0, 0)>
#map1 = affine_map<(d0, d1) -> (0, 0, 0, 0, 0)>
#map2 = affine_map<(d0, d1) -> (0, 0, 0)>
module attributes {stable_mosaic.version = 14 : i64} {
  func.func @k(%arg0: i32, %arg1: i32, %arg2: memref<10000x128xf32, #tpu.memory_space<hbm>>, %arg3: memref<2x32x25x5x80xi32, #tpu.memory_space<hbm>>, %arg4: memref<2x10000x128xf32, #tpu.memory_space<hbm>>, %arg5: memref<5x80xi32, #tpu.memory_space<vmem>>, %arg6: memref<5x80xi32, #tpu.memory_space<vmem>>, %arg7: memref<5x80xi32, #tpu.memory_space<vmem>>, %arg8: memref<5x80xi32, #tpu.memory_space<vmem>>, %arg9: memref<80x128xf32, #tpu.memory_space<vmem>>, %arg10: memref<80x128xf32, #tpu.memory_space<vmem>>, %arg11: memref<80x128xf32, #tpu.memory_space<vmem>>, %arg12: memref<10000x128xf32, #tpu.memory_space<vmem_shared>>, %arg13: memref<!tpu.dma_semaphore, #tpu.memory_space<semaphore_mem>>, %arg14: memref<!tpu.dma_semaphore, #tpu.memory_space<semaphore_mem>>, %arg15: memref<!tpu.dma_semaphore, #tpu.memory_space<semaphore_mem>>, %arg16: memref<!tpu.dma_semaphore, #tpu.memory_space<semaphore_mem>>, %arg17: memref<!tpu.dma_semaphore, #tpu.memory_space<semaphore_mem>>, %arg18: memref<!tpu.dma_semaphore, #tpu.memory_space<semaphore_mem>>, %arg19: memref<!tpu.dma_semaphore, #tpu.memory_space<semaphore_mem>>) attributes {dimension_semantics = [#tpu.dimension_semantics<core_parallel>, #tpu.dimension_semantics<subcore_parallel>], iteration_bounds = array<i64: 2, 16>, scalar_prefetch = 0 : i64, scratch_operands = 15 : i64, tpu.core_type = #tpu.core_type<sc_vector_subcore>, window_params = [{transform_indices = #map}, {transform_indices = #map1}, {transform_indices = #map2}]} {
    %mul3A = arith.constant 2 : i32
    %mul3A_0 = arith.muli %arg1, %mul3A : i32
    %add3A = arith.addi %mul3A_0, %arg0 : i32
    %mul3A_1 = arith.constant 640 : i32
    %mul3A_2 = arith.muli %arg1, %mul3A_1 : i32
    %min3A = arith.constant 9360 : i32
    %min3A_3 = arith.minsi %mul3A_2, %min3A : i32
    %scan3A = arith.constant 0 : i32
    %scan3A_4 = arith.constant 0 : i32
    %scan3A_5 = arith.constant 640 : i32
    %scan3A_6 = arith.addi %scan3A_4, %scan3A_5 : i32
    %scan3A_7 = arith.constant 1 : i32
    %scan3A_8 = scf.for %scan3A_124 = %scan3A_4 to %scan3A_6 step %scan3A_7 iter_args(%scan3A_125 = %scan3A) -> (i32)  : i32 {
      %jit3A = arith.constant 8 : i32
      %div3A = arith.divsi %scan3A_124, %jit3A : i32
      %sign3A = arith.constant 0 : i32
      %sign3A_126 = arith.cmpi sgt, %scan3A_124, %sign3A : i32
      %sign3A_127 = arith.extui %sign3A_126 : i1 to i32
      %sign3A_128 = arith.constant 0 : i32
      %sign3A_129 = arith.cmpi slt, %scan3A_124, %sign3A_128 : i32
      %sign3A_130 = arith.extui %sign3A_129 : i1 to i32
      %sign3A_131 = arith.subi %sign3A_127, %sign3A_130 : i32
      %sign3A_132 = arith.constant 0 : i32
      %sign3A_133 = arith.cmpi sgt, %jit3A, %sign3A_132 : i32
      %sign3A_134 = arith.extui %sign3A_133 : i1 to i32
      %sign3A_135 = arith.constant 0 : i32
      %sign3A_136 = arith.cmpi slt, %jit3A, %sign3A_135 : i32
      %sign3A_137 = arith.extui %sign3A_136 : i1 to i32
      %sign3A_138 = arith.subi %sign3A_134, %sign3A_137 : i32
      %ne3A = arith.cmpi ne, %sign3A_131, %sign3A_138 : i32
      %rem3A = arith.remsi %scan3A_124, %jit3A : i32
      %ne3A_139 = arith.constant 0 : i32
      %ne3A_140 = arith.cmpi ne, %rem3A, %ne3A_139 : i32
      %and3A = arith.andi %ne3A, %ne3A_140 : i1
      %sub3A = arith.constant 1 : i32
      %sub3A_141 = arith.subi %div3A, %sub3A : i32
      %select_n3A = arith.select %and3A, %sub3A_141, %div3A : i32
      %jit3A_142 = arith.constant 8 : i32
      %eq3A_143 = arith.constant 0 : i32
      %eq3A_144 = arith.cmpi eq, %jit3A_142, %eq3A_143 : i32
      %jit3A_145 = arith.constant 1 : i32
      %select_n3A_146 = arith.select %eq3A_144, %jit3A_145, %jit3A_142 : i32
      %rem3A_147 = arith.remsi %scan3A_124, %select_n3A_146 : i32
      %ne3A_148 = arith.constant 0 : i32
      %ne3A_149 = arith.cmpi ne, %rem3A_147, %ne3A_148 : i32
      %lt3A_150 = arith.constant 0 : i32
      %lt3A_151 = arith.cmpi slt, %rem3A_147, %lt3A_150 : i32
      %lt3A_152 = arith.constant 0 : i32
      %lt3A_153 = arith.cmpi slt, %select_n3A_146, %lt3A_152 : i32
      %ne3A_154 = arith.xori %lt3A_151, %lt3A_153 : i1
      %and3A_155 = arith.andi %ne3A_154, %ne3A_149 : i1
      %add3A_156 = arith.addi %rem3A_147, %select_n3A_146 : i32
      %select_n3A_157 = arith.select %and3A_155, %add3A_156, %rem3A_147 : i32
      %mul3A_158 = arith.constant 16 : i32
      %mul3A_159 = arith.muli %select_n3A_157, %mul3A_158 : i32
      %broadcast_in_dim3A = arith.constant 0.000000e+00 : f32
      %broadcast_in_dim3A_160 = vector.broadcast %broadcast_in_dim3A : f32 to vector<16xf32>
      %swap3A = arith.index_cast %select_n3A : i32 to index
      %swap3A_161 = arith.index_cast %mul3A_159 : i32 to index
      %swap3A_162 = tpu.vector_load %arg9[%swap3A, %swap3A_161] {strides = array<i32>} : memref<80x128xf32, #tpu.memory_space<vmem>>, vector<1x16xf32>,
      %swap3A_163 = vector.shape_cast %swap3A_162 : vector<1x16xf32> to vector<16xf32>
      %swap3A_164 = vector.shape_cast %broadcast_in_dim3A_160 : vector<16xf32> to vector<1x16xf32>
      tpu.vector_store %arg9[%swap3A, %swap3A_161], %swap3A_164 {strides = array<i32>} : memref<80x128xf32, #tpu.memory_space<vmem>>, vector<1x16xf32>,
      %scan3A_165 = arith.constant 0 : i32
      scf.yield %scan3A_165 : i32
    }
    %scan3A_9 = arith.constant 640 : i32
    %add3A_10 = arith.constant 0 : i32
    %add3A_11 = arith.addi %min3A_3, %add3A_10 : i32
    "tpu.region"() ({
      %run_scoped3A_124 = tpu.sem_alloc : memref<!tpu.dma_semaphore, #tpu.memory_space<semaphore_mem>>
      %dma_start3A_125 = arith.constant 0 : i32
      %dma_start3A_126 = tpu.memref_slice %arg12[%add3A_11, %dma_start3A_125] : memref<10000x128xf32, #tpu.memory_space<vmem_shared>> -> memref<80x128xf32, #tpu.memory_space<vmem_shared>>
      %dma_start3A_127 = arith.constant 0 : i32
      %dma_start3A_128 = tpu.memref_slice %arg12[%add3A_11, %dma_start3A_127] : memref<10000x128xf32, #tpu.memory_space<vmem_shared>> -> memref<80x128xf32, #tpu.memory_space<vmem_shared>>
      tpu.enqueue_dma source(%arg9 : memref<80x128xf32, #tpu.memory_space<vmem>>) target(%dma_start3A_128 : memref<80x128xf32, #tpu.memory_space<vmem_shared>>) target_semaphore(%run_scoped3A_124 : memref<!tpu.dma_semaphore, #tpu.memory_space<semaphore_mem>>)
      %dma_wait3A_129 = arith.constant 0 : i32
      %dma_wait3A_130 = tpu.memref_slice %arg12[%add3A_11, %dma_wait3A_129] : memref<10000x128xf32, #tpu.memory_space<vmem_shared>> -> memref<80x128xf32, #tpu.memory_space<vmem_shared>>
      %dma_wait3A_131 = arith.constant 0 : i32
      %dma_wait3A_132 = tpu.memref_slice %arg12[%add3A_11, %dma_wait3A_131] : memref<10000x128xf32, #tpu.memory_space<vmem_shared>> -> memref<80x128xf32, #tpu.memory_space<vmem_shared>>
      tpu.wait_dma2 semaphore(%run_scoped3A_124 : memref<!tpu.dma_semaphore, #tpu.memory_space<semaphore_mem>>) src(%arg9 : memref<80x128xf32, #tpu.memory_space<vmem>>) dst(%dma_wait3A_132 : memref<80x128xf32, #tpu.memory_space<vmem_shared>>)
      tpu.yield
    }) : () -> ()
    %add3A_12 = arith.constant 80 : i32
    %add3A_13 = arith.addi %min3A_3, %add3A_12 : i32
    "tpu.region"() ({
      %run_scoped3A_124 = tpu.sem_alloc : memref<!tpu.dma_semaphore, #tpu.memory_space<semaphore_mem>>
      %dma_start3A_125 = arith.constant 0 : i32
      %dma_start3A_126 = tpu.memref_slice %arg12[%add3A_13, %dma_start3A_125] : memref<10000x128xf32, #tpu.memory_space<vmem_shared>> -> memref<80x128xf32, #tpu.memory_space<vmem_shared>>
      %dma_start3A_127 = arith.constant 0 : i32
      %dma_start3A_128 = tpu.memref_slice %arg12[%add3A_13, %dma_start3A_127] : memref<10000x128xf32, #tpu.memory_space<vmem_shared>> -> memref<80x128xf32, #tpu.memory_space<vmem_shared>>
      tpu.enqueue_dma source(%arg9 : memref<80x128xf32, #tpu.memory_space<vmem>>) target(%dma_start3A_128 : memref<80x128xf32, #tpu.memory_space<vmem_shared>>) target_semaphore(%run_scoped3A_124 : memref<!tpu.dma_semaphore, #tpu.memory_space<semaphore_mem>>)
      %dma_wait3A_129 = arith.constant 0 : i32
      %dma_wait3A_130 = tpu.memref_slice %arg12[%add3A_13, %dma_wait3A_129] : memref<10000x128xf32, #tpu.memory_space<vmem_shared>> -> memref<80x128xf32, #tpu.memory_space<vmem_shared>>
      %dma_wait3A_131 = arith.constant 0 : i32
      %dma_wait3A_132 = tpu.memref_slice %arg12[%add3A_13, %dma_wait3A_131] : memref<10000x128xf32, #tpu.memory_space<vmem_shared>> -> memref<80x128xf32, #tpu.memory_space<vmem_shared>>
      tpu.wait_dma2 semaphore(%run_scoped3A_124 : memref<!tpu.dma_semaphore, #tpu.memory_space<semaphore_mem>>) src(%arg9 : memref<80x128xf32, #tpu.memory_space<vmem>>) dst(%dma_wait3A_132 : memref<80x128xf32, #tpu.memory_space<vmem_shared>>)
      tpu.yield
    }) : () -> ()
    %add3A_14 = arith.constant 160 : i32
    %add3A_15 = arith.addi %min3A_3, %add3A_14 : i32
    "tpu.region"() ({
      %run_scoped3A_124 = tpu.sem_alloc : memref<!tpu.dma_semaphore, #tpu.memory_space<semaphore_mem>>
      %dma_start3A_125 = arith.constant 0 : i32
      %dma_start3A_126 = tpu.memref_slice %arg12[%add3A_15, %dma_start3A_125] : memref<10000x128xf32, #tpu.memory_space<vmem_shared>> -> memref<80x128xf32, #tpu.memory_space<vmem_shared>>
      %dma_start3A_127 = arith.constant 0 : i32
      %dma_start3A_128 = tpu.memref_slice %arg12[%add3A_15, %dma_start3A_127] : memref<10000x128xf32, #tpu.memory_space<vmem_shared>> -> memref<80x128xf32, #tpu.memory_space<vmem_shared>>
      tpu.enqueue_dma source(%arg9 : memref<80x128xf32, #tpu.memory_space<vmem>>) target(%dma_start3A_128 : memref<80x128xf32, #tpu.memory_space<vmem_shared>>) target_semaphore(%run_scoped3A_124 : memref<!tpu.dma_semaphore, #tpu.memory_space<semaphore_mem>>)
      %dma_wait3A_129 = arith.constant 0 : i32
      %dma_wait3A_130 = tpu.memref_slice %arg12[%add3A_15, %dma_wait3A_129] : memref<10000x128xf32, #tpu.memory_space<vmem_shared>> -> memref<80x128xf32, #tpu.memory_space<vmem_shared>>
      %dma_wait3A_131 = arith.constant 0 : i32
      %dma_wait3A_132 = tpu.memref_slice %arg12[%add3A_15, %dma_wait3A_131] : memref<10000x128xf32, #tpu.memory_space<vmem_shared>> -> memref<80x128xf32, #tpu.memory_space<vmem_shared>>
      tpu.wait_dma2 semaphore(%run_scoped3A_124 : memref<!tpu.dma_semaphore, #tpu.memory_space<semaphore_mem>>) src(%arg9 : memref<80x128xf32, #tpu.memory_space<vmem>>) dst(%dma_wait3A_132 : memref<80x128xf32, #tpu.memory_space<vmem_shared>>)
      tpu.yield
    }) : () -> ()
    %add3A_16 = arith.constant 240 : i32
    %add3A_17 = arith.addi %min3A_3, %add3A_16 : i32
    "tpu.region"() ({
      %run_scoped3A_124 = tpu.sem_alloc : memref<!tpu.dma_semaphore, #tpu.memory_space<semaphore_mem>>
      %dma_start3A_125 = arith.constant 0 : i32
      %dma_start3A_126 = tpu.memref_slice %arg12[%add3A_17, %dma_start3A_125] : memref<10000x128xf32, #tpu.memory_space<vmem_shared>> -> memref<80x128xf32, #tpu.memory_space<vmem_shared>>
      %dma_start3A_127 = arith.constant 0 : i32
      %dma_start3A_128 = tpu.memref_slice %arg12[%add3A_17, %dma_start3A_127] : memref<10000x128xf32, #tpu.memory_space<vmem_shared>> -> memref<80x128xf32, #tpu.memory_space<vmem_shared>>
      tpu.enqueue_dma source(%arg9 : memref<80x128xf32, #tpu.memory_space<vmem>>) target(%dma_start3A_128 : memref<80x128xf32, #tpu.memory_space<vmem_shared>>) target_semaphore(%run_scoped3A_124 : memref<!tpu.dma_semaphore, #tpu.memory_space<semaphore_mem>>)
      %dma_wait3A_129 = arith.constant 0 : i32
      %dma_wait3A_130 = tpu.memref_slice %arg12[%add3A_17, %dma_wait3A_129] : memref<10000x128xf32, #tpu.memory_space<vmem_shared>> -> memref<80x128xf32, #tpu.memory_space<vmem_shared>>
      %dma_wait3A_131 = arith.constant 0 : i32
      %dma_wait3A_132 = tpu.memref_slice %arg12[%add3A_17, %dma_wait3A_131] : memref<10000x128xf32, #tpu.memory_space<vmem_shared>> -> memref<80x128xf32, #tpu.memory_space<vmem_shared>>
      tpu.wait_dma2 semaphore(%run_scoped3A_124 : memref<!tpu.dma_semaphore, #tpu.memory_space<semaphore_mem>>) src(%arg9 : memref<80x128xf32, #tpu.memory_space<vmem>>) dst(%dma_wait3A_132 : memref<80x128xf32, #tpu.memory_space<vmem_shared>>)
      tpu.yield
    }) : () -> ()
    %add3A_18 = arith.constant 320 : i32
    %add3A_19 = arith.addi %min3A_3, %add3A_18 : i32
    "tpu.region"() ({
      %run_scoped3A_124 = tpu.sem_alloc : memref<!tpu.dma_semaphore, #tpu.memory_space<semaphore_mem>>
      %dma_start3A_125 = arith.constant 0 : i32
      %dma_start3A_126 = tpu.memref_slice %arg12[%add3A_19, %dma_start3A_125] : memref<10000x128xf32, #tpu.memory_space<vmem_shared>> -> memref<80x128xf32, #tpu.memory_space<vmem_shared>>
      %dma_start3A_127 = arith.constant 0 : i32
      %dma_start3A_128 = tpu.memref_slice %arg12[%add3A_19, %dma_start3A_127] : memref<10000x128xf32, #tpu.memory_space<vmem_shared>> -> memref<80x128xf32, #tpu.memory_space<vmem_shared>>
      tpu.enqueue_dma source(%arg9 : memref<80x128xf32, #tpu.memory_space<vmem>>) target(%dma_start3A_128 : memref<80x128xf32, #tpu.memory_space<vmem_shared>>) target_semaphore(%run_scoped3A_124 : memref<!tpu.dma_semaphore, #tpu.memory_space<semaphore_mem>>)
      %dma_wait3A_129 = arith.constant 0 : i32
      %dma_wait3A_130 = tpu.memref_slice %arg12[%add3A_19, %dma_wait3A_129] : memref<10000x128xf32, #tpu.memory_space<vmem_shared>> -> memref<80x128xf32, #tpu.memory_space<vmem_shared>>
      %dma_wait3A_131 = arith.constant 0 : i32
      %dma_wait3A_132 = tpu.memref_slice %arg12[%add3A_19, %dma_wait3A_131] : memref<10000x128xf32, #tpu.memory_space<vmem_shared>> -> memref<80x128xf32, #tpu.memory_space<vmem_shared>>
      tpu.wait_dma2 semaphore(%run_scoped3A_124 : memref<!tpu.dma_semaphore, #tpu.memory_space<semaphore_mem>>) src(%arg9 : memref<80x128xf32, #tpu.memory_space<vmem>>) dst(%dma_wait3A_132 : memref<80x128xf32, #tpu.memory_space<vmem_shared>>)
      tpu.yield
    }) : () -> ()
    %add3A_20 = arith.constant 400 : i32
    %add3A_21 = arith.addi %min3A_3, %add3A_20 : i32
    "tpu.region"() ({
      %run_scoped3A_124 = tpu.sem_alloc : memref<!tpu.dma_semaphore, #tpu.memory_space<semaphore_mem>>
      %dma_start3A_125 = arith.constant 0 : i32
      %dma_start3A_126 = tpu.memref_slice %arg12[%add3A_21, %dma_start3A_125] : memref<10000x128xf32, #tpu.memory_space<vmem_shared>> -> memref<80x128xf32, #tpu.memory_space<vmem_shared>>
      %dma_start3A_127 = arith.constant 0 : i32
      %dma_start3A_128 = tpu.memref_slice %arg12[%add3A_21, %dma_start3A_127] : memref<10000x128xf32, #tpu.memory_space<vmem_shared>> -> memref<80x128xf32, #tpu.memory_space<vmem_shared>>
      tpu.enqueue_dma source(%arg9 : memref<80x128xf32, #tpu.memory_space<vmem>>) target(%dma_start3A_128 : memref<80x128xf32, #tpu.memory_space<vmem_shared>>) target_semaphore(%run_scoped3A_124 : memref<!tpu.dma_semaphore, #tpu.memory_space<semaphore_mem>>)
      %dma_wait3A_129 = arith.constant 0 : i32
      %dma_wait3A_130 = tpu.memref_slice %arg12[%add3A_21, %dma_wait3A_129] : memref<10000x128xf32, #tpu.memory_space<vmem_shared>> -> memref<80x128xf32, #tpu.memory_space<vmem_shared>>
      %dma_wait3A_131 = arith.constant 0 : i32
      %dma_wait3A_132 = tpu.memref_slice %arg12[%add3A_21, %dma_wait3A_131] : memref<10000x128xf32, #tpu.memory_space<vmem_shared>> -> memref<80x128xf32, #tpu.memory_space<vmem_shared>>
      tpu.wait_dma2 semaphore(%run_scoped3A_124 : memref<!tpu.dma_semaphore, #tpu.memory_space<semaphore_mem>>) src(%arg9 : memref<80x128xf32, #tpu.memory_space<vmem>>) dst(%dma_wait3A_132 : memref<80x128xf32, #tpu.memory_space<vmem_shared>>)
      tpu.yield
    }) : () -> ()
    %add3A_22 = arith.constant 480 : i32
    %add3A_23 = arith.addi %min3A_3, %add3A_22 : i32
    "tpu.region"() ({
      %run_scoped3A_124 = tpu.sem_alloc : memref<!tpu.dma_semaphore, #tpu.memory_space<semaphore_mem>>
      %dma_start3A_125 = arith.constant 0 : i32
      %dma_start3A_126 = tpu.memref_slice %arg12[%add3A_23, %dma_start3A_125] : memref<10000x128xf32, #tpu.memory_space<vmem_shared>> -> memref<80x128xf32, #tpu.memory_space<vmem_shared>>
      %dma_start3A_127 = arith.constant 0 : i32
      %dma_start3A_128 = tpu.memref_slice %arg12[%add3A_23, %dma_start3A_127] : memref<10000x128xf32, #tpu.memory_space<vmem_shared>> -> memref<80x128xf32, #tpu.memory_space<vmem_shared>>
      tpu.enqueue_dma source(%arg9 : memref<80x128xf32, #tpu.memory_space<vmem>>) target(%dma_start3A_128 : memref<80x128xf32, #tpu.memory_space<vmem_shared>>) target_semaphore(%run_scoped3A_124 : memref<!tpu.dma_semaphore, #tpu.memory_space<semaphore_mem>>)
      %dma_wait3A_129 = arith.constant 0 : i32
      %dma_wait3A_130 = tpu.memref_slice %arg12[%add3A_23, %dma_wait3A_129] : memref<10000x128xf32, #tpu.memory_space<vmem_shared>> -> memref<80x128xf32, #tpu.memory_space<vmem_shared>>
      %dma_wait3A_131 = arith.constant 0 : i32
      %dma_wait3A_132 = tpu.memref_slice %arg12[%add3A_23, %dma_wait3A_131] : memref<10000x128xf32, #tpu.memory_space<vmem_shared>> -> memref<80x128xf32, #tpu.memory_space<vmem_shared>>
      tpu.wait_dma2 semaphore(%run_scoped3A_124 : memref<!tpu.dma_semaphore, #tpu.memory_space<semaphore_mem>>) src(%arg9 : memref<80x128xf32, #tpu.memory_space<vmem>>) dst(%dma_wait3A_132 : memref<80x128xf32, #tpu.memory_space<vmem_shared>>)
      tpu.yield
    }) : () -> ()
    %add3A_24 = arith.constant 560 : i32
    %add3A_25 = arith.addi %min3A_3, %add3A_24 : i32
    "tpu.region"() ({
      %run_scoped3A_124 = tpu.sem_alloc : memref<!tpu.dma_semaphore, #tpu.memory_space<semaphore_mem>>
      %dma_start3A_125 = arith.constant 0 : i32
      %dma_start3A_126 = tpu.memref_slice %arg12[%add3A_25, %dma_start3A_125] : memref<10000x128xf32, #tpu.memory_space<vmem_shared>> -> memref<80x128xf32, #tpu.memory_space<vmem_shared>>
      %dma_start3A_127 = arith.constant 0 : i32
      %dma_start3A_128 = tpu.memref_slice %arg12[%add3A_25, %dma_start3A_127] : memref<10000x128xf32, #tpu.memory_space<vmem_shared>> -> memref<80x128xf32, #tpu.memory_space<vmem_shared>>
      tpu.enqueue_dma source(%arg9 : memref<80x128xf32, #tpu.memory_space<vmem>>) target(%dma_start3A_128 : memref<80x128xf32, #tpu.memory_space<vmem_shared>>) target_semaphore(%run_scoped3A_124 : memref<!tpu.dma_semaphore, #tpu.memory_space<semaphore_mem>>)
      %dma_wait3A_129 = arith.constant 0 : i32
      %dma_wait3A_130 = tpu.memref_slice %arg12[%add3A_25, %dma_wait3A_129] : memref<10000x128xf32, #tpu.memory_space<vmem_shared>> -> memref<80x128xf32, #tpu.memory_space<vmem_shared>>
      %dma_wait3A_131 = arith.constant 0 : i32
      %dma_wait3A_132 = tpu.memref_slice %arg12[%add3A_25, %dma_wait3A_131] : memref<10000x128xf32, #tpu.memory_space<vmem_shared>> -> memref<80x128xf32, #tpu.memory_space<vmem_shared>>
      tpu.wait_dma2 semaphore(%run_scoped3A_124 : memref<!tpu.dma_semaphore, #tpu.memory_space<semaphore_mem>>) src(%arg9 : memref<80x128xf32, #tpu.memory_space<vmem>>) dst(%dma_wait3A_132 : memref<80x128xf32, #tpu.memory_space<vmem_shared>>)
      tpu.yield
    }) : () -> ()
    %run_scoped3A = arith.constant 0 : i32
    %run_scoped3A_26 = arith.constant 0 : i32
    "tpu.region"() ({
      %run_scoped3A_124 = tpu.sem_alloc : memref<!tpu.dma_semaphore, #tpu.memory_space<semaphore_mem>>
      %dma_start3A_125 = arith.constant 0 : i32
      %dma_start3A_126 = arith.constant 0 : i32
      %dma_start3A_127 = tpu.memref_slice %arg3[%run_scoped3A, %add3A, %run_scoped3A_26, %dma_start3A_125, %dma_start3A_126] : memref<2x32x25x5x80xi32, #tpu.memory_space<hbm>> -> memref<1x1x1x5x80xi32, #tpu.memory_space<hbm>>
      %dma_start3A_128 = tpu.memref_squeeze %dma_start3A_127 : memref<1x1x1x5x80xi32, #tpu.memory_space<hbm>> -> memref<5x80xi32, #tpu.memory_space<hbm>>
      %dma_start3A_129 = arith.constant 0 : i32
      %dma_start3A_130 = arith.constant 0 : i32
      %dma_start3A_131 = tpu.memref_slice %arg3[%run_scoped3A, %add3A, %run_scoped3A_26, %dma_start3A_129, %dma_start3A_130] : memref<2x32x25x5x80xi32, #tpu.memory_space<hbm>> -> memref<1x1x1x5x80xi32, #tpu.memory_space<hbm>>
      %dma_start3A_132 = tpu.memref_squeeze %dma_start3A_131 : memref<1x1x1x5x80xi32, #tpu.memory_space<hbm>> -> memref<5x80xi32, #tpu.memory_space<hbm>>
      tpu.enqueue_dma source(%dma_start3A_132 : memref<5x80xi32, #tpu.memory_space<hbm>>) target(%arg5 : memref<5x80xi32, #tpu.memory_space<vmem>>) target_semaphore(%run_scoped3A_124 : memref<!tpu.dma_semaphore, #tpu.memory_space<semaphore_mem>>)
      %dma_wait3A_133 = arith.constant 0 : i32
      %dma_wait3A_134 = arith.constant 0 : i32
      %dma_wait3A_135 = tpu.memref_slice %arg3[%run_scoped3A, %add3A, %run_scoped3A_26, %dma_wait3A_133, %dma_wait3A_134] : memref<2x32x25x5x80xi32, #tpu.memory_space<hbm>> -> memref<1x1x1x5x80xi32, #tpu.memory_space<hbm>>
      %dma_wait3A_136 = tpu.memref_squeeze %dma_wait3A_135 : memref<1x1x1x5x80xi32, #tpu.memory_space<hbm>> -> memref<5x80xi32, #tpu.memory_space<hbm>>
      %dma_wait3A_137 = arith.constant 0 : i32
      %dma_wait3A_138 = arith.constant 0 : i32
      %dma_wait3A_139 = tpu.memref_slice %arg3[%run_scoped3A, %add3A, %run_scoped3A_26, %dma_wait3A_137, %dma_wait3A_138] : memref<2x32x25x5x80xi32, #tpu.memory_space<hbm>> -> memref<1x1x1x5x80xi32, #tpu.memory_space<hbm>>
      %dma_wait3A_140 = tpu.memref_squeeze %dma_wait3A_139 : memref<1x1x1x5x80xi32, #tpu.memory_space<hbm>> -> memref<5x80xi32, #tpu.memory_space<hbm>>
      tpu.wait_dma2 semaphore(%run_scoped3A_124 : memref<!tpu.dma_semaphore, #tpu.memory_space<semaphore_mem>>) src(%dma_wait3A_140 : memref<5x80xi32, #tpu.memory_space<hbm>>) dst(%arg5 : memref<5x80xi32, #tpu.memory_space<vmem>>)
      tpu.yield
    }) : () -> ()
    %run_scoped3A_27 = arith.constant 1 : i32
    %run_scoped3A_28 = arith.constant 0 : i32
    "tpu.region"() ({
      %run_scoped3A_124 = tpu.sem_alloc : memref<!tpu.dma_semaphore, #tpu.memory_space<semaphore_mem>>
      %dma_start3A_125 = arith.constant 0 : i32
      %dma_start3A_126 = arith.constant 0 : i32
      %dma_start3A_127 = tpu.memref_slice %arg3[%run_scoped3A_27, %add3A, %run_scoped3A_28, %dma_start3A_125, %dma_start3A_126] : memref<2x32x25x5x80xi32, #tpu.memory_space<hbm>> -> memref<1x1x1x5x80xi32, #tpu.memory_space<hbm>>
      %dma_start3A_128 = tpu.memref_squeeze %dma_start3A_127 : memref<1x1x1x5x80xi32, #tpu.memory_space<hbm>> -> memref<5x80xi32, #tpu.memory_space<hbm>>
      %dma_start3A_129 = arith.constant 0 : i32
      %dma_start3A_130 = arith.constant 0 : i32
      %dma_start3A_131 = tpu.memref_slice %arg3[%run_scoped3A_27, %add3A, %run_scoped3A_28, %dma_start3A_129, %dma_start3A_130] : memref<2x32x25x5x80xi32, #tpu.memory_space<hbm>> -> memref<1x1x1x5x80xi32, #tpu.memory_space<hbm>>
      %dma_start3A_132 = tpu.memref_squeeze %dma_start3A_131 : memref<1x1x1x5x80xi32, #tpu.memory_space<hbm>> -> memref<5x80xi32, #tpu.memory_space<hbm>>
      tpu.enqueue_dma source(%dma_start3A_132 : memref<5x80xi32, #tpu.memory_space<hbm>>) target(%arg7 : memref<5x80xi32, #tpu.memory_space<vmem>>) target_semaphore(%run_scoped3A_124 : memref<!tpu.dma_semaphore, #tpu.memory_space<semaphore_mem>>)
      %dma_wait3A_133 = arith.constant 0 : i32
      %dma_wait3A_134 = arith.constant 0 : i32
      %dma_wait3A_135 = tpu.memref_slice %arg3[%run_scoped3A_27, %add3A, %run_scoped3A_28, %dma_wait3A_133, %dma_wait3A_134] : memref<2x32x25x5x80xi32, #tpu.memory_space<hbm>> -> memref<1x1x1x5x80xi32, #tpu.memory_space<hbm>>
      %dma_wait3A_136 = tpu.memref_squeeze %dma_wait3A_135 : memref<1x1x1x5x80xi32, #tpu.memory_space<hbm>> -> memref<5x80xi32, #tpu.memory_space<hbm>>
      %dma_wait3A_137 = arith.constant 0 : i32
      %dma_wait3A_138 = arith.constant 0 : i32
      %dma_wait3A_139 = tpu.memref_slice %arg3[%run_scoped3A_27, %add3A, %run_scoped3A_28, %dma_wait3A_137, %dma_wait3A_138] : memref<2x32x25x5x80xi32, #tpu.memory_space<hbm>> -> memref<1x1x1x5x80xi32, #tpu.memory_space<hbm>>
      %dma_wait3A_140 = tpu.memref_squeeze %dma_wait3A_139 : memref<1x1x1x5x80xi32, #tpu.memory_space<hbm>> -> memref<5x80xi32, #tpu.memory_space<hbm>>
      tpu.wait_dma2 semaphore(%run_scoped3A_124 : memref<!tpu.dma_semaphore, #tpu.memory_space<semaphore_mem>>) src(%dma_wait3A_140 : memref<5x80xi32, #tpu.memory_space<hbm>>) dst(%arg7 : memref<5x80xi32, #tpu.memory_space<vmem>>)
      tpu.yield
    }) : () -> ()
    %dma_start3A = arith.constant 0 : i32
    %dma_start3A_29 = arith.constant 1 : i32
    %dma_start3A_30 = arith.constant 0 : i32
    %dma_start3A_31 = arith.constant 0 : i32
    %dma_start3A_32 = tpu.memref_slice %arg3[%dma_start3A, %add3A, %dma_start3A_29, %dma_start3A_30, %dma_start3A_31] : memref<2x32x25x5x80xi32, #tpu.memory_space<hbm>> -> memref<1x1x1x5x80xi32, #tpu.memory_space<hbm>>
    %dma_start3A_33 = tpu.memref_squeeze %dma_start3A_32 : memref<1x1x1x5x80xi32, #tpu.memory_space<hbm>> -> memref<5x80xi32, #tpu.memory_space<hbm>>
    %dma_start3A_34 = arith.constant 0 : i32
    %dma_start3A_35 = arith.constant 0 : i32
    %dma_start3A_36 = tpu.memref_slice %arg3[%dma_start3A, %add3A, %dma_start3A_29, %dma_start3A_34, %dma_start3A_35] : memref<2x32x25x5x80xi32, #tpu.memory_space<hbm>> -> memref<1x1x1x5x80xi32, #tpu.memory_space<hbm>>
    %dma_start3A_37 = tpu.memref_squeeze %dma_start3A_36 : memref<1x1x1x5x80xi32, #tpu.memory_space<hbm>> -> memref<5x80xi32, #tpu.memory_space<hbm>>
    tpu.enqueue_dma source(%dma_start3A_37 : memref<5x80xi32, #tpu.memory_space<hbm>>) target(%arg6 : memref<5x80xi32, #tpu.memory_space<vmem>>) target_semaphore(%arg19 : memref<!tpu.dma_semaphore, #tpu.memory_space<semaphore_mem>>)
    %dma_start3A_38 = arith.constant 1 : i32
    %dma_start3A_39 = arith.constant 1 : i32
    %dma_start3A_40 = arith.constant 0 : i32
    %dma_start3A_41 = arith.constant 0 : i32
    %dma_start3A_42 = tpu.memref_slice %arg3[%dma_start3A_38, %add3A, %dma_start3A_39, %dma_start3A_40, %dma_start3A_41] : memref<2x32x25x5x80xi32, #tpu.memory_space<hbm>> -> memref<1x1x1x5x80xi32, #tpu.memory_space<hbm>>
    %dma_start3A_43 = tpu.memref_squeeze %dma_start3A_42 : memref<1x1x1x5x80xi32, #tpu.memory_space<hbm>> -> memref<5x80xi32, #tpu.memory_space<hbm>>
    %dma_start3A_44 = arith.constant 0 : i32
    %dma_start3A_45 = arith.constant 0 : i32
    %dma_start3A_46 = tpu.memref_slice %arg3[%dma_start3A_38, %add3A, %dma_start3A_39, %dma_start3A_44, %dma_start3A_45] : memref<2x32x25x5x80xi32, #tpu.memory_space<hbm>> -> memref<1x1x1x5x80xi32, #tpu.memory_space<hbm>>
    %dma_start3A_47 = tpu.memref_squeeze %dma_start3A_46 : memref<1x1x1x5x80xi32, #tpu.memory_space<hbm>> -> memref<5x80xi32, #tpu.memory_space<hbm>>
    tpu.enqueue_dma source(%dma_start3A_47 : memref<5x80xi32, #tpu.memory_space<hbm>>) target(%arg8 : memref<5x80xi32, #tpu.memory_space<vmem>>) target_semaphore(%arg19 : memref<!tpu.dma_semaphore, #tpu.memory_space<semaphore_mem>>)
    %barrier3A = arith.constant 0 : index
    tpu.barrier barrier_id(%barrier3A)
    %dma_start3A_48 = arith.constant 0 : i32
    %dma_start3A_49 = arith.constant 0 : i32
    %dma_start3A_50 = tpu.memref_slice %arg5[%dma_start3A_48, %dma_start3A_49] : memref<5x80xi32, #tpu.memory_space<vmem>> -> memref<1x80xi32, #tpu.memory_space<vmem>>
    %dma_start3A_51 = tpu.memref_squeeze %dma_start3A_50 : memref<1x80xi32, #tpu.memory_space<vmem>> -> memref<80xi32, #tpu.memory_space<vmem>>
    %dma_start3A_52 = arith.constant 0 : i32
    %dma_start3A_53 = arith.constant 0 : i32
    %dma_start3A_54 = tpu.memref_slice %arg2[%dma_start3A_52, %dma_start3A_53] : memref<10000x128xf32, #tpu.memory_space<hbm>> -> memref<10000x128xf32, #tpu.memory_space<hbm>>
    tpu.enqueue_indirect_dma source(%dma_start3A_54 : memref<10000x128xf32, #tpu.memory_space<hbm>>) target(%arg9 : memref<80x128xf32, #tpu.memory_space<vmem>>) offsets(%dma_start3A_51 : memref<80xi32, #tpu.memory_space<vmem>>) semaphore(%arg13 : memref<!tpu.dma_semaphore, #tpu.memory_space<semaphore_mem>>)
    %dma_start3A_55 = arith.constant 1 : i32
    %dma_start3A_56 = arith.constant 0 : i32
    %dma_start3A_57 = tpu.memref_slice %arg5[%dma_start3A_55, %dma_start3A_56] : memref<5x80xi32, #tpu.memory_space<vmem>> -> memref<1x80xi32, #tpu.memory_space<vmem>>
    %dma_start3A_58 = tpu.memref_squeeze %dma_start3A_57 : memref<1x80xi32, #tpu.memory_space<vmem>> -> memref<80xi32, #tpu.memory_space<vmem>>
    %dma_start3A_59 = arith.constant 0 : i32
    %dma_start3A_60 = arith.constant 0 : i32
    %dma_start3A_61 = tpu.memref_slice %arg2[%dma_start3A_59, %dma_start3A_60] : memref<10000x128xf32, #tpu.memory_space<hbm>> -> memref<10000x128xf32, #tpu.memory_space<hbm>>
    tpu.enqueue_indirect_dma source(%dma_start3A_61 : memref<10000x128xf32, #tpu.memory_space<hbm>>) target(%arg10 : memref<80x128xf32, #tpu.memory_space<vmem>>) offsets(%dma_start3A_58 : memref<80xi32, #tpu.memory_space<vmem>>) semaphore(%arg14 : memref<!tpu.dma_semaphore, #tpu.memory_space<semaphore_mem>>)
    %scan3A_62 = arith.constant 0 : i32
    %scan3A_63 = arith.constant 0 : i32
    %scan3A_64 = arith.constant 123 : i32
    %scan3A_65 = arith.addi %scan3A_63, %scan3A_64 : i32
    %scan3A_66 = arith.constant 1 : i32
    %scan3A_67 = scf.for %scan3A_124 = %scan3A_63 to %scan3A_65 step %scan3A_66 iter_args(%scan3A_125 = %scan3A_62) -> (i32)  : i32 {
      %jit3A = arith.constant 3 : i32
      %eq3A_126 = arith.constant 0 : i32
      %eq3A_127 = arith.cmpi eq, %jit3A, %eq3A_126 : i32
      %jit3A_128 = arith.constant 1 : i32
      %select_n3A = arith.select %eq3A_127, %jit3A_128, %jit3A : i32
      %rem3A = arith.remsi %scan3A_124, %select_n3A : i32
      %ne3A = arith.constant 0 : i32
      %ne3A_129 = arith.cmpi ne, %rem3A, %ne3A : i32
      %lt3A_130 = arith.constant 0 : i32
      %lt3A_131 = arith.cmpi slt, %rem3A, %lt3A_130 : i32
      %lt3A_132 = arith.constant 0 : i32
      %lt3A_133 = arith.cmpi slt, %select_n3A, %lt3A_132 : i32
      %ne3A_134 = arith.xori %lt3A_131, %lt3A_133 : i1
      %and3A = arith.andi %ne3A_134, %ne3A_129 : i1
      %add3A_135 = arith.addi %rem3A, %select_n3A : i32
      %select_n3A_136 = arith.select %and3A, %add3A_135, %rem3A : i32
      %eq3A_137 = arith.constant 0 : i32
      %eq3A_138 = arith.cmpi eq, %select_n3A_136, %eq3A_137 : i32
      %convert_element_type3A_139 = arith.extui %eq3A_138 : i1 to i32
      %cond3A_140 = arith.constant 0 : i32
      %cond3A_141 = arith.cmpi ne, %convert_element_type3A_139, %cond3A_140 : i32
      scf.if %cond3A_141 {
        %gt3A = arith.constant 0 : i32
        %gt3A_185 = arith.cmpi sgt, %scan3A_124, %gt3A : i32
        %convert_element_type3A_186 = arith.extui %gt3A_185 : i1 to i32
        %cond3A_187 = arith.constant 0 : i32
        %cond3A_188 = arith.cmpi ne, %convert_element_type3A_186, %cond3A_187 : i32
        scf.if %cond3A_188 {
          %dma_wait3A_452 = arith.constant 0 : i32
          %dma_wait3A_453 = arith.constant 0 : i32
          %dma_wait3A_454 = tpu.memref_slice %arg7[%dma_wait3A_452, %dma_wait3A_453] : memref<5x80xi32, #tpu.memory_space<vmem>> -> memref<1x80xi32, #tpu.memory_space<vmem>>
          %dma_wait3A_455 = tpu.memref_squeeze %dma_wait3A_454 : memref<1x80xi32, #tpu.memory_space<vmem>> -> memref<80xi32, #tpu.memory_space<vmem>>
          %dma_wait3A_456 = arith.constant 0 : i32
          %dma_wait3A_457 = arith.constant 0 : i32
          %dma_wait3A_458 = tpu.memref_slice %arg12[%dma_wait3A_456, %dma_wait3A_457] : memref<10000x128xf32, #tpu.memory_space<vmem_shared>> -> memref<10000x128xf32, #tpu.memory_space<vmem_shared>>
          tpu.wait_indirect_dma semaphore(%arg18 : memref<!tpu.dma_semaphore, #tpu.memory_space<semaphore_mem>>) src(%arg11 : memref<80x128xf32, #tpu.memory_space<vmem>>) dst(%dma_wait3A_458 : memref<10000x128xf32, #tpu.memory_space<vmem_shared>>)
        } else {
        }
        %jit3A_189 = arith.constant 5 : i32
        %eq3A_190 = arith.constant 0 : i32
        %eq3A_191 = arith.cmpi eq, %jit3A_189, %eq3A_190 : i32
        %jit3A_192 = arith.constant 1 : i32
        %select_n3A_193 = arith.select %eq3A_191, %jit3A_192, %jit3A_189 : i32
        %rem3A_194 = arith.remsi %scan3A_124, %select_n3A_193 : i32
        %ne3A_195 = arith.constant 0 : i32
        %ne3A_196 = arith.cmpi ne, %rem3A_194, %ne3A_195 : i32
        %lt3A_197 = arith.constant 0 : i32
        %lt3A_198 = arith.cmpi slt, %rem3A_194, %lt3A_197 : i32
        %lt3A_199 = arith.constant 0 : i32
        %lt3A_200 = arith.cmpi slt, %select_n3A_193, %lt3A_199 : i32
        %ne3A_201 = arith.xori %lt3A_198, %lt3A_200 : i1
        %and3A_202 = arith.andi %ne3A_201, %ne3A_196 : i1
        %add3A_203 = arith.addi %rem3A_194, %select_n3A_193 : i32
        %select_n3A_204 = arith.select %and3A_202, %add3A_203, %rem3A_194 : i32
        %eq3A_205 = arith.constant 0 : i32
        %eq3A_206 = arith.cmpi eq, %select_n3A_204, %eq3A_205 : i32
        %gt3A_207 = arith.constant 0 : i32
        %gt3A_208 = arith.cmpi sgt, %scan3A_124, %gt3A_207 : i32
        %and3A_209 = arith.andi %eq3A_206, %gt3A_208 : i1
        %convert_element_type3A_210 = arith.extui %and3A_209 : i1 to i32
        %cond3A_211 = arith.constant 0 : i32
        %cond3A_212 = arith.cmpi ne, %convert_element_type3A_210, %cond3A_211 : i32
        scf.if %cond3A_212 {
          %jit3A_452 = arith.constant 5 : i32
          %div3A_453 = arith.divsi %scan3A_124, %jit3A_452 : i32
          %sign3A_454 = arith.constant 0 : i32
          %sign3A_455 = arith.cmpi sgt, %scan3A_124, %sign3A_454 : i32
          %sign3A_456 = arith.extui %sign3A_455 : i1 to i32
          %sign3A_457 = arith.constant 0 : i32
          %sign3A_458 = arith.cmpi slt, %scan3A_124, %sign3A_457 : i32
          %sign3A_459 = arith.extui %sign3A_458 : i1 to i32
          %sign3A_460 = arith.subi %sign3A_456, %sign3A_459 : i32
          %sign3A_461 = arith.constant 0 : i32
          %sign3A_462 = arith.cmpi sgt, %jit3A_452, %sign3A_461 : i32
          %sign3A_463 = arith.extui %sign3A_462 : i1 to i32
          %sign3A_464 = arith.constant 0 : i32
          %sign3A_465 = arith.cmpi slt, %jit3A_452, %sign3A_464 : i32
          %sign3A_466 = arith.extui %sign3A_465 : i1 to i32
          %sign3A_467 = arith.subi %sign3A_463, %sign3A_466 : i32
          %ne3A_468 = arith.cmpi ne, %sign3A_460, %sign3A_467 : i32
          %rem3A_469 = arith.remsi %scan3A_124, %jit3A_452 : i32
          %ne3A_470 = arith.constant 0 : i32
          %ne3A_471 = arith.cmpi ne, %rem3A_469, %ne3A_470 : i32
          %and3A_472 = arith.andi %ne3A_468, %ne3A_471 : i1
          %sub3A_473 = arith.constant 1 : i32
          %sub3A_474 = arith.subi %div3A_453, %sub3A_473 : i32
          %select_n3A_475 = arith.select %and3A_472, %sub3A_474, %div3A_453 : i32
          %add3A_476 = arith.constant 1 : i32
          %add3A_477 = arith.addi %select_n3A_475, %add3A_476 : i32
          %lt3A_478 = arith.constant 25 : i32
          %lt3A_479 = arith.cmpi slt, %add3A_477, %lt3A_478 : i32
          %convert_element_type3A_480 = arith.extui %lt3A_479 : i1 to i32
          %cond3A_481 = arith.constant 0 : i32
          %cond3A_482 = arith.cmpi ne, %convert_element_type3A_480, %cond3A_481 : i32
          scf.if %cond3A_482 {
            %jit3A_483 = arith.constant 2 : i32
            %eq3A_484 = arith.constant 0 : i32
            %eq3A_485 = arith.cmpi eq, %jit3A_483, %eq3A_484 : i32
            %jit3A_486 = arith.constant 1 : i32
            %select_n3A_487 = arith.select %eq3A_485, %jit3A_486, %jit3A_483 : i32
            %rem3A_488 = arith.remsi %add3A_477, %select_n3A_487 : i32
            %ne3A_489 = arith.constant 0 : i32
            %ne3A_490 = arith.cmpi ne, %rem3A_488, %ne3A_489 : i32
            %lt3A_491 = arith.constant 0 : i32
            %lt3A_492 = arith.cmpi slt, %rem3A_488, %lt3A_491 : i32
            %lt3A_493 = arith.constant 0 : i32
            %lt3A_494 = arith.cmpi slt, %select_n3A_487, %lt3A_493 : i32
            %ne3A_495 = arith.xori %lt3A_492, %lt3A_494 : i1
            %and3A_496 = arith.andi %ne3A_495, %ne3A_490 : i1
            %add3A_497 = arith.addi %rem3A_488, %select_n3A_487 : i32
            %select_n3A_498 = arith.select %and3A_496, %add3A_497, %rem3A_488 : i32
            %eq3A_499 = arith.constant 0 : i32
            %eq3A_500 = arith.cmpi eq, %select_n3A_498, %eq3A_499 : i32
            %convert_element_type3A_501 = arith.extui %eq3A_500 : i1 to i32
            %cond3A_502 = arith.constant 0 : i32
            %cond3A_503 = arith.cmpi ne, %convert_element_type3A_501, %cond3A_502 : i32
            scf.if %cond3A_503 {
              %dma_start3A_525 = arith.constant 0 : i32
              %dma_start3A_526 = arith.constant 0 : i32
              %dma_start3A_527 = arith.constant 0 : i32
              %dma_start3A_528 = tpu.memref_slice %arg3[%dma_start3A_525, %add3A, %add3A_477, %dma_start3A_526, %dma_start3A_527] : memref<2x32x25x5x80xi32, #tpu.memory_space<hbm>> -> memref<1x1x1x5x80xi32, #tpu.memory_space<hbm>>
              %dma_start3A_529 = tpu.memref_squeeze %dma_start3A_528 : memref<1x1x1x5x80xi32, #tpu.memory_space<hbm>> -> memref<5x80xi32, #tpu.memory_space<hbm>>
              %dma_start3A_530 = arith.constant 0 : i32
              %dma_start3A_531 = arith.constant 0 : i32
              %dma_start3A_532 = tpu.memref_slice %arg3[%dma_start3A_525, %add3A, %add3A_477, %dma_start3A_530, %dma_start3A_531] : memref<2x32x25x5x80xi32, #tpu.memory_space<hbm>> -> memref<1x1x1x5x80xi32, #tpu.memory_space<hbm>>
              %dma_start3A_533 = tpu.memref_squeeze %dma_start3A_532 : memref<1x1x1x5x80xi32, #tpu.memory_space<hbm>> -> memref<5x80xi32, #tpu.memory_space<hbm>>
              tpu.enqueue_dma source(%dma_start3A_533 : memref<5x80xi32, #tpu.memory_space<hbm>>) target(%arg5 : memref<5x80xi32, #tpu.memory_space<vmem>>) target_semaphore(%arg19 : memref<!tpu.dma_semaphore, #tpu.memory_space<semaphore_mem>>)
              %dma_start3A_534 = arith.constant 1 : i32
              %dma_start3A_535 = arith.constant 0 : i32
              %dma_start3A_536 = arith.constant 0 : i32
              %dma_start3A_537 = tpu.memref_slice %arg3[%dma_start3A_534, %add3A, %add3A_477, %dma_start3A_535, %dma_start3A_536] : memref<2x32x25x5x80xi32, #tpu.memory_space<hbm>> -> memref<1x1x1x5x80xi32, #tpu.memory_space<hbm>>
              %dma_start3A_538 = tpu.memref_squeeze %dma_start3A_537 : memref<1x1x1x5x80xi32, #tpu.memory_space<hbm>> -> memref<5x80xi32, #tpu.memory_space<hbm>>
              %dma_start3A_539 = arith.constant 0 : i32
              %dma_start3A_540 = arith.constant 0 : i32
              %dma_start3A_541 = tpu.memref_slice %arg3[%dma_start3A_534, %add3A, %add3A_477, %dma_start3A_539, %dma_start3A_540] : memref<2x32x25x5x80xi32, #tpu.memory_space<hbm>> -> memref<1x1x1x5x80xi32, #tpu.memory_space<hbm>>
              %dma_start3A_542 = tpu.memref_squeeze %dma_start3A_541 : memref<1x1x1x5x80xi32, #tpu.memory_space<hbm>> -> memref<5x80xi32, #tpu.memory_space<hbm>>
              tpu.enqueue_dma source(%dma_start3A_542 : memref<5x80xi32, #tpu.memory_space<hbm>>) target(%arg7 : memref<5x80xi32, #tpu.memory_space<vmem>>) target_semaphore(%arg19 : memref<!tpu.dma_semaphore, #tpu.memory_space<semaphore_mem>>)
            } else {
            }
            %jit3A_504 = arith.constant 2 : i32
            %eq3A_505 = arith.constant 0 : i32
            %eq3A_506 = arith.cmpi eq, %jit3A_504, %eq3A_505 : i32
            %jit3A_507 = arith.constant 1 : i32
            %select_n3A_508 = arith.select %eq3A_506, %jit3A_507, %jit3A_504 : i32
            %rem3A_509 = arith.remsi %add3A_477, %select_n3A_508 : i32
            %ne3A_510 = arith.constant 0 : i32
            %ne3A_511 = arith.cmpi ne, %rem3A_509, %ne3A_510 : i32
            %lt3A_512 = arith.constant 0 : i32
            %lt3A_513 = arith.cmpi slt, %rem3A_509, %lt3A_512 : i32
            %lt3A_514 = arith.constant 0 : i32
            %lt3A_515 = arith.cmpi slt, %select_n3A_508, %lt3A_514 : i32
            %ne3A_516 = arith.xori %lt3A_513, %lt3A_515 : i1
            %and3A_517 = arith.andi %ne3A_516, %ne3A_511 : i1
            %add3A_518 = arith.addi %rem3A_509, %select_n3A_508 : i32
            %select_n3A_519 = arith.select %and3A_517, %add3A_518, %rem3A_509 : i32
            %eq3A_520 = arith.constant 1 : i32
            %eq3A_521 = arith.cmpi eq, %select_n3A_519, %eq3A_520 : i32
            %convert_element_type3A_522 = arith.extui %eq3A_521 : i1 to i32
            %cond3A_523 = arith.constant 0 : i32
            %cond3A_524 = arith.cmpi ne, %convert_element_type3A_522, %cond3A_523 : i32
            scf.if %cond3A_524 {
              %dma_start3A_525 = arith.constant 0 : i32
              %dma_start3A_526 = arith.constant 0 : i32
              %dma_start3A_527 = arith.constant 0 : i32
              %dma_start3A_528 = tpu.memref_slice %arg3[%dma_start3A_525, %add3A, %add3A_477, %dma_start3A_526, %dma_start3A_527] : memref<2x32x25x5x80xi32, #tpu.memory_space<hbm>> -> memref<1x1x1x5x80xi32, #tpu.memory_space<hbm>>
              %dma_start3A_529 = tpu.memref_squeeze %dma_start3A_528 : memref<1x1x1x5x80xi32, #tpu.memory_space<hbm>> -> memref<5x80xi32, #tpu.memory_space<hbm>>
              %dma_start3A_530 = arith.constant 0 : i32
              %dma_start3A_531 = arith.constant 0 : i32
              %dma_start3A_532 = tpu.memref_slice %arg3[%dma_start3A_525, %add3A, %add3A_477, %dma_start3A_530, %dma_start3A_531] : memref<2x32x25x5x80xi32, #tpu.memory_space<hbm>> -> memref<1x1x1x5x80xi32, #tpu.memory_space<hbm>>
              %dma_start3A_533 = tpu.memref_squeeze %dma_start3A_532 : memref<1x1x1x5x80xi32, #tpu.memory_space<hbm>> -> memref<5x80xi32, #tpu.memory_space<hbm>>
              tpu.enqueue_dma source(%dma_start3A_533 : memref<5x80xi32, #tpu.memory_space<hbm>>) target(%arg6 : memref<5x80xi32, #tpu.memory_space<vmem>>) target_semaphore(%arg19 : memref<!tpu.dma_semaphore, #tpu.memory_space<semaphore_mem>>)
              %dma_start3A_534 = arith.constant 1 : i32
              %dma_start3A_535 = arith.constant 0 : i32
              %dma_start3A_536 = arith.constant 0 : i32
              %dma_start3A_537 = tpu.memref_slice %arg3[%dma_start3A_534, %add3A, %add3A_477, %dma_start3A_535, %dma_start3A_536] : memref<2x32x25x5x80xi32, #tpu.memory_space<hbm>> -> memref<1x1x1x5x80xi32, #tpu.memory_space<hbm>>
              %dma_start3A_538 = tpu.memref_squeeze %dma_start3A_537 : memref<1x1x1x5x80xi32, #tpu.memory_space<hbm>> -> memref<5x80xi32, #tpu.memory_space<hbm>>
              %dma_start3A_539 = arith.constant 0 : i32
              %dma_start3A_540 = arith.constant 0 : i32
              %dma_start3A_541 = tpu.memref_slice %arg3[%dma_start3A_534, %add3A, %add3A_477, %dma_start3A_539, %dma_start3A_540] : memref<2x32x25x5x80xi32, #tpu.memory_space<hbm>> -> memref<1x1x1x5x80xi32, #tpu.memory_space<hbm>>
              %dma_start3A_542 = tpu.memref_squeeze %dma_start3A_541 : memref<1x1x1x5x80xi32, #tpu.memory_space<hbm>> -> memref<5x80xi32, #tpu.memory_space<hbm>>
              tpu.enqueue_dma source(%dma_start3A_542 : memref<5x80xi32, #tpu.memory_space<hbm>>) target(%arg8 : memref<5x80xi32, #tpu.memory_space<vmem>>) target_semaphore(%arg19 : memref<!tpu.dma_semaphore, #tpu.memory_space<semaphore_mem>>)
            } else {
            }
          } else {
          }
        } else {
        }
        %jit3A_213 = arith.constant 5 : i32
        %eq3A_214 = arith.constant 0 : i32
        %eq3A_215 = arith.cmpi eq, %jit3A_213, %eq3A_214 : i32
        %jit3A_216 = arith.constant 1 : i32
        %select_n3A_217 = arith.select %eq3A_215, %jit3A_216, %jit3A_213 : i32
        %rem3A_218 = arith.remsi %scan3A_124, %select_n3A_217 : i32
        %ne3A_219 = arith.constant 0 : i32
        %ne3A_220 = arith.cmpi ne, %rem3A_218, %ne3A_219 : i32
        %lt3A_221 = arith.constant 0 : i32
        %lt3A_222 = arith.cmpi slt, %rem3A_218, %lt3A_221 : i32
        %lt3A_223 = arith.constant 0 : i32
        %lt3A_224 = arith.cmpi slt, %select_n3A_217, %lt3A_223 : i32
        %ne3A_225 = arith.xori %lt3A_222, %lt3A_224 : i1
        %and3A_226 = arith.andi %ne3A_225, %ne3A_220 : i1
        %add3A_227 = arith.addi %rem3A_218, %select_n3A_217 : i32
        %select_n3A_228 = arith.select %and3A_226, %add3A_227, %rem3A_218 : i32
        %eq3A_229 = arith.constant 3 : i32
        %eq3A_230 = arith.cmpi eq, %select_n3A_228, %eq3A_229 : i32
        %convert_element_type3A_231 = arith.extui %eq3A_230 : i1 to i32
        %cond3A_232 = arith.constant 0 : i32
        %cond3A_233 = arith.cmpi ne, %convert_element_type3A_231, %cond3A_232 : i32
        scf.if %cond3A_233 {
          %dma_wait3A_452 = arith.constant 0 : i32
          %dma_wait3A_453 = arith.constant 0 : i32
          %dma_wait3A_454 = arith.constant 0 : i32
          %dma_wait3A_455 = arith.constant 0 : i32
          %dma_wait3A_456 = tpu.memref_slice %arg3[%dma_wait3A_452, %add3A, %dma_wait3A_453, %dma_wait3A_454, %dma_wait3A_455] : memref<2x32x25x5x80xi32, #tpu.memory_space<hbm>> -> memref<1x1x1x5x80xi32, #tpu.memory_space<hbm>>
          %dma_wait3A_457 = tpu.memref_squeeze %dma_wait3A_456 : memref<1x1x1x5x80xi32, #tpu.memory_space<hbm>> -> memref<5x80xi32, #tpu.memory_space<hbm>>
          %dma_wait3A_458 = arith.constant 0 : i32
          %dma_wait3A_459 = arith.constant 0 : i32
          %dma_wait3A_460 = tpu.memref_slice %arg3[%dma_wait3A_452, %add3A, %dma_wait3A_453, %dma_wait3A_458, %dma_wait3A_459] : memref<2x32x25x5x80xi32, #tpu.memory_space<hbm>> -> memref<1x1x1x5x80xi32, #tpu.memory_space<hbm>>
          %dma_wait3A_461 = tpu.memref_squeeze %dma_wait3A_460 : memref<1x1x1x5x80xi32, #tpu.memory_space<hbm>> -> memref<5x80xi32, #tpu.memory_space<hbm>>
          tpu.wait_dma2 semaphore(%arg19 : memref<!tpu.dma_semaphore, #tpu.memory_space<semaphore_mem>>) src(%dma_wait3A_461 : memref<5x80xi32, #tpu.memory_space<hbm>>) dst(%arg5 : memref<5x80xi32, #tpu.memory_space<vmem>>)
          %dma_wait3A_462 = arith.constant 1 : i32
          %dma_wait3A_463 = arith.constant 0 : i32
          %dma_wait3A_464 = arith.constant 0 : i32
          %dma_wait3A_465 = arith.constant 0 : i32
          %dma_wait3A_466 = tpu.memref_slice %arg3[%dma_wait3A_462, %add3A, %dma_wait3A_463, %dma_wait3A_464, %dma_wait3A_465] : memref<2x32x25x5x80xi32, #tpu.memory_space<hbm>> -> memref<1x1x1x5x80xi32, #tpu.memory_space<hbm>>
          %dma_wait3A_467 = tpu.memref_squeeze %dma_wait3A_466 : memref<1x1x1x5x80xi32, #tpu.memory_space<hbm>> -> memref<5x80xi32, #tpu.memory_space<hbm>>
          %dma_wait3A_468 = arith.constant 0 : i32
          %dma_wait3A_469 = arith.constant 0 : i32
          %dma_wait3A_470 = tpu.memref_slice %arg3[%dma_wait3A_462, %add3A, %dma_wait3A_463, %dma_wait3A_468, %dma_wait3A_469] : memref<2x32x25x5x80xi32, #tpu.memory_space<hbm>> -> memref<1x1x1x5x80xi32, #tpu.memory_space<hbm>>
          %dma_wait3A_471 = tpu.memref_squeeze %dma_wait3A_470 : memref<1x1x1x5x80xi32, #tpu.memory_space<hbm>> -> memref<5x80xi32, #tpu.memory_space<hbm>>
          tpu.wait_dma2 semaphore(%arg19 : memref<!tpu.dma_semaphore, #tpu.memory_space<semaphore_mem>>) src(%dma_wait3A_471 : memref<5x80xi32, #tpu.memory_space<hbm>>) dst(%arg7 : memref<5x80xi32, #tpu.memory_space<vmem>>)
        } else {
        }
        %add3A_234 = arith.constant 2 : i32
        %add3A_235 = arith.addi %scan3A_124, %add3A_234 : i32
        %jit3A_236 = arith.constant 5 : i32
        %eq3A_237 = arith.constant 0 : i32
        %eq3A_238 = arith.cmpi eq, %jit3A_236, %eq3A_237 : i32
        %jit3A_239 = arith.constant 1 : i32
        %select_n3A_240 = arith.select %eq3A_238, %jit3A_239, %jit3A_236 : i32
        %rem3A_241 = arith.remsi %add3A_235, %select_n3A_240 : i32
        %ne3A_242 = arith.constant 0 : i32
        %ne3A_243 = arith.cmpi ne, %rem3A_241, %ne3A_242 : i32
        %lt3A_244 = arith.constant 0 : i32
        %lt3A_245 = arith.cmpi slt, %rem3A_241, %lt3A_244 : i32
        %lt3A_246 = arith.constant 0 : i32
        %lt3A_247 = arith.cmpi slt, %select_n3A_240, %lt3A_246 : i32
        %ne3A_248 = arith.xori %lt3A_245, %lt3A_247 : i1
        %and3A_249 = arith.andi %ne3A_248, %ne3A_243 : i1
        %add3A_250 = arith.addi %rem3A_241, %select_n3A_240 : i32
        %select_n3A_251 = arith.select %and3A_249, %add3A_250, %rem3A_241 : i32
        %jit3A_252 = arith.constant 5 : i32
        %div3A = arith.divsi %add3A_235, %jit3A_252 : i32
        %sign3A = arith.constant 0 : i32
        %sign3A_253 = arith.cmpi sgt, %add3A_235, %sign3A : i32
        %sign3A_254 = arith.extui %sign3A_253 : i1 to i32
        %sign3A_255 = arith.constant 0 : i32
        %sign3A_256 = arith.cmpi slt, %add3A_235, %sign3A_255 : i32
        %sign3A_257 = arith.extui %sign3A_256 : i1 to i32
        %sign3A_258 = arith.subi %sign3A_254, %sign3A_257 : i32
        %sign3A_259 = arith.constant 0 : i32
        %sign3A_260 = arith.cmpi sgt, %jit3A_252, %sign3A_259 : i32
        %sign3A_261 = arith.extui %sign3A_260 : i1 to i32
        %sign3A_262 = arith.constant 0 : i32
        %sign3A_263 = arith.cmpi slt, %jit3A_252, %sign3A_262 : i32
        %sign3A_264 = arith.extui %sign3A_263 : i1 to i32
        %sign3A_265 = arith.subi %sign3A_261, %sign3A_264 : i32
        %ne3A_266 = arith.cmpi ne, %sign3A_258, %sign3A_265 : i32
        %rem3A_267 = arith.remsi %add3A_235, %jit3A_252 : i32
        %ne3A_268 = arith.constant 0 : i32
        %ne3A_269 = arith.cmpi ne, %rem3A_267, %ne3A_268 : i32
        %and3A_270 = arith.andi %ne3A_266, %ne3A_269 : i1
        %sub3A = arith.constant 1 : i32
        %sub3A_271 = arith.subi %div3A, %sub3A : i32
        %select_n3A_272 = arith.select %and3A_270, %sub3A_271, %div3A : i32
        %jit3A_273 = arith.constant 2 : i32
        %eq3A_274 = arith.constant 0 : i32
        %eq3A_275 = arith.cmpi eq, %jit3A_273, %eq3A_274 : i32
        %jit3A_276 = arith.constant 1 : i32
        %select_n3A_277 = arith.select %eq3A_275, %jit3A_276, %jit3A_273 : i32
        %rem3A_278 = arith.remsi %select_n3A_272, %select_n3A_277 : i32
        %ne3A_279 = arith.constant 0 : i32
        %ne3A_280 = arith.cmpi ne, %rem3A_278, %ne3A_279 : i32
        %lt3A_281 = arith.constant 0 : i32
        %lt3A_282 = arith.cmpi slt, %rem3A_278, %lt3A_281 : i32
        %lt3A_283 = arith.constant 0 : i32
        %lt3A_284 = arith.cmpi slt, %select_n3A_277, %lt3A_283 : i32
        %ne3A_285 = arith.xori %lt3A_282, %lt3A_284 : i1
        %and3A_286 = arith.andi %ne3A_285, %ne3A_280 : i1
        %add3A_287 = arith.addi %rem3A_278, %select_n3A_277 : i32
        %select_n3A_288 = arith.select %and3A_286, %add3A_287, %rem3A_278 : i32
        %eq3A_289 = arith.constant 0 : i32
        %eq3A_290 = arith.cmpi eq, %select_n3A_288, %eq3A_289 : i32
        %convert_element_type3A_291 = arith.extui %eq3A_290 : i1 to i32
        %cond3A_292 = arith.constant 0 : i32
        %cond3A_293 = arith.cmpi ne, %convert_element_type3A_291, %cond3A_292 : i32
        scf.if %cond3A_293 {
          %dma_start3A_452 = arith.constant 0 : i32
          %dma_start3A_453 = tpu.memref_slice %arg5[%select_n3A_251, %dma_start3A_452] : memref<5x80xi32, #tpu.memory_space<vmem>> -> memref<1x80xi32, #tpu.memory_space<vmem>>
          %dma_start3A_454 = tpu.memref_squeeze %dma_start3A_453 : memref<1x80xi32, #tpu.memory_space<vmem>> -> memref<80xi32, #tpu.memory_space<vmem>>
          %dma_start3A_455 = arith.constant 0 : i32
          %dma_start3A_456 = arith.constant 0 : i32
          %dma_start3A_457 = tpu.memref_slice %arg2[%dma_start3A_455, %dma_start3A_456] : memref<10000x128xf32, #tpu.memory_space<hbm>> -> memref<10000x128xf32, #tpu.memory_space<hbm>>
          tpu.enqueue_indirect_dma source(%dma_start3A_457 : memref<10000x128xf32, #tpu.memory_space<hbm>>) target(%arg11 : memref<80x128xf32, #tpu.memory_space<vmem>>) offsets(%dma_start3A_454 : memref<80xi32, #tpu.memory_space<vmem>>) semaphore(%arg15 : memref<!tpu.dma_semaphore, #tpu.memory_space<semaphore_mem>>)
        } else {
        }
        %jit3A_294 = arith.constant 5 : i32
        %div3A_295 = arith.divsi %add3A_235, %jit3A_294 : i32
        %sign3A_296 = arith.constant 0 : i32
        %sign3A_297 = arith.cmpi sgt, %add3A_235, %sign3A_296 : i32
        %sign3A_298 = arith.extui %sign3A_297 : i1 to i32
        %sign3A_299 = arith.constant 0 : i32
        %sign3A_300 = arith.cmpi slt, %add3A_235, %sign3A_299 : i32
        %sign3A_301 = arith.extui %sign3A_300 : i1 to i32
        %sign3A_302 = arith.subi %sign3A_298, %sign3A_301 : i32
        %sign3A_303 = arith.constant 0 : i32
        %sign3A_304 = arith.cmpi sgt, %jit3A_294, %sign3A_303 : i32
        %sign3A_305 = arith.extui %sign3A_304 : i1 to i32
        %sign3A_306 = arith.constant 0 : i32
        %sign3A_307 = arith.cmpi slt, %jit3A_294, %sign3A_306 : i32
        %sign3A_308 = arith.extui %sign3A_307 : i1 to i32
        %sign3A_309 = arith.subi %sign3A_305, %sign3A_308 : i32
        %ne3A_310 = arith.cmpi ne, %sign3A_302, %sign3A_309 : i32
        %rem3A_311 = arith.remsi %add3A_235, %jit3A_294 : i32
        %ne3A_312 = arith.constant 0 : i32
        %ne3A_313 = arith.cmpi ne, %rem3A_311, %ne3A_312 : i32
        %and3A_314 = arith.andi %ne3A_310, %ne3A_313 : i1
        %sub3A_315 = arith.constant 1 : i32
        %sub3A_316 = arith.subi %div3A_295, %sub3A_315 : i32
        %select_n3A_317 = arith.select %and3A_314, %sub3A_316, %div3A_295 : i32
        %jit3A_318 = arith.constant 2 : i32
        %eq3A_319 = arith.constant 0 : i32
        %eq3A_320 = arith.cmpi eq, %jit3A_318, %eq3A_319 : i32
        %jit3A_321 = arith.constant 1 : i32
        %select_n3A_322 = arith.select %eq3A_320, %jit3A_321, %jit3A_318 : i32
        %rem3A_323 = arith.remsi %select_n3A_317, %select_n3A_322 : i32
        %ne3A_324 = arith.constant 0 : i32
        %ne3A_325 = arith.cmpi ne, %rem3A_323, %ne3A_324 : i32
        %lt3A_326 = arith.constant 0 : i32
        %lt3A_327 = arith.cmpi slt, %rem3A_323, %lt3A_326 : i32
        %lt3A_328 = arith.constant 0 : i32
        %lt3A_329 = arith.cmpi slt, %select_n3A_322, %lt3A_328 : i32
        %ne3A_330 = arith.xori %lt3A_327, %lt3A_329 : i1
        %and3A_331 = arith.andi %ne3A_330, %ne3A_325 : i1
        %add3A_332 = arith.addi %rem3A_323, %select_n3A_322 : i32
        %select_n3A_333 = arith.select %and3A_331, %add3A_332, %rem3A_323 : i32
        %eq3A_334 = arith.constant 1 : i32
        %eq3A_335 = arith.cmpi eq, %select_n3A_333, %eq3A_334 : i32
        %convert_element_type3A_336 = arith.extui %eq3A_335 : i1 to i32
        %cond3A_337 = arith.constant 0 : i32
        %cond3A_338 = arith.cmpi ne, %convert_element_type3A_336, %cond3A_337 : i32
        scf.if %cond3A_338 {
          %dma_start3A_452 = arith.constant 0 : i32
          %dma_start3A_453 = tpu.memref_slice %arg6[%select_n3A_251, %dma_start3A_452] : memref<5x80xi32, #tpu.memory_space<vmem>> -> memref<1x80xi32, #tpu.memory_space<vmem>>
          %dma_start3A_454 = tpu.memref_squeeze %dma_start3A_453 : memref<1x80xi32, #tpu.memory_space<vmem>> -> memref<80xi32, #tpu.memory_space<vmem>>
          %dma_start3A_455 = arith.constant 0 : i32
          %dma_start3A_456 = arith.constant 0 : i32
          %dma_start3A_457 = tpu.memref_slice %arg2[%dma_start3A_455, %dma_start3A_456] : memref<10000x128xf32, #tpu.memory_space<hbm>> -> memref<10000x128xf32, #tpu.memory_space<hbm>>
          tpu.enqueue_indirect_dma source(%dma_start3A_457 : memref<10000x128xf32, #tpu.memory_space<hbm>>) target(%arg11 : memref<80x128xf32, #tpu.memory_space<vmem>>) offsets(%dma_start3A_454 : memref<80xi32, #tpu.memory_space<vmem>>) semaphore(%arg15 : memref<!tpu.dma_semaphore, #tpu.memory_space<semaphore_mem>>)
        } else {
        }
        %dma_wait3A_339 = arith.constant 0 : i32
        %dma_wait3A_340 = arith.constant 0 : i32
        %dma_wait3A_341 = tpu.memref_slice %arg5[%dma_wait3A_339, %dma_wait3A_340] : memref<5x80xi32, #tpu.memory_space<vmem>> -> memref<1x80xi32, #tpu.memory_space<vmem>>
        %dma_wait3A_342 = tpu.memref_squeeze %dma_wait3A_341 : memref<1x80xi32, #tpu.memory_space<vmem>> -> memref<80xi32, #tpu.memory_space<vmem>>
        %dma_wait3A_343 = arith.constant 0 : i32
        %dma_wait3A_344 = arith.constant 0 : i32
        %dma_wait3A_345 = tpu.memref_slice %arg2[%dma_wait3A_343, %dma_wait3A_344] : memref<10000x128xf32, #tpu.memory_space<hbm>> -> memref<10000x128xf32, #tpu.memory_space<hbm>>
        tpu.wait_indirect_dma semaphore(%arg13 : memref<!tpu.dma_semaphore, #tpu.memory_space<semaphore_mem>>) src(%dma_wait3A_345 : memref<10000x128xf32, #tpu.memory_space<hbm>>) dst(%arg9 : memref<80x128xf32, #tpu.memory_space<vmem>>)
        %jit3A_346 = arith.constant 5 : i32
        %eq3A_347 = arith.constant 0 : i32
        %eq3A_348 = arith.cmpi eq, %jit3A_346, %eq3A_347 : i32
        %jit3A_349 = arith.constant 1 : i32
        %select_n3A_350 = arith.select %eq3A_348, %jit3A_349, %jit3A_346 : i32
        %rem3A_351 = arith.remsi %scan3A_124, %select_n3A_350 : i32
        %ne3A_352 = arith.constant 0 : i32
        %ne3A_353 = arith.cmpi ne, %rem3A_351, %ne3A_352 : i32
        %lt3A_354 = arith.constant 0 : i32
        %lt3A_355 = arith.cmpi slt, %rem3A_351, %lt3A_354 : i32
        %lt3A_356 = arith.constant 0 : i32
        %lt3A_357 = arith.cmpi slt, %select_n3A_350, %lt3A_356 : i32
        %ne3A_358 = arith.xori %lt3A_355, %lt3A_357 : i1
        %and3A_359 = arith.andi %ne3A_358, %ne3A_353 : i1
        %add3A_360 = arith.addi %rem3A_351, %select_n3A_350 : i32
        %select_n3A_361 = arith.select %and3A_359, %add3A_360, %rem3A_351 : i32
        %jit3A_362 = arith.constant 5 : i32
        %div3A_363 = arith.divsi %scan3A_124, %jit3A_362 : i32
        %sign3A_364 = arith.constant 0 : i32
        %sign3A_365 = arith.cmpi sgt, %scan3A_124, %sign3A_364 : i32
        %sign3A_366 = arith.extui %sign3A_365 : i1 to i32
        %sign3A_367 = arith.constant 0 : i32
        %sign3A_368 = arith.cmpi slt, %scan3A_124, %sign3A_367 : i32
        %sign3A_369 = arith.extui %sign3A_368 : i1 to i32
        %sign3A_370 = arith.subi %sign3A_366, %sign3A_369 : i32
        %sign3A_371 = arith.constant 0 : i32
        %sign3A_372 = arith.cmpi sgt, %jit3A_362, %sign3A_371 : i32
        %sign3A_373 = arith.extui %sign3A_372 : i1 to i32
        %sign3A_374 = arith.constant 0 : i32
        %sign3A_375 = arith.cmpi slt, %jit3A_362, %sign3A_374 : i32
        %sign3A_376 = arith.extui %sign3A_375 : i1 to i32
        %sign3A_377 = arith.subi %sign3A_373, %sign3A_376 : i32
        %ne3A_378 = arith.cmpi ne, %sign3A_370, %sign3A_377 : i32
        %rem3A_379 = arith.remsi %scan3A_124, %jit3A_362 : i32
        %ne3A_380 = arith.constant 0 : i32
        %ne3A_381 = arith.cmpi ne, %rem3A_379, %ne3A_380 : i32
        %and3A_382 = arith.andi %ne3A_378, %ne3A_381 : i1
        %sub3A_383 = arith.constant 1 : i32
        %sub3A_384 = arith.subi %div3A_363, %sub3A_383 : i32
        %select_n3A_385 = arith.select %and3A_382, %sub3A_384, %div3A_363 : i32
        %jit3A_386 = arith.constant 2 : i32
        %eq3A_387 = arith.constant 0 : i32
        %eq3A_388 = arith.cmpi eq, %jit3A_386, %eq3A_387 : i32
        %jit3A_389 = arith.constant 1 : i32
        %select_n3A_390 = arith.select %eq3A_388, %jit3A_389, %jit3A_386 : i32
        %rem3A_391 = arith.remsi %select_n3A_385, %select_n3A_390 : i32
        %ne3A_392 = arith.constant 0 : i32
        %ne3A_393 = arith.cmpi ne, %rem3A_391, %ne3A_392 : i32
        %lt3A_394 = arith.constant 0 : i32
        %lt3A_395 = arith.cmpi slt, %rem3A_391, %lt3A_394 : i32
        %lt3A_396 = arith.constant 0 : i32
        %lt3A_397 = arith.cmpi slt, %select_n3A_390, %lt3A_396 : i32
        %ne3A_398 = arith.xori %lt3A_395, %lt3A_397 : i1
        %and3A_399 = arith.andi %ne3A_398, %ne3A_393 : i1
        %add3A_400 = arith.addi %rem3A_391, %select_n3A_390 : i32
        %select_n3A_401 = arith.select %and3A_399, %add3A_400, %rem3A_391 : i32
        %eq3A_402 = arith.constant 0 : i32
        %eq3A_403 = arith.cmpi eq, %select_n3A_401, %eq3A_402 : i32
        %convert_element_type3A_404 = arith.extui %eq3A_403 : i1 to i32
        %cond3A_405 = arith.constant 0 : i32
        %cond3A_406 = arith.cmpi ne, %convert_element_type3A_404, %cond3A_405 : i32
        scf.if %cond3A_406 {
          %dma_start3A_452 = arith.constant 0 : i32
          %dma_start3A_453 = tpu.memref_slice %arg7[%select_n3A_361, %dma_start3A_452] : memref<5x80xi32, #tpu.memory_space<vmem>> -> memref<1x80xi32, #tpu.memory_space<vmem>>
          %dma_start3A_454 = tpu.memref_squeeze %dma_start3A_453 : memref<1x80xi32, #tpu.memory_space<vmem>> -> memref<80xi32, #tpu.memory_space<vmem>>
          %dma_start3A_455 = arith.constant 0 : i32
          %dma_start3A_456 = arith.constant 0 : i32
          %dma_start3A_457 = tpu.memref_slice %arg12[%dma_start3A_455, %dma_start3A_456] : memref<10000x128xf32, #tpu.memory_space<vmem_shared>> -> memref<10000x128xf32, #tpu.memory_space<vmem_shared>>
          tpu.enqueue_indirect_dma source(%arg9 : memref<80x128xf32, #tpu.memory_space<vmem>>) target(%dma_start3A_457 : memref<10000x128xf32, #tpu.memory_space<vmem_shared>>) offsets(%dma_start3A_454 : memref<80xi32, #tpu.memory_space<vmem>>) semaphore(%arg16 : memref<!tpu.dma_semaphore, #tpu.memory_space<semaphore_mem>>) {add = true}
        } else {
        }
        %jit3A_407 = arith.constant 5 : i32
        %div3A_408 = arith.divsi %scan3A_124, %jit3A_407 : i32
        %sign3A_409 = arith.constant 0 : i32
        %sign3A_410 = arith.cmpi sgt, %scan3A_124, %sign3A_409 : i32
        %sign3A_411 = arith.extui %sign3A_410 : i1 to i32
        %sign3A_412 = arith.constant 0 : i32
        %sign3A_413 = arith.cmpi slt, %scan3A_124, %sign3A_412 : i32
        %sign3A_414 = arith.extui %sign3A_413 : i1 to i32
        %sign3A_415 = arith.subi %sign3A_411, %sign3A_414 : i32
        %sign3A_416 = arith.constant 0 : i32
        %sign3A_417 = arith.cmpi sgt, %jit3A_407, %sign3A_416 : i32
        %sign3A_418 = arith.extui %sign3A_417 : i1 to i32
        %sign3A_419 = arith.constant 0 : i32
        %sign3A_420 = arith.cmpi slt, %jit3A_407, %sign3A_419 : i32
        %sign3A_421 = arith.extui %sign3A_420 : i1 to i32
        %sign3A_422 = arith.subi %sign3A_418, %sign3A_421 : i32
        %ne3A_423 = arith.cmpi ne, %sign3A_415, %sign3A_422 : i32
        %rem3A_424 = arith.remsi %scan3A_124, %jit3A_407 : i32
        %ne3A_425 = arith.constant 0 : i32
        %ne3A_426 = arith.cmpi ne, %rem3A_424, %ne3A_425 : i32
        %and3A_427 = arith.andi %ne3A_423, %ne3A_426 : i1
        %sub3A_428 = arith.constant 1 : i32
        %sub3A_429 = arith.subi %div3A_408, %sub3A_428 : i32
        %select_n3A_430 = arith.select %and3A_427, %sub3A_429, %div3A_408 : i32
        %jit3A_431 = arith.constant 2 : i32
        %eq3A_432 = arith.constant 0 : i32
        %eq3A_433 = arith.cmpi eq, %jit3A_431, %eq3A_432 : i32
        %jit3A_434 = arith.constant 1 : i32
        %select_n3A_435 = arith.select %eq3A_433, %jit3A_434, %jit3A_431 : i32
        %rem3A_436 = arith.remsi %select_n3A_430, %select_n3A_435 : i32
        %ne3A_437 = arith.constant 0 : i32
        %ne3A_438 = arith.cmpi ne, %rem3A_436, %ne3A_437 : i32
        %lt3A_439 = arith.constant 0 : i32
        %lt3A_440 = arith.cmpi slt, %rem3A_436, %lt3A_439 : i32
        %lt3A_441 = arith.constant 0 : i32
        %lt3A_442 = arith.cmpi slt, %select_n3A_435, %lt3A_441 : i32
        %ne3A_443 = arith.xori %lt3A_440, %lt3A_442 : i1
        %and3A_444 = arith.andi %ne3A_443, %ne3A_438 : i1
        %add3A_445 = arith.addi %rem3A_436, %select_n3A_435 : i32
        %select_n3A_446 = arith.select %and3A_444, %add3A_445, %rem3A_436 : i32
        %eq3A_447 = arith.constant 1 : i32
        %eq3A_448 = arith.cmpi eq, %select_n3A_446, %eq3A_447 : i32
        %convert_element_type3A_449 = arith.extui %eq3A_448 : i1 to i32
        %cond3A_450 = arith.constant 0 : i32
        %cond3A_451 = arith.cmpi ne, %convert_element_type3A_449, %cond3A_450 : i32
        scf.if %cond3A_451 {
          %dma_start3A_452 = arith.constant 0 : i32
          %dma_start3A_453 = tpu.memref_slice %arg8[%select_n3A_361, %dma_start3A_452] : memref<5x80xi32, #tpu.memory_space<vmem>> -> memref<1x80xi32, #tpu.memory_space<vmem>>
          %dma_start3A_454 = tpu.memref_squeeze %dma_start3A_453 : memref<1x80xi32, #tpu.memory_space<vmem>> -> memref<80xi32, #tpu.memory_space<vmem>>
          %dma_start3A_455 = arith.constant 0 : i32
          %dma_start3A_456 = arith.constant 0 : i32
          %dma_start3A_457 = tpu.memref_slice %arg12[%dma_start3A_455, %dma_start3A_456] : memref<10000x128xf32, #tpu.memory_space<vmem_shared>> -> memref<10000x128xf32, #tpu.memory_space<vmem_shared>>
          tpu.enqueue_indirect_dma source(%arg9 : memref<80x128xf32, #tpu.memory_space<vmem>>) target(%dma_start3A_457 : memref<10000x128xf32, #tpu.memory_space<vmem_shared>>) offsets(%dma_start3A_454 : memref<80xi32, #tpu.memory_space<vmem>>) semaphore(%arg16 : memref<!tpu.dma_semaphore, #tpu.memory_space<semaphore_mem>>) {add = true}
        } else {
        }
      } else {
      }
      %jit3A_142 = arith.constant 3 : i32
      %eq3A_143 = arith.constant 0 : i32
      %eq3A_144 = arith.cmpi eq, %jit3A_142, %eq3A_143 : i32
      %jit3A_145 = arith.constant 1 : i32
      %select_n3A_146 = arith.select %eq3A_144, %jit3A_145, %jit3A_142 : i32
      %rem3A_147 = arith.remsi %scan3A_124, %select_n3A_146 : i32
      %ne3A_148 = arith.constant 0 : i32
      %ne3A_149 = arith.cmpi ne, %rem3A_147, %ne3A_148 : i32
      %lt3A_150 = arith.constant 0 : i32
      %lt3A_151 = arith.cmpi slt, %rem3A_147, %lt3A_150 : i32
      %lt3A_152 = arith.constant 0 : i32
      %lt3A_153 = arith.cmpi slt, %select_n3A_146, %lt3A_152 : i32
      %ne3A_154 = arith.xori %lt3A_151, %lt3A_153 : i1
      %and3A_155 = arith.andi %ne3A_154, %ne3A_149 : i1
      %add3A_156 = arith.addi %rem3A_147, %select_n3A_146 : i32
      %select_n3A_157 = arith.select %and3A_155, %add3A_156, %rem3A_147 : i32
      %eq3A_158 = arith.constant 1 : i32
      %eq3A_159 = arith.cmpi eq, %select_n3A_157, %eq3A_158 : i32
      %convert_element_type3A_160 = arith.extui %eq3A_159 : i1 to i32
      %cond3A_161 = arith.constant 0 : i32
      %cond3A_162 = arith.cmpi ne, %convert_element_type3A_160, %cond3A_161 : i32
      scf.if %cond3A_162 {
        %gt3A = arith.constant 0 : i32
        %gt3A_185 = arith.cmpi sgt, %scan3A_124, %gt3A : i32
        %convert_element_type3A_186 = arith.extui %gt3A_185 : i1 to i32
        %cond3A_187 = arith.constant 0 : i32
        %cond3A_188 = arith.cmpi ne, %convert_element_type3A_186, %cond3A_187 : i32
        scf.if %cond3A_188 {
          %dma_wait3A_452 = arith.constant 0 : i32
          %dma_wait3A_453 = arith.constant 0 : i32
          %dma_wait3A_454 = tpu.memref_slice %arg7[%dma_wait3A_452, %dma_wait3A_453] : memref<5x80xi32, #tpu.memory_space<vmem>> -> memref<1x80xi32, #tpu.memory_space<vmem>>
          %dma_wait3A_455 = tpu.memref_squeeze %dma_wait3A_454 : memref<1x80xi32, #tpu.memory_space<vmem>> -> memref<80xi32, #tpu.memory_space<vmem>>
          %dma_wait3A_456 = arith.constant 0 : i32
          %dma_wait3A_457 = arith.constant 0 : i32
          %dma_wait3A_458 = tpu.memref_slice %arg12[%dma_wait3A_456, %dma_wait3A_457] : memref<10000x128xf32, #tpu.memory_space<vmem_shared>> -> memref<10000x128xf32, #tpu.memory_space<vmem_shared>>
          tpu.wait_indirect_dma semaphore(%arg16 : memref<!tpu.dma_semaphore, #tpu.memory_space<semaphore_mem>>) src(%arg9 : memref<80x128xf32, #tpu.memory_space<vmem>>) dst(%dma_wait3A_458 : memref<10000x128xf32, #tpu.memory_space<vmem_shared>>)
        } else {
        }
        %jit3A_189 = arith.constant 5 : i32
        %eq3A_190 = arith.constant 0 : i32
        %eq3A_191 = arith.cmpi eq, %jit3A_189, %eq3A_190 : i32
        %jit3A_192 = arith.constant 1 : i32
        %select_n3A_193 = arith.select %eq3A_191, %jit3A_192, %jit3A_189 : i32
        %rem3A_194 = arith.remsi %scan3A_124, %select_n3A_193 : i32
        %ne3A_195 = arith.constant 0 : i32
        %ne3A_196 = arith.cmpi ne, %rem3A_194, %ne3A_195 : i32
        %lt3A_197 = arith.constant 0 : i32
        %lt3A_198 = arith.cmpi slt, %rem3A_194, %lt3A_197 : i32
        %lt3A_199 = arith.constant 0 : i32
        %lt3A_200 = arith.cmpi slt, %select_n3A_193, %lt3A_199 : i32
        %ne3A_201 = arith.xori %lt3A_198, %lt3A_200 : i1
        %and3A_202 = arith.andi %ne3A_201, %ne3A_196 : i1
        %add3A_203 = arith.addi %rem3A_194, %select_n3A_193 : i32
        %select_n3A_204 = arith.select %and3A_202, %add3A_203, %rem3A_194 : i32
        %eq3A_205 = arith.constant 0 : i32
        %eq3A_206 = arith.cmpi eq, %select_n3A_204, %eq3A_205 : i32
        %gt3A_207 = arith.constant 0 : i32
        %gt3A_208 = arith.cmpi sgt, %scan3A_124, %gt3A_207 : i32
        %and3A_209 = arith.andi %eq3A_206, %gt3A_208 : i1
        %convert_element_type3A_210 = arith.extui %and3A_209 : i1 to i32
        %cond3A_211 = arith.constant 0 : i32
        %cond3A_212 = arith.cmpi ne, %convert_element_type3A_210, %cond3A_211 : i32
        scf.if %cond3A_212 {
          %jit3A_452 = arith.constant 5 : i32
          %div3A_453 = arith.divsi %scan3A_124, %jit3A_452 : i32
          %sign3A_454 = arith.constant 0 : i32
          %sign3A_455 = arith.cmpi sgt, %scan3A_124, %sign3A_454 : i32
          %sign3A_456 = arith.extui %sign3A_455 : i1 to i32
          %sign3A_457 = arith.constant 0 : i32
          %sign3A_458 = arith.cmpi slt, %scan3A_124, %sign3A_457 : i32
          %sign3A_459 = arith.extui %sign3A_458 : i1 to i32
          %sign3A_460 = arith.subi %sign3A_456, %sign3A_459 : i32
          %sign3A_461 = arith.constant 0 : i32
          %sign3A_462 = arith.cmpi sgt, %jit3A_452, %sign3A_461 : i32
          %sign3A_463 = arith.extui %sign3A_462 : i1 to i32
          %sign3A_464 = arith.constant 0 : i32
          %sign3A_465 = arith.cmpi slt, %jit3A_452, %sign3A_464 : i32
          %sign3A_466 = arith.extui %sign3A_465 : i1 to i32
          %sign3A_467 = arith.subi %sign3A_463, %sign3A_466 : i32
          %ne3A_468 = arith.cmpi ne, %sign3A_460, %sign3A_467 : i32
          %rem3A_469 = arith.remsi %scan3A_124, %jit3A_452 : i32
          %ne3A_470 = arith.constant 0 : i32
          %ne3A_471 = arith.cmpi ne, %rem3A_469, %ne3A_470 : i32
          %and3A_472 = arith.andi %ne3A_468, %ne3A_471 : i1
          %sub3A_473 = arith.constant 1 : i32
          %sub3A_474 = arith.subi %div3A_453, %sub3A_473 : i32
          %select_n3A_475 = arith.select %and3A_472, %sub3A_474, %div3A_453 : i32
          %add3A_476 = arith.constant 1 : i32
          %add3A_477 = arith.addi %select_n3A_475, %add3A_476 : i32
          %lt3A_478 = arith.constant 25 : i32
          %lt3A_479 = arith.cmpi slt, %add3A_477, %lt3A_478 : i32
          %convert_element_type3A_480 = arith.extui %lt3A_479 : i1 to i32
          %cond3A_481 = arith.constant 0 : i32
          %cond3A_482 = arith.cmpi ne, %convert_element_type3A_480, %cond3A_481 : i32
          scf.if %cond3A_482 {
            %jit3A_483 = arith.constant 2 : i32
            %eq3A_484 = arith.constant 0 : i32
            %eq3A_485 = arith.cmpi eq, %jit3A_483, %eq3A_484 : i32
            %jit3A_486 = arith.constant 1 : i32
            %select_n3A_487 = arith.select %eq3A_485, %jit3A_486, %jit3A_483 : i32
            %rem3A_488 = arith.remsi %add3A_477, %select_n3A_487 : i32
            %ne3A_489 = arith.constant 0 : i32
            %ne3A_490 = arith.cmpi ne, %rem3A_488, %ne3A_489 : i32
            %lt3A_491 = arith.constant 0 : i32
            %lt3A_492 = arith.cmpi slt, %rem3A_488, %lt3A_491 : i32
            %lt3A_493 = arith.constant 0 : i32
            %lt3A_494 = arith.cmpi slt, %select_n3A_487, %lt3A_493 : i32
            %ne3A_495 = arith.xori %lt3A_492, %lt3A_494 : i1
            %and3A_496 = arith.andi %ne3A_495, %ne3A_490 : i1
            %add3A_497 = arith.addi %rem3A_488, %select_n3A_487 : i32
            %select_n3A_498 = arith.select %and3A_496, %add3A_497, %rem3A_488 : i32
            %eq3A_499 = arith.constant 0 : i32
            %eq3A_500 = arith.cmpi eq, %select_n3A_498, %eq3A_499 : i32
            %convert_element_type3A_501 = arith.extui %eq3A_500 : i1 to i32
            %cond3A_502 = arith.constant 0 : i32
            %cond3A_503 = arith.cmpi ne, %convert_element_type3A_501, %cond3A_502 : i32
            scf.if %cond3A_503 {
              %dma_start3A_525 = arith.constant 0 : i32
              %dma_start3A_526 = arith.constant 0 : i32
              %dma_start3A_527 = arith.constant 0 : i32
              %dma_start3A_528 = tpu.memref_slice %arg3[%dma_start3A_525, %add3A, %add3A_477, %dma_start3A_526, %dma_start3A_527] : memref<2x32x25x5x80xi32, #tpu.memory_space<hbm>> -> memref<1x1x1x5x80xi32, #tpu.memory_space<hbm>>
              %dma_start3A_529 = tpu.memref_squeeze %dma_start3A_528 : memref<1x1x1x5x80xi32, #tpu.memory_space<hbm>> -> memref<5x80xi32, #tpu.memory_space<hbm>>
              %dma_start3A_530 = arith.constant 0 : i32
              %dma_start3A_531 = arith.constant 0 : i32
              %dma_start3A_532 = tpu.memref_slice %arg3[%dma_start3A_525, %add3A, %add3A_477, %dma_start3A_530, %dma_start3A_531] : memref<2x32x25x5x80xi32, #tpu.memory_space<hbm>> -> memref<1x1x1x5x80xi32, #tpu.memory_space<hbm>>
              %dma_start3A_533 = tpu.memref_squeeze %dma_start3A_532 : memref<1x1x1x5x80xi32, #tpu.memory_space<hbm>> -> memref<5x80xi32, #tpu.memory_space<hbm>>
              tpu.enqueue_dma source(%dma_start3A_533 : memref<5x80xi32, #tpu.memory_space<hbm>>) target(%arg5 : memref<5x80xi32, #tpu.memory_space<vmem>>) target_semaphore(%arg19 : memref<!tpu.dma_semaphore, #tpu.memory_space<semaphore_mem>>)
              %dma_start3A_534 = arith.constant 1 : i32
              %dma_start3A_535 = arith.constant 0 : i32
              %dma_start3A_536 = arith.constant 0 : i32
              %dma_start3A_537 = tpu.memref_slice %arg3[%dma_start3A_534, %add3A, %add3A_477, %dma_start3A_535, %dma_start3A_536] : memref<2x32x25x5x80xi32, #tpu.memory_space<hbm>> -> memref<1x1x1x5x80xi32, #tpu.memory_space<hbm>>
              %dma_start3A_538 = tpu.memref_squeeze %dma_start3A_537 : memref<1x1x1x5x80xi32, #tpu.memory_space<hbm>> -> memref<5x80xi32, #tpu.memory_space<hbm>>
              %dma_start3A_539 = arith.constant 0 : i32
              %dma_start3A_540 = arith.constant 0 : i32
              %dma_start3A_541 = tpu.memref_slice %arg3[%dma_start3A_534, %add3A, %add3A_477, %dma_start3A_539, %dma_start3A_540] : memref<2x32x25x5x80xi32, #tpu.memory_space<hbm>> -> memref<1x1x1x5x80xi32, #tpu.memory_space<hbm>>
              %dma_start3A_542 = tpu.memref_squeeze %dma_start3A_541 : memref<1x1x1x5x80xi32, #tpu.memory_space<hbm>> -> memref<5x80xi32, #tpu.memory_space<hbm>>
              tpu.enqueue_dma source(%dma_start3A_542 : memref<5x80xi32, #tpu.memory_space<hbm>>) target(%arg7 : memref<5x80xi32, #tpu.memory_space<vmem>>) target_semaphore(%arg19 : memref<!tpu.dma_semaphore, #tpu.memory_space<semaphore_mem>>)
            } else {
            }
            %jit3A_504 = arith.constant 2 : i32
            %eq3A_505 = arith.constant 0 : i32
            %eq3A_506 = arith.cmpi eq, %jit3A_504, %eq3A_505 : i32
            %jit3A_507 = arith.constant 1 : i32
            %select_n3A_508 = arith.select %eq3A_506, %jit3A_507, %jit3A_504 : i32
            %rem3A_509 = arith.remsi %add3A_477, %select_n3A_508 : i32
            %ne3A_510 = arith.constant 0 : i32
            %ne3A_511 = arith.cmpi ne, %rem3A_509, %ne3A_510 : i32
            %lt3A_512 = arith.constant 0 : i32
            %lt3A_513 = arith.cmpi slt, %rem3A_509, %lt3A_512 : i32
            %lt3A_514 = arith.constant 0 : i32
            %lt3A_515 = arith.cmpi slt, %select_n3A_508, %lt3A_514 : i32
            %ne3A_516 = arith.xori %lt3A_513, %lt3A_515 : i1
            %and3A_517 = arith.andi %ne3A_516, %ne3A_511 : i1
            %add3A_518 = arith.addi %rem3A_509, %select_n3A_508 : i32
            %select_n3A_519 = arith.select %and3A_517, %add3A_518, %rem3A_509 : i32
            %eq3A_520 = arith.constant 1 : i32
            %eq3A_521 = arith.cmpi eq, %select_n3A_519, %eq3A_520 : i32
            %convert_element_type3A_522 = arith.extui %eq3A_521 : i1 to i32
            %cond3A_523 = arith.constant 0 : i32
            %cond3A_524 = arith.cmpi ne, %convert_element_type3A_522, %cond3A_523 : i32
            scf.if %cond3A_524 {
              %dma_start3A_525 = arith.constant 0 : i32
              %dma_start3A_526 = arith.constant 0 : i32
              %dma_start3A_527 = arith.constant 0 : i32
              %dma_start3A_528 = tpu.memref_slice %arg3[%dma_start3A_525, %add3A, %add3A_477, %dma_start3A_526, %dma_start3A_527] : memref<2x32x25x5x80xi32, #tpu.memory_space<hbm>> -> memref<1x1x1x5x80xi32, #tpu.memory_space<hbm>>
              %dma_start3A_529 = tpu.memref_squeeze %dma_start3A_528 : memref<1x1x1x5x80xi32, #tpu.memory_space<hbm>> -> memref<5x80xi32, #tpu.memory_space<hbm>>
              %dma_start3A_530 = arith.constant 0 : i32
              %dma_start3A_531 = arith.constant 0 : i32
              %dma_start3A_532 = tpu.memref_slice %arg3[%dma_start3A_525, %add3A, %add3A_477, %dma_start3A_530, %dma_start3A_531] : memref<2x32x25x5x80xi32, #tpu.memory_space<hbm>> -> memref<1x1x1x5x80xi32, #tpu.memory_space<hbm>>
              %dma_start3A_533 = tpu.memref_squeeze %dma_start3A_532 : memref<1x1x1x5x80xi32, #tpu.memory_space<hbm>> -> memref<5x80xi32, #tpu.memory_space<hbm>>
              tpu.enqueue_dma source(%dma_start3A_533 : memref<5x80xi32, #tpu.memory_space<hbm>>) target(%arg6 : memref<5x80xi32, #tpu.memory_space<vmem>>) target_semaphore(%arg19 : memref<!tpu.dma_semaphore, #tpu.memory_space<semaphore_mem>>)
              %dma_start3A_534 = arith.constant 1 : i32
              %dma_start3A_535 = arith.constant 0 : i32
              %dma_start3A_536 = arith.constant 0 : i32
              %dma_start3A_537 = tpu.memref_slice %arg3[%dma_start3A_534, %add3A, %add3A_477, %dma_start3A_535, %dma_start3A_536] : memref<2x32x25x5x80xi32, #tpu.memory_space<hbm>> -> memref<1x1x1x5x80xi32, #tpu.memory_space<hbm>>
              %dma_start3A_538 = tpu.memref_squeeze %dma_start3A_537 : memref<1x1x1x5x80xi32, #tpu.memory_space<hbm>> -> memref<5x80xi32, #tpu.memory_space<hbm>>
              %dma_start3A_539 = arith.constant 0 : i32
              %dma_start3A_540 = arith.constant 0 : i32
              %dma_start3A_541 = tpu.memref_slice %arg3[%dma_start3A_534, %add3A, %add3A_477, %dma_start3A_539, %dma_start3A_540] : memref<2x32x25x5x80xi32, #tpu.memory_space<hbm>> -> memref<1x1x1x5x80xi32, #tpu.memory_space<hbm>>
              %dma_start3A_542 = tpu.memref_squeeze %dma_start3A_541 : memref<1x1x1x5x80xi32, #tpu.memory_space<hbm>> -> memref<5x80xi32, #tpu.memory_space<hbm>>
              tpu.enqueue_dma source(%dma_start3A_542 : memref<5x80xi32, #tpu.memory_space<hbm>>) target(%arg8 : memref<5x80xi32, #tpu.memory_space<vmem>>) target_semaphore(%arg19 : memref<!tpu.dma_semaphore, #tpu.memory_space<semaphore_mem>>)
            } else {
            }
          } else {
          }
        } else {
        }
        %jit3A_213 = arith.constant 5 : i32
        %eq3A_214 = arith.constant 0 : i32
        %eq3A_215 = arith.cmpi eq, %jit3A_213, %eq3A_214 : i32
        %jit3A_216 = arith.constant 1 : i32
        %select_n3A_217 = arith.select %eq3A_215, %jit3A_216, %jit3A_213 : i32
        %rem3A_218 = arith.remsi %scan3A_124, %select_n3A_217 : i32
        %ne3A_219 = arith.constant 0 : i32
        %ne3A_220 = arith.cmpi ne, %rem3A_218, %ne3A_219 : i32
        %lt3A_221 = arith.constant 0 : i32
        %lt3A_222 = arith.cmpi slt, %rem3A_218, %lt3A_221 : i32
        %lt3A_223 = arith.constant 0 : i32
        %lt3A_224 = arith.cmpi slt, %select_n3A_217, %lt3A_223 : i32
        %ne3A_225 = arith.xori %lt3A_222, %lt3A_224 : i1
        %and3A_226 = arith.andi %ne3A_225, %ne3A_220 : i1
        %add3A_227 = arith.addi %rem3A_218, %select_n3A_217 : i32
        %select_n3A_228 = arith.select %and3A_226, %add3A_227, %rem3A_218 : i32
        %eq3A_229 = arith.constant 3 : i32
        %eq3A_230 = arith.cmpi eq, %select_n3A_228, %eq3A_229 : i32
        %convert_element_type3A_231 = arith.extui %eq3A_230 : i1 to i32
        %cond3A_232 = arith.constant 0 : i32
        %cond3A_233 = arith.cmpi ne, %convert_element_type3A_231, %cond3A_232 : i32
        scf.if %cond3A_233 {
          %dma_wait3A_452 = arith.constant 0 : i32
          %dma_wait3A_453 = arith.constant 0 : i32
          %dma_wait3A_454 = arith.constant 0 : i32
          %dma_wait3A_455 = arith.constant 0 : i32
          %dma_wait3A_456 = tpu.memref_slice %arg3[%dma_wait3A_452, %add3A, %dma_wait3A_453, %dma_wait3A_454, %dma_wait3A_455] : memref<2x32x25x5x80xi32, #tpu.memory_space<hbm>> -> memref<1x1x1x5x80xi32, #tpu.memory_space<hbm>>
          %dma_wait3A_457 = tpu.memref_squeeze %dma_wait3A_456 : memref<1x1x1x5x80xi32, #tpu.memory_space<hbm>> -> memref<5x80xi32, #tpu.memory_space<hbm>>
          %dma_wait3A_458 = arith.constant 0 : i32
          %dma_wait3A_459 = arith.constant 0 : i32
          %dma_wait3A_460 = tpu.memref_slice %arg3[%dma_wait3A_452, %add3A, %dma_wait3A_453, %dma_wait3A_458, %dma_wait3A_459] : memref<2x32x25x5x80xi32, #tpu.memory_space<hbm>> -> memref<1x1x1x5x80xi32, #tpu.memory_space<hbm>>
          %dma_wait3A_461 = tpu.memref_squeeze %dma_wait3A_460 : memref<1x1x1x5x80xi32, #tpu.memory_space<hbm>> -> memref<5x80xi32, #tpu.memory_space<hbm>>
          tpu.wait_dma2 semaphore(%arg19 : memref<!tpu.dma_semaphore, #tpu.memory_space<semaphore_mem>>) src(%dma_wait3A_461 : memref<5x80xi32, #tpu.memory_space<hbm>>) dst(%arg5 : memref<5x80xi32, #tpu.memory_space<vmem>>)
          %dma_wait3A_462 = arith.constant 1 : i32
          %dma_wait3A_463 = arith.constant 0 : i32
          %dma_wait3A_464 = arith.constant 0 : i32
          %dma_wait3A_465 = arith.constant 0 : i32
          %dma_wait3A_466 = tpu.memref_slice %arg3[%dma_wait3A_462, %add3A, %dma_wait3A_463, %dma_wait3A_464, %dma_wait3A_465] : memref<2x32x25x5x80xi32, #tpu.memory_space<hbm>> -> memref<1x1x1x5x80xi32, #tpu.memory_space<hbm>>
          %dma_wait3A_467 = tpu.memref_squeeze %dma_wait3A_466 : memref<1x1x1x5x80xi32, #tpu.memory_space<hbm>> -> memref<5x80xi32, #tpu.memory_space<hbm>>
          %dma_wait3A_468 = arith.constant 0 : i32
          %dma_wait3A_469 = arith.constant 0 : i32
          %dma_wait3A_470 = tpu.memref_slice %arg3[%dma_wait3A_462, %add3A, %dma_wait3A_463, %dma_wait3A_468, %dma_wait3A_469] : memref<2x32x25x5x80xi32, #tpu.memory_space<hbm>> -> memref<1x1x1x5x80xi32, #tpu.memory_space<hbm>>
          %dma_wait3A_471 = tpu.memref_squeeze %dma_wait3A_470 : memref<1x1x1x5x80xi32, #tpu.memory_space<hbm>> -> memref<5x80xi32, #tpu.memory_space<hbm>>
          tpu.wait_dma2 semaphore(%arg19 : memref<!tpu.dma_semaphore, #tpu.memory_space<semaphore_mem>>) src(%dma_wait3A_471 : memref<5x80xi32, #tpu.memory_space<hbm>>) dst(%arg7 : memref<5x80xi32, #tpu.memory_space<vmem>>)
        } else {
        }
        %add3A_234 = arith.constant 2 : i32
        %add3A_235 = arith.addi %scan3A_124, %add3A_234 : i32
        %jit3A_236 = arith.constant 5 : i32
        %eq3A_237 = arith.constant 0 : i32
        %eq3A_238 = arith.cmpi eq, %jit3A_236, %eq3A_237 : i32
        %jit3A_239 = arith.constant 1 : i32
        %select_n3A_240 = arith.select %eq3A_238, %jit3A_239, %jit3A_236 : i32
        %rem3A_241 = arith.remsi %add3A_235, %select_n3A_240 : i32
        %ne3A_242 = arith.constant 0 : i32
        %ne3A_243 = arith.cmpi ne, %rem3A_241, %ne3A_242 : i32
        %lt3A_244 = arith.constant 0 : i32
        %lt3A_245 = arith.cmpi slt, %rem3A_241, %lt3A_244 : i32
        %lt3A_246 = arith.constant 0 : i32
        %lt3A_247 = arith.cmpi slt, %select_n3A_240, %lt3A_246 : i32
        %ne3A_248 = arith.xori %lt3A_245, %lt3A_247 : i1
        %and3A_249 = arith.andi %ne3A_248, %ne3A_243 : i1
        %add3A_250 = arith.addi %rem3A_241, %select_n3A_240 : i32
        %select_n3A_251 = arith.select %and3A_249, %add3A_250, %rem3A_241 : i32
        %jit3A_252 = arith.constant 5 : i32
        %div3A = arith.divsi %add3A_235, %jit3A_252 : i32
        %sign3A = arith.constant 0 : i32
        %sign3A_253 = arith.cmpi sgt, %add3A_235, %sign3A : i32
        %sign3A_254 = arith.extui %sign3A_253 : i1 to i32
        %sign3A_255 = arith.constant 0 : i32
        %sign3A_256 = arith.cmpi slt, %add3A_235, %sign3A_255 : i32
        %sign3A_257 = arith.extui %sign3A_256 : i1 to i32
        %sign3A_258 = arith.subi %sign3A_254, %sign3A_257 : i32
        %sign3A_259 = arith.constant 0 : i32
        %sign3A_260 = arith.cmpi sgt, %jit3A_252, %sign3A_259 : i32
        %sign3A_261 = arith.extui %sign3A_260 : i1 to i32
        %sign3A_262 = arith.constant 0 : i32
        %sign3A_263 = arith.cmpi slt, %jit3A_252, %sign3A_262 : i32
        %sign3A_264 = arith.extui %sign3A_263 : i1 to i32
        %sign3A_265 = arith.subi %sign3A_261, %sign3A_264 : i32
        %ne3A_266 = arith.cmpi ne, %sign3A_258, %sign3A_265 : i32
        %rem3A_267 = arith.remsi %add3A_235, %jit3A_252 : i32
        %ne3A_268 = arith.constant 0 : i32
        %ne3A_269 = arith.cmpi ne, %rem3A_267, %ne3A_268 : i32
        %and3A_270 = arith.andi %ne3A_266, %ne3A_269 : i1
        %sub3A = arith.constant 1 : i32
        %sub3A_271 = arith.subi %div3A, %sub3A : i32
        %select_n3A_272 = arith.select %and3A_270, %sub3A_271, %div3A : i32
        %jit3A_273 = arith.constant 2 : i32
        %eq3A_274 = arith.constant 0 : i32
        %eq3A_275 = arith.cmpi eq, %jit3A_273, %eq3A_274 : i32
        %jit3A_276 = arith.constant 1 : i32
        %select_n3A_277 = arith.select %eq3A_275, %jit3A_276, %jit3A_273 : i32
        %rem3A_278 = arith.remsi %select_n3A_272, %select_n3A_277 : i32
        %ne3A_279 = arith.constant 0 : i32
        %ne3A_280 = arith.cmpi ne, %rem3A_278, %ne3A_279 : i32
        %lt3A_281 = arith.constant 0 : i32
        %lt3A_282 = arith.cmpi slt, %rem3A_278, %lt3A_281 : i32
        %lt3A_283 = arith.constant 0 : i32
        %lt3A_284 = arith.cmpi slt, %select_n3A_277, %lt3A_283 : i32
        %ne3A_285 = arith.xori %lt3A_282, %lt3A_284 : i1
        %and3A_286 = arith.andi %ne3A_285, %ne3A_280 : i1
        %add3A_287 = arith.addi %rem3A_278, %select_n3A_277 : i32
        %select_n3A_288 = arith.select %and3A_286, %add3A_287, %rem3A_278 : i32
        %eq3A_289 = arith.constant 0 : i32
        %eq3A_290 = arith.cmpi eq, %select_n3A_288, %eq3A_289 : i32
        %convert_element_type3A_291 = arith.extui %eq3A_290 : i1 to i32
        %cond3A_292 = arith.constant 0 : i32
        %cond3A_293 = arith.cmpi ne, %convert_element_type3A_291, %cond3A_292 : i32
        scf.if %cond3A_293 {
          %dma_start3A_452 = arith.constant 0 : i32
          %dma_start3A_453 = tpu.memref_slice %arg5[%select_n3A_251, %dma_start3A_452] : memref<5x80xi32, #tpu.memory_space<vmem>> -> memref<1x80xi32, #tpu.memory_space<vmem>>
          %dma_start3A_454 = tpu.memref_squeeze %dma_start3A_453 : memref<1x80xi32, #tpu.memory_space<vmem>> -> memref<80xi32, #tpu.memory_space<vmem>>
          %dma_start3A_455 = arith.constant 0 : i32
          %dma_start3A_456 = arith.constant 0 : i32
          %dma_start3A_457 = tpu.memref_slice %arg2[%dma_start3A_455, %dma_start3A_456] : memref<10000x128xf32, #tpu.memory_space<hbm>> -> memref<10000x128xf32, #tpu.memory_space<hbm>>
          tpu.enqueue_indirect_dma source(%dma_start3A_457 : memref<10000x128xf32, #tpu.memory_space<hbm>>) target(%arg9 : memref<80x128xf32, #tpu.memory_space<vmem>>) offsets(%dma_start3A_454 : memref<80xi32, #tpu.memory_space<vmem>>) semaphore(%arg13 : memref<!tpu.dma_semaphore, #tpu.memory_space<semaphore_mem>>)
        } else {
        }
        %jit3A_294 = arith.constant 5 : i32
        %div3A_295 = arith.divsi %add3A_235, %jit3A_294 : i32
        %sign3A_296 = arith.constant 0 : i32
        %sign3A_297 = arith.cmpi sgt, %add3A_235, %sign3A_296 : i32
        %sign3A_298 = arith.extui %sign3A_297 : i1 to i32
        %sign3A_299 = arith.constant 0 : i32
        %sign3A_300 = arith.cmpi slt, %add3A_235, %sign3A_299 : i32
        %sign3A_301 = arith.extui %sign3A_300 : i1 to i32
        %sign3A_302 = arith.subi %sign3A_298, %sign3A_301 : i32
        %sign3A_303 = arith.constant 0 : i32
        %sign3A_304 = arith.cmpi sgt, %jit3A_294, %sign3A_303 : i32
        %sign3A_305 = arith.extui %sign3A_304 : i1 to i32
        %sign3A_306 = arith.constant 0 : i32
        %sign3A_307 = arith.cmpi slt, %jit3A_294, %sign3A_306 : i32
        %sign3A_308 = arith.extui %sign3A_307 : i1 to i32
        %sign3A_309 = arith.subi %sign3A_305, %sign3A_308 : i32
        %ne3A_310 = arith.cmpi ne, %sign3A_302, %sign3A_309 : i32
        %rem3A_311 = arith.remsi %add3A_235, %jit3A_294 : i32
        %ne3A_312 = arith.constant 0 : i32
        %ne3A_313 = arith.cmpi ne, %rem3A_311, %ne3A_312 : i32
        %and3A_314 = arith.andi %ne3A_310, %ne3A_313 : i1
        %sub3A_315 = arith.constant 1 : i32
        %sub3A_316 = arith.subi %div3A_295, %sub3A_315 : i32
        %select_n3A_317 = arith.select %and3A_314, %sub3A_316, %div3A_295 : i32
        %jit3A_318 = arith.constant 2 : i32
        %eq3A_319 = arith.constant 0 : i32
        %eq3A_320 = arith.cmpi eq, %jit3A_318, %eq3A_319 : i32
        %jit3A_321 = arith.constant 1 : i32
        %select_n3A_322 = arith.select %eq3A_320, %jit3A_321, %jit3A_318 : i32
        %rem3A_323 = arith.remsi %select_n3A_317, %select_n3A_322 : i32
        %ne3A_324 = arith.constant 0 : i32
        %ne3A_325 = arith.cmpi ne, %rem3A_323, %ne3A_324 : i32
        %lt3A_326 = arith.constant 0 : i32
        %lt3A_327 = arith.cmpi slt, %rem3A_323, %lt3A_326 : i32
        %lt3A_328 = arith.constant 0 : i32
        %lt3A_329 = arith.cmpi slt, %select_n3A_322, %lt3A_328 : i32
        %ne3A_330 = arith.xori %lt3A_327, %lt3A_329 : i1
        %and3A_331 = arith.andi %ne3A_330, %ne3A_325 : i1
        %add3A_332 = arith.addi %rem3A_323, %select_n3A_322 : i32
        %select_n3A_333 = arith.select %and3A_331, %add3A_332, %rem3A_323 : i32
        %eq3A_334 = arith.constant 1 : i32
        %eq3A_335 = arith.cmpi eq, %select_n3A_333, %eq3A_334 : i32
        %convert_element_type3A_336 = arith.extui %eq3A_335 : i1 to i32
        %cond3A_337 = arith.constant 0 : i32
        %cond3A_338 = arith.cmpi ne, %convert_element_type3A_336, %cond3A_337 : i32
        scf.if %cond3A_338 {
          %dma_start3A_452 = arith.constant 0 : i32
          %dma_start3A_453 = tpu.memref_slice %arg6[%select_n3A_251, %dma_start3A_452] : memref<5x80xi32, #tpu.memory_space<vmem>> -> memref<1x80xi32, #tpu.memory_space<vmem>>
          %dma_start3A_454 = tpu.memref_squeeze %dma_start3A_453 : memref<1x80xi32, #tpu.memory_space<vmem>> -> memref<80xi32, #tpu.memory_space<vmem>>
          %dma_start3A_455 = arith.constant 0 : i32
          %dma_start3A_456 = arith.constant 0 : i32
          %dma_start3A_457 = tpu.memref_slice %arg2[%dma_start3A_455, %dma_start3A_456] : memref<10000x128xf32, #tpu.memory_space<hbm>> -> memref<10000x128xf32, #tpu.memory_space<hbm>>
          tpu.enqueue_indirect_dma source(%dma_start3A_457 : memref<10000x128xf32, #tpu.memory_space<hbm>>) target(%arg9 : memref<80x128xf32, #tpu.memory_space<vmem>>) offsets(%dma_start3A_454 : memref<80xi32, #tpu.memory_space<vmem>>) semaphore(%arg13 : memref<!tpu.dma_semaphore, #tpu.memory_space<semaphore_mem>>)
        } else {
        }
        %dma_wait3A_339 = arith.constant 0 : i32
        %dma_wait3A_340 = arith.constant 0 : i32
        %dma_wait3A_341 = tpu.memref_slice %arg5[%dma_wait3A_339, %dma_wait3A_340] : memref<5x80xi32, #tpu.memory_space<vmem>> -> memref<1x80xi32, #tpu.memory_space<vmem>>
        %dma_wait3A_342 = tpu.memref_squeeze %dma_wait3A_341 : memref<1x80xi32, #tpu.memory_space<vmem>> -> memref<80xi32, #tpu.memory_space<vmem>>
        %dma_wait3A_343 = arith.constant 0 : i32
        %dma_wait3A_344 = arith.constant 0 : i32
        %dma_wait3A_345 = tpu.memref_slice %arg2[%dma_wait3A_343, %dma_wait3A_344] : memref<10000x128xf32, #tpu.memory_space<hbm>> -> memref<10000x128xf32, #tpu.memory_space<hbm>>
        tpu.wait_indirect_dma semaphore(%arg14 : memref<!tpu.dma_semaphore, #tpu.memory_space<semaphore_mem>>) src(%dma_wait3A_345 : memref<10000x128xf32, #tpu.memory_space<hbm>>) dst(%arg10 : memref<80x128xf32, #tpu.memory_space<vmem>>)
        %jit3A_346 = arith.constant 5 : i32
        %eq3A_347 = arith.constant 0 : i32
        %eq3A_348 = arith.cmpi eq, %jit3A_346, %eq3A_347 : i32
        %jit3A_349 = arith.constant 1 : i32
        %select_n3A_350 = arith.select %eq3A_348, %jit3A_349, %jit3A_346 : i32
        %rem3A_351 = arith.remsi %scan3A_124, %select_n3A_350 : i32
        %ne3A_352 = arith.constant 0 : i32
        %ne3A_353 = arith.cmpi ne, %rem3A_351, %ne3A_352 : i32
        %lt3A_354 = arith.constant 0 : i32
        %lt3A_355 = arith.cmpi slt, %rem3A_351, %lt3A_354 : i32
        %lt3A_356 = arith.constant 0 : i32
        %lt3A_357 = arith.cmpi slt, %select_n3A_350, %lt3A_356 : i32
        %ne3A_358 = arith.xori %lt3A_355, %lt3A_357 : i1
        %and3A_359 = arith.andi %ne3A_358, %ne3A_353 : i1
        %add3A_360 = arith.addi %rem3A_351, %select_n3A_350 : i32
        %select_n3A_361 = arith.select %and3A_359, %add3A_360, %rem3A_351 : i32
        %jit3A_362 = arith.constant 5 : i32
        %div3A_363 = arith.divsi %scan3A_124, %jit3A_362 : i32
        %sign3A_364 = arith.constant 0 : i32
        %sign3A_365 = arith.cmpi sgt, %scan3A_124, %sign3A_364 : i32
        %sign3A_366 = arith.extui %sign3A_365 : i1 to i32
        %sign3A_367 = arith.constant 0 : i32
        %sign3A_368 = arith.cmpi slt, %scan3A_124, %sign3A_367 : i32
        %sign3A_369 = arith.extui %sign3A_368 : i1 to i32
        %sign3A_370 = arith.subi %sign3A_366, %sign3A_369 : i32
        %sign3A_371 = arith.constant 0 : i32
        %sign3A_372 = arith.cmpi sgt, %jit3A_362, %sign3A_371 : i32
        %sign3A_373 = arith.extui %sign3A_372 : i1 to i32
        %sign3A_374 = arith.constant 0 : i32
        %sign3A_375 = arith.cmpi slt, %jit3A_362, %sign3A_374 : i32
        %sign3A_376 = arith.extui %sign3A_375 : i1 to i32
        %sign3A_377 = arith.subi %sign3A_373, %sign3A_376 : i32
        %ne3A_378 = arith.cmpi ne, %sign3A_370, %sign3A_377 : i32
        %rem3A_379 = arith.remsi %scan3A_124, %jit3A_362 : i32
        %ne3A_380 = arith.constant 0 : i32
        %ne3A_381 = arith.cmpi ne, %rem3A_379, %ne3A_380 : i32
        %and3A_382 = arith.andi %ne3A_378, %ne3A_381 : i1
        %sub3A_383 = arith.constant 1 : i32
        %sub3A_384 = arith.subi %div3A_363, %sub3A_383 : i32
        %select_n3A_385 = arith.select %and3A_382, %sub3A_384, %div3A_363 : i32
        %jit3A_386 = arith.constant 2 : i32
        %eq3A_387 = arith.constant 0 : i32
        %eq3A_388 = arith.cmpi eq, %jit3A_386, %eq3A_387 : i32
        %jit3A_389 = arith.constant 1 : i32
        %select_n3A_390 = arith.select %eq3A_388, %jit3A_389, %jit3A_386 : i32
        %rem3A_391 = arith.remsi %select_n3A_385, %select_n3A_390 : i32
        %ne3A_392 = arith.constant 0 : i32
        %ne3A_393 = arith.cmpi ne, %rem3A_391, %ne3A_392 : i32
        %lt3A_394 = arith.constant 0 : i32
        %lt3A_395 = arith.cmpi slt, %rem3A_391, %lt3A_394 : i32
        %lt3A_396 = arith.constant 0 : i32
        %lt3A_397 = arith.cmpi slt, %select_n3A_390, %lt3A_396 : i32
        %ne3A_398 = arith.xori %lt3A_395, %lt3A_397 : i1
        %and3A_399 = arith.andi %ne3A_398, %ne3A_393 : i1
        %add3A_400 = arith.addi %rem3A_391, %select_n3A_390 : i32
        %select_n3A_401 = arith.select %and3A_399, %add3A_400, %rem3A_391 : i32
        %eq3A_402 = arith.constant 0 : i32
        %eq3A_403 = arith.cmpi eq, %select_n3A_401, %eq3A_402 : i32
        %convert_element_type3A_404 = arith.extui %eq3A_403 : i1 to i32
        %cond3A_405 = arith.constant 0 : i32
        %cond3A_406 = arith.cmpi ne, %convert_element_type3A_404, %cond3A_405 : i32
        scf.if %cond3A_406 {
          %dma_start3A_452 = arith.constant 0 : i32
          %dma_start3A_453 = tpu.memref_slice %arg7[%select_n3A_361, %dma_start3A_452] : memref<5x80xi32, #tpu.memory_space<vmem>> -> memref<1x80xi32, #tpu.memory_space<vmem>>
          %dma_start3A_454 = tpu.memref_squeeze %dma_start3A_453 : memref<1x80xi32, #tpu.memory_space<vmem>> -> memref<80xi32, #tpu.memory_space<vmem>>
          %dma_start3A_455 = arith.constant 0 : i32
          %dma_start3A_456 = arith.constant 0 : i32
          %dma_start3A_457 = tpu.memref_slice %arg12[%dma_start3A_455, %dma_start3A_456] : memref<10000x128xf32, #tpu.memory_space<vmem_shared>> -> memref<10000x128xf32, #tpu.memory_space<vmem_shared>>
          tpu.enqueue_indirect_dma source(%arg10 : memref<80x128xf32, #tpu.memory_space<vmem>>) target(%dma_start3A_457 : memref<10000x128xf32, #tpu.memory_space<vmem_shared>>) offsets(%dma_start3A_454 : memref<80xi32, #tpu.memory_space<vmem>>) semaphore(%arg17 : memref<!tpu.dma_semaphore, #tpu.memory_space<semaphore_mem>>) {add = true}
        } else {
        }
        %jit3A_407 = arith.constant 5 : i32
        %div3A_408 = arith.divsi %scan3A_124, %jit3A_407 : i32
        %sign3A_409 = arith.constant 0 : i32
        %sign3A_410 = arith.cmpi sgt, %scan3A_124, %sign3A_409 : i32
        %sign3A_411 = arith.extui %sign3A_410 : i1 to i32
        %sign3A_412 = arith.constant 0 : i32
        %sign3A_413 = arith.cmpi slt, %scan3A_124, %sign3A_412 : i32
        %sign3A_414 = arith.extui %sign3A_413 : i1 to i32
        %sign3A_415 = arith.subi %sign3A_411, %sign3A_414 : i32
        %sign3A_416 = arith.constant 0 : i32
        %sign3A_417 = arith.cmpi sgt, %jit3A_407, %sign3A_416 : i32
        %sign3A_418 = arith.extui %sign3A_417 : i1 to i32
        %sign3A_419 = arith.constant 0 : i32
        %sign3A_420 = arith.cmpi slt, %jit3A_407, %sign3A_419 : i32
        %sign3A_421 = arith.extui %sign3A_420 : i1 to i32
        %sign3A_422 = arith.subi %sign3A_418, %sign3A_421 : i32
        %ne3A_423 = arith.cmpi ne, %sign3A_415, %sign3A_422 : i32
        %rem3A_424 = arith.remsi %scan3A_124, %jit3A_407 : i32
        %ne3A_425 = arith.constant 0 : i32
        %ne3A_426 = arith.cmpi ne, %rem3A_424, %ne3A_425 : i32
        %and3A_427 = arith.andi %ne3A_423, %ne3A_426 : i1
        %sub3A_428 = arith.constant 1 : i32
        %sub3A_429 = arith.subi %div3A_408, %sub3A_428 : i32
        %select_n3A_430 = arith.select %and3A_427, %sub3A_429, %div3A_408 : i32
        %jit3A_431 = arith.constant 2 : i32
        %eq3A_432 = arith.constant 0 : i32
        %eq3A_433 = arith.cmpi eq, %jit3A_431, %eq3A_432 : i32
        %jit3A_434 = arith.constant 1 : i32
        %select_n3A_435 = arith.select %eq3A_433, %jit3A_434, %jit3A_431 : i32
        %rem3A_436 = arith.remsi %select_n3A_430, %select_n3A_435 : i32
        %ne3A_437 = arith.constant 0 : i32
        %ne3A_438 = arith.cmpi ne, %rem3A_436, %ne3A_437 : i32
        %lt3A_439 = arith.constant 0 : i32
        %lt3A_440 = arith.cmpi slt, %rem3A_436, %lt3A_439 : i32
        %lt3A_441 = arith.constant 0 : i32
        %lt3A_442 = arith.cmpi slt, %select_n3A_435, %lt3A_441 : i32
        %ne3A_443 = arith.xori %lt3A_440, %lt3A_442 : i1
        %and3A_444 = arith.andi %ne3A_443, %ne3A_438 : i1
        %add3A_445 = arith.addi %rem3A_436, %select_n3A_435 : i32
        %select_n3A_446 = arith.select %and3A_444, %add3A_445, %rem3A_436 : i32
        %eq3A_447 = arith.constant 1 : i32
        %eq3A_448 = arith.cmpi eq, %select_n3A_446, %eq3A_447 : i32
        %convert_element_type3A_449 = arith.extui %eq3A_448 : i1 to i32
        %cond3A_450 = arith.constant 0 : i32
        %cond3A_451 = arith.cmpi ne, %convert_element_type3A_449, %cond3A_450 : i32
        scf.if %cond3A_451 {
          %dma_start3A_452 = arith.constant 0 : i32
          %dma_start3A_453 = tpu.memref_slice %arg8[%select_n3A_361, %dma_start3A_452] : memref<5x80xi32, #tpu.memory_space<vmem>> -> memref<1x80xi32, #tpu.memory_space<vmem>>
          %dma_start3A_454 = tpu.memref_squeeze %dma_start3A_453 : memref<1x80xi32, #tpu.memory_space<vmem>> -> memref<80xi32, #tpu.memory_space<vmem>>
          %dma_start3A_455 = arith.constant 0 : i32
          %dma_start3A_456 = arith.constant 0 : i32
          %dma_start3A_457 = tpu.memref_slice %arg12[%dma_start3A_455, %dma_start3A_456] : memref<10000x128xf32, #tpu.memory_space<vmem_shared>> -> memref<10000x128xf32, #tpu.memory_space<vmem_shared>>
          tpu.enqueue_indirect_dma source(%arg10 : memref<80x128xf32, #tpu.memory_space<vmem>>) target(%dma_start3A_457 : memref<10000x128xf32, #tpu.memory_space<vmem_shared>>) offsets(%dma_start3A_454 : memref<80xi32, #tpu.memory_space<vmem>>) semaphore(%arg17 : memref<!tpu.dma_semaphore, #tpu.memory_space<semaphore_mem>>) {add = true}
        } else {
        }
      } else {
      }
      %jit3A_163 = arith.constant 3 : i32
      %eq3A_164 = arith.constant 0 : i32
      %eq3A_165 = arith.cmpi eq, %jit3A_163, %eq3A_164 : i32
      %jit3A_166 = arith.constant 1 : i32
      %select_n3A_167 = arith.select %eq3A_165, %jit3A_166, %jit3A_163 : i32
      %rem3A_168 = arith.remsi %scan3A_124, %select_n3A_167 : i32
      %ne3A_169 = arith.constant 0 : i32
      %ne3A_170 = arith.cmpi ne, %rem3A_168, %ne3A_169 : i32
      %lt3A_171 = arith.constant 0 : i32
      %lt3A_172 = arith.cmpi slt, %rem3A_168, %lt3A_171 : i32
      %lt3A_173 = arith.constant 0 : i32
      %lt3A_174 = arith.cmpi slt, %select_n3A_167, %lt3A_173 : i32
      %ne3A_175 = arith.xori %lt3A_172, %lt3A_174 : i1
      %and3A_176 = arith.andi %ne3A_175, %ne3A_170 : i1
      %add3A_177 = arith.addi %rem3A_168, %select_n3A_167 : i32
      %select_n3A_178 = arith.select %and3A_176, %add3A_177, %rem3A_168 : i32
      %eq3A_179 = arith.constant 2 : i32
      %eq3A_180 = arith.cmpi eq, %select_n3A_178, %eq3A_179 : i32
      %convert_element_type3A_181 = arith.extui %eq3A_180 : i1 to i32
      %cond3A_182 = arith.constant 0 : i32
      %cond3A_183 = arith.cmpi ne, %convert_element_type3A_181, %cond3A_182 : i32
      scf.if %cond3A_183 {
        %gt3A = arith.constant 0 : i32
        %gt3A_185 = arith.cmpi sgt, %scan3A_124, %gt3A : i32
        %convert_element_type3A_186 = arith.extui %gt3A_185 : i1 to i32
        %cond3A_187 = arith.constant 0 : i32
        %cond3A_188 = arith.cmpi ne, %convert_element_type3A_186, %cond3A_187 : i32
        scf.if %cond3A_188 {
          %dma_wait3A_452 = arith.constant 0 : i32
          %dma_wait3A_453 = arith.constant 0 : i32
          %dma_wait3A_454 = tpu.memref_slice %arg7[%dma_wait3A_452, %dma_wait3A_453] : memref<5x80xi32, #tpu.memory_space<vmem>> -> memref<1x80xi32, #tpu.memory_space<vmem>>
          %dma_wait3A_455 = tpu.memref_squeeze %dma_wait3A_454 : memref<1x80xi32, #tpu.memory_space<vmem>> -> memref<80xi32, #tpu.memory_space<vmem>>
          %dma_wait3A_456 = arith.constant 0 : i32
          %dma_wait3A_457 = arith.constant 0 : i32
          %dma_wait3A_458 = tpu.memref_slice %arg12[%dma_wait3A_456, %dma_wait3A_457] : memref<10000x128xf32, #tpu.memory_space<vmem_shared>> -> memref<10000x128xf32, #tpu.memory_space<vmem_shared>>
          tpu.wait_indirect_dma semaphore(%arg17 : memref<!tpu.dma_semaphore, #tpu.memory_space<semaphore_mem>>) src(%arg10 : memref<80x128xf32, #tpu.memory_space<vmem>>) dst(%dma_wait3A_458 : memref<10000x128xf32, #tpu.memory_space<vmem_shared>>)
        } else {
        }
        %jit3A_189 = arith.constant 5 : i32
        %eq3A_190 = arith.constant 0 : i32
        %eq3A_191 = arith.cmpi eq, %jit3A_189, %eq3A_190 : i32
        %jit3A_192 = arith.constant 1 : i32
        %select_n3A_193 = arith.select %eq3A_191, %jit3A_192, %jit3A_189 : i32
        %rem3A_194 = arith.remsi %scan3A_124, %select_n3A_193 : i32
        %ne3A_195 = arith.constant 0 : i32
        %ne3A_196 = arith.cmpi ne, %rem3A_194, %ne3A_195 : i32
        %lt3A_197 = arith.constant 0 : i32
        %lt3A_198 = arith.cmpi slt, %rem3A_194, %lt3A_197 : i32
        %lt3A_199 = arith.constant 0 : i32
        %lt3A_200 = arith.cmpi slt, %select_n3A_193, %lt3A_199 : i32
        %ne3A_201 = arith.xori %lt3A_198, %lt3A_200 : i1
        %and3A_202 = arith.andi %ne3A_201, %ne3A_196 : i1
        %add3A_203 = arith.addi %rem3A_194, %select_n3A_193 : i32
        %select_n3A_204 = arith.select %and3A_202, %add3A_203, %rem3A_194 : i32
        %eq3A_205 = arith.constant 0 : i32
        %eq3A_206 = arith.cmpi eq, %select_n3A_204, %eq3A_205 : i32
        %gt3A_207 = arith.constant 0 : i32
        %gt3A_208 = arith.cmpi sgt, %scan3A_124, %gt3A_207 : i32
        %and3A_209 = arith.andi %eq3A_206, %gt3A_208 : i1
        %convert_element_type3A_210 = arith.extui %and3A_209 : i1 to i32
        %cond3A_211 = arith.constant 0 : i32
        %cond3A_212 = arith.cmpi ne, %convert_element_type3A_210, %cond3A_211 : i32
        scf.if %cond3A_212 {
          %jit3A_452 = arith.constant 5 : i32
          %div3A_453 = arith.divsi %scan3A_124, %jit3A_452 : i32
          %sign3A_454 = arith.constant 0 : i32
          %sign3A_455 = arith.cmpi sgt, %scan3A_124, %sign3A_454 : i32
          %sign3A_456 = arith.extui %sign3A_455 : i1 to i32
          %sign3A_457 = arith.constant 0 : i32
          %sign3A_458 = arith.cmpi slt, %scan3A_124, %sign3A_457 : i32
          %sign3A_459 = arith.extui %sign3A_458 : i1 to i32
          %sign3A_460 = arith.subi %sign3A_456, %sign3A_459 : i32
          %sign3A_461 = arith.constant 0 : i32
          %sign3A_462 = arith.cmpi sgt, %jit3A_452, %sign3A_461 : i32
          %sign3A_463 = arith.extui %sign3A_462 : i1 to i32
          %sign3A_464 = arith.constant 0 : i32
          %sign3A_465 = arith.cmpi slt, %jit3A_452, %sign3A_464 : i32
          %sign3A_466 = arith.extui %sign3A_465 : i1 to i32
          %sign3A_467 = arith.subi %sign3A_463, %sign3A_466 : i32
          %ne3A_468 = arith.cmpi ne, %sign3A_460, %sign3A_467 : i32
          %rem3A_469 = arith.remsi %scan3A_124, %jit3A_452 : i32
          %ne3A_470 = arith.constant 0 : i32
          %ne3A_471 = arith.cmpi ne, %rem3A_469, %ne3A_470 : i32
          %and3A_472 = arith.andi %ne3A_468, %ne3A_471 : i1
          %sub3A_473 = arith.constant 1 : i32
          %sub3A_474 = arith.subi %div3A_453, %sub3A_473 : i32
          %select_n3A_475 = arith.select %and3A_472, %sub3A_474, %div3A_453 : i32
          %add3A_476 = arith.constant 1 : i32
          %add3A_477 = arith.addi %select_n3A_475, %add3A_476 : i32
          %lt3A_478 = arith.constant 25 : i32
          %lt3A_479 = arith.cmpi slt, %add3A_477, %lt3A_478 : i32
          %convert_element_type3A_480 = arith.extui %lt3A_479 : i1 to i32
          %cond3A_481 = arith.constant 0 : i32
          %cond3A_482 = arith.cmpi ne, %convert_element_type3A_480, %cond3A_481 : i32
          scf.if %cond3A_482 {
            %jit3A_483 = arith.constant 2 : i32
            %eq3A_484 = arith.constant 0 : i32
            %eq3A_485 = arith.cmpi eq, %jit3A_483, %eq3A_484 : i32
            %jit3A_486 = arith.constant 1 : i32
            %select_n3A_487 = arith.select %eq3A_485, %jit3A_486, %jit3A_483 : i32
            %rem3A_488 = arith.remsi %add3A_477, %select_n3A_487 : i32
            %ne3A_489 = arith.constant 0 : i32
            %ne3A_490 = arith.cmpi ne, %rem3A_488, %ne3A_489 : i32
            %lt3A_491 = arith.constant 0 : i32
            %lt3A_492 = arith.cmpi slt, %rem3A_488, %lt3A_491 : i32
            %lt3A_493 = arith.constant 0 : i32
            %lt3A_494 = arith.cmpi slt, %select_n3A_487, %lt3A_493 : i32
            %ne3A_495 = arith.xori %lt3A_492, %lt3A_494 : i1
            %and3A_496 = arith.andi %ne3A_495, %ne3A_490 : i1
            %add3A_497 = arith.addi %rem3A_488, %select_n3A_487 : i32
            %select_n3A_498 = arith.select %and3A_496, %add3A_497, %rem3A_488 : i32
            %eq3A_499 = arith.constant 0 : i32
            %eq3A_500 = arith.cmpi eq, %select_n3A_498, %eq3A_499 : i32
            %convert_element_type3A_501 = arith.extui %eq3A_500 : i1 to i32
            %cond3A_502 = arith.constant 0 : i32
            %cond3A_503 = arith.cmpi ne, %convert_element_type3A_501, %cond3A_502 : i32
            scf.if %cond3A_503 {
              %dma_start3A_525 = arith.constant 0 : i32
              %dma_start3A_526 = arith.constant 0 : i32
              %dma_start3A_527 = arith.constant 0 : i32
              %dma_start3A_528 = tpu.memref_slice %arg3[%dma_start3A_525, %add3A, %add3A_477, %dma_start3A_526, %dma_start3A_527] : memref<2x32x25x5x80xi32, #tpu.memory_space<hbm>> -> memref<1x1x1x5x80xi32, #tpu.memory_space<hbm>>
              %dma_start3A_529 = tpu.memref_squeeze %dma_start3A_528 : memref<1x1x1x5x80xi32, #tpu.memory_space<hbm>> -> memref<5x80xi32, #tpu.memory_space<hbm>>
              %dma_start3A_530 = arith.constant 0 : i32
              %dma_start3A_531 = arith.constant 0 : i32
              %dma_start3A_532 = tpu.memref_slice %arg3[%dma_start3A_525, %add3A, %add3A_477, %dma_start3A_530, %dma_start3A_531] : memref<2x32x25x5x80xi32, #tpu.memory_space<hbm>> -> memref<1x1x1x5x80xi32, #tpu.memory_space<hbm>>
              %dma_start3A_533 = tpu.memref_squeeze %dma_start3A_532 : memref<1x1x1x5x80xi32, #tpu.memory_space<hbm>> -> memref<5x80xi32, #tpu.memory_space<hbm>>
              tpu.enqueue_dma source(%dma_start3A_533 : memref<5x80xi32, #tpu.memory_space<hbm>>) target(%arg5 : memref<5x80xi32, #tpu.memory_space<vmem>>) target_semaphore(%arg19 : memref<!tpu.dma_semaphore, #tpu.memory_space<semaphore_mem>>)
              %dma_start3A_534 = arith.constant 1 : i32
              %dma_start3A_535 = arith.constant 0 : i32
              %dma_start3A_536 = arith.constant 0 : i32
              %dma_start3A_537 = tpu.memref_slice %arg3[%dma_start3A_534, %add3A, %add3A_477, %dma_start3A_535, %dma_start3A_536] : memref<2x32x25x5x80xi32, #tpu.memory_space<hbm>> -> memref<1x1x1x5x80xi32, #tpu.memory_space<hbm>>
              %dma_start3A_538 = tpu.memref_squeeze %dma_start3A_537 : memref<1x1x1x5x80xi32, #tpu.memory_space<hbm>> -> memref<5x80xi32, #tpu.memory_space<hbm>>
              %dma_start3A_539 = arith.constant 0 : i32
              %dma_start3A_540 = arith.constant 0 : i32
              %dma_start3A_541 = tpu.memref_slice %arg3[%dma_start3A_534, %add3A, %add3A_477, %dma_start3A_539, %dma_start3A_540] : memref<2x32x25x5x80xi32, #tpu.memory_space<hbm>> -> memref<1x1x1x5x80xi32, #tpu.memory_space<hbm>>
              %dma_start3A_542 = tpu.memref_squeeze %dma_start3A_541 : memref<1x1x1x5x80xi32, #tpu.memory_space<hbm>> -> memref<5x80xi32, #tpu.memory_space<hbm>>
              tpu.enqueue_dma source(%dma_start3A_542 : memref<5x80xi32, #tpu.memory_space<hbm>>) target(%arg7 : memref<5x80xi32, #tpu.memory_space<vmem>>) target_semaphore(%arg19 : memref<!tpu.dma_semaphore, #tpu.memory_space<semaphore_mem>>)
            } else {
            }
            %jit3A_504 = arith.constant 2 : i32
            %eq3A_505 = arith.constant 0 : i32
            %eq3A_506 = arith.cmpi eq, %jit3A_504, %eq3A_505 : i32
            %jit3A_507 = arith.constant 1 : i32
            %select_n3A_508 = arith.select %eq3A_506, %jit3A_507, %jit3A_504 : i32
            %rem3A_509 = arith.remsi %add3A_477, %select_n3A_508 : i32
            %ne3A_510 = arith.constant 0 : i32
            %ne3A_511 = arith.cmpi ne, %rem3A_509, %ne3A_510 : i32
            %lt3A_512 = arith.constant 0 : i32
            %lt3A_513 = arith.cmpi slt, %rem3A_509, %lt3A_512 : i32
            %lt3A_514 = arith.constant 0 : i32
            %lt3A_515 = arith.cmpi slt, %select_n3A_508, %lt3A_514 : i32
            %ne3A_516 = arith.xori %lt3A_513, %lt3A_515 : i1
            %and3A_517 = arith.andi %ne3A_516, %ne3A_511 : i1
            %add3A_518 = arith.addi %rem3A_509, %select_n3A_508 : i32
            %select_n3A_519 = arith.select %and3A_517, %add3A_518, %rem3A_509 : i32
            %eq3A_520 = arith.constant 1 : i32
            %eq3A_521 = arith.cmpi eq, %select_n3A_519, %eq3A_520 : i32
            %convert_element_type3A_522 = arith.extui %eq3A_521 : i1 to i32
            %cond3A_523 = arith.constant 0 : i32
            %cond3A_524 = arith.cmpi ne, %convert_element_type3A_522, %cond3A_523 : i32
            scf.if %cond3A_524 {
              %dma_start3A_525 = arith.constant 0 : i32
              %dma_start3A_526 = arith.constant 0 : i32
              %dma_start3A_527 = arith.constant 0 : i32
              %dma_start3A_528 = tpu.memref_slice %arg3[%dma_start3A_525, %add3A, %add3A_477, %dma_start3A_526, %dma_start3A_527] : memref<2x32x25x5x80xi32, #tpu.memory_space<hbm>> -> memref<1x1x1x5x80xi32, #tpu.memory_space<hbm>>
              %dma_start3A_529 = tpu.memref_squeeze %dma_start3A_528 : memref<1x1x1x5x80xi32, #tpu.memory_space<hbm>> -> memref<5x80xi32, #tpu.memory_space<hbm>>
              %dma_start3A_530 = arith.constant 0 : i32
              %dma_start3A_531 = arith.constant 0 : i32
              %dma_start3A_532 = tpu.memref_slice %arg3[%dma_start3A_525, %add3A, %add3A_477, %dma_start3A_530, %dma_start3A_531] : memref<2x32x25x5x80xi32, #tpu.memory_space<hbm>> -> memref<1x1x1x5x80xi32, #tpu.memory_space<hbm>>
              %dma_start3A_533 = tpu.memref_squeeze %dma_start3A_532 : memref<1x1x1x5x80xi32, #tpu.memory_space<hbm>> -> memref<5x80xi32, #tpu.memory_space<hbm>>
              tpu.enqueue_dma source(%dma_start3A_533 : memref<5x80xi32, #tpu.memory_space<hbm>>) target(%arg6 : memref<5x80xi32, #tpu.memory_space<vmem>>) target_semaphore(%arg19 : memref<!tpu.dma_semaphore, #tpu.memory_space<semaphore_mem>>)
              %dma_start3A_534 = arith.constant 1 : i32
              %dma_start3A_535 = arith.constant 0 : i32
              %dma_start3A_536 = arith.constant 0 : i32
              %dma_start3A_537 = tpu.memref_slice %arg3[%dma_start3A_534, %add3A, %add3A_477, %dma_start3A_535, %dma_start3A_536] : memref<2x32x25x5x80xi32, #tpu.memory_space<hbm>> -> memref<1x1x1x5x80xi32, #tpu.memory_space<hbm>>
              %dma_start3A_538 = tpu.memref_squeeze %dma_start3A_537 : memref<1x1x1x5x80xi32, #tpu.memory_space<hbm>> -> memref<5x80xi32, #tpu.memory_space<hbm>>
              %dma_start3A_539 = arith.constant 0 : i32
              %dma_start3A_540 = arith.constant 0 : i32
              %dma_start3A_541 = tpu.memref_slice %arg3[%dma_start3A_534, %add3A, %add3A_477, %dma_start3A_539, %dma_start3A_540] : memref<2x32x25x5x80xi32, #tpu.memory_space<hbm>> -> memref<1x1x1x5x80xi32, #tpu.memory_space<hbm>>
              %dma_start3A_542 = tpu.memref_squeeze %dma_start3A_541 : memref<1x1x1x5x80xi32, #tpu.memory_space<hbm>> -> memref<5x80xi32, #tpu.memory_space<hbm>>
              tpu.enqueue_dma source(%dma_start3A_542 : memref<5x80xi32, #tpu.memory_space<hbm>>) target(%arg8 : memref<5x80xi32, #tpu.memory_space<vmem>>) target_semaphore(%arg19 : memref<!tpu.dma_semaphore, #tpu.memory_space<semaphore_mem>>)
            } else {
            }
          } else {
          }
        } else {
        }
        %jit3A_213 = arith.constant 5 : i32
        %eq3A_214 = arith.constant 0 : i32
        %eq3A_215 = arith.cmpi eq, %jit3A_213, %eq3A_214 : i32
        %jit3A_216 = arith.constant 1 : i32
        %select_n3A_217 = arith.select %eq3A_215, %jit3A_216, %jit3A_213 : i32
        %rem3A_218 = arith.remsi %scan3A_124, %select_n3A_217 : i32
        %ne3A_219 = arith.constant 0 : i32
        %ne3A_220 = arith.cmpi ne, %rem3A_218, %ne3A_219 : i32
        %lt3A_221 = arith.constant 0 : i32
        %lt3A_222 = arith.cmpi slt, %rem3A_218, %lt3A_221 : i32
        %lt3A_223 = arith.constant 0 : i32
        %lt3A_224 = arith.cmpi slt, %select_n3A_217, %lt3A_223 : i32
        %ne3A_225 = arith.xori %lt3A_222, %lt3A_224 : i1
        %and3A_226 = arith.andi %ne3A_225, %ne3A_220 : i1
        %add3A_227 = arith.addi %rem3A_218, %select_n3A_217 : i32
        %select_n3A_228 = arith.select %and3A_226, %add3A_227, %rem3A_218 : i32
        %eq3A_229 = arith.constant 3 : i32
        %eq3A_230 = arith.cmpi eq, %select_n3A_228, %eq3A_229 : i32
        %convert_element_type3A_231 = arith.extui %eq3A_230 : i1 to i32
        %cond3A_232 = arith.constant 0 : i32
        %cond3A_233 = arith.cmpi ne, %convert_element_type3A_231, %cond3A_232 : i32
        scf.if %cond3A_233 {
          %dma_wait3A_452 = arith.constant 0 : i32
          %dma_wait3A_453 = arith.constant 0 : i32
          %dma_wait3A_454 = arith.constant 0 : i32
          %dma_wait3A_455 = arith.constant 0 : i32
          %dma_wait3A_456 = tpu.memref_slice %arg3[%dma_wait3A_452, %add3A, %dma_wait3A_453, %dma_wait3A_454, %dma_wait3A_455] : memref<2x32x25x5x80xi32, #tpu.memory_space<hbm>> -> memref<1x1x1x5x80xi32, #tpu.memory_space<hbm>>
          %dma_wait3A_457 = tpu.memref_squeeze %dma_wait3A_456 : memref<1x1x1x5x80xi32, #tpu.memory_space<hbm>> -> memref<5x80xi32, #tpu.memory_space<hbm>>
          %dma_wait3A_458 = arith.constant 0 : i32
          %dma_wait3A_459 = arith.constant 0 : i32
          %dma_wait3A_460 = tpu.memref_slice %arg3[%dma_wait3A_452, %add3A, %dma_wait3A_453, %dma_wait3A_458, %dma_wait3A_459] : memref<2x32x25x5x80xi32, #tpu.memory_space<hbm>> -> memref<1x1x1x5x80xi32, #tpu.memory_space<hbm>>
          %dma_wait3A_461 = tpu.memref_squeeze %dma_wait3A_460 : memref<1x1x1x5x80xi32, #tpu.memory_space<hbm>> -> memref<5x80xi32, #tpu.memory_space<hbm>>
          tpu.wait_dma2 semaphore(%arg19 : memref<!tpu.dma_semaphore, #tpu.memory_space<semaphore_mem>>) src(%dma_wait3A_461 : memref<5x80xi32, #tpu.memory_space<hbm>>) dst(%arg5 : memref<5x80xi32, #tpu.memory_space<vmem>>)
          %dma_wait3A_462 = arith.constant 1 : i32
          %dma_wait3A_463 = arith.constant 0 : i32
          %dma_wait3A_464 = arith.constant 0 : i32
          %dma_wait3A_465 = arith.constant 0 : i32
          %dma_wait3A_466 = tpu.memref_slice %arg3[%dma_wait3A_462, %add3A, %dma_wait3A_463, %dma_wait3A_464, %dma_wait3A_465] : memref<2x32x25x5x80xi32, #tpu.memory_space<hbm>> -> memref<1x1x1x5x80xi32, #tpu.memory_space<hbm>>
          %dma_wait3A_467 = tpu.memref_squeeze %dma_wait3A_466 : memref<1x1x1x5x80xi32, #tpu.memory_space<hbm>> -> memref<5x80xi32, #tpu.memory_space<hbm>>
          %dma_wait3A_468 = arith.constant 0 : i32
          %dma_wait3A_469 = arith.constant 0 : i32
          %dma_wait3A_470 = tpu.memref_slice %arg3[%dma_wait3A_462, %add3A, %dma_wait3A_463, %dma_wait3A_468, %dma_wait3A_469] : memref<2x32x25x5x80xi32, #tpu.memory_space<hbm>> -> memref<1x1x1x5x80xi32, #tpu.memory_space<hbm>>
          %dma_wait3A_471 = tpu.memref_squeeze %dma_wait3A_470 : memref<1x1x1x5x80xi32, #tpu.memory_space<hbm>> -> memref<5x80xi32, #tpu.memory_space<hbm>>
          tpu.wait_dma2 semaphore(%arg19 : memref<!tpu.dma_semaphore, #tpu.memory_space<semaphore_mem>>) src(%dma_wait3A_471 : memref<5x80xi32, #tpu.memory_space<hbm>>) dst(%arg7 : memref<5x80xi32, #tpu.memory_space<vmem>>)
        } else {
        }
        %add3A_234 = arith.constant 2 : i32
        %add3A_235 = arith.addi %scan3A_124, %add3A_234 : i32
        %jit3A_236 = arith.constant 5 : i32
        %eq3A_237 = arith.constant 0 : i32
        %eq3A_238 = arith.cmpi eq, %jit3A_236, %eq3A_237 : i32
        %jit3A_239 = arith.constant 1 : i32
        %select_n3A_240 = arith.select %eq3A_238, %jit3A_239, %jit3A_236 : i32
        %rem3A_241 = arith.remsi %add3A_235, %select_n3A_240 : i32
        %ne3A_242 = arith.constant 0 : i32
        %ne3A_243 = arith.cmpi ne, %rem3A_241, %ne3A_242 : i32
        %lt3A_244 = arith.constant 0 : i32
        %lt3A_245 = arith.cmpi slt, %rem3A_241, %lt3A_244 : i32
        %lt3A_246 = arith.constant 0 : i32
        %lt3A_247 = arith.cmpi slt, %select_n3A_240, %lt3A_246 : i32
        %ne3A_248 = arith.xori %lt3A_245, %lt3A_247 : i1
        %and3A_249 = arith.andi %ne3A_248, %ne3A_243 : i1
        %add3A_250 = arith.addi %rem3A_241, %select_n3A_240 : i32
        %select_n3A_251 = arith.select %and3A_249, %add3A_250, %rem3A_241 : i32
        %jit3A_252 = arith.constant 5 : i32
        %div3A = arith.divsi %add3A_235, %jit3A_252 : i32
        %sign3A = arith.constant 0 : i32
        %sign3A_253 = arith.cmpi sgt, %add3A_235, %sign3A : i32
        %sign3A_254 = arith.extui %sign3A_253 : i1 to i32
        %sign3A_255 = arith.constant 0 : i32
        %sign3A_256 = arith.cmpi slt, %add3A_235, %sign3A_255 : i32
        %sign3A_257 = arith.extui %sign3A_256 : i1 to i32
        %sign3A_258 = arith.subi %sign3A_254, %sign3A_257 : i32
        %sign3A_259 = arith.constant 0 : i32
        %sign3A_260 = arith.cmpi sgt, %jit3A_252, %sign3A_259 : i32
        %sign3A_261 = arith.extui %sign3A_260 : i1 to i32
        %sign3A_262 = arith.constant 0 : i32
        %sign3A_263 = arith.cmpi slt, %jit3A_252, %sign3A_262 : i32
        %sign3A_264 = arith.extui %sign3A_263 : i1 to i32
        %sign3A_265 = arith.subi %sign3A_261, %sign3A_264 : i32
        %ne3A_266 = arith.cmpi ne, %sign3A_258, %sign3A_265 : i32
        %rem3A_267 = arith.remsi %add3A_235, %jit3A_252 : i32
        %ne3A_268 = arith.constant 0 : i32
        %ne3A_269 = arith.cmpi ne, %rem3A_267, %ne3A_268 : i32
        %and3A_270 = arith.andi %ne3A_266, %ne3A_269 : i1
        %sub3A = arith.constant 1 : i32
        %sub3A_271 = arith.subi %div3A, %sub3A : i32
        %select_n3A_272 = arith.select %and3A_270, %sub3A_271, %div3A : i32
        %jit3A_273 = arith.constant 2 : i32
        %eq3A_274 = arith.constant 0 : i32
        %eq3A_275 = arith.cmpi eq, %jit3A_273, %eq3A_274 : i32
        %jit3A_276 = arith.constant 1 : i32
        %select_n3A_277 = arith.select %eq3A_275, %jit3A_276, %jit3A_273 : i32
        %rem3A_278 = arith.remsi %select_n3A_272, %select_n3A_277 : i32
        %ne3A_279 = arith.constant 0 : i32
        %ne3A_280 = arith.cmpi ne, %rem3A_278, %ne3A_279 : i32
        %lt3A_281 = arith.constant 0 : i32
        %lt3A_282 = arith.cmpi slt, %rem3A_278, %lt3A_281 : i32
        %lt3A_283 = arith.constant 0 : i32
        %lt3A_284 = arith.cmpi slt, %select_n3A_277, %lt3A_283 : i32
        %ne3A_285 = arith.xori %lt3A_282, %lt3A_284 : i1
        %and3A_286 = arith.andi %ne3A_285, %ne3A_280 : i1
        %add3A_287 = arith.addi %rem3A_278, %select_n3A_277 : i32
        %select_n3A_288 = arith.select %and3A_286, %add3A_287, %rem3A_278 : i32
        %eq3A_289 = arith.constant 0 : i32
        %eq3A_290 = arith.cmpi eq, %select_n3A_288, %eq3A_289 : i32
        %convert_element_type3A_291 = arith.extui %eq3A_290 : i1 to i32
        %cond3A_292 = arith.constant 0 : i32
        %cond3A_293 = arith.cmpi ne, %convert_element_type3A_291, %cond3A_292 : i32
        scf.if %cond3A_293 {
          %dma_start3A_452 = arith.constant 0 : i32
          %dma_start3A_453 = tpu.memref_slice %arg5[%select_n3A_251, %dma_start3A_452] : memref<5x80xi32, #tpu.memory_space<vmem>> -> memref<1x80xi32, #tpu.memory_space<vmem>>
          %dma_start3A_454 = tpu.memref_squeeze %dma_start3A_453 : memref<1x80xi32, #tpu.memory_space<vmem>> -> memref<80xi32, #tpu.memory_space<vmem>>
          %dma_start3A_455 = arith.constant 0 : i32
          %dma_start3A_456 = arith.constant 0 : i32
          %dma_start3A_457 = tpu.memref_slice %arg2[%dma_start3A_455, %dma_start3A_456] : memref<10000x128xf32, #tpu.memory_space<hbm>> -> memref<10000x128xf32, #tpu.memory_space<hbm>>
          tpu.enqueue_indirect_dma source(%dma_start3A_457 : memref<10000x128xf32, #tpu.memory_space<hbm>>) target(%arg10 : memref<80x128xf32, #tpu.memory_space<vmem>>) offsets(%dma_start3A_454 : memref<80xi32, #tpu.memory_space<vmem>>) semaphore(%arg14 : memref<!tpu.dma_semaphore, #tpu.memory_space<semaphore_mem>>)
        } else {
        }
        %jit3A_294 = arith.constant 5 : i32
        %div3A_295 = arith.divsi %add3A_235, %jit3A_294 : i32
        %sign3A_296 = arith.constant 0 : i32
        %sign3A_297 = arith.cmpi sgt, %add3A_235, %sign3A_296 : i32
        %sign3A_298 = arith.extui %sign3A_297 : i1 to i32
        %sign3A_299 = arith.constant 0 : i32
        %sign3A_300 = arith.cmpi slt, %add3A_235, %sign3A_299 : i32
        %sign3A_301 = arith.extui %sign3A_300 : i1 to i32
        %sign3A_302 = arith.subi %sign3A_298, %sign3A_301 : i32
        %sign3A_303 = arith.constant 0 : i32
        %sign3A_304 = arith.cmpi sgt, %jit3A_294, %sign3A_303 : i32
        %sign3A_305 = arith.extui %sign3A_304 : i1 to i32
        %sign3A_306 = arith.constant 0 : i32
        %sign3A_307 = arith.cmpi slt, %jit3A_294, %sign3A_306 : i32
        %sign3A_308 = arith.extui %sign3A_307 : i1 to i32
        %sign3A_309 = arith.subi %sign3A_305, %sign3A_308 : i32
        %ne3A_310 = arith.cmpi ne, %sign3A_302, %sign3A_309 : i32
        %rem3A_311 = arith.remsi %add3A_235, %jit3A_294 : i32
        %ne3A_312 = arith.constant 0 : i32
        %ne3A_313 = arith.cmpi ne, %rem3A_311, %ne3A_312 : i32
        %and3A_314 = arith.andi %ne3A_310, %ne3A_313 : i1
        %sub3A_315 = arith.constant 1 : i32
        %sub3A_316 = arith.subi %div3A_295, %sub3A_315 : i32
        %select_n3A_317 = arith.select %and3A_314, %sub3A_316, %div3A_295 : i32
        %jit3A_318 = arith.constant 2 : i32
        %eq3A_319 = arith.constant 0 : i32
        %eq3A_320 = arith.cmpi eq, %jit3A_318, %eq3A_319 : i32
        %jit3A_321 = arith.constant 1 : i32
        %select_n3A_322 = arith.select %eq3A_320, %jit3A_321, %jit3A_318 : i32
        %rem3A_323 = arith.remsi %select_n3A_317, %select_n3A_322 : i32
        %ne3A_324 = arith.constant 0 : i32
        %ne3A_325 = arith.cmpi ne, %rem3A_323, %ne3A_324 : i32
        %lt3A_326 = arith.constant 0 : i32
        %lt3A_327 = arith.cmpi slt, %rem3A_323, %lt3A_326 : i32
        %lt3A_328 = arith.constant 0 : i32
        %lt3A_329 = arith.cmpi slt, %select_n3A_322, %lt3A_328 : i32
        %ne3A_330 = arith.xori %lt3A_327, %lt3A_329 : i1
        %and3A_331 = arith.andi %ne3A_330, %ne3A_325 : i1
        %add3A_332 = arith.addi %rem3A_323, %select_n3A_322 : i32
        %select_n3A_333 = arith.select %and3A_331, %add3A_332, %rem3A_323 : i32
        %eq3A_334 = arith.constant 1 : i32
        %eq3A_335 = arith.cmpi eq, %select_n3A_333, %eq3A_334 : i32
        %convert_element_type3A_336 = arith.extui %eq3A_335 : i1 to i32
        %cond3A_337 = arith.constant 0 : i32
        %cond3A_338 = arith.cmpi ne, %convert_element_type3A_336, %cond3A_337 : i32
        scf.if %cond3A_338 {
          %dma_start3A_452 = arith.constant 0 : i32
          %dma_start3A_453 = tpu.memref_slice %arg6[%select_n3A_251, %dma_start3A_452] : memref<5x80xi32, #tpu.memory_space<vmem>> -> memref<1x80xi32, #tpu.memory_space<vmem>>
          %dma_start3A_454 = tpu.memref_squeeze %dma_start3A_453 : memref<1x80xi32, #tpu.memory_space<vmem>> -> memref<80xi32, #tpu.memory_space<vmem>>
          %dma_start3A_455 = arith.constant 0 : i32
          %dma_start3A_456 = arith.constant 0 : i32
          %dma_start3A_457 = tpu.memref_slice %arg2[%dma_start3A_455, %dma_start3A_456] : memref<10000x128xf32, #tpu.memory_space<hbm>> -> memref<10000x128xf32, #tpu.memory_space<hbm>>
          tpu.enqueue_indirect_dma source(%dma_start3A_457 : memref<10000x128xf32, #tpu.memory_space<hbm>>) target(%arg10 : memref<80x128xf32, #tpu.memory_space<vmem>>) offsets(%dma_start3A_454 : memref<80xi32, #tpu.memory_space<vmem>>) semaphore(%arg14 : memref<!tpu.dma_semaphore, #tpu.memory_space<semaphore_mem>>)
        } else {
        }
        %dma_wait3A_339 = arith.constant 0 : i32
        %dma_wait3A_340 = arith.constant 0 : i32
        %dma_wait3A_341 = tpu.memref_slice %arg5[%dma_wait3A_339, %dma_wait3A_340] : memref<5x80xi32, #tpu.memory_space<vmem>> -> memref<1x80xi32, #tpu.memory_space<vmem>>
        %dma_wait3A_342 = tpu.memref_squeeze %dma_wait3A_341 : memref<1x80xi32, #tpu.memory_space<vmem>> -> memref<80xi32, #tpu.memory_space<vmem>>
        %dma_wait3A_343 = arith.constant 0 : i32
        %dma_wait3A_344 = arith.constant 0 : i32
        %dma_wait3A_345 = tpu.memref_slice %arg2[%dma_wait3A_343, %dma_wait3A_344] : memref<10000x128xf32, #tpu.memory_space<hbm>> -> memref<10000x128xf32, #tpu.memory_space<hbm>>
        tpu.wait_indirect_dma semaphore(%arg15 : memref<!tpu.dma_semaphore, #tpu.memory_space<semaphore_mem>>) src(%dma_wait3A_345 : memref<10000x128xf32, #tpu.memory_space<hbm>>) dst(%arg11 : memref<80x128xf32, #tpu.memory_space<vmem>>)
        %jit3A_346 = arith.constant 5 : i32
        %eq3A_347 = arith.constant 0 : i32
        %eq3A_348 = arith.cmpi eq, %jit3A_346, %eq3A_347 : i32
        %jit3A_349 = arith.constant 1 : i32
        %select_n3A_350 = arith.select %eq3A_348, %jit3A_349, %jit3A_346 : i32
        %rem3A_351 = arith.remsi %scan3A_124, %select_n3A_350 : i32
        %ne3A_352 = arith.constant 0 : i32
        %ne3A_353 = arith.cmpi ne, %rem3A_351, %ne3A_352 : i32
        %lt3A_354 = arith.constant 0 : i32
        %lt3A_355 = arith.cmpi slt, %rem3A_351, %lt3A_354 : i32
        %lt3A_356 = arith.constant 0 : i32
        %lt3A_357 = arith.cmpi slt, %select_n3A_350, %lt3A_356 : i32
        %ne3A_358 = arith.xori %lt3A_355, %lt3A_357 : i1
        %and3A_359 = arith.andi %ne3A_358, %ne3A_353 : i1
        %add3A_360 = arith.addi %rem3A_351, %select_n3A_350 : i32
        %select_n3A_361 = arith.select %and3A_359, %add3A_360, %rem3A_351 : i32
        %jit3A_362 = arith.constant 5 : i32
        %div3A_363 = arith.divsi %scan3A_124, %jit3A_362 : i32
        %sign3A_364 = arith.constant 0 : i32
        %sign3A_365 = arith.cmpi sgt, %scan3A_124, %sign3A_364 : i32
        %sign3A_366 = arith.extui %sign3A_365 : i1 to i32
        %sign3A_367 = arith.constant 0 : i32
        %sign3A_368 = arith.cmpi slt, %scan3A_124, %sign3A_367 : i32
        %sign3A_369 = arith.extui %sign3A_368 : i1 to i32
        %sign3A_370 = arith.subi %sign3A_366, %sign3A_369 : i32
        %sign3A_371 = arith.constant 0 : i32
        %sign3A_372 = arith.cmpi sgt, %jit3A_362, %sign3A_371 : i32
        %sign3A_373 = arith.extui %sign3A_372 : i1 to i32
        %sign3A_374 = arith.constant 0 : i32
        %sign3A_375 = arith.cmpi slt, %jit3A_362, %sign3A_374 : i32
        %sign3A_376 = arith.extui %sign3A_375 : i1 to i32
        %sign3A_377 = arith.subi %sign3A_373, %sign3A_376 : i32
        %ne3A_378 = arith.cmpi ne, %sign3A_370, %sign3A_377 : i32
        %rem3A_379 = arith.remsi %scan3A_124, %jit3A_362 : i32
        %ne3A_380 = arith.constant 0 : i32
        %ne3A_381 = arith.cmpi ne, %rem3A_379, %ne3A_380 : i32
        %and3A_382 = arith.andi %ne3A_378, %ne3A_381 : i1
        %sub3A_383 = arith.constant 1 : i32
        %sub3A_384 = arith.subi %div3A_363, %sub3A_383 : i32
        %select_n3A_385 = arith.select %and3A_382, %sub3A_384, %div3A_363 : i32
        %jit3A_386 = arith.constant 2 : i32
        %eq3A_387 = arith.constant 0 : i32
        %eq3A_388 = arith.cmpi eq, %jit3A_386, %eq3A_387 : i32
        %jit3A_389 = arith.constant 1 : i32
        %select_n3A_390 = arith.select %eq3A_388, %jit3A_389, %jit3A_386 : i32
        %rem3A_391 = arith.remsi %select_n3A_385, %select_n3A_390 : i32
        %ne3A_392 = arith.constant 0 : i32
        %ne3A_393 = arith.cmpi ne, %rem3A_391, %ne3A_392 : i32
        %lt3A_394 = arith.constant 0 : i32
        %lt3A_395 = arith.cmpi slt, %rem3A_391, %lt3A_394 : i32
        %lt3A_396 = arith.constant 0 : i32
        %lt3A_397 = arith.cmpi slt, %select_n3A_390, %lt3A_396 : i32
        %ne3A_398 = arith.xori %lt3A_395, %lt3A_397 : i1
        %and3A_399 = arith.andi %ne3A_398, %ne3A_393 : i1
        %add3A_400 = arith.addi %rem3A_391, %select_n3A_390 : i32
        %select_n3A_401 = arith.select %and3A_399, %add3A_400, %rem3A_391 : i32
        %eq3A_402 = arith.constant 0 : i32
        %eq3A_403 = arith.cmpi eq, %select_n3A_401, %eq3A_402 : i32
        %convert_element_type3A_404 = arith.extui %eq3A_403 : i1 to i32
        %cond3A_405 = arith.constant 0 : i32
        %cond3A_406 = arith.cmpi ne, %convert_element_type3A_404, %cond3A_405 : i32
        scf.if %cond3A_406 {
          %dma_start3A_452 = arith.constant 0 : i32
          %dma_start3A_453 = tpu.memref_slice %arg7[%select_n3A_361, %dma_start3A_452] : memref<5x80xi32, #tpu.memory_space<vmem>> -> memref<1x80xi32, #tpu.memory_space<vmem>>
          %dma_start3A_454 = tpu.memref_squeeze %dma_start3A_453 : memref<1x80xi32, #tpu.memory_space<vmem>> -> memref<80xi32, #tpu.memory_space<vmem>>
          %dma_start3A_455 = arith.constant 0 : i32
          %dma_start3A_456 = arith.constant 0 : i32
          %dma_start3A_457 = tpu.memref_slice %arg12[%dma_start3A_455, %dma_start3A_456] : memref<10000x128xf32, #tpu.memory_space<vmem_shared>> -> memref<10000x128xf32, #tpu.memory_space<vmem_shared>>
          tpu.enqueue_indirect_dma source(%arg11 : memref<80x128xf32, #tpu.memory_space<vmem>>) target(%dma_start3A_457 : memref<10000x128xf32, #tpu.memory_space<vmem_shared>>) offsets(%dma_start3A_454 : memref<80xi32, #tpu.memory_space<vmem>>) semaphore(%arg18 : memref<!tpu.dma_semaphore, #tpu.memory_space<semaphore_mem>>) {add = true}
        } else {
        }
        %jit3A_407 = arith.constant 5 : i32
        %div3A_408 = arith.divsi %scan3A_124, %jit3A_407 : i32
        %sign3A_409 = arith.constant 0 : i32
        %sign3A_410 = arith.cmpi sgt, %scan3A_124, %sign3A_409 : i32
        %sign3A_411 = arith.extui %sign3A_410 : i1 to i32
        %sign3A_412 = arith.constant 0 : i32
        %sign3A_413 = arith.cmpi slt, %scan3A_124, %sign3A_412 : i32
        %sign3A_414 = arith.extui %sign3A_413 : i1 to i32
        %sign3A_415 = arith.subi %sign3A_411, %sign3A_414 : i32
        %sign3A_416 = arith.constant 0 : i32
        %sign3A_417 = arith.cmpi sgt, %jit3A_407, %sign3A_416 : i32
        %sign3A_418 = arith.extui %sign3A_417 : i1 to i32
        %sign3A_419 = arith.constant 0 : i32
        %sign3A_420 = arith.cmpi slt, %jit3A_407, %sign3A_419 : i32
        %sign3A_421 = arith.extui %sign3A_420 : i1 to i32
        %sign3A_422 = arith.subi %sign3A_418, %sign3A_421 : i32
        %ne3A_423 = arith.cmpi ne, %sign3A_415, %sign3A_422 : i32
        %rem3A_424 = arith.remsi %scan3A_124, %jit3A_407 : i32
        %ne3A_425 = arith.constant 0 : i32
        %ne3A_426 = arith.cmpi ne, %rem3A_424, %ne3A_425 : i32
        %and3A_427 = arith.andi %ne3A_423, %ne3A_426 : i1
        %sub3A_428 = arith.constant 1 : i32
        %sub3A_429 = arith.subi %div3A_408, %sub3A_428 : i32
        %select_n3A_430 = arith.select %and3A_427, %sub3A_429, %div3A_408 : i32
        %jit3A_431 = arith.constant 2 : i32
        %eq3A_432 = arith.constant 0 : i32
        %eq3A_433 = arith.cmpi eq, %jit3A_431, %eq3A_432 : i32
        %jit3A_434 = arith.constant 1 : i32
        %select_n3A_435 = arith.select %eq3A_433, %jit3A_434, %jit3A_431 : i32
        %rem3A_436 = arith.remsi %select_n3A_430, %select_n3A_435 : i32
        %ne3A_437 = arith.constant 0 : i32
        %ne3A_438 = arith.cmpi ne, %rem3A_436, %ne3A_437 : i32
        %lt3A_439 = arith.constant 0 : i32
        %lt3A_440 = arith.cmpi slt, %rem3A_436, %lt3A_439 : i32
        %lt3A_441 = arith.constant 0 : i32
        %lt3A_442 = arith.cmpi slt, %select_n3A_435, %lt3A_441 : i32
        %ne3A_443 = arith.xori %lt3A_440, %lt3A_442 : i1
        %and3A_444 = arith.andi %ne3A_443, %ne3A_438 : i1
        %add3A_445 = arith.addi %rem3A_436, %select_n3A_435 : i32
        %select_n3A_446 = arith.select %and3A_444, %add3A_445, %rem3A_436 : i32
        %eq3A_447 = arith.constant 1 : i32
        %eq3A_448 = arith.cmpi eq, %select_n3A_446, %eq3A_447 : i32
        %convert_element_type3A_449 = arith.extui %eq3A_448 : i1 to i32
        %cond3A_450 = arith.constant 0 : i32
        %cond3A_451 = arith.cmpi ne, %convert_element_type3A_449, %cond3A_450 : i32
        scf.if %cond3A_451 {
          %dma_start3A_452 = arith.constant 0 : i32
          %dma_start3A_453 = tpu.memref_slice %arg8[%select_n3A_361, %dma_start3A_452] : memref<5x80xi32, #tpu.memory_space<vmem>> -> memref<1x80xi32, #tpu.memory_space<vmem>>
          %dma_start3A_454 = tpu.memref_squeeze %dma_start3A_453 : memref<1x80xi32, #tpu.memory_space<vmem>> -> memref<80xi32, #tpu.memory_space<vmem>>
          %dma_start3A_455 = arith.constant 0 : i32
          %dma_start3A_456 = arith.constant 0 : i32
          %dma_start3A_457 = tpu.memref_slice %arg12[%dma_start3A_455, %dma_start3A_456] : memref<10000x128xf32, #tpu.memory_space<vmem_shared>> -> memref<10000x128xf32, #tpu.memory_space<vmem_shared>>
          tpu.enqueue_indirect_dma source(%arg11 : memref<80x128xf32, #tpu.memory_space<vmem>>) target(%dma_start3A_457 : memref<10000x128xf32, #tpu.memory_space<vmem_shared>>) offsets(%dma_start3A_454 : memref<80xi32, #tpu.memory_space<vmem>>) semaphore(%arg18 : memref<!tpu.dma_semaphore, #tpu.memory_space<semaphore_mem>>) {add = true}
        } else {
        }
      } else {
      }
      %scan3A_184 = arith.constant 0 : i32
      scf.yield %scan3A_184 : i32
    }
    %scan3A_68 = arith.constant 123 : i32
    %dma_wait3A = arith.constant 0 : i32
    %dma_wait3A_69 = arith.constant 0 : i32
    %dma_wait3A_70 = tpu.memref_slice %arg5[%dma_wait3A, %dma_wait3A_69] : memref<5x80xi32, #tpu.memory_space<vmem>> -> memref<1x80xi32, #tpu.memory_space<vmem>>
    %dma_wait3A_71 = tpu.memref_squeeze %dma_wait3A_70 : memref<1x80xi32, #tpu.memory_space<vmem>> -> memref<80xi32, #tpu.memory_space<vmem>>
    %dma_wait3A_72 = arith.constant 0 : i32
    %dma_wait3A_73 = arith.constant 0 : i32
    %dma_wait3A_74 = tpu.memref_slice %arg2[%dma_wait3A_72, %dma_wait3A_73] : memref<10000x128xf32, #tpu.memory_space<hbm>> -> memref<10000x128xf32, #tpu.memory_space<hbm>>
    tpu.wait_indirect_dma semaphore(%arg13 : memref<!tpu.dma_semaphore, #tpu.memory_space<semaphore_mem>>) src(%dma_wait3A_74 : memref<10000x128xf32, #tpu.memory_space<hbm>>) dst(%arg9 : memref<80x128xf32, #tpu.memory_space<vmem>>)
    %dma_start3A_75 = arith.constant 3 : i32
    %dma_start3A_76 = arith.constant 0 : i32
    %dma_start3A_77 = tpu.memref_slice %arg7[%dma_start3A_75, %dma_start3A_76] : memref<5x80xi32, #tpu.memory_space<vmem>> -> memref<1x80xi32, #tpu.memory_space<vmem>>
    %dma_start3A_78 = tpu.memref_squeeze %dma_start3A_77 : memref<1x80xi32, #tpu.memory_space<vmem>> -> memref<80xi32, #tpu.memory_space<vmem>>
    %dma_start3A_79 = arith.constant 0 : i32
    %dma_start3A_80 = arith.constant 0 : i32
    %dma_start3A_81 = tpu.memref_slice %arg12[%dma_start3A_79, %dma_start3A_80] : memref<10000x128xf32, #tpu.memory_space<vmem_shared>> -> memref<10000x128xf32, #tpu.memory_space<vmem_shared>>
    tpu.enqueue_indirect_dma source(%arg9 : memref<80x128xf32, #tpu.memory_space<vmem>>) target(%dma_start3A_81 : memref<10000x128xf32, #tpu.memory_space<vmem_shared>>) offsets(%dma_start3A_78 : memref<80xi32, #tpu.memory_space<vmem>>) semaphore(%arg16 : memref<!tpu.dma_semaphore, #tpu.memory_space<semaphore_mem>>) {add = true}
    %dma_wait3A_82 = arith.constant 0 : i32
    %dma_wait3A_83 = arith.constant 0 : i32
    %dma_wait3A_84 = tpu.memref_slice %arg5[%dma_wait3A_82, %dma_wait3A_83] : memref<5x80xi32, #tpu.memory_space<vmem>> -> memref<1x80xi32, #tpu.memory_space<vmem>>
    %dma_wait3A_85 = tpu.memref_squeeze %dma_wait3A_84 : memref<1x80xi32, #tpu.memory_space<vmem>> -> memref<80xi32, #tpu.memory_space<vmem>>
    %dma_wait3A_86 = arith.constant 0 : i32
    %dma_wait3A_87 = arith.constant 0 : i32
    %dma_wait3A_88 = tpu.memref_slice %arg2[%dma_wait3A_86, %dma_wait3A_87] : memref<10000x128xf32, #tpu.memory_space<hbm>> -> memref<10000x128xf32, #tpu.memory_space<hbm>>
    tpu.wait_indirect_dma semaphore(%arg14 : memref<!tpu.dma_semaphore, #tpu.memory_space<semaphore_mem>>) src(%dma_wait3A_88 : memref<10000x128xf32, #tpu.memory_space<hbm>>) dst(%arg10 : memref<80x128xf32, #tpu.memory_space<vmem>>)
    %dma_start3A_89 = arith.constant 4 : i32
    %dma_start3A_90 = arith.constant 0 : i32
    %dma_start3A_91 = tpu.memref_slice %arg7[%dma_start3A_89, %dma_start3A_90] : memref<5x80xi32, #tpu.memory_space<vmem>> -> memref<1x80xi32, #tpu.memory_space<vmem>>
    %dma_start3A_92 = tpu.memref_squeeze %dma_start3A_91 : memref<1x80xi32, #tpu.memory_space<vmem>> -> memref<80xi32, #tpu.memory_space<vmem>>
    %dma_start3A_93 = arith.constant 0 : i32
    %dma_start3A_94 = arith.constant 0 : i32
    %dma_start3A_95 = tpu.memref_slice %arg12[%dma_start3A_93, %dma_start3A_94] : memref<10000x128xf32, #tpu.memory_space<vmem_shared>> -> memref<10000x128xf32, #tpu.memory_space<vmem_shared>>
    tpu.enqueue_indirect_dma source(%arg10 : memref<80x128xf32, #tpu.memory_space<vmem>>) target(%dma_start3A_95 : memref<10000x128xf32, #tpu.memory_space<vmem_shared>>) offsets(%dma_start3A_92 : memref<80xi32, #tpu.memory_space<vmem>>) semaphore(%arg17 : memref<!tpu.dma_semaphore, #tpu.memory_space<semaphore_mem>>) {add = true}
    %dma_wait3A_96 = arith.constant 0 : i32
    %dma_wait3A_97 = arith.constant 0 : i32
    %dma_wait3A_98 = tpu.memref_slice %arg7[%dma_wait3A_96, %dma_wait3A_97] : memref<5x80xi32, #tpu.memory_space<vmem>> -> memref<1x80xi32, #tpu.memory_space<vmem>>
    %dma_wait3A_99 = tpu.memref_squeeze %dma_wait3A_98 : memref<1x80xi32, #tpu.memory_space<vmem>> -> memref<80xi32, #tpu.memory_space<vmem>>
    %dma_wait3A_100 = arith.constant 0 : i32
    %dma_wait3A_101 = arith.constant 0 : i32
    %dma_wait3A_102 = tpu.memref_slice %arg12[%dma_wait3A_100, %dma_wait3A_101] : memref<10000x128xf32, #tpu.memory_space<vmem_shared>> -> memref<10000x128xf32, #tpu.memory_space<vmem_shared>>
    tpu.wait_indirect_dma semaphore(%arg18 : memref<!tpu.dma_semaphore, #tpu.memory_space<semaphore_mem>>) src(%arg11 : memref<80x128xf32, #tpu.memory_space<vmem>>) dst(%dma_wait3A_102 : memref<10000x128xf32, #tpu.memory_space<vmem_shared>>)
    %dma_wait3A_103 = arith.constant 0 : i32
    %dma_wait3A_104 = arith.constant 0 : i32
    %dma_wait3A_105 = tpu.memref_slice %arg7[%dma_wait3A_103, %dma_wait3A_104] : memref<5x80xi32, #tpu.memory_space<vmem>> -> memref<1x80xi32, #tpu.memory_space<vmem>>
    %dma_wait3A_106 = tpu.memref_squeeze %dma_wait3A_105 : memref<1x80xi32, #tpu.memory_space<vmem>> -> memref<80xi32, #tpu.memory_space<vmem>>
    %dma_wait3A_107 = arith.constant 0 : i32
    %dma_wait3A_108 = arith.constant 0 : i32
    %dma_wait3A_109 = tpu.memref_slice %arg12[%dma_wait3A_107, %dma_wait3A_108] : memref<10000x128xf32, #tpu.memory_space<vmem_shared>> -> memref<10000x128xf32, #tpu.memory_space<vmem_shared>>
    tpu.wait_indirect_dma semaphore(%arg16 : memref<!tpu.dma_semaphore, #tpu.memory_space<semaphore_mem>>) src(%arg9 : memref<80x128xf32, #tpu.memory_space<vmem>>) dst(%dma_wait3A_109 : memref<10000x128xf32, #tpu.memory_space<vmem_shared>>)
    %dma_wait3A_110 = arith.constant 0 : i32
    %dma_wait3A_111 = arith.constant 0 : i32
    %dma_wait3A_112 = tpu.memref_slice %arg7[%dma_wait3A_110, %dma_wait3A_111] : memref<5x80xi32, #tpu.memory_space<vmem>> -> memref<1x80xi32, #tpu.memory_space<vmem>>
    %dma_wait3A_113 = tpu.memref_squeeze %dma_wait3A_112 : memref<1x80xi32, #tpu.memory_space<vmem>> -> memref<80xi32, #tpu.memory_space<vmem>>
    %dma_wait3A_114 = arith.constant 0 : i32
    %dma_wait3A_115 = arith.constant 0 : i32
    %dma_wait3A_116 = tpu.memref_slice %arg12[%dma_wait3A_114, %dma_wait3A_115] : memref<10000x128xf32, #tpu.memory_space<vmem_shared>> -> memref<10000x128xf32, #tpu.memory_space<vmem_shared>>
    tpu.wait_indirect_dma semaphore(%arg17 : memref<!tpu.dma_semaphore, #tpu.memory_space<semaphore_mem>>) src(%arg10 : memref<80x128xf32, #tpu.memory_space<vmem>>) dst(%dma_wait3A_116 : memref<10000x128xf32, #tpu.memory_space<vmem_shared>>)
    %barrier3A_117 = arith.constant 0 : index
    tpu.barrier barrier_id(%barrier3A_117)
    %lt3A = arith.constant 15 : i32
    %lt3A_118 = arith.cmpi slt, %arg1, %lt3A : i32
    %convert_element_type3A = arith.extui %lt3A_118 : i1 to i32
    %cond3A = arith.constant 0 : i32
    %cond3A_119 = arith.cmpi ne, %convert_element_type3A, %cond3A : i32
    scf.if %cond3A_119 {
      %mul3A_124 = arith.constant 640 : i32
      %mul3A_125 = arith.muli %arg1, %mul3A_124 : i32
      %mul3A_126 = arith.constant 640 : i32
      %mul3A_127 = arith.muli %arg1, %mul3A_126 : i32
      "tpu.region"() ({
        %run_scoped3A_128 = tpu.sem_alloc : memref<!tpu.dma_semaphore, #tpu.memory_space<semaphore_mem>>
        %dma_start3A_129 = arith.constant 0 : i32
        %dma_start3A_130 = tpu.memref_slice %arg4[%arg0, %mul3A_127, %dma_start3A_129] : memref<2x10000x128xf32, #tpu.memory_space<hbm>> -> memref<1x640x128xf32, #tpu.memory_space<hbm>>
        %dma_start3A_131 = tpu.memref_squeeze %dma_start3A_130 : memref<1x640x128xf32, #tpu.memory_space<hbm>> -> memref<640x128xf32, #tpu.memory_space<hbm>>
        %dma_start3A_132 = arith.constant 0 : i32
        %dma_start3A_133 = tpu.memref_slice %arg12[%mul3A_125, %dma_start3A_132] : memref<10000x128xf32, #tpu.memory_space<vmem_shared>> -> memref<640x128xf32, #tpu.memory_space<vmem_shared>>
        tpu.enqueue_dma source(%dma_start3A_133 : memref<640x128xf32, #tpu.memory_space<vmem_shared>>) target(%dma_start3A_131 : memref<640x128xf32, #tpu.memory_space<hbm>>) target_semaphore(%run_scoped3A_128 : memref<!tpu.dma_semaphore, #tpu.memory_space<semaphore_mem>>)
        %dma_wait3A_134 = arith.constant 0 : i32
        %dma_wait3A_135 = tpu.memref_slice %arg4[%arg0, %mul3A_127, %dma_wait3A_134] : memref<2x10000x128xf32, #tpu.memory_space<hbm>> -> memref<1x640x128xf32, #tpu.memory_space<hbm>>
        %dma_wait3A_136 = tpu.memref_squeeze %dma_wait3A_135 : memref<1x640x128xf32, #tpu.memory_space<hbm>> -> memref<640x128xf32, #tpu.memory_space<hbm>>
        %dma_wait3A_137 = arith.constant 0 : i32
        %dma_wait3A_138 = tpu.memref_slice %arg12[%mul3A_125, %dma_wait3A_137] : memref<10000x128xf32, #tpu.memory_space<vmem_shared>> -> memref<640x128xf32, #tpu.memory_space<vmem_shared>>
        tpu.wait_dma2 semaphore(%run_scoped3A_128 : memref<!tpu.dma_semaphore, #tpu.memory_space<semaphore_mem>>) src(%dma_wait3A_138 : memref<640x128xf32, #tpu.memory_space<vmem_shared>>) dst(%dma_wait3A_136 : memref<640x128xf32, #tpu.memory_space<hbm>>)
        tpu.yield
      }) : () -> ()
    } else {
    }
    %eq3A = arith.constant 15 : i32
    %eq3A_120 = arith.cmpi eq, %arg1, %eq3A : i32
    %convert_element_type3A_121 = arith.extui %eq3A_120 : i1 to i32
    %cond3A_122 = arith.constant 0 : i32
    %cond3A_123 = arith.cmpi ne, %convert_element_type3A_121, %cond3A_122 : i32
    scf.if %cond3A_123 {
      "tpu.region"() ({
        %run_scoped3A_124 = tpu.sem_alloc : memref<!tpu.dma_semaphore, #tpu.memory_space<semaphore_mem>>
        %dma_start3A_125 = arith.constant 9600 : i32
        %dma_start3A_126 = arith.constant 0 : i32
        %dma_start3A_127 = tpu.memref_slice %arg4[%arg0, %dma_start3A_125, %dma_start3A_126] : memref<2x10000x128xf32, #tpu.memory_space<hbm>> -> memref<1x400x128xf32, #tpu.memory_space<hbm>>
        %dma_start3A_128 = tpu.memref_squeeze %dma_start3A_127 : memref<1x400x128xf32, #tpu.memory_space<hbm>> -> memref<400x128xf32, #tpu.memory_space<hbm>>
        %dma_start3A_129 = arith.constant 9600 : i32
        %dma_start3A_130 = arith.constant 0 : i32
        %dma_start3A_131 = tpu.memref_slice %arg12[%dma_start3A_129, %dma_start3A_130] : memref<10000x128xf32, #tpu.memory_space<vmem_shared>> -> memref<400x128xf32, #tpu.memory_space<vmem_shared>>
        tpu.enqueue_dma source(%dma_start3A_131 : memref<400x128xf32, #tpu.memory_space<vmem_shared>>) target(%dma_start3A_128 : memref<400x128xf32, #tpu.memory_space<hbm>>) target_semaphore(%run_scoped3A_124 : memref<!tpu.dma_semaphore, #tpu.memory_space<semaphore_mem>>)
        %dma_wait3A_132 = arith.constant 9600 : i32
        %dma_wait3A_133 = arith.constant 0 : i32
        %dma_wait3A_134 = tpu.memref_slice %arg4[%arg0, %dma_wait3A_132, %dma_wait3A_133] : memref<2x10000x128xf32, #tpu.memory_space<hbm>> -> memref<1x400x128xf32, #tpu.memory_space<hbm>>
        %dma_wait3A_135 = tpu.memref_squeeze %dma_wait3A_134 : memref<1x400x128xf32, #tpu.memory_space<hbm>> -> memref<400x128xf32, #tpu.memory_space<hbm>>
        %dma_wait3A_136 = arith.constant 9600 : i32
        %dma_wait3A_137 = arith.constant 0 : i32
        %dma_wait3A_138 = tpu.memref_slice %arg12[%dma_wait3A_136, %dma_wait3A_137] : memref<10000x128xf32, #tpu.memory_space<vmem_shared>> -> memref<400x128xf32, #tpu.memory_space<vmem_shared>>
        tpu.wait_dma2 semaphore(%run_scoped3A_124 : memref<!tpu.dma_semaphore, #tpu.memory_space<semaphore_mem>>) src(%dma_wait3A_138 : memref<400x128xf32, #tpu.memory_space<vmem_shared>>) dst(%dma_wait3A_135 : memref<400x128xf32, #tpu.memory_space<hbm>>)
        tpu.yield
      }) : () -> ()
    } else {
    }
    return
  }
}

module attributes {stable_mosaic.version = 14 : i64} {
  func.func @body(%arg0: i32, %arg1: memref<2000x128xf32, #tpu.memory_space<vmem>>, %arg2: memref<2x2000x128xf32, #tpu.memory_space<vmem>>, %arg3: memref<128x128xf32, #tpu.memory_space<vmem>>, %arg4: memref<1x128xf32, #tpu.memory_space<vmem>>, %arg5: memref<2000x128xf32, #tpu.memory_space<vmem>>) attributes {dimension_semantics = [#tpu.dimension_semantics<arbitrary>], iteration_bounds = array<i64: 5>, scalar_prefetch = 0 : i64, scratch_operands = 0 : i64, tpu.core_type = #tpu.core_type<tc>, window_params = [{transform_indices = @transform_0, window_bounds = array<i64: 2000, 128>}, {transform_indices = @transform_1, window_bounds = array<i64: 2, 2000, 128>}, {pipeline_mode = #tpu.pipeline_mode<synchronous>, transform_indices = @transform_2, window_bounds = array<i64: 128, 128>}, {pipeline_mode = #tpu.pipeline_mode<synchronous>, transform_indices = @transform_3, window_bounds = array<i64: 1, 128>}, {transform_indices = @transform_4, window_bounds = array<i64: 2000, 128>}]} {
    %get3A = arith.constant 0 : index
    %get3A_0 = arith.constant 0 : index
    %get3A_1 = vector.load %arg1[%get3A, %get3A_0] : memref<2000x128xf32, #tpu.memory_space<vmem>>, vector<2000x128xf32>
    %get3A_2 = arith.constant 0 : index
    %get3A_3 = arith.constant 0 : index
    %get3A_4 = arith.constant 0 : index
    %get3A_5 = vector.load %arg2[%get3A_2, %get3A_3, %get3A_4] : memref<2x2000x128xf32, #tpu.memory_space<vmem>>, vector<1x2000x128xf32>
    %get3A_6 = vector.shape_cast %get3A_5 : vector<1x2000x128xf32> to vector<2000x128xf32>
    %add3A = arith.addf %get3A_1, %get3A_6 : vector<2000x128xf32>
    %get3A_7 = arith.constant 1 : index
    %get3A_8 = arith.constant 0 : index
    %get3A_9 = arith.constant 0 : index
    %get3A_10 = vector.load %arg2[%get3A_7, %get3A_8, %get3A_9] : memref<2x2000x128xf32, #tpu.memory_space<vmem>>, vector<1x2000x128xf32>
    %get3A_11 = vector.shape_cast %get3A_10 : vector<1x2000x128xf32> to vector<2000x128xf32>
    %add3A_12 = arith.addf %add3A, %get3A_11 : vector<2000x128xf32>
    %get3A_13 = arith.constant 0 : index
    %get3A_14 = arith.constant 0 : index
    %get3A_15 = vector.load %arg3[%get3A_13, %get3A_14] : memref<128x128xf32, #tpu.memory_space<vmem>>, vector<128x128xf32>
    %dot_general3A = arith.constant dense<0.000000e+00> : vector<2000x128xf32>
    %dot_general3A_16 = tpu.matmul %add3A_12, %get3A_15, %dot_general3A {dimension_numbers = #tpu.dot_dimension_numbers<[1], [0], [0], [1], [0, 0, 1, 1], [], []>, transpose_lhs_hint = false} : vector<2000x128xf32>, vector<128x128xf32>, vector<2000x128xf32> -> vector<2000x128xf32>
    %get3A_17 = arith.constant 0 : index
    %get3A_18 = arith.constant 0 : index
    %get3A_19 = vector.load %arg4[%get3A_17, %get3A_18] : memref<1x128xf32, #tpu.memory_space<vmem>>, vector<1x128xf32>
    %add3A_20 = vector.broadcast %get3A_19 : vector<1x128xf32> to vector<2000x128xf32>
    %add3A_21 = arith.addf %dot_general3A_16, %add3A_20 : vector<2000x128xf32>
    %swap3A = arith.constant 0 : index
    %swap3A_22 = arith.constant 0 : index
    %swap3A_23 = vector.load %arg5[%swap3A, %swap3A_22] : memref<2000x128xf32, #tpu.memory_space<vmem>>, vector<2000x128xf32>
    tpu.vector_store %arg5[%swap3A, %swap3A_22], %add3A_21 {strides = array<i32>} : memref<2000x128xf32, #tpu.memory_space<vmem>>, vector<2000x128xf32>,
    return
  }
  func.func @transform_0(%arg0: i32) -> (i32, i32) {
    %c0_i32 = arith.constant 0 : i32
    %c0_i32_0 = arith.constant 0 : i32
    return %arg0, %c0_i32 : i32, i32
  }
  func.func @transform_1(%arg0: i32) -> (i32, i32, i32) {
    %c0_i32 = arith.constant 0 : i32
    %c0_i32_0 = arith.constant 0 : i32
    %c0_i32_1 = arith.constant 0 : i32
    return %c0_i32, %arg0, %c0_i32_0 : i32, i32, i32
  }
  func.func @transform_2(%arg0: i32) -> (i32, i32) {
    %c0_i32 = arith.constant 0 : i32
    %c0_i32_0 = arith.constant 0 : i32
    %c0_i32_1 = arith.constant 0 : i32
    return %c0_i32, %c0_i32_0 : i32, i32
  }
  func.func @transform_3(%arg0: i32) -> (i32, i32) {
    %c0_i32 = arith.constant 0 : i32
    %c0_i32_0 = arith.constant 0 : i32
    %c0_i32_1 = arith.constant 0 : i32
    return %c0_i32, %c0_i32_0 : i32, i32
  }
  func.func @transform_4(%arg0: i32) -> (i32, i32) {
    %c0_i32 = arith.constant 0 : i32
    %c0_i32_0 = arith.constant 0 : i32
    return %arg0, %c0_i32 : i32, i32
  }
}

module attributes {stable_mosaic.version = 14 : i64} {
  func.func @body(%arg0: i32, %arg1: memref<2000x128xf32, #tpu.memory_space<vmem>>, %arg2: memref<2x2000x128xf32, #tpu.memory_space<vmem>>, %arg3: memref<128x128xf32, #tpu.memory_space<vmem>>, %arg4: memref<1x128xf32, #tpu.memory_space<vmem>>, %arg5: memref<2000x128xf32, #tpu.memory_space<vmem>>) attributes {dimension_semantics = [#tpu.dimension_semantics<arbitrary>], iteration_bounds = array<i64: 5>, scalar_prefetch = 0 : i64, scratch_operands = 0 : i64, tpu.core_type = #tpu.core_type<tc>, window_params = [{transform_indices = @transform_0, window_bounds = array<i64: 2000, 128>}, {transform_indices = @transform_1, window_bounds = array<i64: 2, 2000, 128>}, {pipeline_mode = #tpu.pipeline_mode<synchronous>, transform_indices = @transform_2, window_bounds = array<i64: 128, 128>}, {pipeline_mode = #tpu.pipeline_mode<synchronous>, transform_indices = @transform_3, window_bounds = array<i64: 1, 128>}, {transform_indices = @transform_4, window_bounds = array<i64: 2000, 128>}]} {
    %get3A = arith.constant 0 : index
    %get3A_0 = arith.constant 0 : index
    %get3A_1 = vector.load %arg1[%get3A, %get3A_0] : memref<2000x128xf32, #tpu.memory_space<vmem>>, vector<2000x128xf32>
    %get3A_2 = arith.constant 0 : index
    %get3A_3 = arith.constant 0 : index
    %get3A_4 = arith.constant 0 : index
    %get3A_5 = vector.load %arg2[%get3A_2, %get3A_3, %get3A_4] : memref<2x2000x128xf32, #tpu.memory_space<vmem>>, vector<1x2000x128xf32>
    %get3A_6 = vector.shape_cast %get3A_5 : vector<1x2000x128xf32> to vector<2000x128xf32>
    %add3A = arith.addf %get3A_1, %get3A_6 : vector<2000x128xf32>
    %get3A_7 = arith.constant 1 : index
    %get3A_8 = arith.constant 0 : index
    %get3A_9 = arith.constant 0 : index
    %get3A_10 = vector.load %arg2[%get3A_7, %get3A_8, %get3A_9] : memref<2x2000x128xf32, #tpu.memory_space<vmem>>, vector<1x2000x128xf32>
    %get3A_11 = vector.shape_cast %get3A_10 : vector<1x2000x128xf32> to vector<2000x128xf32>
    %add3A_12 = arith.addf %add3A, %get3A_11 : vector<2000x128xf32>
    %get3A_13 = arith.constant 0 : index
    %get3A_14 = arith.constant 0 : index
    %get3A_15 = vector.load %arg3[%get3A_13, %get3A_14] : memref<128x128xf32, #tpu.memory_space<vmem>>, vector<128x128xf32>
    %dot_general3A = arith.constant dense<0.000000e+00> : vector<2000x128xf32>
    %dot_general3A_16 = tpu.matmul %add3A_12, %get3A_15, %dot_general3A {dimension_numbers = #tpu.dot_dimension_numbers<[1], [0], [0], [1], [0, 0, 1, 1], [], []>, transpose_lhs_hint = false} : vector<2000x128xf32>, vector<128x128xf32>, vector<2000x128xf32> -> vector<2000x128xf32>
    %get3A_17 = arith.constant 0 : index
    %get3A_18 = arith.constant 0 : index
    %get3A_19 = vector.load %arg4[%get3A_17, %get3A_18] : memref<1x128xf32, #tpu.memory_space<vmem>>, vector<1x128xf32>
    %add3A_20 = vector.broadcast %get3A_19 : vector<1x128xf32> to vector<2000x128xf32>
    %add3A_21 = arith.addf %dot_general3A_16, %add3A_20 : vector<2000x128xf32>
    %reduce_max3A = arith.constant dense<0xFF800000> : vector<2000xf32>
    %reduce_max3A_22 = vector.multi_reduction <maximumf>, %add3A_21, %reduce_max3A [1] : vector<2000x128xf32> to vector<2000xf32>
    %broadcast_in_dim3A = vector.shape_cast %reduce_max3A_22 : vector<2000xf32> to vector<2000x1xf32>
    %sub3A = vector.broadcast %broadcast_in_dim3A : vector<2000x1xf32> to vector<2000x128xf32>
    %sub3A_23 = arith.subf %add3A_21, %sub3A : vector<2000x128xf32>
    %exp3A = math.exp %sub3A_23 : vector<2000x128xf32>
    %sub3A_24 = vector.broadcast %broadcast_in_dim3A : vector<2000x1xf32> to vector<2000x128xf32>
    %sub3A_25 = arith.subf %add3A_21, %sub3A_24 : vector<2000x128xf32>
    %reduce_sum3A = arith.constant dense<0.000000e+00> : vector<2000xf32>
    %reduce_sum3A_26 = vector.multi_reduction <add>, %exp3A, %reduce_sum3A [1] : vector<2000x128xf32> to vector<2000xf32>
    %broadcast_in_dim3A_27 = vector.shape_cast %reduce_sum3A_26 : vector<2000xf32> to vector<2000x1xf32>
    %log3A = math.log %broadcast_in_dim3A_27 : vector<2000x1xf32>
    %sub3A_28 = vector.broadcast %log3A : vector<2000x1xf32> to vector<2000x128xf32>
    %sub3A_29 = arith.subf %sub3A_25, %sub3A_28 : vector<2000x128xf32>
    %swap3A = arith.constant 0 : index
    %swap3A_30 = arith.constant 0 : index
    %swap3A_31 = vector.load %arg5[%swap3A, %swap3A_30] : memref<2000x128xf32, #tpu.memory_space<vmem>>, vector<2000x128xf32>
    tpu.vector_store %arg5[%swap3A, %swap3A_30], %sub3A_29 {strides = array<i32>} : memref<2000x128xf32, #tpu.memory_space<vmem>>, vector<2000x128xf32>,
    return
  }
  func.func @transform_0(%arg0: i32) -> (i32, i32) {
    %c0_i32 = arith.constant 0 : i32
    %c0_i32_0 = arith.constant 0 : i32
    return %arg0, %c0_i32 : i32, i32
  }
  func.func @transform_1(%arg0: i32) -> (i32, i32, i32) {
    %c0_i32 = arith.constant 0 : i32
    %c0_i32_0 = arith.constant 0 : i32
    %c0_i32_1 = arith.constant 0 : i32
    return %c0_i32, %arg0, %c0_i32_0 : i32, i32, i32
  }
  func.func @transform_2(%arg0: i32) -> (i32, i32) {
    %c0_i32 = arith.constant 0 : i32
    %c0_i32_0 = arith.constant 0 : i32
    %c0_i32_1 = arith.constant 0 : i32
    return %c0_i32, %c0_i32_0 : i32, i32
  }
  func.func @transform_3(%arg0: i32) -> (i32, i32) {
    %c0_i32 = arith.constant 0 : i32
    %c0_i32_0 = arith.constant 0 : i32
    %c0_i32_1 = arith.constant 0 : i32
    return %c0_i32, %c0_i32_0 : i32, i32
  }
  func.func @transform_4(%arg0: i32) -> (i32, i32) {
    %c0_i32 = arith.constant 0 : i32
    %c0_i32_0 = arith.constant 0 : i32
    return %arg0, %c0_i32 : i32, i32
  }
}

</mosaic_0001>

<sc_bundles>
// kernel: kernel.6.cloned.1.call-start
scs
__scs_entry_jumppad:
0x0: {  	(pc) =	sbr.rel $0x88, $3  }
0x1: {  	(tag) =	ssettag $0x0;
	lr =	simm.s32 $0x1  }
0x2: {  	[smem:$0x3F9B] =	sst lr;
	_ =	strace $0xD0000000  }
0x3: {  	_ = 	snop  }
0x4: {  	_ = 	snop  }
0x5: {  	_ = 	snop  }
0x6: {  	_ = 	snop  }
0x7: {  	_ = 	snop  }
__scs_overlays_trampoline_lowered:
0x8: {  	[smem:$0x3FAA] =	sst s0  }
0x9: {  	[smem:$0x3FAB] =	sst s1  }
0xa: {  	[smem:$0x3FAC] =	sst s2  }
0xb: {  	[smem:$0x3FAD] =	sst s3  }
0xc: {  	[smem:$0x3FAE] =	sst s4  }
0xd: {  	[smem:$0x3FAF] =	sst s5  }
0xe: {  	[smem:$0x3FB0] =	sst s6  }
0xf: {  	[smem:$0x3FB1] =	sst s7  }
0x10: {  	[smem:$0x3FB2] =	sst s8  }
0x11: {  	[smem:$0x3FB3] =	sst s9;
	s0 =	simm.s32 @!p0 $0x0  }
0x12: {  	s1 =	sld [smem:$0x3F99];
	s0 =	simm.s32 @p0 $0x1  }
0x13: {  	[smem:$0x3FB4] =	sst s0;
	s0 =	simm.s32 @!p1 $0x0  }
0x14: {  	s2 =	sld [smem:$0x3F98];
	s0 =	simm.s32 @p1 $0x1  }
0x15: {  	[smem:$0x3FB5] =	sst s0;
	s0 =	simm.s32 @!p2 $0x0  }
0x16: {  	s3 =	sld [smem:$0x3FDB];
	s0 =	simm.s32 @p2 $0x1  }
0x17: {  	s4 =	simm.s32 $0x1BF5;
	[smem:$0x3FB7] =	sst s0  }
0x18: {  	s0 =	sld [smem:$0x3F9A];
	_ =	swait.ge [sflag:s4], $0x0  }
0x19: {  	s7 =	sld [smem:$0x3F9B]  }
0x1a: {  	s8 =	sadd.s32 $0xFFFFE003, lr  }
0x1b: {  	s9 =	sadd.s32 $0xFFFFFEF7, lr;
	s5 =	simm.s32 $0xFFFFFFFF;
	p2 =	slt.u32 s8, $0xFFFFF086  }
0x1c: {  	p1 =	slt.u32 s9, $0xF7A;
	s5 =	simm.s32 @!p2 $0x0  }
0x1d: {  	s5 =	simm.s32 @p1 $0x1;
	p0 =	seq.s32 s7, s2  }
0x1e: {  	s7 =	smul.u32 @!p0 $0xF7A, s2;
	p2 =	seq.s32 @!p0 s5, $0x0  }
0x1f: {  	s9 =	smul.u32 $0xF7A, s1;
	s8 =	simm.s32 @!p0 $0x1BF5;
	p2 =	por !p2, p0  }
0x20: {  	[sflag:s8] =	ssyncset.s32 @!p0 $0xFFFFF086;
	s6 =	sadd.s32 @!p0 s3, s7;
	s7 =	simm.s32 @!p0 $0x108  }
0x21: {  	s3 =	sadd.s32 s3, s9;
	s6 =	sadd.s32 @!p0 $0x88, s6;
	s7 =	simm.s32 @p2 $0x1082  }
0x22: {  	[simem:s7], [sflag:s8] =	dma.local @!p0 [hbm:s6], $0xF7A  }
0x23: {  	s9 =	sor.u32 $0xD0000000, s2;
	s6 =	simm.s32 $0x108;
	_ =	swait.ge @!p0 [sflag:s8], $0x0  }
0x24: {  	s3 =	sadd.s32 $0x88, s3;
	s6 =	simm.s32 @!p1 $0x1082;
	[sflag:s4] =	ssyncset.s32 $0xFFFFF086  }
0x25: {  	[simem:s6], [sflag:s4] =	dma.local [hbm:s3], $0xF7A  }
0x26: {  	[smem:$0x3F9B] =	sst s1;
	(tag) =	ssettag s2;
	_ =	strace s9  }
0x27: {  	s1 =	sld [smem:$0x3FAB]  }
0x28: {  	s2 =	sld [smem:$0x3FAC]  }
0x29: {  	s4 =	sld [smem:$0x3FAE]  }
0x2a: {  	p0 =	seq.s32 s5, $0x0;
	s5 =	sld [smem:$0x3FAF]  }
0x2b: {  	s6 =	sld [smem:$0x3FB0]  }
0x2c: {  	s7 =	sld [smem:$0x3FB1]  }
0x2d: {  	s3 =	simm.s32 $0x108;
	s8 =	sld [smem:$0x3FB2]  }
0x2e: {  	s3 =	simm.s32 @!p0 $0x1082;
	s9 =	sld [smem:$0x3FB3]  }
0x2f: {  	lr =	sadd.s32 s0, s3;
	s0 =	sld [smem:$0x3FAA]  }
0x30: {  	s3 =	sld [smem:$0x3FAD]  }
0x31: {  	[smem:$0x3FB6] =	sst s10  }
0x32: {  	s10 =	sld [smem:$0x3FB4];
	_ =	sdelay $0x3  }
0x33: {  	p0 =	seq.s32 s10, $0x1;
	s10 =	sld [smem:$0x3FB6];
	_ =	sdelay $0x3  }
0x34: {  	[smem:$0x3FB6] =	sst s10  }
0x35: {  	s10 =	sld [smem:$0x3FB5];
	_ =	sdelay $0x3  }
0x36: {  	p1 =	seq.s32 s10, $0x1;
	s10 =	sld [smem:$0x3FB6];
	_ =	sdelay $0x3  }
0x37: {  	[smem:$0x3FB6] =	sst s10  }
0x38: {  	s10 =	sld [smem:$0x3FB7]  }
0x39: {  	_ = 	snop;
	(pc) =	sbr.ind lr, $3  }
0x3a: {  	_ = 	snop  }
0x3b: {  	_ = 	snop  }
0x3c: {  	p2 =	seq.s32 s10, $0x1;
	s10 =	sld [smem:$0x3FB6]  }
0x3d: {  	_ =	shalt  }
0x3e: {  	_ =	shalt  }
0x3f: {  	_ =	shalt  }
0x40: {  	_ =	shalt  }
0x41: {  	_ =	shalt  }
0x42: {  	_ =	shalt  }
0x43: {  	_ =	shalt  }
0x44: {  	_ =	shalt  }
0x45: {  	_ =	shalt  }
0x46: {  	_ =	shalt  }
0x47: {  	_ =	shalt  }
0x48: {  	_ =	shalt  }
0x49: {  	_ =	shalt  }
0x4a: {  	_ =	shalt  }
0x4b: {  	_ =	shalt  }
0x4c: {  	_ =	shalt  }
0x4d: {  	_ =	shalt  }
0x4e: {  	_ =	shalt  }
0x4f: {  	_ =	shalt  }
0x50: {  	_ =	shalt  }
0x51: {  	_ =	shalt  }
0x52: {  	_ =	shalt  }
0x53: {  	_ =	shalt  }
0x54: {  	_ =	shalt  }
0x55: {  	_ =	shalt  }
0x56: {  	_ =	shalt  }
0x57: {  	_ =	shalt  }
0x58: {  	_ =	shalt  }
0x59: {  	_ =	shalt  }
0x5a: {  	_ =	shalt  }
0x5b: {  	_ =	shalt  }
0x5c: {  	_ =	shalt  }
0x5d: {  	_ =	shalt  }
0x5e: {  	_ =	shalt  }
0x5f: {  	_ =	shalt  }
0x60: {  	_ =	shalt  }
0x61: {  	_ =	shalt  }
0x62: {  	_ =	shalt  }
0x63: {  	_ =	shalt  }
0x64: {  	_ =	shalt  }
0x65: {  	_ =	shalt  }
0x66: {  	_ =	shalt  }
0x67: {  	_ =	shalt  }
0x68: {  	_ =	shalt  }
0x69: {  	_ =	shalt  }
0x6a: {  	_ =	shalt  }
0x6b: {  	_ =	shalt  }
0x6c: {  	_ =	shalt  }
0x6d: {  	_ =	shalt  }
0x6e: {  	_ =	shalt  }
0x6f: {  	_ =	shalt  }
0x70: {  	_ =	shalt  }
0x71: {  	_ =	shalt  }
0x72: {  	_ =	shalt  }
0x73: {  	_ =	shalt  }
0x74: {  	_ =	shalt  }
0x75: {  	_ =	shalt  }
0x76: {  	_ =	shalt  }
0x77: {  	_ =	shalt  }
0x78: {  	_ =	shalt  }
0x79: {  	_ =	shalt  }
0x7a: {  	_ =	shalt  }
0x7b: {  	_ =	shalt  }
0x7c: {  	_ =	shalt  }
0x7d: {  	_ =	shalt  }
0x7e: {  	_ =	shalt  }
0x7f: {  	_ =	shalt  }
0x80: {  	_ =	shalt  }
0x81: {  	_ =	shalt  }
0x82: {  	_ =	shalt  }
0x83: {  	_ =	shalt  }
0x84: {  	_ =	shalt  }
0x85: {  	_ =	shalt  }
0x86: {  	_ =	shalt  }
0x87: {  	_ =	shalt  }
.Lfunc_end0:
.L_simem_size_0:
called_computation_lowered:
.L_overlay_start_0:
0x88: {  	s2 =	sld [smem:$0x3FD9]  }
0x89: {  	s3 =	sld [smem:$0x3FFE];
	_ =	sdelay $0x1  }
0x8a: {  	s1 =	srdreg.scid  }
0x8b: {  	s0 =	sand.u32 $0x1, s1  }
0x8c: {  	s17 =	sshll.u32 s0, $0xA;
	s2 =	sadd.s32 s3, s2  }
0x8d: {  	s2 =	sadd.s32 s2, s17  }
0x8e: {  	[smem:$0x3FC2] =	sst s2  }
0x8f: {  	_ = 	snop  }
0x90: {  	s2 =	sld [smem:$0x3FC9];
	(tm) =	ssettm $0x1  }
0x91: {  	s18 =	sld [smem:$0x3FFB];
	_ =	sdelay $0x3  }
0x92: {  	_ =	strace s18  }
0x93: {  	s3 =	sld [smem:$0x3FFC];
	_ =	sdelay $0x3  }
0x94: {  	_ =	strace s3  }
0x95: {  	s3 =	sld [smem:$0x3FFD];
	_ =	sdelay $0x3  }
0x96: {  	_ =	strace s3  }
0x97: {  	_ =	strace $0x8FFFFFFF  }
0x98: {  	s19 =	sld [smem:$0x3FDB];
	_ =	sdelay $0x1  }
0x99: {  	s4 =	simm.s32 $_scs_section_size  }
0x9a: {  	s5 =	simm.s32 $_size__tile_overlayer_lowered;
	s6 =	simm.s32 $_tile_overlayer_lowered  }
0x9b: {  	s22 =	simm.s32 $0x1BFF;
	s21 =	sshll.u32 s6, $0x1;
	s3 =	sadd.s32 s4, s19  }
0x9c: {  	s7 =	simm.s32 $0x0;
	s20 =	sshll.u32 s5, $0x1;
	s5 =	sadd.s32 s21, s3  }
0x9d: {  	[timem:s7], [sflag:s22] =	dma.local [hbm:s5], s20  }
0x9e: {  	_ =	swait.ge [sflag:s22], s20  }
0x9f: {  	s4 =	ssub.s32 $0x0, s20;
	[sflag:s22] =	ssyncset.done $0x0  }
0xa0: {  	[sflag:s22] =	ssyncadd.s32 s4;
	_ =	sdelay $0x1  }
0xa1: {  	s23 =	simm.s32 $0x1B8B  }
0xa2: {  	_ =	swait.ge [sflag:s23], $0x1  }
0xa3: {  	[sflag:s23] =	ssyncset.done $0x0  }
0xa4: {  	s25 =	simm.s32 $0x1B8E;
	s24 =	sld [smem:$0x3FFE];
	[sflag:s23] =	ssyncadd.s32 $0xFFFFFFFF  }
0xa5: {  	s26 =	simm.s32 $execute0_lowered;
	[smem:$0x3FD2] =	sst s25  }
0xa6: {  	s5 =	sshll.u32 s26, $0x1;
	_ =	strace $0x80000046;
	[dreg:$0x1] =	wrdreg $0xFFFFFFFF  }
0xa7: {  	s28 =	simm.s32 $_size_execute0_lowered;
	s3 =	sadd.s32 s3, s5;
	[dreg:$0x0] =	wrdreg $0x0  }
0xa8: {  	s5 =	sshll.u32 s28, $0x1;
	[dreg:$0x2] =	wrdreg s3  }
0xa9: {  	[dreg:$0x3] =	wrdreg s5  }
0xaa: {  	[dreg:$0x4] =	wrdreg $0xC0  }
0xab: {  	_ =	task [dreg:s7], $0x5FFFF  }
0xac: {  	[dreg:$0x1] =	wrdreg $0xFFFFFFFF  }
0xad: {  	[dreg:$0x0] =	wrdreg $0x60  }
0xae: {  	[dreg:$0x2] =	wrdreg s2  }
0xaf: {  	[dreg:$0x3] =	wrdreg s24  }
0xb0: {  	[dreg:$0x4] =	wrdreg $0x88000  }
0xb1: {  	[dreg:$0x5] =	wrdreg $0x9  }
0xb2: {  	_ =	task.clear_ibuf [dreg:s7], $0x6FFFF;
	_ =	strace $0x90000046  }
0xb3: {  	s29 =	simm.s32 $0x9;
	_ =	strace $0x80000048  }
0xb4: {  	_ =	swait.ge [sflag:s29], $0x1  }
0xb5: {  	[sflag:s29] =	ssyncadd.s32 $0xFFFFFFFF  }
0xb6: {  	_ =	strace $0x90000048  }
0xb7: {  	_ =	sfence  }
0xb8: {  	s30 =	sld [smem:$0x0];
	_ =	sdelay $0x2  }
0xb9: {  	s31 =	sshll.u32 s1, $0xD;
	s1 =	sshrl.u32 s1, $0x2  }
0xba: {  	s3 =	sand.u32 $0x4000, s31;
	s1 =	sadd.s32 s1, s30  }
0xbb: {  	s0 =	sor.u32 s3, s0;
	s1 =	sshll.u32 s1, $0x11  }
0xbc: {  	s0 =	sor.u32 s1, s0  }
0xbd: {  	s0 =	sadd.s32 $0x8F2B, s0  }
0xbe: {  	[sflag:s0] =	ssyncadd.remote.s32 $0x1  }
0xbf: {  	_ =	sfence.sel $0xFFFF  }
0xc0: {  	[dreg:$0x0] =	wrdreg $0xFFFFFFFF;
	(pc) =	sbr.abs _section_cstart, $3  }
0xc1: {  	[dreg:$0x1] =	wrdreg $0xFFFFFFFF  }
0xc2: {  	_ =	task.clear_ibuf [dreg:s7], $0x2FFFF;
	_ =	strace $0x9FFFFFFF  }
0xc3: {  	(tm) =	ssettm $0x7FFFFFFF  }
tec
execute0_lowered:
.L_overlay_start_1:
0x0: {  	(tag) =	ssettag $0x1  }
0x1: {  	s1 =	rddreg [dreg:$0x0]  }
0x2: {  	s0 =	rddreg [dreg:$0x1]  }
0x3: {  	s3 =	rddreg [dreg:$0x2];
	s2 =	simm.s32 $0x0  }
0x4: {  	s10 =	stileid.u32;
	s4 =	srdreg.scid;
	s28 =	simm.s32 $0x400  }
0x5: {  	s29 =	simm.s32 $0xC00;
	s30 =	simm.s32 $0x50;
	s31 =	simm.s32 $0x5  }
0x6: {  	[smem:$0x7FF] =	sst s2;
	s12 =	smul.u32 $0x280, s10;
	s5 =	sadd.s32 $0x2000, s0  }
0x7: {  	s0 =	sadd.s32 $0x34000, s0;
	s4 =	sand.u32 $0x1, s4;
	s22 =	smul.u32 $0x14000, s10  }
0x8: {  	s6 =	sshll.u32 s10, $0x1;
	s25 =	smul.u32 $0x50000, s10;
	p0 =	seq.s32 s10, $0xF  }
0x9: {  	s10 =	simm.s32 $0x4;
	_ =	strace $0x80000047;
	s7 =	ssub.s32 $0x2, s4  }
0xa: {  	s9 =	sor.u32 s4, s6;
	s4 =	smul.u32 $0x138800, s4;
	s2 =	smin.u32 s12, $0x2490  }
0xb: {  	s8 =	sshrl.u32 s7, $0x1;
	s12 =	simm.s32 $0x0;
	s2 =	sshll.u32 s2, $0x7  }
0xc: {  	s13 =	ssub.s32 s7, s8;
	s8 =	smul.u32 $0x6400, s9;
	s6 =	sadd.s32 s2, s3  }
0xd: {  	s7 =	sadd.s32 s22, s4;
	s9 =	sshrl.u32 s25, $0x2;
	s15 =	sadd.s32 $0x2800, s6  }
0xe: {  	s4 =	sshrl.u32 s4, $0x3;
	s16 =	sadd.s32 $0x5000, s6;
	[dreg:$0x4] =	wrdreg s15  }
0xf: {  	s22 =	simm.s32 $0x1000;
	s17 =	sadd.s32 $0x7800, s6;
	[dreg:$0x5] =	wrdreg s16  }
0x10: {  	s7 =	sshrl.u32 s7, $0x3;
	s18 =	sadd.s32 $0xA000, s6;
	[dreg:$0x6] =	wrdreg s17  }
0x11: {  	s2 =	simm.s32 $0x3;
	s19 =	sadd.s32 $0xC800, s6;
	[dreg:$0x7] =	wrdreg s18  }
0x12: {  	s20 =	sshrl.u32 s8, $0x3;
	s21 =	sadd.s32 $0xF000, s6;
	[dreg:$0x8] =	wrdreg s19  }
0x13: {  	s23 =	sadd.s32 $0x11800, s6;
	s7 =	sadd.s32 s0, s7;
	[dreg:$0x9] =	wrdreg s21  }
0x14: {  	s0 =	sadd.s32 s0, s4;
	s4 =	simm.s32 $0x1;
	[dreg:$0xa] =	wrdreg s23  }
0x15: {  	s14 =	sadd.s32 s5, s20;
	[dreg:$0xe] =	wrdreg s7;
	s7 =	sadd.s32 s9, s3  }
0x16: {  	s20 =	sadd.s32 $0x25800, s0;
	s0 =	sadd.s32 $0x12C000, s3;
	s21 =	smax.u32 s13, $0x1  }
.Ltmp0:
0x17: {  	s23 =	simm.s32 $0x8;
	s24 =	sadd.s32 $0x19000, s14;
	(pc) =	sbr.rel .LBB2_1-.Ltmp0, $4  }
0x18: {  	s9 =	simm.s32 $0x6;
	s11 =	sadd.s32 $0x80, s14;
	[dreg:$0xb] =	wrdreg s24  }
0x19: {  	s26 =	sadd.s32 $0x19080, s14;
	s25 =	sshrl.u32 @!p0 s7, $0x3;
	[dreg:$0xc] =	wrdreg s11  }
0x1a: {  	s7 =	simm.s32 $0x2;
	[dreg:$0xd] =	wrdreg s26;
	s24 =	sshrl.u32 @p0 s0, $0x3  }
0x1b: {  	v0 =	vimm.f32 $0.0e+00;
	s26 =	simm.s32 $0x800;
	s0 =	simm.s32 $0x3800;
	s11 =	simm.s32 $0x6000  }
.LBB2_34:
0x1c: {  	_ =	swait.ge [sflag:s4], $0x2800  }
0x1d: {  	[sflag:s4] =	ssyncset.done $0x0  }
0x1e: {  	s13 =	simm.s32 $0x980;
	[sflag:s4] =	ssyncadd.s32 $0xFFFFD800  }
0x1f: {  	[spmem:s3] =	stream.indirect.scatter.add.f32 [tilespmem:s22], [sflag:$0x4], $0x80, s13, s30, $0xb8;
	[tilespmem:$0x1C080] =	vst v63  }
0x20: {  	_ =	swait.ge [sflag:s7], $0x2800  }
0x21: {  	[sflag:s7] =	ssyncset.done $0x0  }
0x22: {  	s19 =	simm.s32 $0xA00;
	[sflag:s7] =	ssyncadd.s32 $0xFFFFD800  }
0x23: {  	[spmem:s3] =	stream.indirect.scatter.add.f32 [tilespmem:s0], [sflag:$0x5], $0x80, s19, s30, $0xb8;
	[tilespmem:$0x1C080] =	vst v63  }
0x24: {  	_ =	swait.ge [sflag:s9], $0x2800  }
0x25: {  	[sflag:s9] =	ssyncset.done $0x0  }
0x26: {  	[sflag:s9] =	ssyncadd.s32 $0xFFFFD800  }
0x27: {  	_ =	swait.ge [sflag:s10], $0x2800  }
0x28: {  	[sflag:s10] =	ssyncset.done $0x0  }
0x29: {  	[sflag:s10] =	ssyncadd.s32 $0xFFFFD800  }
0x2a: {  	_ =	swait.ge [sflag:s31], $0x2800  }
0x2b: {  	[sflag:s31] =	ssyncset.done $0x0  }
0x2c: {  	[sflag:s31] =	ssyncadd.s32 $0xFFFFD800  }
0x2d: {  	s13 =	simm.s32 @p0 $0x1FC8;
	[bflag:$0x0] =	sbarrier.arrive $0xFFFF  }
0x2e: {  	[hbm:s20], [sflag:s13] =	dma.local @p0 [spmem:s24], $0x1900  }
0x2f: {  	s13 =	simm.s32 @p0 $0x8  }
0x30: {  	s15 =	stileid.u32;
	s12 =	sadd.s32 $0x1, s12;
	_ =	swait.ge @p0 [sflag:s13], $0x1900  }
0x31: {  	s15 =	sshll.u32 @!p0 s15, $0x6;
	p1 =	sne.s32 s12, s21;
	[sflag:s13] =	ssyncset.done @p0 $0x0  }
0x32: {  	[sflag:s13] =	ssyncadd.s32 @p0 $0xFFFFE700;
	s13 =	sor.u32 @!p0 $0x1C08, s15;
	s15 =	rddreg [dreg:$0xe]  }
0x33: {  	[hbm:s15], [sflag:s13] =	dma.local @!p0 [spmem:s25], $0x2800  }
.Ltmp1:
0x34: {  	_ = 	snop;
	(pc) =	sbr.rel @!p1 .LBB2_35-.Ltmp1, $4  }
0x35: {  	s13 =	simm.s32 @!p0 $0x8  }
0x36: {  	_ =	swait.ge @!p0 [sflag:s13], $0x2800  }
0x37: {  	[sflag:s13] =	ssyncset.done @!p0 $0x0  }
0x38: {  	[sflag:s13] =	ssyncadd.s32 @!p0 $0xFFFFD800  }
.LBB2_1:
0x39: {  	s15 =	simm.s32 $0x0  }
0x3a: {  	s13 =	sand.u32 $0xFE00, s15  }
0x3b: {  	s15 =	sand.u32 $0x70, s15;
	s16 =	sshrl.u32 s13, $0x2  }
0x3c: {  	s13 =	simm.s32 $0x40;
	s16 =	sor.u32 s15, s16;
	s15 =	simm.s32 $0x0  }
.LBB2_2:
0x3d: {  	p1 =	sne.s32 s13, $0x9FC0  }
0x3e: {  	[tilespmem:s16+$0x1000] =	vst v0;
	s15 =	sadd.s32 $0x10, s15;
	s16 =	smov.u32 s13;
	s13 =	sadd.s32 $0x40, s13  }
.Ltmp2:
0x3f: {  	(pc) =	sbr.rel @p1 .LBB2_2-.Ltmp2, $4  }
0x40: {  	_ = 	snop  }
0x41: {  	s16 =	sand.u32 $0xFE00, s16  }
0x42: {  	s17 =	sand.u32 $0x70, s15;
	s16 =	sshrl.u32 s16, $0x2  }
0x43: {  	s16 =	sor.u32 s17, s16  }
0x44: {  	[tilespmem:s16+$0x1000] =	vst v0  }
0x45: {  	[spmem:s6] =	stream.linear.scatter [tilespmem:s22], [sflag:$0x8], $0x2800, $0x38;
	[tilespmem:$0x1C080] =	vst v63  }
0x46: {  	_ =	swait.ge [sflag:s23], $0x2800  }
0x47: {  	[sflag:s23] =	ssyncset.done $0x0  }
0x48: {  	s13 =	rddreg [dreg:$0x4];
	[sflag:s23] =	ssyncadd.s32 $0xFFFFD800  }
0x49: {  	[spmem:s13] =	stream.linear.scatter [tilespmem:s22], [sflag:$0x8], $0x2800, $0x38;
	[tilespmem:$0x1C080] =	vst v63  }
0x4a: {  	_ =	swait.ge [sflag:s23], $0x2800  }
0x4b: {  	[sflag:s23] =	ssyncset.done $0x0  }
0x4c: {  	s16 =	rddreg [dreg:$0x5];
	[sflag:s23] =	ssyncadd.s32 $0xFFFFD800  }
0x4d: {  	[spmem:s16] =	stream.linear.scatter [tilespmem:s22], [sflag:$0x8], $0x2800, $0x38;
	[tilespmem:$0x1C080] =	vst v63  }
0x4e: {  	_ =	swait.ge [sflag:s23], $0x2800  }
0x4f: {  	[sflag:s23] =	ssyncset.done $0x0  }
0x50: {  	s17 =	rddreg [dreg:$0x6];
	[sflag:s23] =	ssyncadd.s32 $0xFFFFD800  }
0x51: {  	[spmem:s17] =	stream.linear.scatter [tilespmem:s22], [sflag:$0x8], $0x2800, $0x38;
	[tilespmem:$0x1C080] =	vst v63  }
0x52: {  	_ =	swait.ge [sflag:s23], $0x2800  }
0x53: {  	[sflag:s23] =	ssyncset.done $0x0  }
0x54: {  	s18 =	rddreg [dreg:$0x7];
	[sflag:s23] =	ssyncadd.s32 $0xFFFFD800  }
0x55: {  	[spmem:s18] =	stream.linear.scatter [tilespmem:s22], [sflag:$0x8], $0x2800, $0x38;
	[tilespmem:$0x1C080] =	vst v63  }
0x56: {  	_ =	swait.ge [sflag:s23], $0x2800  }
0x57: {  	[sflag:s23] =	ssyncset.done $0x0  }
0x58: {  	s19 =	rddreg [dreg:$0x8];
	[sflag:s23] =	ssyncadd.s32 $0xFFFFD800  }
0x59: {  	[spmem:s19] =	stream.linear.scatter [tilespmem:s22], [sflag:$0x8], $0x2800, $0x38;
	[tilespmem:$0x1C080] =	vst v63  }
0x5a: {  	_ =	swait.ge [sflag:s23], $0x2800  }
0x5b: {  	[sflag:s23] =	ssyncset.done $0x0  }
0x5c: {  	s15 =	rddreg [dreg:$0x9];
	[sflag:s23] =	ssyncadd.s32 $0xFFFFD800  }
0x5d: {  	[spmem:s15] =	stream.linear.scatter [tilespmem:s22], [sflag:$0x8], $0x2800, $0x38;
	[tilespmem:$0x1C080] =	vst v63  }
0x5e: {  	_ =	swait.ge [sflag:s23], $0x2800  }
0x5f: {  	[sflag:s23] =	ssyncset.done $0x0  }
0x60: {  	s16 =	rddreg [dreg:$0xa];
	[sflag:s23] =	ssyncadd.s32 $0xFFFFD800  }
0x61: {  	[spmem:s16] =	stream.linear.scatter [tilespmem:s22], [sflag:$0x8], $0x2800, $0x38;
	[tilespmem:$0x1C080] =	vst v63  }
0x62: {  	_ =	swait.ge [sflag:s23], $0x2800  }
0x63: {  	[sflag:s23] =	ssyncset.done $0x0  }
0x64: {  	s13 =	simm.s32 $0x0;
	[sflag:s23] =	ssyncadd.s32 $0xFFFFD800  }
0x65: {  	[tilespmem:s13], [sflag:$0x8] =	stream.linear.gather [hbm4b:s14+s13], $0x280, $0x38;
	[tilespmem:$0x1C080] =	vst v63  }
0x66: {  	_ =	swait.ge [sflag:s23], $0x280  }
0x67: {  	[sflag:s23] =	ssyncset.done $0x0  }
0x68: {  	s15 =	rddreg [dreg:$0xb];
	[sflag:s23] =	ssyncadd.s32 $0xFFFFFD80  }
0x69: {  	[tilespmem:s26], [sflag:$0x8] =	stream.linear.gather [hbm4b:s15+s13], $0x280, $0x38;
	[tilespmem:$0x1C080] =	vst v63  }
0x6a: {  	_ =	swait.ge [sflag:s23], $0x280  }
0x6b: {  	[sflag:s23] =	ssyncset.done $0x0  }
0x6c: {  	s17 =	rddreg [dreg:$0xc];
	[sflag:s23] =	ssyncadd.s32 $0xFFFFFD80  }
0x6d: {  	[tilespmem:s28], [sflag:$0x7] =	stream.linear.gather [hbm4b:s17+s13], $0x280, $0x38;
	[tilespmem:$0x1C080] =	vst v63  }
0x6e: {  	s18 =	rddreg [dreg:$0xd]  }
0x6f: {  	[tilespmem:s29], [sflag:$0x7] =	stream.linear.gather [hbm4b:s18+s13], $0x280, $0x38;
	[tilespmem:$0x1C080] =	vst v63  }
.Ltmp3:
0x70: {  	_ = 	snop;
	(pc) =	sbr.rel .LBB2_4-.Ltmp3, $4  }
0x71: {  	[bflag:$0x0] =	sbarrier.arrive $0xFFFF  }
0x72: {  	[tilespmem:s22], [sflag:$0x1] =	stream.indirect.gather [hbm4b:s1+s30], $0x80, s13, s30, $0xb8;
	[tilespmem:$0x1C080] =	vst v63  }
0x73: {  	s19 =	simm.s32 $0x80  }
0x74: {  	[tilespmem:s0], [sflag:$0x2] =	stream.indirect.gather [hbm4b:s1+s30], $0x80, s19, s30, $0xb8;
	[tilespmem:$0x1C080] =	vst v63  }
.LBB2_17:
0x75: {  	s15 =	smul.u32 $0xCD, s13;
	_ =	sdelay $0x1  }
0x76: {  	s15 =	sshrl.u32 s15, $0xA  }
0x77: {  	s17 =	sand.u32 $0x3F, s15  }
0x78: {  	s16 =	smul.u32 $0x5, s17;
	_ =	sdelay $0x1  }
0x79: {  	s16 =	ssub.s32 s13, s16  }
0x7a: {  	s16 =	sand.u32 $0xFF, s16  }
0x7b: {  	p1 =	sne.s32 s16, $0x0  }
.Ltmp4:
0x7c: {  	_ = 	snop;
	(pc) =	sbr.rel @!p1 .LBB2_18-.Ltmp4, $4  }
0x7d: {  	_ = 	snop  }
0x7e: {  	_ =	swait.ge [sflag:s10], $0x2800  }
0x7f: {  	[sflag:s10] =	ssyncset.done $0x0  }
0x80: {  	[sflag:s10] =	ssyncadd.s32 $0xFFFFD800  }
0x81: {  	p1 =	sne.s32 s16, $0x3  }
0x82: {  	s17 =	simm.s32 @!p1 $0x7  }
0x83: {  	_ =	swait.ge @!p1 [sflag:s17], $0x280  }
0x84: {  	[sflag:s17] =	ssyncset.done @!p1 $0x0  }
0x85: {  	[sflag:s17] =	ssyncadd.s32 @!p1 $0xFFFFFD80  }
0x86: {  	_ =	swait.ge @!p1 [sflag:s17], $0x280  }
0x87: {  	[sflag:s17] =	ssyncset.done @!p1 $0x0  }
0x88: {  	s16 =	simm.s32 @!p1 $0x3;
	[sflag:s17] =	ssyncadd.s32 @!p1 $0xFFFFFD80  }
.LBB2_24:
0x89: {  	s17 =	sadd.s32 $0x2, s13  }
0x8a: {  	s18 =	sand.u32 $0xFF, s17  }
0x8b: {  	s18 =	smul.u32 $0xCD, s18;
	_ =	sdelay $0x1  }
0x8c: {  	s18 =	sshrl.u32 s18, $0xA  }
0x8d: {  	s19 =	smul.u32 $0x5, s18;
	_ =	sdelay $0x1  }
0x8e: {  	s18 =	sand.u32 $0x1, s18;
	s17 =	ssub.s32 s17, s19  }
0x8f: {  	p1 =	seq.s32 s18, $0x1;
	s18 =	simm.s32 $0x400;
	s17 =	sand.u32 $0xFF, s17  }
0x90: {  	s15 =	sand.u32 $0x1, s15;
	s18 =	simm.s32 @!p1 $0x0;
	s17 =	sshll.u32 s17, $0x7  }
0x91: {  	p1 =	seq.s32 s15, $0x1;
	s15 =	sshll.u32 s16, $0x9;
	s17 =	sor.u32 s17, s18  }
0x92: {  	[tilespmem:s22], [sflag:$0x1] =	stream.indirect.gather [hbm4b:s1+s30], $0x80, s17, s30, $0xb8;
	[tilespmem:$0x1C080] =	vst v63  }
0x93: {  	s16 =	sshrl.u32 @p1 s15, $0x2;
	_ =	swait.ge [sflag:s7], $0x2800  }
0x94: {  	s15 =	sshrl.u32 @!p1 s15, $0x2;
	s16 =	sadd.s32 @p1 $0xC00, s16;
	[sflag:s7] =	ssyncset.done $0x0  }
0x95: {  	s18 =	simm.s32 @p1 $0x3800;
	s17 =	simm.s32 @p1 $0x50;
	[sflag:s7] =	ssyncadd.s32 $0xFFFFD800  }
0x96: {  	[spmem:s3] =	stream.indirect.scatter.add.f32 @p1 [tilespmem:s18], [sflag:$0x5], $0x80, s16, s17, $0xb8;
	[tilespmem:$0x1C080] =	vst v63  }
0x97: {  	s15 =	sadd.s32 @!p1 $0x800, s15;
	s16 =	simm.s32 @!p1 $0x50;
	s17 =	simm.s32 @!p1 $0x3800  }
0x98: {  	[spmem:s3] =	stream.indirect.scatter.add.f32 @!p1 [tilespmem:s17], [sflag:$0x5], $0x80, s15, s16, $0xb8;
	[tilespmem:$0x1C080] =	vst v63  }
.LBB2_33:
0x99: {  	s13 =	sadd.s32 $0x1, s13  }
0x9a: {  	p1 =	sne.s32 s13, $0x7B  }
.Ltmp5:
0x9b: {  	_ = 	snop;
	(pc) =	sbr.rel @!p1 .LBB2_34-.Ltmp5, $1  }
0x9c: {  	_ =	sdelay $0x3  }
.LBB2_4:
0x9d: {  	s15 =	smul.u32 $0xAB, s13;
	_ =	sdelay $0x1  }
0x9e: {  	s15 =	sshrl.u32 s15, $0x9  }
0x9f: {  	s15 =	sand.u32 $0x7F, s15  }
0xa0: {  	s15 =	smul.u32 $0x3, s15;
	_ =	sdelay $0x1  }
0xa1: {  	s15 =	ssub.s32 s13, s15  }
0xa2: {  	s15 =	sand.u32 $0xFF, s15  }
0xa3: {  	p1 =	seq.s32 s15, $0x2  }
.Ltmp6:
0xa4: {  	_ = 	snop;
	(pc) =	sbr.rel @p1 .LBB2_25-.Ltmp6, $1  }
0xa5: {  	_ =	sdelay $0x3  }
0xa6: {  	p1 =	seq.s32 s15, $0x1  }
.Ltmp7:
0xa7: {  	_ = 	snop;
	(pc) =	sbr.rel @p1 .LBB2_17-.Ltmp7, $1  }
0xa8: {  	_ =	sdelay $0x3  }
0xa9: {  	p1 =	seq.s32 s13, $0x0  }
.Ltmp8:
0xaa: {  	_ = 	snop;
	(pc) =	sbr.rel @p1 .LBB2_7-.Ltmp8, $1  }
0xab: {  	_ =	sdelay $0x3  }
0xac: {  	s15 =	smul.u32 $0xCD, s13;
	_ =	sdelay $0x1  }
0xad: {  	s15 =	sshrl.u32 s15, $0xA  }
0xae: {  	s16 =	sand.u32 $0x3F, s15  }
0xaf: {  	s15 =	smul.u32 $0x5, s16;
	_ =	sdelay $0x1  }
0xb0: {  	s15 =	ssub.s32 s13, s15  }
0xb1: {  	s15 =	sand.u32 $0xFF, s15  }
0xb2: {  	p1 =	sne.s32 s15, $0x0  }
.Ltmp9:
0xb3: {  	_ = 	snop;
	(pc) =	sbr.rel @!p1 .LBB2_9-.Ltmp9, $4  }
0xb4: {  	_ = 	snop  }
0xb5: {  	_ =	swait.ge [sflag:s9], $0x2800  }
0xb6: {  	[sflag:s9] =	ssyncset.done $0x0  }
0xb7: {  	[sflag:s9] =	ssyncadd.s32 $0xFFFFD800  }
0xb8: {  	p1 =	sne.s32 s15, $0x3  }
0xb9: {  	s16 =	simm.s32 @!p1 $0x7  }
0xba: {  	_ =	swait.ge @!p1 [sflag:s16], $0x280  }
.Ltmp10:
0xbb: {  	[sflag:s16] =	ssyncset.done @!p1 $0x0;
	(pc) =	sbr.rel .LBB2_15-.Ltmp10, $4  }
0xbc: {  	[sflag:s16] =	ssyncadd.s32 @!p1 $0xFFFFFD80  }
0xbd: {  	_ =	swait.ge @!p1 [sflag:s16], $0x280  }
0xbe: {  	[sflag:s16] =	ssyncset.done @!p1 $0x0  }
0xbf: {  	s15 =	simm.s32 @!p1 $0x3;
	[sflag:s16] =	ssyncadd.s32 @!p1 $0xFFFFFD80  }
.LBB2_25:
0xc0: {  	s15 =	smul.u32 $0xCD, s13;
	_ =	sdelay $0x1  }
0xc1: {  	s15 =	sshrl.u32 s15, $0xA  }
0xc2: {  	s15 =	sand.u32 $0x3F, s15  }
0xc3: {  	s16 =	smul.u32 $0x5, s15;
	_ =	sdelay $0x1  }
0xc4: {  	s16 =	ssub.s32 s13, s16  }
0xc5: {  	s16 =	sand.u32 $0xFF, s16  }
0xc6: {  	p1 =	sne.s32 s16, $0x0  }
.Ltmp11:
0xc7: {  	_ = 	snop;
	(pc) =	sbr.rel @!p1 .LBB2_26-.Ltmp11, $4  }
0xc8: {  	_ = 	snop  }
0xc9: {  	_ =	swait.ge [sflag:s31], $0x2800  }
0xca: {  	[sflag:s31] =	ssyncset.done $0x0  }
0xcb: {  	[sflag:s31] =	ssyncadd.s32 $0xFFFFD800  }
0xcc: {  	p1 =	sne.s32 s16, $0x3  }
0xcd: {  	s17 =	simm.s32 @!p1 $0x7  }
0xce: {  	_ =	swait.ge @!p1 [sflag:s17], $0x280  }
.Ltmp12:
0xcf: {  	[sflag:s17] =	ssyncset.done @!p1 $0x0;
	(pc) =	sbr.rel .LBB2_32-.Ltmp12, $4  }
0xd0: {  	[sflag:s17] =	ssyncadd.s32 @!p1 $0xFFFFFD80  }
0xd1: {  	_ =	swait.ge @!p1 [sflag:s17], $0x280  }
0xd2: {  	[sflag:s17] =	ssyncset.done @!p1 $0x0  }
0xd3: {  	s16 =	simm.s32 @!p1 $0x3;
	[sflag:s17] =	ssyncadd.s32 @!p1 $0xFFFFFD80  }
.LBB2_18:
0xd4: {  	p1 =	sgt.u32 s13, $0x77  }
.Ltmp13:
0xd5: {  	_ = 	snop;
	(pc) =	sbr.rel @p1 .LBB2_24-.Ltmp13, $2  }
0xd6: {  	_ =	sdelay $0x2  }
0xd7: {  	s16 =	simm.s32 $0x0  }
0xd8: {  	s16 =	sadd.s32 $0x1, s17  }
0xd9: {  	s18 =	sshll.u32 s16, $0xA;
	s16 =	sand.u32 $0x1, s16  }
0xda: {  	p1 =	seq.s32 s16, $0x0  }
.Ltmp14:
0xdb: {  	_ = 	snop;
	(pc) =	sbr.rel @p1 .LBB2_21-.Ltmp14, $4  }
0xdc: {  	_ = 	snop  }
0xdd: {  	s18 =	sadd.s32 s8, s18  }
0xde: {  	s18 =	sshrl.u32 s18, $0x3  }
0xdf: {  	s18 =	sadd.s32 s5, s18  }
.Ltmp15:
0xe0: {  	(pc) =	sbr.rel .LBB2_22-.Ltmp15, $2  }
0xe1: {  	_ =	sdelay $0x2  }
0xe2: {  	s19 =	sadd.s32 $0x19000, s18  }
.LBB2_26:
0xe3: {  	p1 =	sgt.u32 s13, $0x77  }
.Ltmp16:
0xe4: {  	_ = 	snop;
	(pc) =	sbr.rel @p1 .LBB2_32-.Ltmp16, $2  }
0xe5: {  	_ =	sdelay $0x2  }
0xe6: {  	s16 =	simm.s32 $0x0  }
0xe7: {  	s16 =	sadd.s32 $0x1, s15  }
0xe8: {  	s17 =	sshll.u32 s16, $0xA;
	s16 =	sand.u32 $0x1, s16  }
0xe9: {  	p1 =	seq.s32 s16, $0x0  }
.Ltmp17:
0xea: {  	_ = 	snop;
	(pc) =	sbr.rel @p1 .LBB2_29-.Ltmp17, $4  }
0xeb: {  	_ = 	snop  }
0xec: {  	s17 =	sadd.s32 s8, s17  }
0xed: {  	s17 =	sshrl.u32 s17, $0x3  }
0xee: {  	s17 =	sadd.s32 s5, s17  }
.Ltmp18:
0xef: {  	(pc) =	sbr.rel .LBB2_30-.Ltmp18, $2  }
0xf0: {  	_ =	sdelay $0x2  }
0xf1: {  	s18 =	sadd.s32 $0x19000, s17  }
.LBB2_7:
.Ltmp19:
0xf2: {  	(pc) =	sbr.rel .LBB2_16-.Ltmp19, $2  }
0xf3: {  	_ =	sdelay $0x2  }
0xf4: {  	s16 =	simm.s32 $0x0;
	s17 =	simm.s32 $0x400;
	s15 =	simm.s32 $0x0  }
.LBB2_9:
0xf5: {  	p1 =	sgt.u32 s13, $0x77  }
.Ltmp20:
0xf6: {  	_ = 	snop;
	(pc) =	sbr.rel @p1 .LBB2_15-.Ltmp20, $2  }
0xf7: {  	_ =	sdelay $0x2  }
0xf8: {  	s15 =	simm.s32 $0x0  }
0xf9: {  	s15 =	sadd.s32 $0x1, s16  }
0xfa: {  	s17 =	sshll.u32 s15, $0xA;
	s15 =	sand.u32 $0x1, s15  }
0xfb: {  	p1 =	seq.s32 s15, $0x0  }
.Ltmp21:
0xfc: {  	_ = 	snop;
	(pc) =	sbr.rel @p1 .LBB2_12-.Ltmp21, $4  }
0xfd: {  	_ = 	snop  }
0xfe: {  	s17 =	sadd.s32 s8, s17  }
0xff: {  	s17 =	sshrl.u32 s17, $0x3  }
0x100: {  	s17 =	sadd.s32 s5, s17  }
.Ltmp22:
0x101: {  	(pc) =	sbr.rel .LBB2_13-.Ltmp22, $2  }
0x102: {  	_ =	sdelay $0x2  }
0x103: {  	s18 =	sadd.s32 $0x19000, s17  }
.LBB2_21:
0x104: {  	s17 =	sand.u32 $0x1, s17  }
0x105: {  	p1 =	seq.s32 s17, $0x1  }
.Ltmp23:
0x106: {  	_ = 	snop;
	(pc) =	sbr.rel @p1 .LBB2_24-.Ltmp23, $4  }
0x107: {  	s16 =	simm.s32 $0x0  }
0x108: {  	[tilespmem:s16], [sflag:$0x7] =	stream.linear.gather [hbm4b:s18+s16], $0x280, $0x38;
	[tilespmem:$0x1C080] =	vst v63  }
0x109: {  	s19 =	sadd.s32 $0x19000, s18  }
0x10a: {  	[tilespmem:s26], [sflag:$0x7] =	stream.linear.gather [hbm4b:s19+s16], $0x280, $0x38;
	[tilespmem:$0x1C080] =	vst v63  }
.LBB2_22:
.Ltmp24:
0x10b: {  	(pc) =	sbr.rel .LBB2_24-.Ltmp24, $4  }
0x10c: {  	s16 =	simm.s32 $0x0  }
0x10d: {  	[tilespmem:s28], [sflag:$0x7] =	stream.linear.gather [hbm4b:s18+s16], $0x280, $0x38;
	[tilespmem:$0x1C080] =	vst v63  }
0x10e: {  	_ = 	snop  }
0x10f: {  	[tilespmem:s29], [sflag:$0x7] =	stream.linear.gather [hbm4b:s19+s16], $0x280, $0x38;
	[tilespmem:$0x1C080] =	vst v63  }
.LBB2_29:
0x110: {  	s19 =	sand.u32 $0x1, s15  }
0x111: {  	p1 =	seq.s32 s19, $0x1  }
.Ltmp25:
0x112: {  	_ = 	snop;
	(pc) =	sbr.rel @p1 .LBB2_32-.Ltmp25, $4  }
0x113: {  	s16 =	simm.s32 $0x0  }
0x114: {  	[tilespmem:s16], [sflag:$0x7] =	stream.linear.gather [hbm4b:s17+s16], $0x280, $0x38;
	[tilespmem:$0x1C080] =	vst v63  }
0x115: {  	s18 =	sadd.s32 $0x19000, s17  }
0x116: {  	[tilespmem:s26], [sflag:$0x7] =	stream.linear.gather [hbm4b:s18+s16], $0x280, $0x38;
	[tilespmem:$0x1C080] =	vst v63  }
.LBB2_30:
0x117: {  	s16 =	simm.s32 $0x0  }
0x118: {  	[tilespmem:s28], [sflag:$0x7] =	stream.linear.gather [hbm4b:s17+s16], $0x280, $0x38;
	[tilespmem:$0x1C080] =	vst v63  }
0x119: {  	_ = 	snop  }
0x11a: {  	[tilespmem:s29], [sflag:$0x7] =	stream.linear.gather [hbm4b:s18+s16], $0x280, $0x38;
	[tilespmem:$0x1C080] =	vst v63  }
.LBB2_32:
0x11b: {  	s17 =	sadd.s32 $0x2, s13  }
0x11c: {  	s18 =	sand.u32 $0xFF, s17  }
0x11d: {  	s18 =	smul.u32 $0xCD, s18;
	_ =	sdelay $0x1  }
0x11e: {  	s18 =	sshrl.u32 s18, $0xA  }
0x11f: {  	s19 =	smul.u32 $0x5, s18;
	_ =	sdelay $0x1  }
0x120: {  	s18 =	sand.u32 $0x1, s18;
	s17 =	ssub.s32 s17, s19  }
0x121: {  	p1 =	seq.s32 s18, $0x1;
	s18 =	simm.s32 $0x400;
	s17 =	sand.u32 $0xFF, s17  }
0x122: {  	s15 =	sand.u32 $0x1, s15;
	s18 =	simm.s32 @!p1 $0x0;
	s17 =	sshll.u32 s17, $0x7  }
0x123: {  	p1 =	seq.s32 s15, $0x1;
	s15 =	sshll.u32 s16, $0x9;
	s17 =	sor.u32 s17, s18  }
0x124: {  	[tilespmem:s0], [sflag:$0x2] =	stream.indirect.gather [hbm4b:s1+s30], $0x80, s17, s30, $0xb8;
	[tilespmem:$0x1C080] =	vst v63  }
0x125: {  	s16 =	sshrl.u32 @p1 s15, $0x2;
	s15 =	sshrl.u32 @!p1 s15, $0x2;
	_ =	swait.ge [sflag:s2], $0x2800  }
.Ltmp26:
0x126: {  	s16 =	sadd.s32 @p1 $0xC00, s16;
	[sflag:s2] =	ssyncset.done $0x0;
	(pc) =	sbr.rel .LBB2_33-.Ltmp26, $4  }
0x127: {  	s18 =	simm.s32 @p1 $0x6000;
	s17 =	simm.s32 @p1 $0x50;
	[sflag:s2] =	ssyncadd.s32 $0xFFFFD800  }
0x128: {  	[spmem:s3] =	stream.indirect.scatter.add.f32 @p1 [tilespmem:s18], [sflag:$0x6], $0x80, s16, s17, $0xb8;
	[tilespmem:$0x1C080] =	vst v63  }
0x129: {  	s15 =	sadd.s32 @!p1 $0x800, s15;
	s16 =	simm.s32 @!p1 $0x50;
	s17 =	simm.s32 @!p1 $0x6000  }
0x12a: {  	[spmem:s3] =	stream.indirect.scatter.add.f32 @!p1 [tilespmem:s17], [sflag:$0x6], $0x80, s15, s16, $0xb8;
	[tilespmem:$0x1C080] =	vst v63  }
.LBB2_12:
0x12b: {  	s16 =	sand.u32 $0x1, s16  }
0x12c: {  	p1 =	seq.s32 s16, $0x1  }
.Ltmp27:
0x12d: {  	_ = 	snop;
	(pc) =	sbr.rel @p1 .LBB2_15-.Ltmp27, $4  }
0x12e: {  	s15 =	simm.s32 $0x0  }
0x12f: {  	[tilespmem:s15], [sflag:$0x7] =	stream.linear.gather [hbm4b:s17+s15], $0x280, $0x38;
	[tilespmem:$0x1C080] =	vst v63  }
0x130: {  	s18 =	sadd.s32 $0x19000, s17  }
0x131: {  	[tilespmem:s26], [sflag:$0x7] =	stream.linear.gather [hbm4b:s18+s15], $0x280, $0x38;
	[tilespmem:$0x1C080] =	vst v63  }
.LBB2_13:
0x132: {  	s15 =	simm.s32 $0x0  }
0x133: {  	[tilespmem:s28], [sflag:$0x7] =	stream.linear.gather [hbm4b:s17+s15], $0x280, $0x38;
	[tilespmem:$0x1C080] =	vst v63  }
0x134: {  	_ = 	snop  }
0x135: {  	[tilespmem:s29], [sflag:$0x7] =	stream.linear.gather [hbm4b:s18+s15], $0x280, $0x38;
	[tilespmem:$0x1C080] =	vst v63  }
.LBB2_15:
0x136: {  	s16 =	sadd.s32 $0x2, s13  }
0x137: {  	s17 =	sand.u32 $0xFF, s16  }
0x138: {  	s17 =	smul.u32 $0xCD, s17;
	_ =	sdelay $0x1  }
0x139: {  	s17 =	sshrl.u32 s17, $0xA  }
0x13a: {  	s18 =	smul.u32 $0x5, s17;
	_ =	sdelay $0x1  }
0x13b: {  	s17 =	sand.u32 $0x1, s17;
	s16 =	ssub.s32 s16, s18  }
0x13c: {  	p1 =	seq.s32 s17, $0x1;
	s18 =	sand.u32 $0xFF, s16;
	s16 =	simm.s32 $0x400  }
0x13d: {  	s15 =	sshll.u32 s15, $0x9;
	s16 =	simm.s32 @!p1 $0x0;
	s17 =	sshll.u32 s18, $0x9  }
.LBB2_16:
0x13e: {  	s17 =	sshrl.u32 s17, $0x2  }
0x13f: {  	s18 =	smul.u32 $0xCD, s13;
	s16 =	sadd.s32 s17, s16  }
0x140: {  	[tilespmem:s11], [sflag:$0x3] =	stream.indirect.gather [hbm4b:s1+s30], $0x80, s16, s30, $0xb8;
	[tilespmem:$0x1C080] =	vst v63  }
0x141: {  	s19 =	sshrl.u32 s18, $0xA;
	_ =	swait.ge [sflag:s4], $0x2800  }
0x142: {  	s16 =	sand.u32 $0x1, s19;
	[sflag:s4] =	ssyncset.done $0x0  }
0x143: {  	p1 =	seq.s32 s16, $0x1;
	[sflag:s4] =	ssyncadd.s32 $0xFFFFD800  }
.Ltmp28:
0x144: {  	s16 =	sshrl.u32 @p1 s15, $0x2;
	s17 =	simm.s32 @p1 $0x50;
	(pc) =	sbr.rel .LBB2_33-.Ltmp28, $4  }
0x145: {  	s18 =	simm.s32 @p1 $0x1000;
	s15 =	sshrl.u32 @!p1 s15, $0x2;
	s16 =	sadd.s32 @p1 $0xC00, s16  }
0x146: {  	[spmem:s3] =	stream.indirect.scatter.add.f32 @p1 [tilespmem:s18], [sflag:$0x4], $0x80, s16, s17, $0xb8;
	[tilespmem:$0x1C080] =	vst v63  }
0x147: {  	s15 =	sadd.s32 @!p1 $0x800, s15;
	s16 =	simm.s32 @!p1 $0x50;
	s17 =	simm.s32 @!p1 $0x1000  }
0x148: {  	[spmem:s3] =	stream.indirect.scatter.add.f32 @!p1 [tilespmem:s17], [sflag:$0x4], $0x80, s15, s16, $0xb8;
	[tilespmem:$0x1C080] =	vst v63  }
.LBB2_35:
0x149: {  	_ =	sfence.sel $0x180000  }
0x14a: {  	[bflag:$0x0] =	sbarrier.arrive $0xFFFF  }
0x14b: {  	_ =	strace $0x90000047  }
0x14c: {  	s0 =	stileid.u32;
	[bflag:$0x2] =	sbarrier.arrive $0xFFFF  }
0x14d: {  	p0 =	sne.s32 s0, $0x0;
	s0 =	rddreg [dreg:$0x3]  }
0x14e: {  	s0 =	sadd.s32 @!p0 $0x100000, s0  }
0x14f: {  	[sflag:s0] =	ssyncadd.tile.s32 @!p0 $0x1;
	_ =	shalt  }
.Lfunc_end2:
_tile_overlayer_lowered:
.L_overlay_start_2:
0x150: {  	(tag) =	ssettag $0x2  }
0x151: {  	s0 =	rddreg [dreg:$0x0];
	s2 =	stileid.u32  }
0x152: {  	s1 =	rddreg [dreg:$0x1];
	p0 =	sne.s32 s2, $0x0  }
0x153: {  	s3 =	rddreg [dreg:$0x2];
	[bflag:$0x3] =	sbarrier.arrive $0xFFFF;
	s2 =	simm.s32 @!p0 $0x1C08  }
0x154: {  	[timem:s3], [sflag:s2] =	dma.local @!p0 [hbm:s0], s1  }
0x155: {  	s0 =	simm.s32 @!p0 $0x8  }
0x156: {  	_ =	swait.ge @!p0 [sflag:s0], s1  }
0x157: {  	s1 =	ssub.s32 @!p0 $0x0, s1;
	[sflag:s0] =	ssyncset.done @!p0 $0x0  }
0x158: {  	[sflag:s0] =	ssyncadd.s32 @!p0 s1  }
0x159: {  	[bflag:$0x3] =	sbarrier.arrive $0xFFFF  }
0x15a: {  	_ =	shalt  }

// kernel: kernel.9.cloned.1.call-start
scs
__scs_entry_jumppad:
0x0: {  	(pc) =	sbr.rel $0x88, $3  }
0x1: {  	(tag) =	ssettag $0x0;
	lr =	simm.s32 $0x1  }
0x2: {  	[smem:$0x3F9B] =	sst lr;
	_ =	strace $0xD0000000  }
0x3: {  	_ = 	snop  }
0x4: {  	_ = 	snop  }
0x5: {  	_ = 	snop  }
0x6: {  	_ = 	snop  }
0x7: {  	_ = 	snop  }
__scs_overlays_trampoline_lowered:
0x8: {  	[smem:$0x3FAA] =	sst s0  }
0x9: {  	[smem:$0x3FAB] =	sst s1  }
0xa: {  	[smem:$0x3FAC] =	sst s2  }
0xb: {  	[smem:$0x3FAD] =	sst s3  }
0xc: {  	[smem:$0x3FAE] =	sst s4  }
0xd: {  	[smem:$0x3FAF] =	sst s5  }
0xe: {  	[smem:$0x3FB0] =	sst s6  }
0xf: {  	[smem:$0x3FB1] =	sst s7  }
0x10: {  	[smem:$0x3FB2] =	sst s8  }
0x11: {  	[smem:$0x3FB3] =	sst s9;
	s0 =	simm.s32 @!p0 $0x0  }
0x12: {  	s1 =	sld [smem:$0x3F99];
	s0 =	simm.s32 @p0 $0x1  }
0x13: {  	[smem:$0x3FB4] =	sst s0;
	s0 =	simm.s32 @!p1 $0x0  }
0x14: {  	s2 =	sld [smem:$0x3F98];
	s0 =	simm.s32 @p1 $0x1  }
0x15: {  	[smem:$0x3FB5] =	sst s0;
	s0 =	simm.s32 @!p2 $0x0  }
0x16: {  	s3 =	sld [smem:$0x3FDB];
	s0 =	simm.s32 @p2 $0x1  }
0x17: {  	s4 =	simm.s32 $0x1BF5;
	[smem:$0x3FB7] =	sst s0  }
0x18: {  	s0 =	sld [smem:$0x3F9A];
	_ =	swait.ge [sflag:s4], $0x0  }
0x19: {  	s7 =	sld [smem:$0x3F9B]  }
0x1a: {  	s8 =	sadd.s32 $0xFFFFE003, lr  }
0x1b: {  	s9 =	sadd.s32 $0xFFFFFEF7, lr;
	s5 =	simm.s32 $0xFFFFFFFF;
	p2 =	slt.u32 s8, $0xFFFFF086  }
0x1c: {  	p1 =	slt.u32 s9, $0xF7A;
	s5 =	simm.s32 @!p2 $0x0  }
0x1d: {  	s5 =	simm.s32 @p1 $0x1;
	p0 =	seq.s32 s7, s2  }
0x1e: {  	s7 =	smul.u32 @!p0 $0xF7A, s2;
	p2 =	seq.s32 @!p0 s5, $0x0  }
0x1f: {  	s9 =	smul.u32 $0xF7A, s1;
	s8 =	simm.s32 @!p0 $0x1BF5;
	p2 =	por !p2, p0  }
0x20: {  	[sflag:s8] =	ssyncset.s32 @!p0 $0xFFFFF086;
	s6 =	sadd.s32 @!p0 s3, s7;
	s7 =	simm.s32 @!p0 $0x108  }
0x21: {  	s3 =	sadd.s32 s3, s9;
	s6 =	sadd.s32 @!p0 $0x88, s6;
	s7 =	simm.s32 @p2 $0x1082  }
0x22: {  	[simem:s7], [sflag:s8] =	dma.local @!p0 [hbm:s6], $0xF7A  }
0x23: {  	s9 =	sor.u32 $0xD0000000, s2;
	s6 =	simm.s32 $0x108;
	_ =	swait.ge @!p0 [sflag:s8], $0x0  }
0x24: {  	s3 =	sadd.s32 $0x88, s3;
	s6 =	simm.s32 @!p1 $0x1082;
	[sflag:s4] =	ssyncset.s32 $0xFFFFF086  }
0x25: {  	[simem:s6], [sflag:s4] =	dma.local [hbm:s3], $0xF7A  }
0x26: {  	[smem:$0x3F9B] =	sst s1;
	(tag) =	ssettag s2;
	_ =	strace s9  }
0x27: {  	s1 =	sld [smem:$0x3FAB]  }
0x28: {  	s2 =	sld [smem:$0x3FAC]  }
0x29: {  	s4 =	sld [smem:$0x3FAE]  }
0x2a: {  	p0 =	seq.s32 s5, $0x0;
	s5 =	sld [smem:$0x3FAF]  }
0x2b: {  	s6 =	sld [smem:$0x3FB0]  }
0x2c: {  	s7 =	sld [smem:$0x3FB1]  }
0x2d: {  	s3 =	simm.s32 $0x108;
	s8 =	sld [smem:$0x3FB2]  }
0x2e: {  	s3 =	simm.s32 @!p0 $0x1082;
	s9 =	sld [smem:$0x3FB3]  }
0x2f: {  	lr =	sadd.s32 s0, s3;
	s0 =	sld [smem:$0x3FAA]  }
0x30: {  	s3 =	sld [smem:$0x3FAD]  }
0x31: {  	[smem:$0x3FB6] =	sst s10  }
0x32: {  	s10 =	sld [smem:$0x3FB4];
	_ =	sdelay $0x3  }
0x33: {  	p0 =	seq.s32 s10, $0x1;
	s10 =	sld [smem:$0x3FB6];
	_ =	sdelay $0x3  }
0x34: {  	[smem:$0x3FB6] =	sst s10  }
0x35: {  	s10 =	sld [smem:$0x3FB5];
	_ =	sdelay $0x3  }
0x36: {  	p1 =	seq.s32 s10, $0x1;
	s10 =	sld [smem:$0x3FB6];
	_ =	sdelay $0x3  }
0x37: {  	[smem:$0x3FB6] =	sst s10  }
0x38: {  	s10 =	sld [smem:$0x3FB7]  }
0x39: {  	_ = 	snop;
	(pc) =	sbr.ind lr, $3  }
0x3a: {  	_ = 	snop  }
0x3b: {  	_ = 	snop  }
0x3c: {  	p2 =	seq.s32 s10, $0x1;
	s10 =	sld [smem:$0x3FB6]  }
0x3d: {  	_ =	shalt  }
0x3e: {  	_ =	shalt  }
0x3f: {  	_ =	shalt  }
0x40: {  	_ =	shalt  }
0x41: {  	_ =	shalt  }
0x42: {  	_ =	shalt  }
0x43: {  	_ =	shalt  }
0x44: {  	_ =	shalt  }
0x45: {  	_ =	shalt  }
0x46: {  	_ =	shalt  }
0x47: {  	_ =	shalt  }
0x48: {  	_ =	shalt  }
0x49: {  	_ =	shalt  }
0x4a: {  	_ =	shalt  }
0x4b: {  	_ =	shalt  }
0x4c: {  	_ =	shalt  }
0x4d: {  	_ =	shalt  }
0x4e: {  	_ =	shalt  }
0x4f: {  	_ =	shalt  }
0x50: {  	_ =	shalt  }
0x51: {  	_ =	shalt  }
0x52: {  	_ =	shalt  }
0x53: {  	_ =	shalt  }
0x54: {  	_ =	shalt  }
0x55: {  	_ =	shalt  }
0x56: {  	_ =	shalt  }
0x57: {  	_ =	shalt  }
0x58: {  	_ =	shalt  }
0x59: {  	_ =	shalt  }
0x5a: {  	_ =	shalt  }
0x5b: {  	_ =	shalt  }
0x5c: {  	_ =	shalt  }
0x5d: {  	_ =	shalt  }
0x5e: {  	_ =	shalt  }
0x5f: {  	_ =	shalt  }
0x60: {  	_ =	shalt  }
0x61: {  	_ =	shalt  }
0x62: {  	_ =	shalt  }
0x63: {  	_ =	shalt  }
0x64: {  	_ =	shalt  }
0x65: {  	_ =	shalt  }
0x66: {  	_ =	shalt  }
0x67: {  	_ =	shalt  }
0x68: {  	_ =	shalt  }
0x69: {  	_ =	shalt  }
0x6a: {  	_ =	shalt  }
0x6b: {  	_ =	shalt  }
0x6c: {  	_ =	shalt  }
0x6d: {  	_ =	shalt  }
0x6e: {  	_ =	shalt  }
0x6f: {  	_ =	shalt  }
0x70: {  	_ =	shalt  }
0x71: {  	_ =	shalt  }
0x72: {  	_ =	shalt  }
0x73: {  	_ =	shalt  }
0x74: {  	_ =	shalt  }
0x75: {  	_ =	shalt  }
0x76: {  	_ =	shalt  }
0x77: {  	_ =	shalt  }
0x78: {  	_ =	shalt  }
0x79: {  	_ =	shalt  }
0x7a: {  	_ =	shalt  }
0x7b: {  	_ =	shalt  }
0x7c: {  	_ =	shalt  }
0x7d: {  	_ =	shalt  }
0x7e: {  	_ =	shalt  }
0x7f: {  	_ =	shalt  }
0x80: {  	_ =	shalt  }
0x81: {  	_ =	shalt  }
0x82: {  	_ =	shalt  }
0x83: {  	_ =	shalt  }
0x84: {  	_ =	shalt  }
0x85: {  	_ =	shalt  }
0x86: {  	_ =	shalt  }
0x87: {  	_ =	shalt  }
.Lfunc_end0:
.L_simem_size_0:
called_computation.1_lowered:
.L_overlay_start_0:
0x88: {  	s2 =	sld [smem:$0x3FD9]  }
0x89: {  	s3 =	sld [smem:$0x3FFE];
	_ =	sdelay $0x1  }
0x8a: {  	s1 =	srdreg.scid  }
0x8b: {  	s0 =	sand.u32 $0x1, s1  }
0x8c: {  	s17 =	sshll.u32 s0, $0xA;
	s2 =	sadd.s32 s3, s2  }
0x8d: {  	s2 =	sadd.s32 s2, s17  }
0x8e: {  	[smem:$0x3FC2] =	sst s2  }
0x8f: {  	_ = 	snop  }
0x90: {  	s2 =	sld [smem:$0x3FD0];
	(tm) =	ssettm $0x1  }
0x91: {  	s18 =	sld [smem:$0x3FFB];
	_ =	sdelay $0x3  }
0x92: {  	_ =	strace s18  }
0x93: {  	s3 =	sld [smem:$0x3FFC];
	_ =	sdelay $0x3  }
0x94: {  	_ =	strace s3  }
0x95: {  	s3 =	sld [smem:$0x3FFD];
	_ =	sdelay $0x3  }
0x96: {  	_ =	strace s3  }
0x97: {  	_ =	strace $0x8FFFFFFF  }
0x98: {  	s19 =	sld [smem:$0x3FDB];
	_ =	sdelay $0x1  }
0x99: {  	s4 =	simm.s32 $_scs_section_size  }
0x9a: {  	s5 =	simm.s32 $_size__tile_overlayer_lowered;
	s6 =	simm.s32 $_tile_overlayer_lowered  }
0x9b: {  	s22 =	simm.s32 $0x1BFF;
	s21 =	sshll.u32 s6, $0x1;
	s3 =	sadd.s32 s4, s19  }
0x9c: {  	s7 =	simm.s32 $0x0;
	s20 =	sshll.u32 s5, $0x1;
	s5 =	sadd.s32 s21, s3  }
0x9d: {  	[timem:s7], [sflag:s22] =	dma.local [hbm:s5], s20  }
0x9e: {  	_ =	swait.ge [sflag:s22], s20  }
0x9f: {  	s4 =	ssub.s32 $0x0, s20;
	[sflag:s22] =	ssyncset.done $0x0  }
0xa0: {  	[sflag:s22] =	ssyncadd.s32 s4;
	_ =	sdelay $0x1  }
0xa1: {  	s23 =	simm.s32 $0x1B8B  }
0xa2: {  	_ =	swait.ge [sflag:s23], $0x1  }
0xa3: {  	[sflag:s23] =	ssyncset.done $0x0  }
0xa4: {  	s25 =	simm.s32 $0x1B8E;
	s24 =	sld [smem:$0x3FFE];
	[sflag:s23] =	ssyncadd.s32 $0xFFFFFFFF  }
0xa5: {  	s26 =	simm.s32 $execute0_lowered;
	[smem:$0x3FD2] =	sst s25  }
0xa6: {  	s5 =	sshll.u32 s26, $0x1;
	_ =	strace $0x80000049;
	[dreg:$0x1] =	wrdreg $0xFFFFFFFF  }
0xa7: {  	s28 =	simm.s32 $_size_execute0_lowered;
	s3 =	sadd.s32 s3, s5;
	[dreg:$0x0] =	wrdreg $0x0  }
0xa8: {  	s5 =	sshll.u32 s28, $0x1;
	[dreg:$0x2] =	wrdreg s3  }
0xa9: {  	[dreg:$0x3] =	wrdreg s5  }
0xaa: {  	[dreg:$0x4] =	wrdreg $0xC0  }
0xab: {  	_ =	task [dreg:s7], $0x5FFFF  }
0xac: {  	[dreg:$0x1] =	wrdreg $0xFFFFFFFF  }
0xad: {  	[dreg:$0x0] =	wrdreg $0x60  }
0xae: {  	[dreg:$0x2] =	wrdreg s2  }
0xaf: {  	[dreg:$0x3] =	wrdreg s24  }
0xb0: {  	[dreg:$0x4] =	wrdreg $0x88000  }
0xb1: {  	[dreg:$0x5] =	wrdreg $0x9  }
0xb2: {  	_ =	task.clear_ibuf [dreg:s7], $0x6FFFF;
	_ =	strace $0x90000049  }
0xb3: {  	s29 =	simm.s32 $0x9;
	_ =	strace $0x8000004B  }
0xb4: {  	_ =	swait.ge [sflag:s29], $0x1  }
0xb5: {  	[sflag:s29] =	ssyncadd.s32 $0xFFFFFFFF  }
0xb6: {  	_ =	strace $0x9000004B  }
0xb7: {  	_ =	sfence  }
0xb8: {  	s30 =	sld [smem:$0x0];
	_ =	sdelay $0x2  }
0xb9: {  	s31 =	sshll.u32 s1, $0xD;
	s1 =	sshrl.u32 s1, $0x2  }
0xba: {  	s3 =	sand.u32 $0x4000, s31;
	s1 =	sadd.s32 s1, s30  }
0xbb: {  	s0 =	sor.u32 s3, s0;
	s1 =	sshll.u32 s1, $0x11  }
0xbc: {  	s0 =	sor.u32 s1, s0  }
0xbd: {  	s0 =	sadd.s32 $0x8F2B, s0  }
0xbe: {  	[sflag:s0] =	ssyncadd.remote.s32 $0x1  }
0xbf: {  	_ =	sfence.sel $0xFFFF  }
0xc0: {  	[dreg:$0x0] =	wrdreg $0xFFFFFFFF;
	(pc) =	sbr.abs _section_cstart, $3  }
0xc1: {  	[dreg:$0x1] =	wrdreg $0xFFFFFFFF  }
0xc2: {  	_ =	task.clear_ibuf [dreg:s7], $0x2FFFF;
	_ =	strace $0x9FFFFFFF  }
0xc3: {  	(tm) =	ssettm $0x7FFFFFFF  }
tec
execute0_lowered:
.L_overlay_start_1:
0x0: {  	(tag) =	ssettag $0x1  }
0x1: {  	s1 =	rddreg [dreg:$0x0]  }
0x2: {  	s0 =	rddreg [dreg:$0x1]  }
0x3: {  	s3 =	rddreg [dreg:$0x2];
	s2 =	simm.s32 $0x0  }
0x4: {  	s10 =	stileid.u32;
	s4 =	srdreg.scid;
	s28 =	simm.s32 $0x400  }
0x5: {  	s29 =	simm.s32 $0xC00;
	s30 =	simm.s32 $0x50;
	s31 =	simm.s32 $0x5  }
0x6: {  	[smem:$0x7FF] =	sst s2;
	s12 =	smul.u32 $0x280, s10;
	s5 =	sadd.s32 $0x2000, s0  }
0x7: {  	s0 =	sadd.s32 $0x34000, s0;
	s4 =	sand.u32 $0x1, s4;
	s22 =	smul.u32 $0x14000, s10  }
0x8: {  	s6 =	sshll.u32 s10, $0x1;
	s25 =	smul.u32 $0x50000, s10;
	p0 =	seq.s32 s10, $0xF  }
0x9: {  	s10 =	simm.s32 $0x4;
	_ =	strace $0x8000004A;
	s7 =	ssub.s32 $0x2, s4  }
0xa: {  	s9 =	sor.u32 s4, s6;
	s4 =	smul.u32 $0x138800, s4;
	s2 =	smin.u32 s12, $0x2490  }
0xb: {  	s8 =	sshrl.u32 s7, $0x1;
	s12 =	simm.s32 $0x0;
	s2 =	sshll.u32 s2, $0x7  }
0xc: {  	s13 =	ssub.s32 s7, s8;
	s8 =	smul.u32 $0x6400, s9;
	s6 =	sadd.s32 s2, s3  }
0xd: {  	s7 =	sadd.s32 s22, s4;
	s9 =	sshrl.u32 s25, $0x2;
	s15 =	sadd.s32 $0x2800, s6  }
0xe: {  	s4 =	sshrl.u32 s4, $0x3;
	s16 =	sadd.s32 $0x5000, s6;
	[dreg:$0x4] =	wrdreg s15  }
0xf: {  	s22 =	simm.s32 $0x1000;
	s17 =	sadd.s32 $0x7800, s6;
	[dreg:$0x5] =	wrdreg s16  }
0x10: {  	s7 =	sshrl.u32 s7, $0x3;
	s18 =	sadd.s32 $0xA000, s6;
	[dreg:$0x6] =	wrdreg s17  }
0x11: {  	s2 =	simm.s32 $0x3;
	s19 =	sadd.s32 $0xC800, s6;
	[dreg:$0x7] =	wrdreg s18  }
0x12: {  	s20 =	sshrl.u32 s8, $0x3;
	s21 =	sadd.s32 $0xF000, s6;
	[dreg:$0x8] =	wrdreg s19  }
0x13: {  	s23 =	sadd.s32 $0x11800, s6;
	s7 =	sadd.s32 s0, s7;
	[dreg:$0x9] =	wrdreg s21  }
0x14: {  	s0 =	sadd.s32 s0, s4;
	s4 =	simm.s32 $0x1;
	[dreg:$0xa] =	wrdreg s23  }
0x15: {  	s14 =	sadd.s32 s5, s20;
	[dreg:$0xe] =	wrdreg s7;
	s7 =	sadd.s32 s9, s3  }
0x16: {  	s20 =	sadd.s32 $0x25800, s0;
	s0 =	sadd.s32 $0x12C000, s3;
	s21 =	smax.u32 s13, $0x1  }
.Ltmp0:
0x17: {  	s23 =	simm.s32 $0x8;
	s24 =	sadd.s32 $0x19000, s14;
	(pc) =	sbr.rel .LBB2_1-.Ltmp0, $4  }
0x18: {  	s9 =	simm.s32 $0x6;
	s11 =	sadd.s32 $0x80, s14;
	[dreg:$0xb] =	wrdreg s24  }
0x19: {  	s26 =	sadd.s32 $0x19080, s14;
	s25 =	sshrl.u32 @!p0 s7, $0x3;
	[dreg:$0xc] =	wrdreg s11  }
0x1a: {  	s7 =	simm.s32 $0x2;
	[dreg:$0xd] =	wrdreg s26;
	s24 =	sshrl.u32 @p0 s0, $0x3  }
0x1b: {  	v0 =	vimm.f32 $0.0e+00;
	s26 =	simm.s32 $0x800;
	s0 =	simm.s32 $0x3800;
	s11 =	simm.s32 $0x6000  }
.LBB2_34:
0x1c: {  	_ =	swait.ge [sflag:s4], $0x2800  }
0x1d: {  	[sflag:s4] =	ssyncset.done $0x0  }
0x1e: {  	s13 =	simm.s32 $0x980;
	[sflag:s4] =	ssyncadd.s32 $0xFFFFD800  }
0x1f: {  	[spmem:s3] =	stream.indirect.scatter.add.f32 [tilespmem:s22], [sflag:$0x4], $0x80, s13, s30, $0xb8;
	[tilespmem:$0x1C080] =	vst v63  }
0x20: {  	_ =	swait.ge [sflag:s7], $0x2800  }
0x21: {  	[sflag:s7] =	ssyncset.done $0x0  }
0x22: {  	s19 =	simm.s32 $0xA00;
	[sflag:s7] =	ssyncadd.s32 $0xFFFFD800  }
0x23: {  	[spmem:s3] =	stream.indirect.scatter.add.f32 [tilespmem:s0], [sflag:$0x5], $0x80, s19, s30, $0xb8;
	[tilespmem:$0x1C080] =	vst v63  }
0x24: {  	_ =	swait.ge [sflag:s9], $0x2800  }
0x25: {  	[sflag:s9] =	ssyncset.done $0x0  }
0x26: {  	[sflag:s9] =	ssyncadd.s32 $0xFFFFD800  }
0x27: {  	_ =	swait.ge [sflag:s10], $0x2800  }
0x28: {  	[sflag:s10] =	ssyncset.done $0x0  }
0x29: {  	[sflag:s10] =	ssyncadd.s32 $0xFFFFD800  }
0x2a: {  	_ =	swait.ge [sflag:s31], $0x2800  }
0x2b: {  	[sflag:s31] =	ssyncset.done $0x0  }
0x2c: {  	[sflag:s31] =	ssyncadd.s32 $0xFFFFD800  }
0x2d: {  	s13 =	simm.s32 @p0 $0x1FC8;
	[bflag:$0x0] =	sbarrier.arrive $0xFFFF  }
0x2e: {  	[hbm:s20], [sflag:s13] =	dma.local @p0 [spmem:s24], $0x1900  }
0x2f: {  	s13 =	simm.s32 @p0 $0x8  }
0x30: {  	s15 =	stileid.u32;
	s12 =	sadd.s32 $0x1, s12;
	_ =	swait.ge @p0 [sflag:s13], $0x1900  }
0x31: {  	s15 =	sshll.u32 @!p0 s15, $0x6;
	p1 =	sne.s32 s12, s21;
	[sflag:s13] =	ssyncset.done @p0 $0x0  }
0x32: {  	[sflag:s13] =	ssyncadd.s32 @p0 $0xFFFFE700;
	s13 =	sor.u32 @!p0 $0x1C08, s15;
	s15 =	rddreg [dreg:$0xe]  }
0x33: {  	[hbm:s15], [sflag:s13] =	dma.local @!p0 [spmem:s25], $0x2800  }
.Ltmp1:
0x34: {  	_ = 	snop;
	(pc) =	sbr.rel @!p1 .LBB2_35-.Ltmp1, $4  }
0x35: {  	s13 =	simm.s32 @!p0 $0x8  }
0x36: {  	_ =	swait.ge @!p0 [sflag:s13], $0x2800  }
0x37: {  	[sflag:s13] =	ssyncset.done @!p0 $0x0  }
0x38: {  	[sflag:s13] =	ssyncadd.s32 @!p0 $0xFFFFD800  }
.LBB2_1:
0x39: {  	s15 =	simm.s32 $0x0  }
0x3a: {  	s13 =	sand.u32 $0xFE00, s15  }
0x3b: {  	s15 =	sand.u32 $0x70, s15;
	s16 =	sshrl.u32 s13, $0x2  }
0x3c: {  	s13 =	simm.s32 $0x40;
	s16 =	sor.u32 s15, s16;
	s15 =	simm.s32 $0x0  }
.LBB2_2:
0x3d: {  	p1 =	sne.s32 s13, $0x9FC0  }
0x3e: {  	[tilespmem:s16+$0x1000] =	vst v0;
	s15 =	sadd.s32 $0x10, s15;
	s16 =	smov.u32 s13;
	s13 =	sadd.s32 $0x40, s13  }
.Ltmp2:
0x3f: {  	(pc) =	sbr.rel @p1 .LBB2_2-.Ltmp2, $4  }
0x40: {  	_ = 	snop  }
0x41: {  	s16 =	sand.u32 $0xFE00, s16  }
0x42: {  	s17 =	sand.u32 $0x70, s15;
	s16 =	sshrl.u32 s16, $0x2  }
0x43: {  	s16 =	sor.u32 s17, s16  }
0x44: {  	[tilespmem:s16+$0x1000] =	vst v0  }
0x45: {  	[spmem:s6] =	stream.linear.scatter [tilespmem:s22], [sflag:$0x8], $0x2800, $0x38;
	[tilespmem:$0x1C080] =	vst v63  }
0x46: {  	_ =	swait.ge [sflag:s23], $0x2800  }
0x47: {  	[sflag:s23] =	ssyncset.done $0x0  }
0x48: {  	s13 =	rddreg [dreg:$0x4];
	[sflag:s23] =	ssyncadd.s32 $0xFFFFD800  }
0x49: {  	[spmem:s13] =	stream.linear.scatter [tilespmem:s22], [sflag:$0x8], $0x2800, $0x38;
	[tilespmem:$0x1C080] =	vst v63  }
0x4a: {  	_ =	swait.ge [sflag:s23], $0x2800  }
0x4b: {  	[sflag:s23] =	ssyncset.done $0x0  }
0x4c: {  	s16 =	rddreg [dreg:$0x5];
	[sflag:s23] =	ssyncadd.s32 $0xFFFFD800  }
0x4d: {  	[spmem:s16] =	stream.linear.scatter [tilespmem:s22], [sflag:$0x8], $0x2800, $0x38;
	[tilespmem:$0x1C080] =	vst v63  }
0x4e: {  	_ =	swait.ge [sflag:s23], $0x2800  }
0x4f: {  	[sflag:s23] =	ssyncset.done $0x0  }
0x50: {  	s17 =	rddreg [dreg:$0x6];
	[sflag:s23] =	ssyncadd.s32 $0xFFFFD800  }
0x51: {  	[spmem:s17] =	stream.linear.scatter [tilespmem:s22], [sflag:$0x8], $0x2800, $0x38;
	[tilespmem:$0x1C080] =	vst v63  }
0x52: {  	_ =	swait.ge [sflag:s23], $0x2800  }
0x53: {  	[sflag:s23] =	ssyncset.done $0x0  }
0x54: {  	s18 =	rddreg [dreg:$0x7];
	[sflag:s23] =	ssyncadd.s32 $0xFFFFD800  }
0x55: {  	[spmem:s18] =	stream.linear.scatter [tilespmem:s22], [sflag:$0x8], $0x2800, $0x38;
	[tilespmem:$0x1C080] =	vst v63  }
0x56: {  	_ =	swait.ge [sflag:s23], $0x2800  }
0x57: {  	[sflag:s23] =	ssyncset.done $0x0  }
0x58: {  	s19 =	rddreg [dreg:$0x8];
	[sflag:s23] =	ssyncadd.s32 $0xFFFFD800  }
0x59: {  	[spmem:s19] =	stream.linear.scatter [tilespmem:s22], [sflag:$0x8], $0x2800, $0x38;
	[tilespmem:$0x1C080] =	vst v63  }
0x5a: {  	_ =	swait.ge [sflag:s23], $0x2800  }
0x5b: {  	[sflag:s23] =	ssyncset.done $0x0  }
0x5c: {  	s15 =	rddreg [dreg:$0x9];
	[sflag:s23] =	ssyncadd.s32 $0xFFFFD800  }
0x5d: {  	[spmem:s15] =	stream.linear.scatter [tilespmem:s22], [sflag:$0x8], $0x2800, $0x38;
	[tilespmem:$0x1C080] =	vst v63  }
0x5e: {  	_ =	swait.ge [sflag:s23], $0x2800  }
0x5f: {  	[sflag:s23] =	ssyncset.done $0x0  }
0x60: {  	s16 =	rddreg [dreg:$0xa];
	[sflag:s23] =	ssyncadd.s32 $0xFFFFD800  }
0x61: {  	[spmem:s16] =	stream.linear.scatter [tilespmem:s22], [sflag:$0x8], $0x2800, $0x38;
	[tilespmem:$0x1C080] =	vst v63  }
0x62: {  	_ =	swait.ge [sflag:s23], $0x2800  }
0x63: {  	[sflag:s23] =	ssyncset.done $0x0  }
0x64: {  	s13 =	simm.s32 $0x0;
	[sflag:s23] =	ssyncadd.s32 $0xFFFFD800  }
0x65: {  	[tilespmem:s13], [sflag:$0x8] =	stream.linear.gather [hbm4b:s14+s13], $0x280, $0x38;
	[tilespmem:$0x1C080] =	vst v63  }
0x66: {  	_ =	swait.ge [sflag:s23], $0x280  }
0x67: {  	[sflag:s23] =	ssyncset.done $0x0  }
0x68: {  	s15 =	rddreg [dreg:$0xb];
	[sflag:s23] =	ssyncadd.s32 $0xFFFFFD80  }
0x69: {  	[tilespmem:s26], [sflag:$0x8] =	stream.linear.gather [hbm4b:s15+s13], $0x280, $0x38;
	[tilespmem:$0x1C080] =	vst v63  }
0x6a: {  	_ =	swait.ge [sflag:s23], $0x280  }
0x6b: {  	[sflag:s23] =	ssyncset.done $0x0  }
0x6c: {  	s17 =	rddreg [dreg:$0xc];
	[sflag:s23] =	ssyncadd.s32 $0xFFFFFD80  }
0x6d: {  	[tilespmem:s28], [sflag:$0x7] =	stream.linear.gather [hbm4b:s17+s13], $0x280, $0x38;
	[tilespmem:$0x1C080] =	vst v63  }
0x6e: {  	s18 =	rddreg [dreg:$0xd]  }
0x6f: {  	[tilespmem:s29], [sflag:$0x7] =	stream.linear.gather [hbm4b:s18+s13], $0x280, $0x38;
	[tilespmem:$0x1C080] =	vst v63  }
.Ltmp3:
0x70: {  	_ = 	snop;
	(pc) =	sbr.rel .LBB2_4-.Ltmp3, $4  }
0x71: {  	[bflag:$0x0] =	sbarrier.arrive $0xFFFF  }
0x72: {  	[tilespmem:s22], [sflag:$0x1] =	stream.indirect.gather [hbm4b:s1+s30], $0x80, s13, s30, $0xb8;
	[tilespmem:$0x1C080] =	vst v63  }
0x73: {  	s19 =	simm.s32 $0x80  }
0x74: {  	[tilespmem:s0], [sflag:$0x2] =	stream.indirect.gather [hbm4b:s1+s30], $0x80, s19, s30, $0xb8;
	[tilespmem:$0x1C080] =	vst v63  }
.LBB2_17:
0x75: {  	s15 =	smul.u32 $0xCD, s13;
	_ =	sdelay $0x1  }
0x76: {  	s15 =	sshrl.u32 s15, $0xA  }
0x77: {  	s17 =	sand.u32 $0x3F, s15  }
0x78: {  	s16 =	smul.u32 $0x5, s17;
	_ =	sdelay $0x1  }
0x79: {  	s16 =	ssub.s32 s13, s16  }
0x7a: {  	s16 =	sand.u32 $0xFF, s16  }
0x7b: {  	p1 =	sne.s32 s16, $0x0  }
.Ltmp4:
0x7c: {  	_ = 	snop;
	(pc) =	sbr.rel @!p1 .LBB2_18-.Ltmp4, $4  }
0x7d: {  	_ = 	snop  }
0x7e: {  	_ =	swait.ge [sflag:s10], $0x2800  }
0x7f: {  	[sflag:s10] =	ssyncset.done $0x0  }
0x80: {  	[sflag:s10] =	ssyncadd.s32 $0xFFFFD800  }
0x81: {  	p1 =	sne.s32 s16, $0x3  }
0x82: {  	s17 =	simm.s32 @!p1 $0x7  }
0x83: {  	_ =	swait.ge @!p1 [sflag:s17], $0x280  }
0x84: {  	[sflag:s17] =	ssyncset.done @!p1 $0x0  }
0x85: {  	[sflag:s17] =	ssyncadd.s32 @!p1 $0xFFFFFD80  }
0x86: {  	_ =	swait.ge @!p1 [sflag:s17], $0x280  }
0x87: {  	[sflag:s17] =	ssyncset.done @!p1 $0x0  }
0x88: {  	s16 =	simm.s32 @!p1 $0x3;
	[sflag:s17] =	ssyncadd.s32 @!p1 $0xFFFFFD80  }
.LBB2_24:
0x89: {  	s17 =	sadd.s32 $0x2, s13  }
0x8a: {  	s18 =	sand.u32 $0xFF, s17  }
0x8b: {  	s18 =	smul.u32 $0xCD, s18;
	_ =	sdelay $0x1  }
0x8c: {  	s18 =	sshrl.u32 s18, $0xA  }
0x8d: {  	s19 =	smul.u32 $0x5, s18;
	_ =	sdelay $0x1  }
0x8e: {  	s18 =	sand.u32 $0x1, s18;
	s17 =	ssub.s32 s17, s19  }
0x8f: {  	p1 =	seq.s32 s18, $0x1;
	s18 =	simm.s32 $0x400;
	s17 =	sand.u32 $0xFF, s17  }
0x90: {  	s15 =	sand.u32 $0x1, s15;
	s18 =	simm.s32 @!p1 $0x0;
	s17 =	sshll.u32 s17, $0x7  }
0x91: {  	p1 =	seq.s32 s15, $0x1;
	s15 =	sshll.u32 s16, $0x9;
	s17 =	sor.u32 s17, s18  }
0x92: {  	[tilespmem:s22], [sflag:$0x1] =	stream.indirect.gather [hbm4b:s1+s30], $0x80, s17, s30, $0xb8;
	[tilespmem:$0x1C080] =	vst v63  }
0x93: {  	s16 =	sshrl.u32 @p1 s15, $0x2;
	_ =	swait.ge [sflag:s7], $0x2800  }
0x94: {  	s15 =	sshrl.u32 @!p1 s15, $0x2;
	s16 =	sadd.s32 @p1 $0xC00, s16;
	[sflag:s7] =	ssyncset.done $0x0  }
0x95: {  	s18 =	simm.s32 @p1 $0x3800;
	s17 =	simm.s32 @p1 $0x50;
	[sflag:s7] =	ssyncadd.s32 $0xFFFFD800  }
0x96: {  	[spmem:s3] =	stream.indirect.scatter.add.f32 @p1 [tilespmem:s18], [sflag:$0x5], $0x80, s16, s17, $0xb8;
	[tilespmem:$0x1C080] =	vst v63  }
0x97: {  	s15 =	sadd.s32 @!p1 $0x800, s15;
	s16 =	simm.s32 @!p1 $0x50;
	s17 =	simm.s32 @!p1 $0x3800  }
0x98: {  	[spmem:s3] =	stream.indirect.scatter.add.f32 @!p1 [tilespmem:s17], [sflag:$0x5], $0x80, s15, s16, $0xb8;
	[tilespmem:$0x1C080] =	vst v63  }
.LBB2_33:
0x99: {  	s13 =	sadd.s32 $0x1, s13  }
0x9a: {  	p1 =	sne.s32 s13, $0x7B  }
.Ltmp5:
0x9b: {  	_ = 	snop;
	(pc) =	sbr.rel @!p1 .LBB2_34-.Ltmp5, $1  }
0x9c: {  	_ =	sdelay $0x3  }
.LBB2_4:
0x9d: {  	s15 =	smul.u32 $0xAB, s13;
	_ =	sdelay $0x1  }
0x9e: {  	s15 =	sshrl.u32 s15, $0x9  }
0x9f: {  	s15 =	sand.u32 $0x7F, s15  }
0xa0: {  	s15 =	smul.u32 $0x3, s15;
	_ =	sdelay $0x1  }
0xa1: {  	s15 =	ssub.s32 s13, s15  }
0xa2: {  	s15 =	sand.u32 $0xFF, s15  }
0xa3: {  	p1 =	seq.s32 s15, $0x2  }
.Ltmp6:
0xa4: {  	_ = 	snop;
	(pc) =	sbr.rel @p1 .LBB2_25-.Ltmp6, $1  }
0xa5: {  	_ =	sdelay $0x3  }
0xa6: {  	p1 =	seq.s32 s15, $0x1  }
.Ltmp7:
0xa7: {  	_ = 	snop;
	(pc) =	sbr.rel @p1 .LBB2_17-.Ltmp7, $1  }
0xa8: {  	_ =	sdelay $0x3  }
0xa9: {  	p1 =	seq.s32 s13, $0x0  }
.Ltmp8:
0xaa: {  	_ = 	snop;
	(pc) =	sbr.rel @p1 .LBB2_7-.Ltmp8, $1  }
0xab: {  	_ =	sdelay $0x3  }
0xac: {  	s15 =	smul.u32 $0xCD, s13;
	_ =	sdelay $0x1  }
0xad: {  	s15 =	sshrl.u32 s15, $0xA  }
0xae: {  	s16 =	sand.u32 $0x3F, s15  }
0xaf: {  	s15 =	smul.u32 $0x5, s16;
	_ =	sdelay $0x1  }
0xb0: {  	s15 =	ssub.s32 s13, s15  }
0xb1: {  	s15 =	sand.u32 $0xFF, s15  }
0xb2: {  	p1 =	sne.s32 s15, $0x0  }
.Ltmp9:
0xb3: {  	_ = 	snop;
	(pc) =	sbr.rel @!p1 .LBB2_9-.Ltmp9, $4  }
0xb4: {  	_ = 	snop  }
0xb5: {  	_ =	swait.ge [sflag:s9], $0x2800  }
0xb6: {  	[sflag:s9] =	ssyncset.done $0x0  }
0xb7: {  	[sflag:s9] =	ssyncadd.s32 $0xFFFFD800  }
0xb8: {  	p1 =	sne.s32 s15, $0x3  }
0xb9: {  	s16 =	simm.s32 @!p1 $0x7  }
0xba: {  	_ =	swait.ge @!p1 [sflag:s16], $0x280  }
.Ltmp10:
0xbb: {  	[sflag:s16] =	ssyncset.done @!p1 $0x0;
	(pc) =	sbr.rel .LBB2_15-.Ltmp10, $4  }
0xbc: {  	[sflag:s16] =	ssyncadd.s32 @!p1 $0xFFFFFD80  }
0xbd: {  	_ =	swait.ge @!p1 [sflag:s16], $0x280  }
0xbe: {  	[sflag:s16] =	ssyncset.done @!p1 $0x0  }
0xbf: {  	s15 =	simm.s32 @!p1 $0x3;
	[sflag:s16] =	ssyncadd.s32 @!p1 $0xFFFFFD80  }
.LBB2_25:
0xc0: {  	s15 =	smul.u32 $0xCD, s13;
	_ =	sdelay $0x1  }
0xc1: {  	s15 =	sshrl.u32 s15, $0xA  }
0xc2: {  	s15 =	sand.u32 $0x3F, s15  }
0xc3: {  	s16 =	smul.u32 $0x5, s15;
	_ =	sdelay $0x1  }
0xc4: {  	s16 =	ssub.s32 s13, s16  }
0xc5: {  	s16 =	sand.u32 $0xFF, s16  }
0xc6: {  	p1 =	sne.s32 s16, $0x0  }
.Ltmp11:
0xc7: {  	_ = 	snop;
	(pc) =	sbr.rel @!p1 .LBB2_26-.Ltmp11, $4  }
0xc8: {  	_ = 	snop  }
0xc9: {  	_ =	swait.ge [sflag:s31], $0x2800  }
0xca: {  	[sflag:s31] =	ssyncset.done $0x0  }
0xcb: {  	[sflag:s31] =	ssyncadd.s32 $0xFFFFD800  }
0xcc: {  	p1 =	sne.s32 s16, $0x3  }
0xcd: {  	s17 =	simm.s32 @!p1 $0x7  }
0xce: {  	_ =	swait.ge @!p1 [sflag:s17], $0x280  }
.Ltmp12:
0xcf: {  	[sflag:s17] =	ssyncset.done @!p1 $0x0;
	(pc) =	sbr.rel .LBB2_32-.Ltmp12, $4  }
0xd0: {  	[sflag:s17] =	ssyncadd.s32 @!p1 $0xFFFFFD80  }
0xd1: {  	_ =	swait.ge @!p1 [sflag:s17], $0x280  }
0xd2: {  	[sflag:s17] =	ssyncset.done @!p1 $0x0  }
0xd3: {  	s16 =	simm.s32 @!p1 $0x3;
	[sflag:s17] =	ssyncadd.s32 @!p1 $0xFFFFFD80  }
.LBB2_18:
0xd4: {  	p1 =	sgt.u32 s13, $0x77  }
.Ltmp13:
0xd5: {  	_ = 	snop;
	(pc) =	sbr.rel @p1 .LBB2_24-.Ltmp13, $2  }
0xd6: {  	_ =	sdelay $0x2  }
0xd7: {  	s16 =	simm.s32 $0x0  }
0xd8: {  	s16 =	sadd.s32 $0x1, s17  }
0xd9: {  	s18 =	sshll.u32 s16, $0xA;
	s16 =	sand.u32 $0x1, s16  }
0xda: {  	p1 =	seq.s32 s16, $0x0  }
.Ltmp14:
0xdb: {  	_ = 	snop;
	(pc) =	sbr.rel @p1 .LBB2_21-.Ltmp14, $4  }
0xdc: {  	_ = 	snop  }
0xdd: {  	s18 =	sadd.s32 s8, s18  }
0xde: {  	s18 =	sshrl.u32 s18, $0x3  }
0xdf: {  	s18 =	sadd.s32 s5, s18  }
.Ltmp15:
0xe0: {  	(pc) =	sbr.rel .LBB2_22-.Ltmp15, $2  }
0xe1: {  	_ =	sdelay $0x2  }
0xe2: {  	s19 =	sadd.s32 $0x19000, s18  }
.LBB2_26:
0xe3: {  	p1 =	sgt.u32 s13, $0x77  }
.Ltmp16:
0xe4: {  	_ = 	snop;
	(pc) =	sbr.rel @p1 .LBB2_32-.Ltmp16, $2  }
0xe5: {  	_ =	sdelay $0x2  }
0xe6: {  	s16 =	simm.s32 $0x0  }
0xe7: {  	s16 =	sadd.s32 $0x1, s15  }
0xe8: {  	s17 =	sshll.u32 s16, $0xA;
	s16 =	sand.u32 $0x1, s16  }
0xe9: {  	p1 =	seq.s32 s16, $0x0  }
.Ltmp17:
0xea: {  	_ = 	snop;
	(pc) =	sbr.rel @p1 .LBB2_29-.Ltmp17, $4  }
0xeb: {  	_ = 	snop  }
0xec: {  	s17 =	sadd.s32 s8, s17  }
0xed: {  	s17 =	sshrl.u32 s17, $0x3  }
0xee: {  	s17 =	sadd.s32 s5, s17  }
.Ltmp18:
0xef: {  	(pc) =	sbr.rel .LBB2_30-.Ltmp18, $2  }
0xf0: {  	_ =	sdelay $0x2  }
0xf1: {  	s18 =	sadd.s32 $0x19000, s17  }
.LBB2_7:
.Ltmp19:
0xf2: {  	(pc) =	sbr.rel .LBB2_16-.Ltmp19, $2  }
0xf3: {  	_ =	sdelay $0x2  }
0xf4: {  	s16 =	simm.s32 $0x0;
	s17 =	simm.s32 $0x400;
	s15 =	simm.s32 $0x0  }
.LBB2_9:
0xf5: {  	p1 =	sgt.u32 s13, $0x77  }
.Ltmp20:
0xf6: {  	_ = 	snop;
	(pc) =	sbr.rel @p1 .LBB2_15-.Ltmp20, $2  }
0xf7: {  	_ =	sdelay $0x2  }
0xf8: {  	s15 =	simm.s32 $0x0  }
0xf9: {  	s15 =	sadd.s32 $0x1, s16  }
0xfa: {  	s17 =	sshll.u32 s15, $0xA;
	s15 =	sand.u32 $0x1, s15  }
0xfb: {  	p1 =	seq.s32 s15, $0x0  }
.Ltmp21:
0xfc: {  	_ = 	snop;
	(pc) =	sbr.rel @p1 .LBB2_12-.Ltmp21, $4  }
0xfd: {  	_ = 	snop  }
0xfe: {  	s17 =	sadd.s32 s8, s17  }
0xff: {  	s17 =	sshrl.u32 s17, $0x3  }
0x100: {  	s17 =	sadd.s32 s5, s17  }
.Ltmp22:
0x101: {  	(pc) =	sbr.rel .LBB2_13-.Ltmp22, $2  }
0x102: {  	_ =	sdelay $0x2  }
0x103: {  	s18 =	sadd.s32 $0x19000, s17  }
.LBB2_21:
0x104: {  	s17 =	sand.u32 $0x1, s17  }
0x105: {  	p1 =	seq.s32 s17, $0x1  }
.Ltmp23:
0x106: {  	_ = 	snop;
	(pc) =	sbr.rel @p1 .LBB2_24-.Ltmp23, $4  }
0x107: {  	s16 =	simm.s32 $0x0  }
0x108: {  	[tilespmem:s16], [sflag:$0x7] =	stream.linear.gather [hbm4b:s18+s16], $0x280, $0x38;
	[tilespmem:$0x1C080] =	vst v63  }
0x109: {  	s19 =	sadd.s32 $0x19000, s18  }
0x10a: {  	[tilespmem:s26], [sflag:$0x7] =	stream.linear.gather [hbm4b:s19+s16], $0x280, $0x38;
	[tilespmem:$0x1C080] =	vst v63  }
.LBB2_22:
.Ltmp24:
0x10b: {  	(pc) =	sbr.rel .LBB2_24-.Ltmp24, $4  }
0x10c: {  	s16 =	simm.s32 $0x0  }
0x10d: {  	[tilespmem:s28], [sflag:$0x7] =	stream.linear.gather [hbm4b:s18+s16], $0x280, $0x38;
	[tilespmem:$0x1C080] =	vst v63  }
0x10e: {  	_ = 	snop  }
0x10f: {  	[tilespmem:s29], [sflag:$0x7] =	stream.linear.gather [hbm4b:s19+s16], $0x280, $0x38;
	[tilespmem:$0x1C080] =	vst v63  }
.LBB2_29:
0x110: {  	s19 =	sand.u32 $0x1, s15  }
0x111: {  	p1 =	seq.s32 s19, $0x1  }
.Ltmp25:
0x112: {  	_ = 	snop;
	(pc) =	sbr.rel @p1 .LBB2_32-.Ltmp25, $4  }
0x113: {  	s16 =	simm.s32 $0x0  }
0x114: {  	[tilespmem:s16], [sflag:$0x7] =	stream.linear.gather [hbm4b:s17+s16], $0x280, $0x38;
	[tilespmem:$0x1C080] =	vst v63  }
0x115: {  	s18 =	sadd.s32 $0x19000, s17  }
0x116: {  	[tilespmem:s26], [sflag:$0x7] =	stream.linear.gather [hbm4b:s18+s16], $0x280, $0x38;
	[tilespmem:$0x1C080] =	vst v63  }
.LBB2_30:
0x117: {  	s16 =	simm.s32 $0x0  }
0x118: {  	[tilespmem:s28], [sflag:$0x7] =	stream.linear.gather [hbm4b:s17+s16], $0x280, $0x38;
	[tilespmem:$0x1C080] =	vst v63  }
0x119: {  	_ = 	snop  }
0x11a: {  	[tilespmem:s29], [sflag:$0x7] =	stream.linear.gather [hbm4b:s18+s16], $0x280, $0x38;
	[tilespmem:$0x1C080] =	vst v63  }
.LBB2_32:
0x11b: {  	s17 =	sadd.s32 $0x2, s13  }
0x11c: {  	s18 =	sand.u32 $0xFF, s17  }
0x11d: {  	s18 =	smul.u32 $0xCD, s18;
	_ =	sdelay $0x1  }
0x11e: {  	s18 =	sshrl.u32 s18, $0xA  }
0x11f: {  	s19 =	smul.u32 $0x5, s18;
	_ =	sdelay $0x1  }
0x120: {  	s18 =	sand.u32 $0x1, s18;
	s17 =	ssub.s32 s17, s19  }
0x121: {  	p1 =	seq.s32 s18, $0x1;
	s18 =	simm.s32 $0x400;
	s17 =	sand.u32 $0xFF, s17  }
0x122: {  	s15 =	sand.u32 $0x1, s15;
	s18 =	simm.s32 @!p1 $0x0;
	s17 =	sshll.u32 s17, $0x7  }
0x123: {  	p1 =	seq.s32 s15, $0x1;
	s15 =	sshll.u32 s16, $0x9;
	s17 =	sor.u32 s17, s18  }
0x124: {  	[tilespmem:s0], [sflag:$0x2] =	stream.indirect.gather [hbm4b:s1+s30], $0x80, s17, s30, $0xb8;
	[tilespmem:$0x1C080] =	vst v63  }
0x125: {  	s16 =	sshrl.u32 @p1 s15, $0x2;
	s15 =	sshrl.u32 @!p1 s15, $0x2;
	_ =	swait.ge [sflag:s2], $0x2800  }
.Ltmp26:
0x126: {  	s16 =	sadd.s32 @p1 $0xC00, s16;
	[sflag:s2] =	ssyncset.done $0x0;
	(pc) =	sbr.rel .LBB2_33-.Ltmp26, $4  }
0x127: {  	s18 =	simm.s32 @p1 $0x6000;
	s17 =	simm.s32 @p1 $0x50;
	[sflag:s2] =	ssyncadd.s32 $0xFFFFD800  }
0x128: {  	[spmem:s3] =	stream.indirect.scatter.add.f32 @p1 [tilespmem:s18], [sflag:$0x6], $0x80, s16, s17, $0xb8;
	[tilespmem:$0x1C080] =	vst v63  }
0x129: {  	s15 =	sadd.s32 @!p1 $0x800, s15;
	s16 =	simm.s32 @!p1 $0x50;
	s17 =	simm.s32 @!p1 $0x6000  }
0x12a: {  	[spmem:s3] =	stream.indirect.scatter.add.f32 @!p1 [tilespmem:s17], [sflag:$0x6], $0x80, s15, s16, $0xb8;
	[tilespmem:$0x1C080] =	vst v63  }
.LBB2_12:
0x12b: {  	s16 =	sand.u32 $0x1, s16  }
0x12c: {  	p1 =	seq.s32 s16, $0x1  }
.Ltmp27:
0x12d: {  	_ = 	snop;
	(pc) =	sbr.rel @p1 .LBB2_15-.Ltmp27, $4  }
0x12e: {  	s15 =	simm.s32 $0x0  }
0x12f: {  	[tilespmem:s15], [sflag:$0x7] =	stream.linear.gather [hbm4b:s17+s15], $0x280, $0x38;
	[tilespmem:$0x1C080] =	vst v63  }
0x130: {  	s18 =	sadd.s32 $0x19000, s17  }
0x131: {  	[tilespmem:s26], [sflag:$0x7] =	stream.linear.gather [hbm4b:s18+s15], $0x280, $0x38;
	[tilespmem:$0x1C080] =	vst v63  }
.LBB2_13:
0x132: {  	s15 =	simm.s32 $0x0  }
0x133: {  	[tilespmem:s28], [sflag:$0x7] =	stream.linear.gather [hbm4b:s17+s15], $0x280, $0x38;
	[tilespmem:$0x1C080] =	vst v63  }
0x134: {  	_ = 	snop  }
0x135: {  	[tilespmem:s29], [sflag:$0x7] =	stream.linear.gather [hbm4b:s18+s15], $0x280, $0x38;
	[tilespmem:$0x1C080] =	vst v63  }
.LBB2_15:
0x136: {  	s16 =	sadd.s32 $0x2, s13  }
0x137: {  	s17 =	sand.u32 $0xFF, s16  }
0x138: {  	s17 =	smul.u32 $0xCD, s17;
	_ =	sdelay $0x1  }
0x139: {  	s17 =	sshrl.u32 s17, $0xA  }
0x13a: {  	s18 =	smul.u32 $0x5, s17;
	_ =	sdelay $0x1  }
0x13b: {  	s17 =	sand.u32 $0x1, s17;
	s16 =	ssub.s32 s16, s18  }
0x13c: {  	p1 =	seq.s32 s17, $0x1;
	s18 =	sand.u32 $0xFF, s16;
	s16 =	simm.s32 $0x400  }
0x13d: {  	s15 =	sshll.u32 s15, $0x9;
	s16 =	simm.s32 @!p1 $0x0;
	s17 =	sshll.u32 s18, $0x9  }
.LBB2_16:
0x13e: {  	s17 =	sshrl.u32 s17, $0x2  }
0x13f: {  	s18 =	smul.u32 $0xCD, s13;
	s16 =	sadd.s32 s17, s16  }
0x140: {  	[tilespmem:s11], [sflag:$0x3] =	stream.indirect.gather [hbm4b:s1+s30], $0x80, s16, s30, $0xb8;
	[tilespmem:$0x1C080] =	vst v63  }
0x141: {  	s19 =	sshrl.u32 s18, $0xA;
	_ =	swait.ge [sflag:s4], $0x2800  }
0x142: {  	s16 =	sand.u32 $0x1, s19;
	[sflag:s4] =	ssyncset.done $0x0  }
0x143: {  	p1 =	seq.s32 s16, $0x1;
	[sflag:s4] =	ssyncadd.s32 $0xFFFFD800  }
.Ltmp28:
0x144: {  	s16 =	sshrl.u32 @p1 s15, $0x2;
	s17 =	simm.s32 @p1 $0x50;
	(pc) =	sbr.rel .LBB2_33-.Ltmp28, $4  }
0x145: {  	s18 =	simm.s32 @p1 $0x1000;
	s15 =	sshrl.u32 @!p1 s15, $0x2;
	s16 =	sadd.s32 @p1 $0xC00, s16  }
0x146: {  	[spmem:s3] =	stream.indirect.scatter.add.f32 @p1 [tilespmem:s18], [sflag:$0x4], $0x80, s16, s17, $0xb8;
	[tilespmem:$0x1C080] =	vst v63  }
0x147: {  	s15 =	sadd.s32 @!p1 $0x800, s15;
	s16 =	simm.s32 @!p1 $0x50;
	s17 =	simm.s32 @!p1 $0x1000  }
0x148: {  	[spmem:s3] =	stream.indirect.scatter.add.f32 @!p1 [tilespmem:s17], [sflag:$0x4], $0x80, s15, s16, $0xb8;
	[tilespmem:$0x1C080] =	vst v63  }
.LBB2_35:
0x149: {  	_ =	sfence.sel $0x180000  }
0x14a: {  	[bflag:$0x0] =	sbarrier.arrive $0xFFFF  }
0x14b: {  	_ =	strace $0x9000004A  }
0x14c: {  	s0 =	stileid.u32;
	[bflag:$0x2] =	sbarrier.arrive $0xFFFF  }
0x14d: {  	p0 =	sne.s32 s0, $0x0;
	s0 =	rddreg [dreg:$0x3]  }
0x14e: {  	s0 =	sadd.s32 @!p0 $0x100000, s0  }
0x14f: {  	[sflag:s0] =	ssyncadd.tile.s32 @!p0 $0x1;
	_ =	shalt  }
.Lfunc_end2:
_tile_overlayer_lowered:
.L_overlay_start_2:
0x150: {  	(tag) =	ssettag $0x2  }
0x151: {  	s0 =	rddreg [dreg:$0x0];
	s2 =	stileid.u32  }
0x152: {  	s1 =	rddreg [dreg:$0x1];
	p0 =	sne.s32 s2, $0x0  }
0x153: {  	s3 =	rddreg [dreg:$0x2];
	[bflag:$0x3] =	sbarrier.arrive $0xFFFF;
	s2 =	simm.s32 @!p0 $0x1C08  }
0x154: {  	[timem:s3], [sflag:s2] =	dma.local @!p0 [hbm:s0], s1  }
0x155: {  	s0 =	simm.s32 @!p0 $0x8  }
0x156: {  	_ =	swait.ge @!p0 [sflag:s0], s1  }
0x157: {  	s1 =	ssub.s32 @!p0 $0x0, s1;
	[sflag:s0] =	ssyncset.done @!p0 $0x0  }
0x158: {  	[sflag:s0] =	ssyncadd.s32 @!p0 s1  }
0x159: {  	[bflag:$0x3] =	sbarrier.arrive $0xFFFF  }
0x15a: {  	_ =	shalt  }

</sc_bundles>
